<compile_context>
chip_gen: v7x
topology: tpu7x:2x2x1
jax: 0.10.2.dev20260603
libtpu: 0.0.44.dev20260713+nightly
codegen_flags: <defaults>
</compile_context>

<pallas_src>
import functools

import jax
import jax.numpy as jnp
from jax import lax
from jax.experimental import pallas as pl
from jax.experimental.pallas import tpu as pltpu
from jax.experimental.pallas import tpu_sc as plsc

EPS = 1e-6
L = 16


def _make_sc_kernel(n_nodes, d_model, n_edges):
    info = plsc.get_sparse_core_info()
    nc, ns = info.num_cores, info.num_subcores
    nw = nc * ns
    d_words = d_model // 2
    assert n_edges % nw == 0
    e_per_w = n_edges // nw
    chunk = 80
    assert e_per_w % chunk == 0
    n_chunks = e_per_w // chunk
    groups = chunk // L

    mesh = plsc.VectorSubcoreMesh(core_axis_name="c", subcore_axis_name="s")

    @functools.partial(
        pl.kernel,
        mesh=mesh,
        compiler_params=pltpu.CompilerParams(needs_layout_passes=False,
                                             use_tc_tiling_on_sc=False),
        out_type=jax.ShapeDtypeStruct((n_edges,), jnp.float32),
        scratch_types=[
            pltpu.VMEM((e_per_w,), jnp.int32),
            pltpu.VMEM((e_per_w,), jnp.int32),
            pltpu.VMEM((chunk, d_model), jnp.bfloat16),
            pltpu.VMEM((chunk, d_model), jnp.bfloat16),
            pltpu.VMEM((chunk, d_model), jnp.bfloat16),
            pltpu.VMEM((chunk, d_model), jnp.bfloat16),
            pltpu.VMEM((chunk * L,), jnp.int32),
            pltpu.VMEM((e_per_w,), jnp.float32),
            pltpu.VMEM_SHARED((n_nodes, d_model), jnp.bfloat16),
            pltpu.SemaphoreType.DMA,
            pltpu.SemaphoreType.DMA,
            pltpu.SemaphoreType.DMA,
            pltpu.SemaphoreType.DMA,
        ],
    )
    def body(z_hbm, src_hbm, dst_hbm, out_hbm,
             sidx_v, didx_v, srows0, drows0, srows1, drows1,
             psum_i, out_v, zs_sh, sem_s0, sem_d0, sem_s1, sem_d1):
        sid = lax.axis_index("s")
        wid = sid * nc + lax.axis_index("c")
        w_base = wid * e_per_w

        rows_per_tile = n_nodes // ns
        z_lo = sid * rows_per_tile
        pltpu.sync_copy(z_hbm.at[pl.ds(z_lo, rows_per_tile)],
                        zs_sh.at[pl.ds(z_lo, rows_per_tile)])

        pltpu.sync_copy(src_hbm.at[pl.ds(w_base, e_per_w)], sidx_v)
        pltpu.sync_copy(dst_hbm.at[pl.ds(w_base, e_per_w)], didx_v)
        plsc.subcore_barrier()

        bufs = ((srows0, drows0, sem_s0, sem_d0),
                (srows1, drows1, sem_s1, sem_d1))

        def fire(ci, b):
            srows, drows, sem_s, sem_d = bufs[b]
            s_sl = sidx_v.at[pl.ds(ci * chunk, chunk)]
            d_sl = didx_v.at[pl.ds(ci * chunk, chunk)]
            pltpu.async_copy(zs_sh.at[s_sl], srows, sem_s)
            pltpu.async_copy(zs_sh.at[d_sl], drows, sem_d)

        def wait(b):
            srows, drows, sem_s, sem_d = bufs[b]
            pltpu.make_async_copy(zs_sh.at[sidx_v.at[pl.ds(0, chunk)]],
                                  srows, sem_s).wait()
            pltpu.make_async_copy(zs_sh.at[didx_v.at[pl.ds(0, chunk)]],
                                  drows, sem_d).wait()

        def compute(ci, b):
            srows, drows, _, _ = bufs[b]
            lane16 = lax.iota(jnp.int32, L) * L

            def gbody(g, carry):
                pbase = lane16 + g * (L * L)
                for el0 in range(0, L, 8):
                    accq = [None] * 8
                    for u in range(d_model // (2 * L)):
                        for q in range(8):
                            e = g * L + el0 + q
                            sv = srows[e, pl.ds(u * 2 * L, 2 * L)]
                            dv = drows[e, pl.ds(u * 2 * L, 2 * L)]
                            df = sv - dv
                            p = df * df
                            accq[q] = p if accq[q] is None else accq[q] + p
                    for q in range(8):
                        plsc.store_scatter(
                            psum_i, [pbase + (el0 + q)],
                            plsc.bitcast(accq[q], jnp.int32))
                return carry

            lax.fori_loop(0, groups, gbody, 0)

            for g in range(groups):
                vs = [plsc.bitcast(psum_i[pl.ds(g * L * L + l * L, L)],
                                   jnp.bfloat16) for l in range(L)]
                while len(vs) > 1:
                    vs = [a + b for a, b in zip(vs[::2], vs[1::2])]
                accb = vs[0]
                pa, pb = plsc.unpack(accb,
                                     format=plsc.PackFormat.INTERLEAVED)
                acc = pa + pb
                acc = acc + (d_model * EPS * EPS)
                ibits = plsc.bitcast(acc, jnp.int32)
                ibits = 0x5F3759DF - (ibits >> 1)
                y = plsc.bitcast(ibits, jnp.float32)
                y = y * (1.5 - 0.5 * acc * y * y)
                y = y * (1.5 - 0.5 * acc * y * y)
                dist = acc * y
                out_v[pl.ds(ci * chunk + g * L, L)] = jnp.exp(-dist)

        fire(0, 0)

        def pair_body(k, carry):
            c0 = k * 2
            fire(c0 + 1, 1)
            wait(0)
            compute(c0, 0)
            fire(c0 + 2, 0)
            wait(1)
            compute(c0 + 1, 1)
            return carry

        lax.fori_loop(0, (n_chunks - 1) // 2, pair_body, 0)
        wait(0)
        compute(n_chunks - 1, 0)

        pltpu.sync_copy(out_v, out_hbm.at[pl.ds(w_base, e_per_w)])

    return body


def kernel(z, edge_index):
    n_nodes, d_model = z.shape
    n_edges = edge_index.shape[1]
    zb = z.astype(jnp.bfloat16)
    src = edge_index[0].astype(jnp.int32)
    dst = edge_index[1].astype(jnp.int32)
    k = _make_sc_kernel(n_nodes, d_model, n_edges)
    return k(zb, src, dst)

# --- scband reference (transcript-rebuilt; emitter-appended) ---
"""Pipeline reference for scband-distance-decoder-15307263443208 (READ-ONLY COPY).

The authoritative reference and input builder live on the scoring server;
editing this copy changes nothing except your own understanding.
"""

import jax, jax.numpy as jnp
import numpy as np

EPS = 1e-6  # torch.nn.PairwiseDistance default eps

def setup_inputs(seed: int = 0) -> dict:
    key = jax.random.key(seed)
    k1, k2 = jax.random.split(key)
    z = jax.random.normal(k1, (10000, 128), dtype=jnp.float32)
    edge_index = jax.random.randint(k2, (2, 320000), 0, 10000, dtype=jnp.int64)
    return {"z": z, "edge_index": edge_index}

def reference(z, edge_index):
    # gather endpoint features (SparseCore-friendly gather)
    src = jnp.take(z, edge_index[0], axis=0)
    dst = jnp.take(z, edge_index[1], axis=0)
    # torch PairwiseDistance(p=2, eps=1e-6): ||x1 - x2 + eps||_2
    diff = src - dst + EPS
    dist = jnp.sqrt(jnp.sum(diff * diff, axis=-1))
    value = -dist
    return jnp.exp(value)

if __name__ == "__main__":
    import jax
    _d = setup_inputs()
    print(jax.jit(kernel)(*tuple(_d.values())))

</pallas_src>

<mosaic_0001>
#map = affine_map<(d0, d1) -> (0, 0)>
#map1 = affine_map<(d0, d1) -> (0)>
module attributes {stable_mosaic.version = 14 : i64} {
  func.func @body(%arg0: i32, %arg1: i32, %arg2: memref<10000x128xbf16, #tpu.memory_space<hbm>>, %arg3: memref<320000xi32, #tpu.memory_space<hbm>>, %arg4: memref<320000xi32, #tpu.memory_space<hbm>>, %arg5: memref<320000xf32, #tpu.memory_space<hbm>>, %arg6: memref<10000xi32, #tpu.memory_space<vmem>>, %arg7: memref<10000xi32, #tpu.memory_space<vmem>>, %arg8: memref<80x128xbf16, #tpu.memory_space<vmem>>, %arg9: memref<80x128xbf16, #tpu.memory_space<vmem>>, %arg10: memref<80x128xbf16, #tpu.memory_space<vmem>>, %arg11: memref<80x128xbf16, #tpu.memory_space<vmem>>, %arg12: memref<1280xi32, #tpu.memory_space<vmem>>, %arg13: memref<10000xf32, #tpu.memory_space<vmem>>, %arg14: memref<10000x128xbf16, #tpu.memory_space<vmem_shared>>, %arg15: memref<!tpu.dma_semaphore, #tpu.memory_space<semaphore_mem>>, %arg16: memref<!tpu.dma_semaphore, #tpu.memory_space<semaphore_mem>>, %arg17: memref<!tpu.dma_semaphore, #tpu.memory_space<semaphore_mem>>, %arg18: memref<!tpu.dma_semaphore, #tpu.memory_space<semaphore_mem>>) attributes {dimension_semantics = [#tpu.dimension_semantics<core_parallel>, #tpu.dimension_semantics<subcore_parallel>], iteration_bounds = array<i64: 2, 16>, scalar_prefetch = 0 : i64, scratch_operands = 13 : i64, tpu.core_type = #tpu.core_type<sc_vector_subcore>, window_params = [{transform_indices = #map}, {transform_indices = #map1}, {transform_indices = #map1}, {transform_indices = #map1}]} {
    %mul3A = arith.constant 2 : i32
    %mul3A_0 = arith.muli %arg1, %mul3A : i32
    %add3A = arith.addi %mul3A_0, %arg0 : i32
    %mul3A_1 = arith.constant 10000 : i32
    %mul3A_2 = arith.muli %add3A, %mul3A_1 : i32
    %mul3A_3 = arith.constant 625 : i32
    %mul3A_4 = arith.muli %arg1, %mul3A_3 : i32
    "tpu.region"() ({
      %run_scoped3A = tpu.sem_alloc : memref<!tpu.dma_semaphore, #tpu.memory_space<semaphore_mem>>
      %dma_start3A_539 = arith.constant 0 : i32
      %dma_start3A_540 = tpu.memref_slice %arg14[%mul3A_4, %dma_start3A_539] : memref<10000x128xbf16, #tpu.memory_space<vmem_shared>> -> memref<625x128xbf16, #tpu.memory_space<vmem_shared>>
      %dma_start3A_541 = arith.constant 0 : i32
      %dma_start3A_542 = tpu.memref_slice %arg2[%mul3A_4, %dma_start3A_541] : memref<10000x128xbf16, #tpu.memory_space<hbm>> -> memref<625x128xbf16, #tpu.memory_space<hbm>>
      tpu.enqueue_dma source(%dma_start3A_542 : memref<625x128xbf16, #tpu.memory_space<hbm>>) target(%dma_start3A_540 : memref<625x128xbf16, #tpu.memory_space<vmem_shared>>) target_semaphore(%run_scoped3A : memref<!tpu.dma_semaphore, #tpu.memory_space<semaphore_mem>>)
      %dma_wait3A_543 = arith.constant 0 : i32
      %dma_wait3A_544 = tpu.memref_slice %arg14[%mul3A_4, %dma_wait3A_543] : memref<10000x128xbf16, #tpu.memory_space<vmem_shared>> -> memref<625x128xbf16, #tpu.memory_space<vmem_shared>>
      %dma_wait3A_545 = arith.constant 0 : i32
      %dma_wait3A_546 = tpu.memref_slice %arg2[%mul3A_4, %dma_wait3A_545] : memref<10000x128xbf16, #tpu.memory_space<hbm>> -> memref<625x128xbf16, #tpu.memory_space<hbm>>
      tpu.wait_dma2 semaphore(%run_scoped3A : memref<!tpu.dma_semaphore, #tpu.memory_space<semaphore_mem>>) src(%dma_wait3A_546 : memref<625x128xbf16, #tpu.memory_space<hbm>>) dst(%dma_wait3A_544 : memref<625x128xbf16, #tpu.memory_space<vmem_shared>>)
      tpu.yield
    }) : () -> ()
    "tpu.region"() ({
      %run_scoped3A = tpu.sem_alloc : memref<!tpu.dma_semaphore, #tpu.memory_space<semaphore_mem>>
      %dma_start3A_539 = tpu.memref_slice %arg3[%mul3A_2] : memref<320000xi32, #tpu.memory_space<hbm>> -> memref<10000xi32, #tpu.memory_space<hbm>>
      %dma_start3A_540 = tpu.memref_slice %arg3[%mul3A_2] : memref<320000xi32, #tpu.memory_space<hbm>> -> memref<10000xi32, #tpu.memory_space<hbm>>
      tpu.enqueue_dma source(%dma_start3A_540 : memref<10000xi32, #tpu.memory_space<hbm>>) target(%arg6 : memref<10000xi32, #tpu.memory_space<vmem>>) target_semaphore(%run_scoped3A : memref<!tpu.dma_semaphore, #tpu.memory_space<semaphore_mem>>)
      %dma_wait3A_541 = tpu.memref_slice %arg3[%mul3A_2] : memref<320000xi32, #tpu.memory_space<hbm>> -> memref<10000xi32, #tpu.memory_space<hbm>>
      %dma_wait3A_542 = tpu.memref_slice %arg3[%mul3A_2] : memref<320000xi32, #tpu.memory_space<hbm>> -> memref<10000xi32, #tpu.memory_space<hbm>>
      tpu.wait_dma2 semaphore(%run_scoped3A : memref<!tpu.dma_semaphore, #tpu.memory_space<semaphore_mem>>) src(%dma_wait3A_542 : memref<10000xi32, #tpu.memory_space<hbm>>) dst(%arg6 : memref<10000xi32, #tpu.memory_space<vmem>>)
      tpu.yield
    }) : () -> ()
    "tpu.region"() ({
      %run_scoped3A = tpu.sem_alloc : memref<!tpu.dma_semaphore, #tpu.memory_space<semaphore_mem>>
      %dma_start3A_539 = tpu.memref_slice %arg4[%mul3A_2] : memref<320000xi32, #tpu.memory_space<hbm>> -> memref<10000xi32, #tpu.memory_space<hbm>>
      %dma_start3A_540 = tpu.memref_slice %arg4[%mul3A_2] : memref<320000xi32, #tpu.memory_space<hbm>> -> memref<10000xi32, #tpu.memory_space<hbm>>
      tpu.enqueue_dma source(%dma_start3A_540 : memref<10000xi32, #tpu.memory_space<hbm>>) target(%arg7 : memref<10000xi32, #tpu.memory_space<vmem>>) target_semaphore(%run_scoped3A : memref<!tpu.dma_semaphore, #tpu.memory_space<semaphore_mem>>)
      %dma_wait3A_541 = tpu.memref_slice %arg4[%mul3A_2] : memref<320000xi32, #tpu.memory_space<hbm>> -> memref<10000xi32, #tpu.memory_space<hbm>>
      %dma_wait3A_542 = tpu.memref_slice %arg4[%mul3A_2] : memref<320000xi32, #tpu.memory_space<hbm>> -> memref<10000xi32, #tpu.memory_space<hbm>>
      tpu.wait_dma2 semaphore(%run_scoped3A : memref<!tpu.dma_semaphore, #tpu.memory_space<semaphore_mem>>) src(%dma_wait3A_542 : memref<10000xi32, #tpu.memory_space<hbm>>) dst(%arg7 : memref<10000xi32, #tpu.memory_space<vmem>>)
      tpu.yield
    }) : () -> ()
    %barrier3A = arith.constant 0 : index
    tpu.barrier barrier_id(%barrier3A)
    %dma_start3A = arith.constant 0 : i32
    %dma_start3A_5 = tpu.memref_slice %arg6[%dma_start3A] : memref<10000xi32, #tpu.memory_space<vmem>> -> memref<80xi32, #tpu.memory_space<vmem>>
    %dma_start3A_6 = arith.constant 0 : i32
    %dma_start3A_7 = arith.constant 0 : i32
    %dma_start3A_8 = tpu.memref_slice %arg14[%dma_start3A_6, %dma_start3A_7] : memref<10000x128xbf16, #tpu.memory_space<vmem_shared>> -> memref<10000x128xbf16, #tpu.memory_space<vmem_shared>>
    tpu.enqueue_indirect_dma source(%dma_start3A_8 : memref<10000x128xbf16, #tpu.memory_space<vmem_shared>>) target(%arg8 : memref<80x128xbf16, #tpu.memory_space<vmem>>) offsets(%dma_start3A_5 : memref<80xi32, #tpu.memory_space<vmem>>) semaphore(%arg15 : memref<!tpu.dma_semaphore, #tpu.memory_space<semaphore_mem>>)
    %dma_start3A_9 = arith.constant 0 : i32
    %dma_start3A_10 = tpu.memref_slice %arg7[%dma_start3A_9] : memref<10000xi32, #tpu.memory_space<vmem>> -> memref<80xi32, #tpu.memory_space<vmem>>
    %dma_start3A_11 = arith.constant 0 : i32
    %dma_start3A_12 = arith.constant 0 : i32
    %dma_start3A_13 = tpu.memref_slice %arg14[%dma_start3A_11, %dma_start3A_12] : memref<10000x128xbf16, #tpu.memory_space<vmem_shared>> -> memref<10000x128xbf16, #tpu.memory_space<vmem_shared>>
    tpu.enqueue_indirect_dma source(%dma_start3A_13 : memref<10000x128xbf16, #tpu.memory_space<vmem_shared>>) target(%arg9 : memref<80x128xbf16, #tpu.memory_space<vmem>>) offsets(%dma_start3A_10 : memref<80xi32, #tpu.memory_space<vmem>>) semaphore(%arg16 : memref<!tpu.dma_semaphore, #tpu.memory_space<semaphore_mem>>)
    %scan3A = arith.constant 0 : i32
    %scan3A_14 = arith.constant 0 : i32
    %scan3A_15 = arith.constant 62 : i32
    %scan3A_16 = arith.addi %scan3A_14, %scan3A_15 : i32
    %scan3A_17 = arith.constant 1 : i32
    scf.for %scan3A_539 = %scan3A_14 to %scan3A_16 step %scan3A_17  : i32 {
      %mul3A_540 = arith.constant 2 : i32
      %mul3A_541 = arith.muli %scan3A_539, %mul3A_540 : i32
      %add3A_542 = arith.constant 1 : i32
      %add3A_543 = arith.addi %mul3A_541, %add3A_542 : i32
      %mul3A_544 = arith.constant 80 : i32
      %mul3A_545 = arith.muli %add3A_543, %mul3A_544 : i32
      %mul3A_546 = arith.constant 80 : i32
      %mul3A_547 = arith.muli %add3A_543, %mul3A_546 : i32
      %dma_start3A_548 = tpu.memref_slice %arg6[%mul3A_545] : memref<10000xi32, #tpu.memory_space<vmem>> -> memref<80xi32, #tpu.memory_space<vmem>>
      %dma_start3A_549 = arith.constant 0 : i32
      %dma_start3A_550 = arith.constant 0 : i32
      %dma_start3A_551 = tpu.memref_slice %arg14[%dma_start3A_549, %dma_start3A_550] : memref<10000x128xbf16, #tpu.memory_space<vmem_shared>> -> memref<10000x128xbf16, #tpu.memory_space<vmem_shared>>
      tpu.enqueue_indirect_dma source(%dma_start3A_551 : memref<10000x128xbf16, #tpu.memory_space<vmem_shared>>) target(%arg10 : memref<80x128xbf16, #tpu.memory_space<vmem>>) offsets(%dma_start3A_548 : memref<80xi32, #tpu.memory_space<vmem>>) semaphore(%arg17 : memref<!tpu.dma_semaphore, #tpu.memory_space<semaphore_mem>>)
      %dma_start3A_552 = tpu.memref_slice %arg7[%mul3A_547] : memref<10000xi32, #tpu.memory_space<vmem>> -> memref<80xi32, #tpu.memory_space<vmem>>
      %dma_start3A_553 = arith.constant 0 : i32
      %dma_start3A_554 = arith.constant 0 : i32
      %dma_start3A_555 = tpu.memref_slice %arg14[%dma_start3A_553, %dma_start3A_554] : memref<10000x128xbf16, #tpu.memory_space<vmem_shared>> -> memref<10000x128xbf16, #tpu.memory_space<vmem_shared>>
      tpu.enqueue_indirect_dma source(%dma_start3A_555 : memref<10000x128xbf16, #tpu.memory_space<vmem_shared>>) target(%arg11 : memref<80x128xbf16, #tpu.memory_space<vmem>>) offsets(%dma_start3A_552 : memref<80xi32, #tpu.memory_space<vmem>>) semaphore(%arg18 : memref<!tpu.dma_semaphore, #tpu.memory_space<semaphore_mem>>)
      %dma_wait3A_556 = arith.constant 0 : i32
      %dma_wait3A_557 = tpu.memref_slice %arg6[%dma_wait3A_556] : memref<10000xi32, #tpu.memory_space<vmem>> -> memref<80xi32, #tpu.memory_space<vmem>>
      %dma_wait3A_558 = arith.constant 0 : i32
      %dma_wait3A_559 = arith.constant 0 : i32
      %dma_wait3A_560 = tpu.memref_slice %arg14[%dma_wait3A_558, %dma_wait3A_559] : memref<10000x128xbf16, #tpu.memory_space<vmem_shared>> -> memref<10000x128xbf16, #tpu.memory_space<vmem_shared>>
      tpu.wait_indirect_dma semaphore(%arg15 : memref<!tpu.dma_semaphore, #tpu.memory_space<semaphore_mem>>) src(%dma_wait3A_560 : memref<10000x128xbf16, #tpu.memory_space<vmem_shared>>) dst(%arg8 : memref<80x128xbf16, #tpu.memory_space<vmem>>)
      %dma_wait3A_561 = arith.constant 0 : i32
      %dma_wait3A_562 = tpu.memref_slice %arg7[%dma_wait3A_561] : memref<10000xi32, #tpu.memory_space<vmem>> -> memref<80xi32, #tpu.memory_space<vmem>>
      %dma_wait3A_563 = arith.constant 0 : i32
      %dma_wait3A_564 = arith.constant 0 : i32
      %dma_wait3A_565 = tpu.memref_slice %arg14[%dma_wait3A_563, %dma_wait3A_564] : memref<10000x128xbf16, #tpu.memory_space<vmem_shared>> -> memref<10000x128xbf16, #tpu.memory_space<vmem_shared>>
      tpu.wait_indirect_dma semaphore(%arg16 : memref<!tpu.dma_semaphore, #tpu.memory_space<semaphore_mem>>) src(%dma_wait3A_565 : memref<10000x128xbf16, #tpu.memory_space<vmem_shared>>) dst(%arg9 : memref<80x128xbf16, #tpu.memory_space<vmem>>)
      %iota3A_566 = tpu.iota {dimensions = array<i32: 0>} : vector<16xi32>
      %mul3A_567 = arith.constant 16 : i32
      %mul3A_568 = vector.broadcast %mul3A_567 : i32 to vector<16xi32>
      %mul3A_569 = arith.muli %iota3A_566, %mul3A_568 : vector<16xi32>
      %scan3A_570 = arith.constant 0 : i32
      %scan3A_571 = arith.constant 0 : i32
      %scan3A_572 = arith.constant 5 : i32
      %scan3A_573 = arith.addi %scan3A_571, %scan3A_572 : i32
      %scan3A_574 = arith.constant 1 : i32
      scf.for %scan3A_1672 = %scan3A_571 to %scan3A_573 step %scan3A_574  : i32 {
        %mul3A_1673 = arith.constant 256 : i32
        %mul3A_1674 = arith.muli %scan3A_1672, %mul3A_1673 : i32
        %add3A_1675 = vector.broadcast %mul3A_1674 : i32 to vector<16xi32>
        %add3A_1676 = arith.addi %mul3A_569, %add3A_1675 : vector<16xi32>
        %mul3A_1677 = arith.constant 16 : i32
        %mul3A_1678 = arith.muli %scan3A_1672, %mul3A_1677 : i32
        %add3A_1679 = arith.constant 0 : i32
        %add3A_1680 = arith.addi %mul3A_1678, %add3A_1679 : i32
        %add3A_1681 = arith.constant 0 : i32
        %add3A_1682 = arith.addi %add3A_1680, %add3A_1681 : i32
        %get3A_1683 = arith.index_cast %add3A_1682 : i32 to index
        %get3A_1684 = arith.constant 0 : index
        %get3A_1685 = tpu.vector_load %arg8[%get3A_1683, %get3A_1684] {strides = array<i32>} : memref<80x128xbf16, #tpu.memory_space<vmem>>, vector<32xbf16>,
        %get3A_1686 = arith.index_cast %add3A_1682 : i32 to index
        %get3A_1687 = arith.constant 0 : index
        %get3A_1688 = tpu.vector_load %arg9[%get3A_1686, %get3A_1687] {strides = array<i32>} : memref<80x128xbf16, #tpu.memory_space<vmem>>, vector<32xbf16>,
        %sub3A_1689 = arith.subf %get3A_1685, %get3A_1688 : vector<32xbf16>
        %mul3A_1690 = arith.mulf %sub3A_1689, %sub3A_1689 : vector<32xbf16>
        %mul3A_1691 = arith.constant 16 : i32
        %mul3A_1692 = arith.muli %scan3A_1672, %mul3A_1691 : i32
        %add3A_1693 = arith.constant 0 : i32
        %add3A_1694 = arith.addi %mul3A_1692, %add3A_1693 : i32
        %add3A_1695 = arith.constant 1 : i32
        %add3A_1696 = arith.addi %add3A_1694, %add3A_1695 : i32
        %get3A_1697 = arith.index_cast %add3A_1696 : i32 to index
        %get3A_1698 = arith.constant 0 : index
        %get3A_1699 = tpu.vector_load %arg8[%get3A_1697, %get3A_1698] {strides = array<i32>} : memref<80x128xbf16, #tpu.memory_space<vmem>>, vector<32xbf16>,
        %get3A_1700 = arith.index_cast %add3A_1696 : i32 to index
        %get3A_1701 = arith.constant 0 : index
        %get3A_1702 = tpu.vector_load %arg9[%get3A_1700, %get3A_1701] {strides = array<i32>} : memref<80x128xbf16, #tpu.memory_space<vmem>>, vector<32xbf16>,
        %sub3A_1703 = arith.subf %get3A_1699, %get3A_1702 : vector<32xbf16>
        %mul3A_1704 = arith.mulf %sub3A_1703, %sub3A_1703 : vector<32xbf16>
        %mul3A_1705 = arith.constant 16 : i32
        %mul3A_1706 = arith.muli %scan3A_1672, %mul3A_1705 : i32
        %add3A_1707 = arith.constant 0 : i32
        %add3A_1708 = arith.addi %mul3A_1706, %add3A_1707 : i32
        %add3A_1709 = arith.constant 2 : i32
        %add3A_1710 = arith.addi %add3A_1708, %add3A_1709 : i32
        %get3A_1711 = arith.index_cast %add3A_1710 : i32 to index
        %get3A_1712 = arith.constant 0 : index
        %get3A_1713 = tpu.vector_load %arg8[%get3A_1711, %get3A_1712] {strides = array<i32>} : memref<80x128xbf16, #tpu.memory_space<vmem>>, vector<32xbf16>,
        %get3A_1714 = arith.index_cast %add3A_1710 : i32 to index
        %get3A_1715 = arith.constant 0 : index
        %get3A_1716 = tpu.vector_load %arg9[%get3A_1714, %get3A_1715] {strides = array<i32>} : memref<80x128xbf16, #tpu.memory_space<vmem>>, vector<32xbf16>,
        %sub3A_1717 = arith.subf %get3A_1713, %get3A_1716 : vector<32xbf16>
        %mul3A_1718 = arith.mulf %sub3A_1717, %sub3A_1717 : vector<32xbf16>
        %mul3A_1719 = arith.constant 16 : i32
        %mul3A_1720 = arith.muli %scan3A_1672, %mul3A_1719 : i32
        %add3A_1721 = arith.constant 0 : i32
        %add3A_1722 = arith.addi %mul3A_1720, %add3A_1721 : i32
        %add3A_1723 = arith.constant 3 : i32
        %add3A_1724 = arith.addi %add3A_1722, %add3A_1723 : i32
        %get3A_1725 = arith.index_cast %add3A_1724 : i32 to index
        %get3A_1726 = arith.constant 0 : index
        %get3A_1727 = tpu.vector_load %arg8[%get3A_1725, %get3A_1726] {strides = array<i32>} : memref<80x128xbf16, #tpu.memory_space<vmem>>, vector<32xbf16>,
        %get3A_1728 = arith.index_cast %add3A_1724 : i32 to index
        %get3A_1729 = arith.constant 0 : index
        %get3A_1730 = tpu.vector_load %arg9[%get3A_1728, %get3A_1729] {strides = array<i32>} : memref<80x128xbf16, #tpu.memory_space<vmem>>, vector<32xbf16>,
        %sub3A_1731 = arith.subf %get3A_1727, %get3A_1730 : vector<32xbf16>
        %mul3A_1732 = arith.mulf %sub3A_1731, %sub3A_1731 : vector<32xbf16>
        %mul3A_1733 = arith.constant 16 : i32
        %mul3A_1734 = arith.muli %scan3A_1672, %mul3A_1733 : i32
        %add3A_1735 = arith.constant 0 : i32
        %add3A_1736 = arith.addi %mul3A_1734, %add3A_1735 : i32
        %add3A_1737 = arith.constant 4 : i32
        %add3A_1738 = arith.addi %add3A_1736, %add3A_1737 : i32
        %get3A_1739 = arith.index_cast %add3A_1738 : i32 to index
        %get3A_1740 = arith.constant 0 : index
        %get3A_1741 = tpu.vector_load %arg8[%get3A_1739, %get3A_1740] {strides = array<i32>} : memref<80x128xbf16, #tpu.memory_space<vmem>>, vector<32xbf16>,
        %get3A_1742 = arith.index_cast %add3A_1738 : i32 to index
        %get3A_1743 = arith.constant 0 : index
        %get3A_1744 = tpu.vector_load %arg9[%get3A_1742, %get3A_1743] {strides = array<i32>} : memref<80x128xbf16, #tpu.memory_space<vmem>>, vector<32xbf16>,
        %sub3A_1745 = arith.subf %get3A_1741, %get3A_1744 : vector<32xbf16>
        %mul3A_1746 = arith.mulf %sub3A_1745, %sub3A_1745 : vector<32xbf16>
        %mul3A_1747 = arith.constant 16 : i32
        %mul3A_1748 = arith.muli %scan3A_1672, %mul3A_1747 : i32
        %add3A_1749 = arith.constant 0 : i32
        %add3A_1750 = arith.addi %mul3A_1748, %add3A_1749 : i32
        %add3A_1751 = arith.constant 5 : i32
        %add3A_1752 = arith.addi %add3A_1750, %add3A_1751 : i32
        %get3A_1753 = arith.index_cast %add3A_1752 : i32 to index
        %get3A_1754 = arith.constant 0 : index
        %get3A_1755 = tpu.vector_load %arg8[%get3A_1753, %get3A_1754] {strides = array<i32>} : memref<80x128xbf16, #tpu.memory_space<vmem>>, vector<32xbf16>,
        %get3A_1756 = arith.index_cast %add3A_1752 : i32 to index
        %get3A_1757 = arith.constant 0 : index
        %get3A_1758 = tpu.vector_load %arg9[%get3A_1756, %get3A_1757] {strides = array<i32>} : memref<80x128xbf16, #tpu.memory_space<vmem>>, vector<32xbf16>,
        %sub3A_1759 = arith.subf %get3A_1755, %get3A_1758 : vector<32xbf16>
        %mul3A_1760 = arith.mulf %sub3A_1759, %sub3A_1759 : vector<32xbf16>
        %mul3A_1761 = arith.constant 16 : i32
        %mul3A_1762 = arith.muli %scan3A_1672, %mul3A_1761 : i32
        %add3A_1763 = arith.constant 0 : i32
        %add3A_1764 = arith.addi %mul3A_1762, %add3A_1763 : i32
        %add3A_1765 = arith.constant 6 : i32
        %add3A_1766 = arith.addi %add3A_1764, %add3A_1765 : i32
        %get3A_1767 = arith.index_cast %add3A_1766 : i32 to index
        %get3A_1768 = arith.constant 0 : index
        %get3A_1769 = tpu.vector_load %arg8[%get3A_1767, %get3A_1768] {strides = array<i32>} : memref<80x128xbf16, #tpu.memory_space<vmem>>, vector<32xbf16>,
        %get3A_1770 = arith.index_cast %add3A_1766 : i32 to index
        %get3A_1771 = arith.constant 0 : index
        %get3A_1772 = tpu.vector_load %arg9[%get3A_1770, %get3A_1771] {strides = array<i32>} : memref<80x128xbf16, #tpu.memory_space<vmem>>, vector<32xbf16>,
        %sub3A_1773 = arith.subf %get3A_1769, %get3A_1772 : vector<32xbf16>
        %mul3A_1774 = arith.mulf %sub3A_1773, %sub3A_1773 : vector<32xbf16>
        %mul3A_1775 = arith.constant 16 : i32
        %mul3A_1776 = arith.muli %scan3A_1672, %mul3A_1775 : i32
        %add3A_1777 = arith.constant 0 : i32
        %add3A_1778 = arith.addi %mul3A_1776, %add3A_1777 : i32
        %add3A_1779 = arith.constant 7 : i32
        %add3A_1780 = arith.addi %add3A_1778, %add3A_1779 : i32
        %get3A_1781 = arith.index_cast %add3A_1780 : i32 to index
        %get3A_1782 = arith.constant 0 : index
        %get3A_1783 = tpu.vector_load %arg8[%get3A_1781, %get3A_1782] {strides = array<i32>} : memref<80x128xbf16, #tpu.memory_space<vmem>>, vector<32xbf16>,
        %get3A_1784 = arith.index_cast %add3A_1780 : i32 to index
        %get3A_1785 = arith.constant 0 : index
        %get3A_1786 = tpu.vector_load %arg9[%get3A_1784, %get3A_1785] {strides = array<i32>} : memref<80x128xbf16, #tpu.memory_space<vmem>>, vector<32xbf16>,
        %sub3A_1787 = arith.subf %get3A_1783, %get3A_1786 : vector<32xbf16>
        %mul3A_1788 = arith.mulf %sub3A_1787, %sub3A_1787 : vector<32xbf16>
        %mul3A_1789 = arith.constant 16 : i32
        %mul3A_1790 = arith.muli %scan3A_1672, %mul3A_1789 : i32
        %add3A_1791 = arith.constant 0 : i32
        %add3A_1792 = arith.addi %mul3A_1790, %add3A_1791 : i32
        %add3A_1793 = arith.constant 0 : i32
        %add3A_1794 = arith.addi %add3A_1792, %add3A_1793 : i32
        %get3A_1795 = arith.index_cast %add3A_1794 : i32 to index
        %get3A_1796 = arith.constant 32 : index
        %get3A_1797 = tpu.vector_load %arg8[%get3A_1795, %get3A_1796] {strides = array<i32>} : memref<80x128xbf16, #tpu.memory_space<vmem>>, vector<32xbf16>,
        %get3A_1798 = arith.index_cast %add3A_1794 : i32 to index
        %get3A_1799 = arith.constant 32 : index
        %get3A_1800 = tpu.vector_load %arg9[%get3A_1798, %get3A_1799] {strides = array<i32>} : memref<80x128xbf16, #tpu.memory_space<vmem>>, vector<32xbf16>,
        %sub3A_1801 = arith.subf %get3A_1797, %get3A_1800 : vector<32xbf16>
        %mul3A_1802 = arith.mulf %sub3A_1801, %sub3A_1801 : vector<32xbf16>
        %add3A_1803 = arith.addf %mul3A_1690, %mul3A_1802 : vector<32xbf16>
        %mul3A_1804 = arith.constant 16 : i32
        %mul3A_1805 = arith.muli %scan3A_1672, %mul3A_1804 : i32
        %add3A_1806 = arith.constant 0 : i32
        %add3A_1807 = arith.addi %mul3A_1805, %add3A_1806 : i32
        %add3A_1808 = arith.constant 1 : i32
        %add3A_1809 = arith.addi %add3A_1807, %add3A_1808 : i32
        %get3A_1810 = arith.index_cast %add3A_1809 : i32 to index
        %get3A_1811 = arith.constant 32 : index
        %get3A_1812 = tpu.vector_load %arg8[%get3A_1810, %get3A_1811] {strides = array<i32>} : memref<80x128xbf16, #tpu.memory_space<vmem>>, vector<32xbf16>,
        %get3A_1813 = arith.index_cast %add3A_1809 : i32 to index
        %get3A_1814 = arith.constant 32 : index
        %get3A_1815 = tpu.vector_load %arg9[%get3A_1813, %get3A_1814] {strides = array<i32>} : memref<80x128xbf16, #tpu.memory_space<vmem>>, vector<32xbf16>,
        %sub3A_1816 = arith.subf %get3A_1812, %get3A_1815 : vector<32xbf16>
        %mul3A_1817 = arith.mulf %sub3A_1816, %sub3A_1816 : vector<32xbf16>
        %add3A_1818 = arith.addf %mul3A_1704, %mul3A_1817 : vector<32xbf16>
        %mul3A_1819 = arith.constant 16 : i32
        %mul3A_1820 = arith.muli %scan3A_1672, %mul3A_1819 : i32
        %add3A_1821 = arith.constant 0 : i32
        %add3A_1822 = arith.addi %mul3A_1820, %add3A_1821 : i32
        %add3A_1823 = arith.constant 2 : i32
        %add3A_1824 = arith.addi %add3A_1822, %add3A_1823 : i32
        %get3A_1825 = arith.index_cast %add3A_1824 : i32 to index
        %get3A_1826 = arith.constant 32 : index
        %get3A_1827 = tpu.vector_load %arg8[%get3A_1825, %get3A_1826] {strides = array<i32>} : memref<80x128xbf16, #tpu.memory_space<vmem>>, vector<32xbf16>,
        %get3A_1828 = arith.index_cast %add3A_1824 : i32 to index
        %get3A_1829 = arith.constant 32 : index
        %get3A_1830 = tpu.vector_load %arg9[%get3A_1828, %get3A_1829] {strides = array<i32>} : memref<80x128xbf16, #tpu.memory_space<vmem>>, vector<32xbf16>,
        %sub3A_1831 = arith.subf %get3A_1827, %get3A_1830 : vector<32xbf16>
        %mul3A_1832 = arith.mulf %sub3A_1831, %sub3A_1831 : vector<32xbf16>
        %add3A_1833 = arith.addf %mul3A_1718, %mul3A_1832 : vector<32xbf16>
        %mul3A_1834 = arith.constant 16 : i32
        %mul3A_1835 = arith.muli %scan3A_1672, %mul3A_1834 : i32
        %add3A_1836 = arith.constant 0 : i32
        %add3A_1837 = arith.addi %mul3A_1835, %add3A_1836 : i32
        %add3A_1838 = arith.constant 3 : i32
        %add3A_1839 = arith.addi %add3A_1837, %add3A_1838 : i32
        %get3A_1840 = arith.index_cast %add3A_1839 : i32 to index
        %get3A_1841 = arith.constant 32 : index
        %get3A_1842 = tpu.vector_load %arg8[%get3A_1840, %get3A_1841] {strides = array<i32>} : memref<80x128xbf16, #tpu.memory_space<vmem>>, vector<32xbf16>,
        %get3A_1843 = arith.index_cast %add3A_1839 : i32 to index
        %get3A_1844 = arith.constant 32 : index
        %get3A_1845 = tpu.vector_load %arg9[%get3A_1843, %get3A_1844] {strides = array<i32>} : memref<80x128xbf16, #tpu.memory_space<vmem>>, vector<32xbf16>,
        %sub3A_1846 = arith.subf %get3A_1842, %get3A_1845 : vector<32xbf16>
        %mul3A_1847 = arith.mulf %sub3A_1846, %sub3A_1846 : vector<32xbf16>
        %add3A_1848 = arith.addf %mul3A_1732, %mul3A_1847 : vector<32xbf16>
        %mul3A_1849 = arith.constant 16 : i32
        %mul3A_1850 = arith.muli %scan3A_1672, %mul3A_1849 : i32
        %add3A_1851 = arith.constant 0 : i32
        %add3A_1852 = arith.addi %mul3A_1850, %add3A_1851 : i32
        %add3A_1853 = arith.constant 4 : i32
        %add3A_1854 = arith.addi %add3A_1852, %add3A_1853 : i32
        %get3A_1855 = arith.index_cast %add3A_1854 : i32 to index
        %get3A_1856 = arith.constant 32 : index
        %get3A_1857 = tpu.vector_load %arg8[%get3A_1855, %get3A_1856] {strides = array<i32>} : memref<80x128xbf16, #tpu.memory_space<vmem>>, vector<32xbf16>,
        %get3A_1858 = arith.index_cast %add3A_1854 : i32 to index
        %get3A_1859 = arith.constant 32 : index
        %get3A_1860 = tpu.vector_load %arg9[%get3A_1858, %get3A_1859] {strides = array<i32>} : memref<80x128xbf16, #tpu.memory_space<vmem>>, vector<32xbf16>,
        %sub3A_1861 = arith.subf %get3A_1857, %get3A_1860 : vector<32xbf16>
        %mul3A_1862 = arith.mulf %sub3A_1861, %sub3A_1861 : vector<32xbf16>
        %add3A_1863 = arith.addf %mul3A_1746, %mul3A_1862 : vector<32xbf16>
        %mul3A_1864 = arith.constant 16 : i32
        %mul3A_1865 = arith.muli %scan3A_1672, %mul3A_1864 : i32
        %add3A_1866 = arith.constant 0 : i32
        %add3A_1867 = arith.addi %mul3A_1865, %add3A_1866 : i32
        %add3A_1868 = arith.constant 5 : i32
        %add3A_1869 = arith.addi %add3A_1867, %add3A_1868 : i32
        %get3A_1870 = arith.index_cast %add3A_1869 : i32 to index
        %get3A_1871 = arith.constant 32 : index
        %get3A_1872 = tpu.vector_load %arg8[%get3A_1870, %get3A_1871] {strides = array<i32>} : memref<80x128xbf16, #tpu.memory_space<vmem>>, vector<32xbf16>,
        %get3A_1873 = arith.index_cast %add3A_1869 : i32 to index
        %get3A_1874 = arith.constant 32 : index
        %get3A_1875 = tpu.vector_load %arg9[%get3A_1873, %get3A_1874] {strides = array<i32>} : memref<80x128xbf16, #tpu.memory_space<vmem>>, vector<32xbf16>,
        %sub3A_1876 = arith.subf %get3A_1872, %get3A_1875 : vector<32xbf16>
        %mul3A_1877 = arith.mulf %sub3A_1876, %sub3A_1876 : vector<32xbf16>
        %add3A_1878 = arith.addf %mul3A_1760, %mul3A_1877 : vector<32xbf16>
        %mul3A_1879 = arith.constant 16 : i32
        %mul3A_1880 = arith.muli %scan3A_1672, %mul3A_1879 : i32
        %add3A_1881 = arith.constant 0 : i32
        %add3A_1882 = arith.addi %mul3A_1880, %add3A_1881 : i32
        %add3A_1883 = arith.constant 6 : i32
        %add3A_1884 = arith.addi %add3A_1882, %add3A_1883 : i32
        %get3A_1885 = arith.index_cast %add3A_1884 : i32 to index
        %get3A_1886 = arith.constant 32 : index
        %get3A_1887 = tpu.vector_load %arg8[%get3A_1885, %get3A_1886] {strides = array<i32>} : memref<80x128xbf16, #tpu.memory_space<vmem>>, vector<32xbf16>,
        %get3A_1888 = arith.index_cast %add3A_1884 : i32 to index
        %get3A_1889 = arith.constant 32 : index
        %get3A_1890 = tpu.vector_load %arg9[%get3A_1888, %get3A_1889] {strides = array<i32>} : memref<80x128xbf16, #tpu.memory_space<vmem>>, vector<32xbf16>,
        %sub3A_1891 = arith.subf %get3A_1887, %get3A_1890 : vector<32xbf16>
        %mul3A_1892 = arith.mulf %sub3A_1891, %sub3A_1891 : vector<32xbf16>
        %add3A_1893 = arith.addf %mul3A_1774, %mul3A_1892 : vector<32xbf16>
        %mul3A_1894 = arith.constant 16 : i32
        %mul3A_1895 = arith.muli %scan3A_1672, %mul3A_1894 : i32
        %add3A_1896 = arith.constant 0 : i32
        %add3A_1897 = arith.addi %mul3A_1895, %add3A_1896 : i32
        %add3A_1898 = arith.constant 7 : i32
        %add3A_1899 = arith.addi %add3A_1897, %add3A_1898 : i32
        %get3A_1900 = arith.index_cast %add3A_1899 : i32 to index
        %get3A_1901 = arith.constant 32 : index
        %get3A_1902 = tpu.vector_load %arg8[%get3A_1900, %get3A_1901] {strides = array<i32>} : memref<80x128xbf16, #tpu.memory_space<vmem>>, vector<32xbf16>,
        %get3A_1903 = arith.index_cast %add3A_1899 : i32 to index
        %get3A_1904 = arith.constant 32 : index
        %get3A_1905 = tpu.vector_load %arg9[%get3A_1903, %get3A_1904] {strides = array<i32>} : memref<80x128xbf16, #tpu.memory_space<vmem>>, vector<32xbf16>,
        %sub3A_1906 = arith.subf %get3A_1902, %get3A_1905 : vector<32xbf16>
        %mul3A_1907 = arith.mulf %sub3A_1906, %sub3A_1906 : vector<32xbf16>
        %add3A_1908 = arith.addf %mul3A_1788, %mul3A_1907 : vector<32xbf16>
        %mul3A_1909 = arith.constant 16 : i32
        %mul3A_1910 = arith.muli %scan3A_1672, %mul3A_1909 : i32
        %add3A_1911 = arith.constant 0 : i32
        %add3A_1912 = arith.addi %mul3A_1910, %add3A_1911 : i32
        %add3A_1913 = arith.constant 0 : i32
        %add3A_1914 = arith.addi %add3A_1912, %add3A_1913 : i32
        %get3A_1915 = arith.index_cast %add3A_1914 : i32 to index
        %get3A_1916 = arith.constant 64 : index
        %get3A_1917 = tpu.vector_load %arg8[%get3A_1915, %get3A_1916] {strides = array<i32>} : memref<80x128xbf16, #tpu.memory_space<vmem>>, vector<32xbf16>,
        %get3A_1918 = arith.index_cast %add3A_1914 : i32 to index
        %get3A_1919 = arith.constant 64 : index
        %get3A_1920 = tpu.vector_load %arg9[%get3A_1918, %get3A_1919] {strides = array<i32>} : memref<80x128xbf16, #tpu.memory_space<vmem>>, vector<32xbf16>,
        %sub3A_1921 = arith.subf %get3A_1917, %get3A_1920 : vector<32xbf16>
        %mul3A_1922 = arith.mulf %sub3A_1921, %sub3A_1921 : vector<32xbf16>
        %add3A_1923 = arith.addf %add3A_1803, %mul3A_1922 : vector<32xbf16>
        %mul3A_1924 = arith.constant 16 : i32
        %mul3A_1925 = arith.muli %scan3A_1672, %mul3A_1924 : i32
        %add3A_1926 = arith.constant 0 : i32
        %add3A_1927 = arith.addi %mul3A_1925, %add3A_1926 : i32
        %add3A_1928 = arith.constant 1 : i32
        %add3A_1929 = arith.addi %add3A_1927, %add3A_1928 : i32
        %get3A_1930 = arith.index_cast %add3A_1929 : i32 to index
        %get3A_1931 = arith.constant 64 : index
        %get3A_1932 = tpu.vector_load %arg8[%get3A_1930, %get3A_1931] {strides = array<i32>} : memref<80x128xbf16, #tpu.memory_space<vmem>>, vector<32xbf16>,
        %get3A_1933 = arith.index_cast %add3A_1929 : i32 to index
        %get3A_1934 = arith.constant 64 : index
        %get3A_1935 = tpu.vector_load %arg9[%get3A_1933, %get3A_1934] {strides = array<i32>} : memref<80x128xbf16, #tpu.memory_space<vmem>>, vector<32xbf16>,
        %sub3A_1936 = arith.subf %get3A_1932, %get3A_1935 : vector<32xbf16>
        %mul3A_1937 = arith.mulf %sub3A_1936, %sub3A_1936 : vector<32xbf16>
        %add3A_1938 = arith.addf %add3A_1818, %mul3A_1937 : vector<32xbf16>
        %mul3A_1939 = arith.constant 16 : i32
        %mul3A_1940 = arith.muli %scan3A_1672, %mul3A_1939 : i32
        %add3A_1941 = arith.constant 0 : i32
        %add3A_1942 = arith.addi %mul3A_1940, %add3A_1941 : i32
        %add3A_1943 = arith.constant 2 : i32
        %add3A_1944 = arith.addi %add3A_1942, %add3A_1943 : i32
        %get3A_1945 = arith.index_cast %add3A_1944 : i32 to index
        %get3A_1946 = arith.constant 64 : index
        %get3A_1947 = tpu.vector_load %arg8[%get3A_1945, %get3A_1946] {strides = array<i32>} : memref<80x128xbf16, #tpu.memory_space<vmem>>, vector<32xbf16>,
        %get3A_1948 = arith.index_cast %add3A_1944 : i32 to index
        %get3A_1949 = arith.constant 64 : index
        %get3A_1950 = tpu.vector_load %arg9[%get3A_1948, %get3A_1949] {strides = array<i32>} : memref<80x128xbf16, #tpu.memory_space<vmem>>, vector<32xbf16>,
        %sub3A_1951 = arith.subf %get3A_1947, %get3A_1950 : vector<32xbf16>
        %mul3A_1952 = arith.mulf %sub3A_1951, %sub3A_1951 : vector<32xbf16>
        %add3A_1953 = arith.addf %add3A_1833, %mul3A_1952 : vector<32xbf16>
        %mul3A_1954 = arith.constant 16 : i32
        %mul3A_1955 = arith.muli %scan3A_1672, %mul3A_1954 : i32
        %add3A_1956 = arith.constant 0 : i32
        %add3A_1957 = arith.addi %mul3A_1955, %add3A_1956 : i32
        %add3A_1958 = arith.constant 3 : i32
        %add3A_1959 = arith.addi %add3A_1957, %add3A_1958 : i32
        %get3A_1960 = arith.index_cast %add3A_1959 : i32 to index
        %get3A_1961 = arith.constant 64 : index
        %get3A_1962 = tpu.vector_load %arg8[%get3A_1960, %get3A_1961] {strides = array<i32>} : memref<80x128xbf16, #tpu.memory_space<vmem>>, vector<32xbf16>,
        %get3A_1963 = arith.index_cast %add3A_1959 : i32 to index
        %get3A_1964 = arith.constant 64 : index
        %get3A_1965 = tpu.vector_load %arg9[%get3A_1963, %get3A_1964] {strides = array<i32>} : memref<80x128xbf16, #tpu.memory_space<vmem>>, vector<32xbf16>,
        %sub3A_1966 = arith.subf %get3A_1962, %get3A_1965 : vector<32xbf16>
        %mul3A_1967 = arith.mulf %sub3A_1966, %sub3A_1966 : vector<32xbf16>
        %add3A_1968 = arith.addf %add3A_1848, %mul3A_1967 : vector<32xbf16>
        %mul3A_1969 = arith.constant 16 : i32
        %mul3A_1970 = arith.muli %scan3A_1672, %mul3A_1969 : i32
        %add3A_1971 = arith.constant 0 : i32
        %add3A_1972 = arith.addi %mul3A_1970, %add3A_1971 : i32
        %add3A_1973 = arith.constant 4 : i32
        %add3A_1974 = arith.addi %add3A_1972, %add3A_1973 : i32
        %get3A_1975 = arith.index_cast %add3A_1974 : i32 to index
        %get3A_1976 = arith.constant 64 : index
        %get3A_1977 = tpu.vector_load %arg8[%get3A_1975, %get3A_1976] {strides = array<i32>} : memref<80x128xbf16, #tpu.memory_space<vmem>>, vector<32xbf16>,
        %get3A_1978 = arith.index_cast %add3A_1974 : i32 to index
        %get3A_1979 = arith.constant 64 : index
        %get3A_1980 = tpu.vector_load %arg9[%get3A_1978, %get3A_1979] {strides = array<i32>} : memref<80x128xbf16, #tpu.memory_space<vmem>>, vector<32xbf16>,
        %sub3A_1981 = arith.subf %get3A_1977, %get3A_1980 : vector<32xbf16>
        %mul3A_1982 = arith.mulf %sub3A_1981, %sub3A_1981 : vector<32xbf16>
        %add3A_1983 = arith.addf %add3A_1863, %mul3A_1982 : vector<32xbf16>
        %mul3A_1984 = arith.constant 16 : i32
        %mul3A_1985 = arith.muli %scan3A_1672, %mul3A_1984 : i32
        %add3A_1986 = arith.constant 0 : i32
        %add3A_1987 = arith.addi %mul3A_1985, %add3A_1986 : i32
        %add3A_1988 = arith.constant 5 : i32
        %add3A_1989 = arith.addi %add3A_1987, %add3A_1988 : i32
        %get3A_1990 = arith.index_cast %add3A_1989 : i32 to index
        %get3A_1991 = arith.constant 64 : index
        %get3A_1992 = tpu.vector_load %arg8[%get3A_1990, %get3A_1991] {strides = array<i32>} : memref<80x128xbf16, #tpu.memory_space<vmem>>, vector<32xbf16>,
        %get3A_1993 = arith.index_cast %add3A_1989 : i32 to index
        %get3A_1994 = arith.constant 64 : index
        %get3A_1995 = tpu.vector_load %arg9[%get3A_1993, %get3A_1994] {strides = array<i32>} : memref<80x128xbf16, #tpu.memory_space<vmem>>, vector<32xbf16>,
        %sub3A_1996 = arith.subf %get3A_1992, %get3A_1995 : vector<32xbf16>
        %mul3A_1997 = arith.mulf %sub3A_1996, %sub3A_1996 : vector<32xbf16>
        %add3A_1998 = arith.addf %add3A_1878, %mul3A_1997 : vector<32xbf16>
        %mul3A_1999 = arith.constant 16 : i32
        %mul3A_2000 = arith.muli %scan3A_1672, %mul3A_1999 : i32
        %add3A_2001 = arith.constant 0 : i32
        %add3A_2002 = arith.addi %mul3A_2000, %add3A_2001 : i32
        %add3A_2003 = arith.constant 6 : i32
        %add3A_2004 = arith.addi %add3A_2002, %add3A_2003 : i32
        %get3A_2005 = arith.index_cast %add3A_2004 : i32 to index
        %get3A_2006 = arith.constant 64 : index
        %get3A_2007 = tpu.vector_load %arg8[%get3A_2005, %get3A_2006] {strides = array<i32>} : memref<80x128xbf16, #tpu.memory_space<vmem>>, vector<32xbf16>,
        %get3A_2008 = arith.index_cast %add3A_2004 : i32 to index
        %get3A_2009 = arith.constant 64 : index
        %get3A_2010 = tpu.vector_load %arg9[%get3A_2008, %get3A_2009] {strides = array<i32>} : memref<80x128xbf16, #tpu.memory_space<vmem>>, vector<32xbf16>,
        %sub3A_2011 = arith.subf %get3A_2007, %get3A_2010 : vector<32xbf16>
        %mul3A_2012 = arith.mulf %sub3A_2011, %sub3A_2011 : vector<32xbf16>
        %add3A_2013 = arith.addf %add3A_1893, %mul3A_2012 : vector<32xbf16>
        %mul3A_2014 = arith.constant 16 : i32
        %mul3A_2015 = arith.muli %scan3A_1672, %mul3A_2014 : i32
        %add3A_2016 = arith.constant 0 : i32
        %add3A_2017 = arith.addi %mul3A_2015, %add3A_2016 : i32
        %add3A_2018 = arith.constant 7 : i32
        %add3A_2019 = arith.addi %add3A_2017, %add3A_2018 : i32
        %get3A_2020 = arith.index_cast %add3A_2019 : i32 to index
        %get3A_2021 = arith.constant 64 : index
        %get3A_2022 = tpu.vector_load %arg8[%get3A_2020, %get3A_2021] {strides = array<i32>} : memref<80x128xbf16, #tpu.memory_space<vmem>>, vector<32xbf16>,
        %get3A_2023 = arith.index_cast %add3A_2019 : i32 to index
        %get3A_2024 = arith.constant 64 : index
        %get3A_2025 = tpu.vector_load %arg9[%get3A_2023, %get3A_2024] {strides = array<i32>} : memref<80x128xbf16, #tpu.memory_space<vmem>>, vector<32xbf16>,
        %sub3A_2026 = arith.subf %get3A_2022, %get3A_2025 : vector<32xbf16>
        %mul3A_2027 = arith.mulf %sub3A_2026, %sub3A_2026 : vector<32xbf16>
        %add3A_2028 = arith.addf %add3A_1908, %mul3A_2027 : vector<32xbf16>
        %mul3A_2029 = arith.constant 16 : i32
        %mul3A_2030 = arith.muli %scan3A_1672, %mul3A_2029 : i32
        %add3A_2031 = arith.constant 0 : i32
        %add3A_2032 = arith.addi %mul3A_2030, %add3A_2031 : i32
        %add3A_2033 = arith.constant 0 : i32
        %add3A_2034 = arith.addi %add3A_2032, %add3A_2033 : i32
        %get3A_2035 = arith.index_cast %add3A_2034 : i32 to index
        %get3A_2036 = arith.constant 96 : index
        %get3A_2037 = tpu.vector_load %arg8[%get3A_2035, %get3A_2036] {strides = array<i32>} : memref<80x128xbf16, #tpu.memory_space<vmem>>, vector<32xbf16>,
        %get3A_2038 = arith.index_cast %add3A_2034 : i32 to index
        %get3A_2039 = arith.constant 96 : index
        %get3A_2040 = tpu.vector_load %arg9[%get3A_2038, %get3A_2039] {strides = array<i32>} : memref<80x128xbf16, #tpu.memory_space<vmem>>, vector<32xbf16>,
        %sub3A_2041 = arith.subf %get3A_2037, %get3A_2040 : vector<32xbf16>
        %mul3A_2042 = arith.mulf %sub3A_2041, %sub3A_2041 : vector<32xbf16>
        %add3A_2043 = arith.addf %add3A_1923, %mul3A_2042 : vector<32xbf16>
        %mul3A_2044 = arith.constant 16 : i32
        %mul3A_2045 = arith.muli %scan3A_1672, %mul3A_2044 : i32
        %add3A_2046 = arith.constant 0 : i32
        %add3A_2047 = arith.addi %mul3A_2045, %add3A_2046 : i32
        %add3A_2048 = arith.constant 1 : i32
        %add3A_2049 = arith.addi %add3A_2047, %add3A_2048 : i32
        %get3A_2050 = arith.index_cast %add3A_2049 : i32 to index
        %get3A_2051 = arith.constant 96 : index
        %get3A_2052 = tpu.vector_load %arg8[%get3A_2050, %get3A_2051] {strides = array<i32>} : memref<80x128xbf16, #tpu.memory_space<vmem>>, vector<32xbf16>,
        %get3A_2053 = arith.index_cast %add3A_2049 : i32 to index
        %get3A_2054 = arith.constant 96 : index
        %get3A_2055 = tpu.vector_load %arg9[%get3A_2053, %get3A_2054] {strides = array<i32>} : memref<80x128xbf16, #tpu.memory_space<vmem>>, vector<32xbf16>,
        %sub3A_2056 = arith.subf %get3A_2052, %get3A_2055 : vector<32xbf16>
        %mul3A_2057 = arith.mulf %sub3A_2056, %sub3A_2056 : vector<32xbf16>
        %add3A_2058 = arith.addf %add3A_1938, %mul3A_2057 : vector<32xbf16>
        %mul3A_2059 = arith.constant 16 : i32
        %mul3A_2060 = arith.muli %scan3A_1672, %mul3A_2059 : i32
        %add3A_2061 = arith.constant 0 : i32
        %add3A_2062 = arith.addi %mul3A_2060, %add3A_2061 : i32
        %add3A_2063 = arith.constant 2 : i32
        %add3A_2064 = arith.addi %add3A_2062, %add3A_2063 : i32
        %get3A_2065 = arith.index_cast %add3A_2064 : i32 to index
        %get3A_2066 = arith.constant 96 : index
        %get3A_2067 = tpu.vector_load %arg8[%get3A_2065, %get3A_2066] {strides = array<i32>} : memref<80x128xbf16, #tpu.memory_space<vmem>>, vector<32xbf16>,
        %get3A_2068 = arith.index_cast %add3A_2064 : i32 to index
        %get3A_2069 = arith.constant 96 : index
        %get3A_2070 = tpu.vector_load %arg9[%get3A_2068, %get3A_2069] {strides = array<i32>} : memref<80x128xbf16, #tpu.memory_space<vmem>>, vector<32xbf16>,
        %sub3A_2071 = arith.subf %get3A_2067, %get3A_2070 : vector<32xbf16>
        %mul3A_2072 = arith.mulf %sub3A_2071, %sub3A_2071 : vector<32xbf16>
        %add3A_2073 = arith.addf %add3A_1953, %mul3A_2072 : vector<32xbf16>
        %mul3A_2074 = arith.constant 16 : i32
        %mul3A_2075 = arith.muli %scan3A_1672, %mul3A_2074 : i32
        %add3A_2076 = arith.constant 0 : i32
        %add3A_2077 = arith.addi %mul3A_2075, %add3A_2076 : i32
        %add3A_2078 = arith.constant 3 : i32
        %add3A_2079 = arith.addi %add3A_2077, %add3A_2078 : i32
        %get3A_2080 = arith.index_cast %add3A_2079 : i32 to index
        %get3A_2081 = arith.constant 96 : index
        %get3A_2082 = tpu.vector_load %arg8[%get3A_2080, %get3A_2081] {strides = array<i32>} : memref<80x128xbf16, #tpu.memory_space<vmem>>, vector<32xbf16>,
        %get3A_2083 = arith.index_cast %add3A_2079 : i32 to index
        %get3A_2084 = arith.constant 96 : index
        %get3A_2085 = tpu.vector_load %arg9[%get3A_2083, %get3A_2084] {strides = array<i32>} : memref<80x128xbf16, #tpu.memory_space<vmem>>, vector<32xbf16>,
        %sub3A_2086 = arith.subf %get3A_2082, %get3A_2085 : vector<32xbf16>
        %mul3A_2087 = arith.mulf %sub3A_2086, %sub3A_2086 : vector<32xbf16>
        %add3A_2088 = arith.addf %add3A_1968, %mul3A_2087 : vector<32xbf16>
        %mul3A_2089 = arith.constant 16 : i32
        %mul3A_2090 = arith.muli %scan3A_1672, %mul3A_2089 : i32
        %add3A_2091 = arith.constant 0 : i32
        %add3A_2092 = arith.addi %mul3A_2090, %add3A_2091 : i32
        %add3A_2093 = arith.constant 4 : i32
        %add3A_2094 = arith.addi %add3A_2092, %add3A_2093 : i32
        %get3A_2095 = arith.index_cast %add3A_2094 : i32 to index
        %get3A_2096 = arith.constant 96 : index
        %get3A_2097 = tpu.vector_load %arg8[%get3A_2095, %get3A_2096] {strides = array<i32>} : memref<80x128xbf16, #tpu.memory_space<vmem>>, vector<32xbf16>,
        %get3A_2098 = arith.index_cast %add3A_2094 : i32 to index
        %get3A_2099 = arith.constant 96 : index
        %get3A_2100 = tpu.vector_load %arg9[%get3A_2098, %get3A_2099] {strides = array<i32>} : memref<80x128xbf16, #tpu.memory_space<vmem>>, vector<32xbf16>,
        %sub3A_2101 = arith.subf %get3A_2097, %get3A_2100 : vector<32xbf16>
        %mul3A_2102 = arith.mulf %sub3A_2101, %sub3A_2101 : vector<32xbf16>
        %add3A_2103 = arith.addf %add3A_1983, %mul3A_2102 : vector<32xbf16>
        %mul3A_2104 = arith.constant 16 : i32
        %mul3A_2105 = arith.muli %scan3A_1672, %mul3A_2104 : i32
        %add3A_2106 = arith.constant 0 : i32
        %add3A_2107 = arith.addi %mul3A_2105, %add3A_2106 : i32
        %add3A_2108 = arith.constant 5 : i32
        %add3A_2109 = arith.addi %add3A_2107, %add3A_2108 : i32
        %get3A_2110 = arith.index_cast %add3A_2109 : i32 to index
        %get3A_2111 = arith.constant 96 : index
        %get3A_2112 = tpu.vector_load %arg8[%get3A_2110, %get3A_2111] {strides = array<i32>} : memref<80x128xbf16, #tpu.memory_space<vmem>>, vector<32xbf16>,
        %get3A_2113 = arith.index_cast %add3A_2109 : i32 to index
        %get3A_2114 = arith.constant 96 : index
        %get3A_2115 = tpu.vector_load %arg9[%get3A_2113, %get3A_2114] {strides = array<i32>} : memref<80x128xbf16, #tpu.memory_space<vmem>>, vector<32xbf16>,
        %sub3A_2116 = arith.subf %get3A_2112, %get3A_2115 : vector<32xbf16>
        %mul3A_2117 = arith.mulf %sub3A_2116, %sub3A_2116 : vector<32xbf16>
        %add3A_2118 = arith.addf %add3A_1998, %mul3A_2117 : vector<32xbf16>
        %mul3A_2119 = arith.constant 16 : i32
        %mul3A_2120 = arith.muli %scan3A_1672, %mul3A_2119 : i32
        %add3A_2121 = arith.constant 0 : i32
        %add3A_2122 = arith.addi %mul3A_2120, %add3A_2121 : i32
        %add3A_2123 = arith.constant 6 : i32
        %add3A_2124 = arith.addi %add3A_2122, %add3A_2123 : i32
        %get3A_2125 = arith.index_cast %add3A_2124 : i32 to index
        %get3A_2126 = arith.constant 96 : index
        %get3A_2127 = tpu.vector_load %arg8[%get3A_2125, %get3A_2126] {strides = array<i32>} : memref<80x128xbf16, #tpu.memory_space<vmem>>, vector<32xbf16>,
        %get3A_2128 = arith.index_cast %add3A_2124 : i32 to index
        %get3A_2129 = arith.constant 96 : index
        %get3A_2130 = tpu.vector_load %arg9[%get3A_2128, %get3A_2129] {strides = array<i32>} : memref<80x128xbf16, #tpu.memory_space<vmem>>, vector<32xbf16>,
        %sub3A_2131 = arith.subf %get3A_2127, %get3A_2130 : vector<32xbf16>
        %mul3A_2132 = arith.mulf %sub3A_2131, %sub3A_2131 : vector<32xbf16>
        %add3A_2133 = arith.addf %add3A_2013, %mul3A_2132 : vector<32xbf16>
        %mul3A_2134 = arith.constant 16 : i32
        %mul3A_2135 = arith.muli %scan3A_1672, %mul3A_2134 : i32
        %add3A_2136 = arith.constant 0 : i32
        %add3A_2137 = arith.addi %mul3A_2135, %add3A_2136 : i32
        %add3A_2138 = arith.constant 7 : i32
        %add3A_2139 = arith.addi %add3A_2137, %add3A_2138 : i32
        %get3A_2140 = arith.index_cast %add3A_2139 : i32 to index
        %get3A_2141 = arith.constant 96 : index
        %get3A_2142 = tpu.vector_load %arg8[%get3A_2140, %get3A_2141] {strides = array<i32>} : memref<80x128xbf16, #tpu.memory_space<vmem>>, vector<32xbf16>,
        %get3A_2143 = arith.index_cast %add3A_2139 : i32 to index
        %get3A_2144 = arith.constant 96 : index
        %get3A_2145 = tpu.vector_load %arg9[%get3A_2143, %get3A_2144] {strides = array<i32>} : memref<80x128xbf16, #tpu.memory_space<vmem>>, vector<32xbf16>,
        %sub3A_2146 = arith.subf %get3A_2142, %get3A_2145 : vector<32xbf16>
        %mul3A_2147 = arith.mulf %sub3A_2146, %sub3A_2146 : vector<32xbf16>
        %add3A_2148 = arith.addf %add3A_2028, %mul3A_2147 : vector<32xbf16>
        %add3A_2149 = arith.constant 0 : i32
        %add3A_2150 = vector.broadcast %add3A_2149 : i32 to vector<16xi32>
        %add3A_2151 = arith.addi %add3A_1676, %add3A_2150 : vector<16xi32>
        %bitcast3A_2152 = vector.bitcast %add3A_2043 : vector<32xbf16> to vector<16xi32>
        tpu.vector_store_idx %arg12[%add3A_2151], %bitcast3A_2152 : memref<1280xi32, #tpu.memory_space<vmem>>[vector<16xi32>], vector<16xi32>,
        %add3A_2153 = arith.constant 1 : i32
        %add3A_2154 = vector.broadcast %add3A_2153 : i32 to vector<16xi32>
        %add3A_2155 = arith.addi %add3A_1676, %add3A_2154 : vector<16xi32>
        %bitcast3A_2156 = vector.bitcast %add3A_2058 : vector<32xbf16> to vector<16xi32>
        tpu.vector_store_idx %arg12[%add3A_2155], %bitcast3A_2156 : memref<1280xi32, #tpu.memory_space<vmem>>[vector<16xi32>], vector<16xi32>,
        %add3A_2157 = arith.constant 2 : i32
        %add3A_2158 = vector.broadcast %add3A_2157 : i32 to vector<16xi32>
        %add3A_2159 = arith.addi %add3A_1676, %add3A_2158 : vector<16xi32>
        %bitcast3A_2160 = vector.bitcast %add3A_2073 : vector<32xbf16> to vector<16xi32>
        tpu.vector_store_idx %arg12[%add3A_2159], %bitcast3A_2160 : memref<1280xi32, #tpu.memory_space<vmem>>[vector<16xi32>], vector<16xi32>,
        %add3A_2161 = arith.constant 3 : i32
        %add3A_2162 = vector.broadcast %add3A_2161 : i32 to vector<16xi32>
        %add3A_2163 = arith.addi %add3A_1676, %add3A_2162 : vector<16xi32>
        %bitcast3A_2164 = vector.bitcast %add3A_2088 : vector<32xbf16> to vector<16xi32>
        tpu.vector_store_idx %arg12[%add3A_2163], %bitcast3A_2164 : memref<1280xi32, #tpu.memory_space<vmem>>[vector<16xi32>], vector<16xi32>,
        %add3A_2165 = arith.constant 4 : i32
        %add3A_2166 = vector.broadcast %add3A_2165 : i32 to vector<16xi32>
        %add3A_2167 = arith.addi %add3A_1676, %add3A_2166 : vector<16xi32>
        %bitcast3A_2168 = vector.bitcast %add3A_2103 : vector<32xbf16> to vector<16xi32>
        tpu.vector_store_idx %arg12[%add3A_2167], %bitcast3A_2168 : memref<1280xi32, #tpu.memory_space<vmem>>[vector<16xi32>], vector<16xi32>,
        %add3A_2169 = arith.constant 5 : i32
        %add3A_2170 = vector.broadcast %add3A_2169 : i32 to vector<16xi32>
        %add3A_2171 = arith.addi %add3A_1676, %add3A_2170 : vector<16xi32>
        %bitcast3A_2172 = vector.bitcast %add3A_2118 : vector<32xbf16> to vector<16xi32>
        tpu.vector_store_idx %arg12[%add3A_2171], %bitcast3A_2172 : memref<1280xi32, #tpu.memory_space<vmem>>[vector<16xi32>], vector<16xi32>,
        %add3A_2173 = arith.constant 6 : i32
        %add3A_2174 = vector.broadcast %add3A_2173 : i32 to vector<16xi32>
        %add3A_2175 = arith.addi %add3A_1676, %add3A_2174 : vector<16xi32>
        %bitcast3A_2176 = vector.bitcast %add3A_2133 : vector<32xbf16> to vector<16xi32>
        tpu.vector_store_idx %arg12[%add3A_2175], %bitcast3A_2176 : memref<1280xi32, #tpu.memory_space<vmem>>[vector<16xi32>], vector<16xi32>,
        %add3A_2177 = arith.constant 7 : i32
        %add3A_2178 = vector.broadcast %add3A_2177 : i32 to vector<16xi32>
        %add3A_2179 = arith.addi %add3A_1676, %add3A_2178 : vector<16xi32>
        %bitcast3A_2180 = vector.bitcast %add3A_2148 : vector<32xbf16> to vector<16xi32>
        tpu.vector_store_idx %arg12[%add3A_2179], %bitcast3A_2180 : memref<1280xi32, #tpu.memory_space<vmem>>[vector<16xi32>], vector<16xi32>,
        %mul3A_2181 = arith.constant 16 : i32
        %mul3A_2182 = arith.muli %scan3A_1672, %mul3A_2181 : i32
        %add3A_2183 = arith.constant 8 : i32
        %add3A_2184 = arith.addi %mul3A_2182, %add3A_2183 : i32
        %add3A_2185 = arith.constant 0 : i32
        %add3A_2186 = arith.addi %add3A_2184, %add3A_2185 : i32
        %get3A_2187 = arith.index_cast %add3A_2186 : i32 to index
        %get3A_2188 = arith.constant 0 : index
        %get3A_2189 = tpu.vector_load %arg8[%get3A_2187, %get3A_2188] {strides = array<i32>} : memref<80x128xbf16, #tpu.memory_space<vmem>>, vector<32xbf16>,
        %get3A_2190 = arith.index_cast %add3A_2186 : i32 to index
        %get3A_2191 = arith.constant 0 : index
        %get3A_2192 = tpu.vector_load %arg9[%get3A_2190, %get3A_2191] {strides = array<i32>} : memref<80x128xbf16, #tpu.memory_space<vmem>>, vector<32xbf16>,
        %sub3A_2193 = arith.subf %get3A_2189, %get3A_2192 : vector<32xbf16>
        %mul3A_2194 = arith.mulf %sub3A_2193, %sub3A_2193 : vector<32xbf16>
        %mul3A_2195 = arith.constant 16 : i32
        %mul3A_2196 = arith.muli %scan3A_1672, %mul3A_2195 : i32
        %add3A_2197 = arith.constant 8 : i32
        %add3A_2198 = arith.addi %mul3A_2196, %add3A_2197 : i32
        %add3A_2199 = arith.constant 1 : i32
        %add3A_2200 = arith.addi %add3A_2198, %add3A_2199 : i32
        %get3A_2201 = arith.index_cast %add3A_2200 : i32 to index
        %get3A_2202 = arith.constant 0 : index
        %get3A_2203 = tpu.vector_load %arg8[%get3A_2201, %get3A_2202] {strides = array<i32>} : memref<80x128xbf16, #tpu.memory_space<vmem>>, vector<32xbf16>,
        %get3A_2204 = arith.index_cast %add3A_2200 : i32 to index
        %get3A_2205 = arith.constant 0 : index
        %get3A_2206 = tpu.vector_load %arg9[%get3A_2204, %get3A_2205] {strides = array<i32>} : memref<80x128xbf16, #tpu.memory_space<vmem>>, vector<32xbf16>,
        %sub3A_2207 = arith.subf %get3A_2203, %get3A_2206 : vector<32xbf16>
        %mul3A_2208 = arith.mulf %sub3A_2207, %sub3A_2207 : vector<32xbf16>
        %mul3A_2209 = arith.constant 16 : i32
        %mul3A_2210 = arith.muli %scan3A_1672, %mul3A_2209 : i32
        %add3A_2211 = arith.constant 8 : i32
        %add3A_2212 = arith.addi %mul3A_2210, %add3A_2211 : i32
        %add3A_2213 = arith.constant 2 : i32
        %add3A_2214 = arith.addi %add3A_2212, %add3A_2213 : i32
        %get3A_2215 = arith.index_cast %add3A_2214 : i32 to index
        %get3A_2216 = arith.constant 0 : index
        %get3A_2217 = tpu.vector_load %arg8[%get3A_2215, %get3A_2216] {strides = array<i32>} : memref<80x128xbf16, #tpu.memory_space<vmem>>, vector<32xbf16>,
        %get3A_2218 = arith.index_cast %add3A_2214 : i32 to index
        %get3A_2219 = arith.constant 0 : index
        %get3A_2220 = tpu.vector_load %arg9[%get3A_2218, %get3A_2219] {strides = array<i32>} : memref<80x128xbf16, #tpu.memory_space<vmem>>, vector<32xbf16>,
        %sub3A_2221 = arith.subf %get3A_2217, %get3A_2220 : vector<32xbf16>
        %mul3A_2222 = arith.mulf %sub3A_2221, %sub3A_2221 : vector<32xbf16>
        %mul3A_2223 = arith.constant 16 : i32
        %mul3A_2224 = arith.muli %scan3A_1672, %mul3A_2223 : i32
        %add3A_2225 = arith.constant 8 : i32
        %add3A_2226 = arith.addi %mul3A_2224, %add3A_2225 : i32
        %add3A_2227 = arith.constant 3 : i32
        %add3A_2228 = arith.addi %add3A_2226, %add3A_2227 : i32
        %get3A_2229 = arith.index_cast %add3A_2228 : i32 to index
        %get3A_2230 = arith.constant 0 : index
        %get3A_2231 = tpu.vector_load %arg8[%get3A_2229, %get3A_2230] {strides = array<i32>} : memref<80x128xbf16, #tpu.memory_space<vmem>>, vector<32xbf16>,
        %get3A_2232 = arith.index_cast %add3A_2228 : i32 to index
        %get3A_2233 = arith.constant 0 : index
        %get3A_2234 = tpu.vector_load %arg9[%get3A_2232, %get3A_2233] {strides = array<i32>} : memref<80x128xbf16, #tpu.memory_space<vmem>>, vector<32xbf16>,
        %sub3A_2235 = arith.subf %get3A_2231, %get3A_2234 : vector<32xbf16>
        %mul3A_2236 = arith.mulf %sub3A_2235, %sub3A_2235 : vector<32xbf16>
        %mul3A_2237 = arith.constant 16 : i32
        %mul3A_2238 = arith.muli %scan3A_1672, %mul3A_2237 : i32
        %add3A_2239 = arith.constant 8 : i32
        %add3A_2240 = arith.addi %mul3A_2238, %add3A_2239 : i32
        %add3A_2241 = arith.constant 4 : i32
        %add3A_2242 = arith.addi %add3A_2240, %add3A_2241 : i32
        %get3A_2243 = arith.index_cast %add3A_2242 : i32 to index
        %get3A_2244 = arith.constant 0 : index
        %get3A_2245 = tpu.vector_load %arg8[%get3A_2243, %get3A_2244] {strides = array<i32>} : memref<80x128xbf16, #tpu.memory_space<vmem>>, vector<32xbf16>,
        %get3A_2246 = arith.index_cast %add3A_2242 : i32 to index
        %get3A_2247 = arith.constant 0 : index
        %get3A_2248 = tpu.vector_load %arg9[%get3A_2246, %get3A_2247] {strides = array<i32>} : memref<80x128xbf16, #tpu.memory_space<vmem>>, vector<32xbf16>,
        %sub3A_2249 = arith.subf %get3A_2245, %get3A_2248 : vector<32xbf16>
        %mul3A_2250 = arith.mulf %sub3A_2249, %sub3A_2249 : vector<32xbf16>
        %mul3A_2251 = arith.constant 16 : i32
        %mul3A_2252 = arith.muli %scan3A_1672, %mul3A_2251 : i32
        %add3A_2253 = arith.constant 8 : i32
        %add3A_2254 = arith.addi %mul3A_2252, %add3A_2253 : i32
        %add3A_2255 = arith.constant 5 : i32
        %add3A_2256 = arith.addi %add3A_2254, %add3A_2255 : i32
        %get3A_2257 = arith.index_cast %add3A_2256 : i32 to index
        %get3A_2258 = arith.constant 0 : index
        %get3A_2259 = tpu.vector_load %arg8[%get3A_2257, %get3A_2258] {strides = array<i32>} : memref<80x128xbf16, #tpu.memory_space<vmem>>, vector<32xbf16>,
        %get3A_2260 = arith.index_cast %add3A_2256 : i32 to index
        %get3A_2261 = arith.constant 0 : index
        %get3A_2262 = tpu.vector_load %arg9[%get3A_2260, %get3A_2261] {strides = array<i32>} : memref<80x128xbf16, #tpu.memory_space<vmem>>, vector<32xbf16>,
        %sub3A_2263 = arith.subf %get3A_2259, %get3A_2262 : vector<32xbf16>
        %mul3A_2264 = arith.mulf %sub3A_2263, %sub3A_2263 : vector<32xbf16>
        %mul3A_2265 = arith.constant 16 : i32
        %mul3A_2266 = arith.muli %scan3A_1672, %mul3A_2265 : i32
        %add3A_2267 = arith.constant 8 : i32
        %add3A_2268 = arith.addi %mul3A_2266, %add3A_2267 : i32
        %add3A_2269 = arith.constant 6 : i32
        %add3A_2270 = arith.addi %add3A_2268, %add3A_2269 : i32
        %get3A_2271 = arith.index_cast %add3A_2270 : i32 to index
        %get3A_2272 = arith.constant 0 : index
        %get3A_2273 = tpu.vector_load %arg8[%get3A_2271, %get3A_2272] {strides = array<i32>} : memref<80x128xbf16, #tpu.memory_space<vmem>>, vector<32xbf16>,
        %get3A_2274 = arith.index_cast %add3A_2270 : i32 to index
        %get3A_2275 = arith.constant 0 : index
        %get3A_2276 = tpu.vector_load %arg9[%get3A_2274, %get3A_2275] {strides = array<i32>} : memref<80x128xbf16, #tpu.memory_space<vmem>>, vector<32xbf16>,
        %sub3A_2277 = arith.subf %get3A_2273, %get3A_2276 : vector<32xbf16>
        %mul3A_2278 = arith.mulf %sub3A_2277, %sub3A_2277 : vector<32xbf16>
        %mul3A_2279 = arith.constant 16 : i32
        %mul3A_2280 = arith.muli %scan3A_1672, %mul3A_2279 : i32
        %add3A_2281 = arith.constant 8 : i32
        %add3A_2282 = arith.addi %mul3A_2280, %add3A_2281 : i32
        %add3A_2283 = arith.constant 7 : i32
        %add3A_2284 = arith.addi %add3A_2282, %add3A_2283 : i32
        %get3A_2285 = arith.index_cast %add3A_2284 : i32 to index
        %get3A_2286 = arith.constant 0 : index
        %get3A_2287 = tpu.vector_load %arg8[%get3A_2285, %get3A_2286] {strides = array<i32>} : memref<80x128xbf16, #tpu.memory_space<vmem>>, vector<32xbf16>,
        %get3A_2288 = arith.index_cast %add3A_2284 : i32 to index
        %get3A_2289 = arith.constant 0 : index
        %get3A_2290 = tpu.vector_load %arg9[%get3A_2288, %get3A_2289] {strides = array<i32>} : memref<80x128xbf16, #tpu.memory_space<vmem>>, vector<32xbf16>,
        %sub3A_2291 = arith.subf %get3A_2287, %get3A_2290 : vector<32xbf16>
        %mul3A_2292 = arith.mulf %sub3A_2291, %sub3A_2291 : vector<32xbf16>
        %mul3A_2293 = arith.constant 16 : i32
        %mul3A_2294 = arith.muli %scan3A_1672, %mul3A_2293 : i32
        %add3A_2295 = arith.constant 8 : i32
        %add3A_2296 = arith.addi %mul3A_2294, %add3A_2295 : i32
        %add3A_2297 = arith.constant 0 : i32
        %add3A_2298 = arith.addi %add3A_2296, %add3A_2297 : i32
        %get3A_2299 = arith.index_cast %add3A_2298 : i32 to index
        %get3A_2300 = arith.constant 32 : index
        %get3A_2301 = tpu.vector_load %arg8[%get3A_2299, %get3A_2300] {strides = array<i32>} : memref<80x128xbf16, #tpu.memory_space<vmem>>, vector<32xbf16>,
        %get3A_2302 = arith.index_cast %add3A_2298 : i32 to index
        %get3A_2303 = arith.constant 32 : index
        %get3A_2304 = tpu.vector_load %arg9[%get3A_2302, %get3A_2303] {strides = array<i32>} : memref<80x128xbf16, #tpu.memory_space<vmem>>, vector<32xbf16>,
        %sub3A_2305 = arith.subf %get3A_2301, %get3A_2304 : vector<32xbf16>
        %mul3A_2306 = arith.mulf %sub3A_2305, %sub3A_2305 : vector<32xbf16>
        %add3A_2307 = arith.addf %mul3A_2194, %mul3A_2306 : vector<32xbf16>
        %mul3A_2308 = arith.constant 16 : i32
        %mul3A_2309 = arith.muli %scan3A_1672, %mul3A_2308 : i32
        %add3A_2310 = arith.constant 8 : i32
        %add3A_2311 = arith.addi %mul3A_2309, %add3A_2310 : i32
        %add3A_2312 = arith.constant 1 : i32
        %add3A_2313 = arith.addi %add3A_2311, %add3A_2312 : i32
        %get3A_2314 = arith.index_cast %add3A_2313 : i32 to index
        %get3A_2315 = arith.constant 32 : index
        %get3A_2316 = tpu.vector_load %arg8[%get3A_2314, %get3A_2315] {strides = array<i32>} : memref<80x128xbf16, #tpu.memory_space<vmem>>, vector<32xbf16>,
        %get3A_2317 = arith.index_cast %add3A_2313 : i32 to index
        %get3A_2318 = arith.constant 32 : index
        %get3A_2319 = tpu.vector_load %arg9[%get3A_2317, %get3A_2318] {strides = array<i32>} : memref<80x128xbf16, #tpu.memory_space<vmem>>, vector<32xbf16>,
        %sub3A_2320 = arith.subf %get3A_2316, %get3A_2319 : vector<32xbf16>
        %mul3A_2321 = arith.mulf %sub3A_2320, %sub3A_2320 : vector<32xbf16>
        %add3A_2322 = arith.addf %mul3A_2208, %mul3A_2321 : vector<32xbf16>
        %mul3A_2323 = arith.constant 16 : i32
        %mul3A_2324 = arith.muli %scan3A_1672, %mul3A_2323 : i32
        %add3A_2325 = arith.constant 8 : i32
        %add3A_2326 = arith.addi %mul3A_2324, %add3A_2325 : i32
        %add3A_2327 = arith.constant 2 : i32
        %add3A_2328 = arith.addi %add3A_2326, %add3A_2327 : i32
        %get3A_2329 = arith.index_cast %add3A_2328 : i32 to index
        %get3A_2330 = arith.constant 32 : index
        %get3A_2331 = tpu.vector_load %arg8[%get3A_2329, %get3A_2330] {strides = array<i32>} : memref<80x128xbf16, #tpu.memory_space<vmem>>, vector<32xbf16>,
        %get3A_2332 = arith.index_cast %add3A_2328 : i32 to index
        %get3A_2333 = arith.constant 32 : index
        %get3A_2334 = tpu.vector_load %arg9[%get3A_2332, %get3A_2333] {strides = array<i32>} : memref<80x128xbf16, #tpu.memory_space<vmem>>, vector<32xbf16>,
        %sub3A_2335 = arith.subf %get3A_2331, %get3A_2334 : vector<32xbf16>
        %mul3A_2336 = arith.mulf %sub3A_2335, %sub3A_2335 : vector<32xbf16>
        %add3A_2337 = arith.addf %mul3A_2222, %mul3A_2336 : vector<32xbf16>
        %mul3A_2338 = arith.constant 16 : i32
        %mul3A_2339 = arith.muli %scan3A_1672, %mul3A_2338 : i32
        %add3A_2340 = arith.constant 8 : i32
        %add3A_2341 = arith.addi %mul3A_2339, %add3A_2340 : i32
        %add3A_2342 = arith.constant 3 : i32
        %add3A_2343 = arith.addi %add3A_2341, %add3A_2342 : i32
        %get3A_2344 = arith.index_cast %add3A_2343 : i32 to index
        %get3A_2345 = arith.constant 32 : index
        %get3A_2346 = tpu.vector_load %arg8[%get3A_2344, %get3A_2345] {strides = array<i32>} : memref<80x128xbf16, #tpu.memory_space<vmem>>, vector<32xbf16>,
        %get3A_2347 = arith.index_cast %add3A_2343 : i32 to index
        %get3A_2348 = arith.constant 32 : index
        %get3A_2349 = tpu.vector_load %arg9[%get3A_2347, %get3A_2348] {strides = array<i32>} : memref<80x128xbf16, #tpu.memory_space<vmem>>, vector<32xbf16>,
        %sub3A_2350 = arith.subf %get3A_2346, %get3A_2349 : vector<32xbf16>
        %mul3A_2351 = arith.mulf %sub3A_2350, %sub3A_2350 : vector<32xbf16>
        %add3A_2352 = arith.addf %mul3A_2236, %mul3A_2351 : vector<32xbf16>
        %mul3A_2353 = arith.constant 16 : i32
        %mul3A_2354 = arith.muli %scan3A_1672, %mul3A_2353 : i32
        %add3A_2355 = arith.constant 8 : i32
        %add3A_2356 = arith.addi %mul3A_2354, %add3A_2355 : i32
        %add3A_2357 = arith.constant 4 : i32
        %add3A_2358 = arith.addi %add3A_2356, %add3A_2357 : i32
        %get3A_2359 = arith.index_cast %add3A_2358 : i32 to index
        %get3A_2360 = arith.constant 32 : index
        %get3A_2361 = tpu.vector_load %arg8[%get3A_2359, %get3A_2360] {strides = array<i32>} : memref<80x128xbf16, #tpu.memory_space<vmem>>, vector<32xbf16>,
        %get3A_2362 = arith.index_cast %add3A_2358 : i32 to index
        %get3A_2363 = arith.constant 32 : index
        %get3A_2364 = tpu.vector_load %arg9[%get3A_2362, %get3A_2363] {strides = array<i32>} : memref<80x128xbf16, #tpu.memory_space<vmem>>, vector<32xbf16>,
        %sub3A_2365 = arith.subf %get3A_2361, %get3A_2364 : vector<32xbf16>
        %mul3A_2366 = arith.mulf %sub3A_2365, %sub3A_2365 : vector<32xbf16>
        %add3A_2367 = arith.addf %mul3A_2250, %mul3A_2366 : vector<32xbf16>
        %mul3A_2368 = arith.constant 16 : i32
        %mul3A_2369 = arith.muli %scan3A_1672, %mul3A_2368 : i32
        %add3A_2370 = arith.constant 8 : i32
        %add3A_2371 = arith.addi %mul3A_2369, %add3A_2370 : i32
        %add3A_2372 = arith.constant 5 : i32
        %add3A_2373 = arith.addi %add3A_2371, %add3A_2372 : i32
        %get3A_2374 = arith.index_cast %add3A_2373 : i32 to index
        %get3A_2375 = arith.constant 32 : index
        %get3A_2376 = tpu.vector_load %arg8[%get3A_2374, %get3A_2375] {strides = array<i32>} : memref<80x128xbf16, #tpu.memory_space<vmem>>, vector<32xbf16>,
        %get3A_2377 = arith.index_cast %add3A_2373 : i32 to index
        %get3A_2378 = arith.constant 32 : index
        %get3A_2379 = tpu.vector_load %arg9[%get3A_2377, %get3A_2378] {strides = array<i32>} : memref<80x128xbf16, #tpu.memory_space<vmem>>, vector<32xbf16>,
        %sub3A_2380 = arith.subf %get3A_2376, %get3A_2379 : vector<32xbf16>
        %mul3A_2381 = arith.mulf %sub3A_2380, %sub3A_2380 : vector<32xbf16>
        %add3A_2382 = arith.addf %mul3A_2264, %mul3A_2381 : vector<32xbf16>
        %mul3A_2383 = arith.constant 16 : i32
        %mul3A_2384 = arith.muli %scan3A_1672, %mul3A_2383 : i32
        %add3A_2385 = arith.constant 8 : i32
        %add3A_2386 = arith.addi %mul3A_2384, %add3A_2385 : i32
        %add3A_2387 = arith.constant 6 : i32
        %add3A_2388 = arith.addi %add3A_2386, %add3A_2387 : i32
        %get3A_2389 = arith.index_cast %add3A_2388 : i32 to index
        %get3A_2390 = arith.constant 32 : index
        %get3A_2391 = tpu.vector_load %arg8[%get3A_2389, %get3A_2390] {strides = array<i32>} : memref<80x128xbf16, #tpu.memory_space<vmem>>, vector<32xbf16>,
        %get3A_2392 = arith.index_cast %add3A_2388 : i32 to index
        %get3A_2393 = arith.constant 32 : index
        %get3A_2394 = tpu.vector_load %arg9[%get3A_2392, %get3A_2393] {strides = array<i32>} : memref<80x128xbf16, #tpu.memory_space<vmem>>, vector<32xbf16>,
        %sub3A_2395 = arith.subf %get3A_2391, %get3A_2394 : vector<32xbf16>
        %mul3A_2396 = arith.mulf %sub3A_2395, %sub3A_2395 : vector<32xbf16>
        %add3A_2397 = arith.addf %mul3A_2278, %mul3A_2396 : vector<32xbf16>
        %mul3A_2398 = arith.constant 16 : i32
        %mul3A_2399 = arith.muli %scan3A_1672, %mul3A_2398 : i32
        %add3A_2400 = arith.constant 8 : i32
        %add3A_2401 = arith.addi %mul3A_2399, %add3A_2400 : i32
        %add3A_2402 = arith.constant 7 : i32
        %add3A_2403 = arith.addi %add3A_2401, %add3A_2402 : i32
        %get3A_2404 = arith.index_cast %add3A_2403 : i32 to index
        %get3A_2405 = arith.constant 32 : index
        %get3A_2406 = tpu.vector_load %arg8[%get3A_2404, %get3A_2405] {strides = array<i32>} : memref<80x128xbf16, #tpu.memory_space<vmem>>, vector<32xbf16>,
        %get3A_2407 = arith.index_cast %add3A_2403 : i32 to index
        %get3A_2408 = arith.constant 32 : index
        %get3A_2409 = tpu.vector_load %arg9[%get3A_2407, %get3A_2408] {strides = array<i32>} : memref<80x128xbf16, #tpu.memory_space<vmem>>, vector<32xbf16>,
        %sub3A_2410 = arith.subf %get3A_2406, %get3A_2409 : vector<32xbf16>
        %mul3A_2411 = arith.mulf %sub3A_2410, %sub3A_2410 : vector<32xbf16>
        %add3A_2412 = arith.addf %mul3A_2292, %mul3A_2411 : vector<32xbf16>
        %mul3A_2413 = arith.constant 16 : i32
        %mul3A_2414 = arith.muli %scan3A_1672, %mul3A_2413 : i32
        %add3A_2415 = arith.constant 8 : i32
        %add3A_2416 = arith.addi %mul3A_2414, %add3A_2415 : i32
        %add3A_2417 = arith.constant 0 : i32
        %add3A_2418 = arith.addi %add3A_2416, %add3A_2417 : i32
        %get3A_2419 = arith.index_cast %add3A_2418 : i32 to index
        %get3A_2420 = arith.constant 64 : index
        %get3A_2421 = tpu.vector_load %arg8[%get3A_2419, %get3A_2420] {strides = array<i32>} : memref<80x128xbf16, #tpu.memory_space<vmem>>, vector<32xbf16>,
        %get3A_2422 = arith.index_cast %add3A_2418 : i32 to index
        %get3A_2423 = arith.constant 64 : index
        %get3A_2424 = tpu.vector_load %arg9[%get3A_2422, %get3A_2423] {strides = array<i32>} : memref<80x128xbf16, #tpu.memory_space<vmem>>, vector<32xbf16>,
        %sub3A_2425 = arith.subf %get3A_2421, %get3A_2424 : vector<32xbf16>
        %mul3A_2426 = arith.mulf %sub3A_2425, %sub3A_2425 : vector<32xbf16>
        %add3A_2427 = arith.addf %add3A_2307, %mul3A_2426 : vector<32xbf16>
        %mul3A_2428 = arith.constant 16 : i32
        %mul3A_2429 = arith.muli %scan3A_1672, %mul3A_2428 : i32
        %add3A_2430 = arith.constant 8 : i32
        %add3A_2431 = arith.addi %mul3A_2429, %add3A_2430 : i32
        %add3A_2432 = arith.constant 1 : i32
        %add3A_2433 = arith.addi %add3A_2431, %add3A_2432 : i32
        %get3A_2434 = arith.index_cast %add3A_2433 : i32 to index
        %get3A_2435 = arith.constant 64 : index
        %get3A_2436 = tpu.vector_load %arg8[%get3A_2434, %get3A_2435] {strides = array<i32>} : memref<80x128xbf16, #tpu.memory_space<vmem>>, vector<32xbf16>,
        %get3A_2437 = arith.index_cast %add3A_2433 : i32 to index
        %get3A_2438 = arith.constant 64 : index
        %get3A_2439 = tpu.vector_load %arg9[%get3A_2437, %get3A_2438] {strides = array<i32>} : memref<80x128xbf16, #tpu.memory_space<vmem>>, vector<32xbf16>,
        %sub3A_2440 = arith.subf %get3A_2436, %get3A_2439 : vector<32xbf16>
        %mul3A_2441 = arith.mulf %sub3A_2440, %sub3A_2440 : vector<32xbf16>
        %add3A_2442 = arith.addf %add3A_2322, %mul3A_2441 : vector<32xbf16>
        %mul3A_2443 = arith.constant 16 : i32
        %mul3A_2444 = arith.muli %scan3A_1672, %mul3A_2443 : i32
        %add3A_2445 = arith.constant 8 : i32
        %add3A_2446 = arith.addi %mul3A_2444, %add3A_2445 : i32
        %add3A_2447 = arith.constant 2 : i32
        %add3A_2448 = arith.addi %add3A_2446, %add3A_2447 : i32
        %get3A_2449 = arith.index_cast %add3A_2448 : i32 to index
        %get3A_2450 = arith.constant 64 : index
        %get3A_2451 = tpu.vector_load %arg8[%get3A_2449, %get3A_2450] {strides = array<i32>} : memref<80x128xbf16, #tpu.memory_space<vmem>>, vector<32xbf16>,
        %get3A_2452 = arith.index_cast %add3A_2448 : i32 to index
        %get3A_2453 = arith.constant 64 : index
        %get3A_2454 = tpu.vector_load %arg9[%get3A_2452, %get3A_2453] {strides = array<i32>} : memref<80x128xbf16, #tpu.memory_space<vmem>>, vector<32xbf16>,
        %sub3A_2455 = arith.subf %get3A_2451, %get3A_2454 : vector<32xbf16>
        %mul3A_2456 = arith.mulf %sub3A_2455, %sub3A_2455 : vector<32xbf16>
        %add3A_2457 = arith.addf %add3A_2337, %mul3A_2456 : vector<32xbf16>
        %mul3A_2458 = arith.constant 16 : i32
        %mul3A_2459 = arith.muli %scan3A_1672, %mul3A_2458 : i32
        %add3A_2460 = arith.constant 8 : i32
        %add3A_2461 = arith.addi %mul3A_2459, %add3A_2460 : i32
        %add3A_2462 = arith.constant 3 : i32
        %add3A_2463 = arith.addi %add3A_2461, %add3A_2462 : i32
        %get3A_2464 = arith.index_cast %add3A_2463 : i32 to index
        %get3A_2465 = arith.constant 64 : index
        %get3A_2466 = tpu.vector_load %arg8[%get3A_2464, %get3A_2465] {strides = array<i32>} : memref<80x128xbf16, #tpu.memory_space<vmem>>, vector<32xbf16>,
        %get3A_2467 = arith.index_cast %add3A_2463 : i32 to index
        %get3A_2468 = arith.constant 64 : index
        %get3A_2469 = tpu.vector_load %arg9[%get3A_2467, %get3A_2468] {strides = array<i32>} : memref<80x128xbf16, #tpu.memory_space<vmem>>, vector<32xbf16>,
        %sub3A_2470 = arith.subf %get3A_2466, %get3A_2469 : vector<32xbf16>
        %mul3A_2471 = arith.mulf %sub3A_2470, %sub3A_2470 : vector<32xbf16>
        %add3A_2472 = arith.addf %add3A_2352, %mul3A_2471 : vector<32xbf16>
        %mul3A_2473 = arith.constant 16 : i32
        %mul3A_2474 = arith.muli %scan3A_1672, %mul3A_2473 : i32
        %add3A_2475 = arith.constant 8 : i32
        %add3A_2476 = arith.addi %mul3A_2474, %add3A_2475 : i32
        %add3A_2477 = arith.constant 4 : i32
        %add3A_2478 = arith.addi %add3A_2476, %add3A_2477 : i32
        %get3A_2479 = arith.index_cast %add3A_2478 : i32 to index
        %get3A_2480 = arith.constant 64 : index
        %get3A_2481 = tpu.vector_load %arg8[%get3A_2479, %get3A_2480] {strides = array<i32>} : memref<80x128xbf16, #tpu.memory_space<vmem>>, vector<32xbf16>,
        %get3A_2482 = arith.index_cast %add3A_2478 : i32 to index
        %get3A_2483 = arith.constant 64 : index
        %get3A_2484 = tpu.vector_load %arg9[%get3A_2482, %get3A_2483] {strides = array<i32>} : memref<80x128xbf16, #tpu.memory_space<vmem>>, vector<32xbf16>,
        %sub3A_2485 = arith.subf %get3A_2481, %get3A_2484 : vector<32xbf16>
        %mul3A_2486 = arith.mulf %sub3A_2485, %sub3A_2485 : vector<32xbf16>
        %add3A_2487 = arith.addf %add3A_2367, %mul3A_2486 : vector<32xbf16>
        %mul3A_2488 = arith.constant 16 : i32
        %mul3A_2489 = arith.muli %scan3A_1672, %mul3A_2488 : i32
        %add3A_2490 = arith.constant 8 : i32
        %add3A_2491 = arith.addi %mul3A_2489, %add3A_2490 : i32
        %add3A_2492 = arith.constant 5 : i32
        %add3A_2493 = arith.addi %add3A_2491, %add3A_2492 : i32
        %get3A_2494 = arith.index_cast %add3A_2493 : i32 to index
        %get3A_2495 = arith.constant 64 : index
        %get3A_2496 = tpu.vector_load %arg8[%get3A_2494, %get3A_2495] {strides = array<i32>} : memref<80x128xbf16, #tpu.memory_space<vmem>>, vector<32xbf16>,
        %get3A_2497 = arith.index_cast %add3A_2493 : i32 to index
        %get3A_2498 = arith.constant 64 : index
        %get3A_2499 = tpu.vector_load %arg9[%get3A_2497, %get3A_2498] {strides = array<i32>} : memref<80x128xbf16, #tpu.memory_space<vmem>>, vector<32xbf16>,
        %sub3A_2500 = arith.subf %get3A_2496, %get3A_2499 : vector<32xbf16>
        %mul3A_2501 = arith.mulf %sub3A_2500, %sub3A_2500 : vector<32xbf16>
        %add3A_2502 = arith.addf %add3A_2382, %mul3A_2501 : vector<32xbf16>
        %mul3A_2503 = arith.constant 16 : i32
        %mul3A_2504 = arith.muli %scan3A_1672, %mul3A_2503 : i32
        %add3A_2505 = arith.constant 8 : i32
        %add3A_2506 = arith.addi %mul3A_2504, %add3A_2505 : i32
        %add3A_2507 = arith.constant 6 : i32
        %add3A_2508 = arith.addi %add3A_2506, %add3A_2507 : i32
        %get3A_2509 = arith.index_cast %add3A_2508 : i32 to index
        %get3A_2510 = arith.constant 64 : index
        %get3A_2511 = tpu.vector_load %arg8[%get3A_2509, %get3A_2510] {strides = array<i32>} : memref<80x128xbf16, #tpu.memory_space<vmem>>, vector<32xbf16>,
        %get3A_2512 = arith.index_cast %add3A_2508 : i32 to index
        %get3A_2513 = arith.constant 64 : index
        %get3A_2514 = tpu.vector_load %arg9[%get3A_2512, %get3A_2513] {strides = array<i32>} : memref<80x128xbf16, #tpu.memory_space<vmem>>, vector<32xbf16>,
        %sub3A_2515 = arith.subf %get3A_2511, %get3A_2514 : vector<32xbf16>
        %mul3A_2516 = arith.mulf %sub3A_2515, %sub3A_2515 : vector<32xbf16>
        %add3A_2517 = arith.addf %add3A_2397, %mul3A_2516 : vector<32xbf16>
        %mul3A_2518 = arith.constant 16 : i32
        %mul3A_2519 = arith.muli %scan3A_1672, %mul3A_2518 : i32
        %add3A_2520 = arith.constant 8 : i32
        %add3A_2521 = arith.addi %mul3A_2519, %add3A_2520 : i32
        %add3A_2522 = arith.constant 7 : i32
        %add3A_2523 = arith.addi %add3A_2521, %add3A_2522 : i32
        %get3A_2524 = arith.index_cast %add3A_2523 : i32 to index
        %get3A_2525 = arith.constant 64 : index
        %get3A_2526 = tpu.vector_load %arg8[%get3A_2524, %get3A_2525] {strides = array<i32>} : memref<80x128xbf16, #tpu.memory_space<vmem>>, vector<32xbf16>,
        %get3A_2527 = arith.index_cast %add3A_2523 : i32 to index
        %get3A_2528 = arith.constant 64 : index
        %get3A_2529 = tpu.vector_load %arg9[%get3A_2527, %get3A_2528] {strides = array<i32>} : memref<80x128xbf16, #tpu.memory_space<vmem>>, vector<32xbf16>,
        %sub3A_2530 = arith.subf %get3A_2526, %get3A_2529 : vector<32xbf16>
        %mul3A_2531 = arith.mulf %sub3A_2530, %sub3A_2530 : vector<32xbf16>
        %add3A_2532 = arith.addf %add3A_2412, %mul3A_2531 : vector<32xbf16>
        %mul3A_2533 = arith.constant 16 : i32
        %mul3A_2534 = arith.muli %scan3A_1672, %mul3A_2533 : i32
        %add3A_2535 = arith.constant 8 : i32
        %add3A_2536 = arith.addi %mul3A_2534, %add3A_2535 : i32
        %add3A_2537 = arith.constant 0 : i32
        %add3A_2538 = arith.addi %add3A_2536, %add3A_2537 : i32
        %get3A_2539 = arith.index_cast %add3A_2538 : i32 to index
        %get3A_2540 = arith.constant 96 : index
        %get3A_2541 = tpu.vector_load %arg8[%get3A_2539, %get3A_2540] {strides = array<i32>} : memref<80x128xbf16, #tpu.memory_space<vmem>>, vector<32xbf16>,
        %get3A_2542 = arith.index_cast %add3A_2538 : i32 to index
        %get3A_2543 = arith.constant 96 : index
        %get3A_2544 = tpu.vector_load %arg9[%get3A_2542, %get3A_2543] {strides = array<i32>} : memref<80x128xbf16, #tpu.memory_space<vmem>>, vector<32xbf16>,
        %sub3A_2545 = arith.subf %get3A_2541, %get3A_2544 : vector<32xbf16>
        %mul3A_2546 = arith.mulf %sub3A_2545, %sub3A_2545 : vector<32xbf16>
        %add3A_2547 = arith.addf %add3A_2427, %mul3A_2546 : vector<32xbf16>
        %mul3A_2548 = arith.constant 16 : i32
        %mul3A_2549 = arith.muli %scan3A_1672, %mul3A_2548 : i32
        %add3A_2550 = arith.constant 8 : i32
        %add3A_2551 = arith.addi %mul3A_2549, %add3A_2550 : i32
        %add3A_2552 = arith.constant 1 : i32
        %add3A_2553 = arith.addi %add3A_2551, %add3A_2552 : i32
        %get3A_2554 = arith.index_cast %add3A_2553 : i32 to index
        %get3A_2555 = arith.constant 96 : index
        %get3A_2556 = tpu.vector_load %arg8[%get3A_2554, %get3A_2555] {strides = array<i32>} : memref<80x128xbf16, #tpu.memory_space<vmem>>, vector<32xbf16>,
        %get3A_2557 = arith.index_cast %add3A_2553 : i32 to index
        %get3A_2558 = arith.constant 96 : index
        %get3A_2559 = tpu.vector_load %arg9[%get3A_2557, %get3A_2558] {strides = array<i32>} : memref<80x128xbf16, #tpu.memory_space<vmem>>, vector<32xbf16>,
        %sub3A_2560 = arith.subf %get3A_2556, %get3A_2559 : vector<32xbf16>
        %mul3A_2561 = arith.mulf %sub3A_2560, %sub3A_2560 : vector<32xbf16>
        %add3A_2562 = arith.addf %add3A_2442, %mul3A_2561 : vector<32xbf16>
        %mul3A_2563 = arith.constant 16 : i32
        %mul3A_2564 = arith.muli %scan3A_1672, %mul3A_2563 : i32
        %add3A_2565 = arith.constant 8 : i32
        %add3A_2566 = arith.addi %mul3A_2564, %add3A_2565 : i32
        %add3A_2567 = arith.constant 2 : i32
        %add3A_2568 = arith.addi %add3A_2566, %add3A_2567 : i32
        %get3A_2569 = arith.index_cast %add3A_2568 : i32 to index
        %get3A_2570 = arith.constant 96 : index
        %get3A_2571 = tpu.vector_load %arg8[%get3A_2569, %get3A_2570] {strides = array<i32>} : memref<80x128xbf16, #tpu.memory_space<vmem>>, vector<32xbf16>,
        %get3A_2572 = arith.index_cast %add3A_2568 : i32 to index
        %get3A_2573 = arith.constant 96 : index
        %get3A_2574 = tpu.vector_load %arg9[%get3A_2572, %get3A_2573] {strides = array<i32>} : memref<80x128xbf16, #tpu.memory_space<vmem>>, vector<32xbf16>,
        %sub3A_2575 = arith.subf %get3A_2571, %get3A_2574 : vector<32xbf16>
        %mul3A_2576 = arith.mulf %sub3A_2575, %sub3A_2575 : vector<32xbf16>
        %add3A_2577 = arith.addf %add3A_2457, %mul3A_2576 : vector<32xbf16>
        %mul3A_2578 = arith.constant 16 : i32
        %mul3A_2579 = arith.muli %scan3A_1672, %mul3A_2578 : i32
        %add3A_2580 = arith.constant 8 : i32
        %add3A_2581 = arith.addi %mul3A_2579, %add3A_2580 : i32
        %add3A_2582 = arith.constant 3 : i32
        %add3A_2583 = arith.addi %add3A_2581, %add3A_2582 : i32
        %get3A_2584 = arith.index_cast %add3A_2583 : i32 to index
        %get3A_2585 = arith.constant 96 : index
        %get3A_2586 = tpu.vector_load %arg8[%get3A_2584, %get3A_2585] {strides = array<i32>} : memref<80x128xbf16, #tpu.memory_space<vmem>>, vector<32xbf16>,
        %get3A_2587 = arith.index_cast %add3A_2583 : i32 to index
        %get3A_2588 = arith.constant 96 : index
        %get3A_2589 = tpu.vector_load %arg9[%get3A_2587, %get3A_2588] {strides = array<i32>} : memref<80x128xbf16, #tpu.memory_space<vmem>>, vector<32xbf16>,
        %sub3A_2590 = arith.subf %get3A_2586, %get3A_2589 : vector<32xbf16>
        %mul3A_2591 = arith.mulf %sub3A_2590, %sub3A_2590 : vector<32xbf16>
        %add3A_2592 = arith.addf %add3A_2472, %mul3A_2591 : vector<32xbf16>
        %mul3A_2593 = arith.constant 16 : i32
        %mul3A_2594 = arith.muli %scan3A_1672, %mul3A_2593 : i32
        %add3A_2595 = arith.constant 8 : i32
        %add3A_2596 = arith.addi %mul3A_2594, %add3A_2595 : i32
        %add3A_2597 = arith.constant 4 : i32
        %add3A_2598 = arith.addi %add3A_2596, %add3A_2597 : i32
        %get3A_2599 = arith.index_cast %add3A_2598 : i32 to index
        %get3A_2600 = arith.constant 96 : index
        %get3A_2601 = tpu.vector_load %arg8[%get3A_2599, %get3A_2600] {strides = array<i32>} : memref<80x128xbf16, #tpu.memory_space<vmem>>, vector<32xbf16>,
        %get3A_2602 = arith.index_cast %add3A_2598 : i32 to index
        %get3A_2603 = arith.constant 96 : index
        %get3A_2604 = tpu.vector_load %arg9[%get3A_2602, %get3A_2603] {strides = array<i32>} : memref<80x128xbf16, #tpu.memory_space<vmem>>, vector<32xbf16>,
        %sub3A_2605 = arith.subf %get3A_2601, %get3A_2604 : vector<32xbf16>
        %mul3A_2606 = arith.mulf %sub3A_2605, %sub3A_2605 : vector<32xbf16>
        %add3A_2607 = arith.addf %add3A_2487, %mul3A_2606 : vector<32xbf16>
        %mul3A_2608 = arith.constant 16 : i32
        %mul3A_2609 = arith.muli %scan3A_1672, %mul3A_2608 : i32
        %add3A_2610 = arith.constant 8 : i32
        %add3A_2611 = arith.addi %mul3A_2609, %add3A_2610 : i32
        %add3A_2612 = arith.constant 5 : i32
        %add3A_2613 = arith.addi %add3A_2611, %add3A_2612 : i32
        %get3A_2614 = arith.index_cast %add3A_2613 : i32 to index
        %get3A_2615 = arith.constant 96 : index
        %get3A_2616 = tpu.vector_load %arg8[%get3A_2614, %get3A_2615] {strides = array<i32>} : memref<80x128xbf16, #tpu.memory_space<vmem>>, vector<32xbf16>,
        %get3A_2617 = arith.index_cast %add3A_2613 : i32 to index
        %get3A_2618 = arith.constant 96 : index
        %get3A_2619 = tpu.vector_load %arg9[%get3A_2617, %get3A_2618] {strides = array<i32>} : memref<80x128xbf16, #tpu.memory_space<vmem>>, vector<32xbf16>,
        %sub3A_2620 = arith.subf %get3A_2616, %get3A_2619 : vector<32xbf16>
        %mul3A_2621 = arith.mulf %sub3A_2620, %sub3A_2620 : vector<32xbf16>
        %add3A_2622 = arith.addf %add3A_2502, %mul3A_2621 : vector<32xbf16>
        %mul3A_2623 = arith.constant 16 : i32
        %mul3A_2624 = arith.muli %scan3A_1672, %mul3A_2623 : i32
        %add3A_2625 = arith.constant 8 : i32
        %add3A_2626 = arith.addi %mul3A_2624, %add3A_2625 : i32
        %add3A_2627 = arith.constant 6 : i32
        %add3A_2628 = arith.addi %add3A_2626, %add3A_2627 : i32
        %get3A_2629 = arith.index_cast %add3A_2628 : i32 to index
        %get3A_2630 = arith.constant 96 : index
        %get3A_2631 = tpu.vector_load %arg8[%get3A_2629, %get3A_2630] {strides = array<i32>} : memref<80x128xbf16, #tpu.memory_space<vmem>>, vector<32xbf16>,
        %get3A_2632 = arith.index_cast %add3A_2628 : i32 to index
        %get3A_2633 = arith.constant 96 : index
        %get3A_2634 = tpu.vector_load %arg9[%get3A_2632, %get3A_2633] {strides = array<i32>} : memref<80x128xbf16, #tpu.memory_space<vmem>>, vector<32xbf16>,
        %sub3A_2635 = arith.subf %get3A_2631, %get3A_2634 : vector<32xbf16>
        %mul3A_2636 = arith.mulf %sub3A_2635, %sub3A_2635 : vector<32xbf16>
        %add3A_2637 = arith.addf %add3A_2517, %mul3A_2636 : vector<32xbf16>
        %mul3A_2638 = arith.constant 16 : i32
        %mul3A_2639 = arith.muli %scan3A_1672, %mul3A_2638 : i32
        %add3A_2640 = arith.constant 8 : i32
        %add3A_2641 = arith.addi %mul3A_2639, %add3A_2640 : i32
        %add3A_2642 = arith.constant 7 : i32
        %add3A_2643 = arith.addi %add3A_2641, %add3A_2642 : i32
        %get3A_2644 = arith.index_cast %add3A_2643 : i32 to index
        %get3A_2645 = arith.constant 96 : index
        %get3A_2646 = tpu.vector_load %arg8[%get3A_2644, %get3A_2645] {strides = array<i32>} : memref<80x128xbf16, #tpu.memory_space<vmem>>, vector<32xbf16>,
        %get3A_2647 = arith.index_cast %add3A_2643 : i32 to index
        %get3A_2648 = arith.constant 96 : index
        %get3A_2649 = tpu.vector_load %arg9[%get3A_2647, %get3A_2648] {strides = array<i32>} : memref<80x128xbf16, #tpu.memory_space<vmem>>, vector<32xbf16>,
        %sub3A_2650 = arith.subf %get3A_2646, %get3A_2649 : vector<32xbf16>
        %mul3A_2651 = arith.mulf %sub3A_2650, %sub3A_2650 : vector<32xbf16>
        %add3A_2652 = arith.addf %add3A_2532, %mul3A_2651 : vector<32xbf16>
        %add3A_2653 = arith.constant 8 : i32
        %add3A_2654 = vector.broadcast %add3A_2653 : i32 to vector<16xi32>
        %add3A_2655 = arith.addi %add3A_1676, %add3A_2654 : vector<16xi32>
        %bitcast3A_2656 = vector.bitcast %add3A_2547 : vector<32xbf16> to vector<16xi32>
        tpu.vector_store_idx %arg12[%add3A_2655], %bitcast3A_2656 : memref<1280xi32, #tpu.memory_space<vmem>>[vector<16xi32>], vector<16xi32>,
        %add3A_2657 = arith.constant 9 : i32
        %add3A_2658 = vector.broadcast %add3A_2657 : i32 to vector<16xi32>
        %add3A_2659 = arith.addi %add3A_1676, %add3A_2658 : vector<16xi32>
        %bitcast3A_2660 = vector.bitcast %add3A_2562 : vector<32xbf16> to vector<16xi32>
        tpu.vector_store_idx %arg12[%add3A_2659], %bitcast3A_2660 : memref<1280xi32, #tpu.memory_space<vmem>>[vector<16xi32>], vector<16xi32>,
        %add3A_2661 = arith.constant 10 : i32
        %add3A_2662 = vector.broadcast %add3A_2661 : i32 to vector<16xi32>
        %add3A_2663 = arith.addi %add3A_1676, %add3A_2662 : vector<16xi32>
        %bitcast3A_2664 = vector.bitcast %add3A_2577 : vector<32xbf16> to vector<16xi32>
        tpu.vector_store_idx %arg12[%add3A_2663], %bitcast3A_2664 : memref<1280xi32, #tpu.memory_space<vmem>>[vector<16xi32>], vector<16xi32>,
        %add3A_2665 = arith.constant 11 : i32
        %add3A_2666 = vector.broadcast %add3A_2665 : i32 to vector<16xi32>
        %add3A_2667 = arith.addi %add3A_1676, %add3A_2666 : vector<16xi32>
        %bitcast3A_2668 = vector.bitcast %add3A_2592 : vector<32xbf16> to vector<16xi32>
        tpu.vector_store_idx %arg12[%add3A_2667], %bitcast3A_2668 : memref<1280xi32, #tpu.memory_space<vmem>>[vector<16xi32>], vector<16xi32>,
        %add3A_2669 = arith.constant 12 : i32
        %add3A_2670 = vector.broadcast %add3A_2669 : i32 to vector<16xi32>
        %add3A_2671 = arith.addi %add3A_1676, %add3A_2670 : vector<16xi32>
        %bitcast3A_2672 = vector.bitcast %add3A_2607 : vector<32xbf16> to vector<16xi32>
        tpu.vector_store_idx %arg12[%add3A_2671], %bitcast3A_2672 : memref<1280xi32, #tpu.memory_space<vmem>>[vector<16xi32>], vector<16xi32>,
        %add3A_2673 = arith.constant 13 : i32
        %add3A_2674 = vector.broadcast %add3A_2673 : i32 to vector<16xi32>
        %add3A_2675 = arith.addi %add3A_1676, %add3A_2674 : vector<16xi32>
        %bitcast3A_2676 = vector.bitcast %add3A_2622 : vector<32xbf16> to vector<16xi32>
        tpu.vector_store_idx %arg12[%add3A_2675], %bitcast3A_2676 : memref<1280xi32, #tpu.memory_space<vmem>>[vector<16xi32>], vector<16xi32>,
        %add3A_2677 = arith.constant 14 : i32
        %add3A_2678 = vector.broadcast %add3A_2677 : i32 to vector<16xi32>
        %add3A_2679 = arith.addi %add3A_1676, %add3A_2678 : vector<16xi32>
        %bitcast3A_2680 = vector.bitcast %add3A_2637 : vector<32xbf16> to vector<16xi32>
        tpu.vector_store_idx %arg12[%add3A_2679], %bitcast3A_2680 : memref<1280xi32, #tpu.memory_space<vmem>>[vector<16xi32>], vector<16xi32>,
        %add3A_2681 = arith.constant 15 : i32
        %add3A_2682 = vector.broadcast %add3A_2681 : i32 to vector<16xi32>
        %add3A_2683 = arith.addi %add3A_1676, %add3A_2682 : vector<16xi32>
        %bitcast3A_2684 = vector.bitcast %add3A_2652 : vector<32xbf16> to vector<16xi32>
        tpu.vector_store_idx %arg12[%add3A_2683], %bitcast3A_2684 : memref<1280xi32, #tpu.memory_space<vmem>>[vector<16xi32>], vector<16xi32>,
      }
      %scan3A_575 = arith.constant 5 : i32
      %get3A_576 = arith.constant 0 : index
      %get3A_577 = tpu.vector_load %arg12[%get3A_576] {strides = array<i32>} : memref<1280xi32, #tpu.memory_space<vmem>>, vector<16xi32>,
      %bitcast3A_578 = vector.bitcast %get3A_577 : vector<16xi32> to vector<32xbf16>
      %get3A_579 = arith.constant 16 : index
      %get3A_580 = tpu.vector_load %arg12[%get3A_579] {strides = array<i32>} : memref<1280xi32, #tpu.memory_space<vmem>>, vector<16xi32>,
      %bitcast3A_581 = vector.bitcast %get3A_580 : vector<16xi32> to vector<32xbf16>
      %get3A_582 = arith.constant 32 : index
      %get3A_583 = tpu.vector_load %arg12[%get3A_582] {strides = array<i32>} : memref<1280xi32, #tpu.memory_space<vmem>>, vector<16xi32>,
      %bitcast3A_584 = vector.bitcast %get3A_583 : vector<16xi32> to vector<32xbf16>
      %get3A_585 = arith.constant 48 : index
      %get3A_586 = tpu.vector_load %arg12[%get3A_585] {strides = array<i32>} : memref<1280xi32, #tpu.memory_space<vmem>>, vector<16xi32>,
      %bitcast3A_587 = vector.bitcast %get3A_586 : vector<16xi32> to vector<32xbf16>
      %get3A_588 = arith.constant 64 : index
      %get3A_589 = tpu.vector_load %arg12[%get3A_588] {strides = array<i32>} : memref<1280xi32, #tpu.memory_space<vmem>>, vector<16xi32>,
      %bitcast3A_590 = vector.bitcast %get3A_589 : vector<16xi32> to vector<32xbf16>
      %get3A_591 = arith.constant 80 : index
      %get3A_592 = tpu.vector_load %arg12[%get3A_591] {strides = array<i32>} : memref<1280xi32, #tpu.memory_space<vmem>>, vector<16xi32>,
      %bitcast3A_593 = vector.bitcast %get3A_592 : vector<16xi32> to vector<32xbf16>
      %get3A_594 = arith.constant 96 : index
      %get3A_595 = tpu.vector_load %arg12[%get3A_594] {strides = array<i32>} : memref<1280xi32, #tpu.memory_space<vmem>>, vector<16xi32>,
      %bitcast3A_596 = vector.bitcast %get3A_595 : vector<16xi32> to vector<32xbf16>
      %get3A_597 = arith.constant 112 : index
      %get3A_598 = tpu.vector_load %arg12[%get3A_597] {strides = array<i32>} : memref<1280xi32, #tpu.memory_space<vmem>>, vector<16xi32>,
      %bitcast3A_599 = vector.bitcast %get3A_598 : vector<16xi32> to vector<32xbf16>
      %get3A_600 = arith.constant 128 : index
      %get3A_601 = tpu.vector_load %arg12[%get3A_600] {strides = array<i32>} : memref<1280xi32, #tpu.memory_space<vmem>>, vector<16xi32>,
      %bitcast3A_602 = vector.bitcast %get3A_601 : vector<16xi32> to vector<32xbf16>
      %get3A_603 = arith.constant 144 : index
      %get3A_604 = tpu.vector_load %arg12[%get3A_603] {strides = array<i32>} : memref<1280xi32, #tpu.memory_space<vmem>>, vector<16xi32>,
      %bitcast3A_605 = vector.bitcast %get3A_604 : vector<16xi32> to vector<32xbf16>
      %get3A_606 = arith.constant 160 : index
      %get3A_607 = tpu.vector_load %arg12[%get3A_606] {strides = array<i32>} : memref<1280xi32, #tpu.memory_space<vmem>>, vector<16xi32>,
      %bitcast3A_608 = vector.bitcast %get3A_607 : vector<16xi32> to vector<32xbf16>
      %get3A_609 = arith.constant 176 : index
      %get3A_610 = tpu.vector_load %arg12[%get3A_609] {strides = array<i32>} : memref<1280xi32, #tpu.memory_space<vmem>>, vector<16xi32>,
      %bitcast3A_611 = vector.bitcast %get3A_610 : vector<16xi32> to vector<32xbf16>
      %get3A_612 = arith.constant 192 : index
      %get3A_613 = tpu.vector_load %arg12[%get3A_612] {strides = array<i32>} : memref<1280xi32, #tpu.memory_space<vmem>>, vector<16xi32>,
      %bitcast3A_614 = vector.bitcast %get3A_613 : vector<16xi32> to vector<32xbf16>
      %get3A_615 = arith.constant 208 : index
      %get3A_616 = tpu.vector_load %arg12[%get3A_615] {strides = array<i32>} : memref<1280xi32, #tpu.memory_space<vmem>>, vector<16xi32>,
      %bitcast3A_617 = vector.bitcast %get3A_616 : vector<16xi32> to vector<32xbf16>
      %get3A_618 = arith.constant 224 : index
      %get3A_619 = tpu.vector_load %arg12[%get3A_618] {strides = array<i32>} : memref<1280xi32, #tpu.memory_space<vmem>>, vector<16xi32>,
      %bitcast3A_620 = vector.bitcast %get3A_619 : vector<16xi32> to vector<32xbf16>
      %get3A_621 = arith.constant 240 : index
      %get3A_622 = tpu.vector_load %arg12[%get3A_621] {strides = array<i32>} : memref<1280xi32, #tpu.memory_space<vmem>>, vector<16xi32>,
      %bitcast3A_623 = vector.bitcast %get3A_622 : vector<16xi32> to vector<32xbf16>
      %add3A_624 = arith.addf %bitcast3A_578, %bitcast3A_581 : vector<32xbf16>
      %add3A_625 = arith.addf %bitcast3A_584, %bitcast3A_587 : vector<32xbf16>
      %add3A_626 = arith.addf %bitcast3A_590, %bitcast3A_593 : vector<32xbf16>
      %add3A_627 = arith.addf %bitcast3A_596, %bitcast3A_599 : vector<32xbf16>
      %add3A_628 = arith.addf %bitcast3A_602, %bitcast3A_605 : vector<32xbf16>
      %add3A_629 = arith.addf %bitcast3A_608, %bitcast3A_611 : vector<32xbf16>
      %add3A_630 = arith.addf %bitcast3A_614, %bitcast3A_617 : vector<32xbf16>
      %add3A_631 = arith.addf %bitcast3A_620, %bitcast3A_623 : vector<32xbf16>
      %add3A_632 = arith.addf %add3A_624, %add3A_625 : vector<32xbf16>
      %add3A_633 = arith.addf %add3A_626, %add3A_627 : vector<32xbf16>
      %add3A_634 = arith.addf %add3A_628, %add3A_629 : vector<32xbf16>
      %add3A_635 = arith.addf %add3A_630, %add3A_631 : vector<32xbf16>
      %add3A_636 = arith.addf %add3A_632, %add3A_633 : vector<32xbf16>
      %add3A_637 = arith.addf %add3A_634, %add3A_635 : vector<32xbf16>
      %add3A_638 = arith.addf %add3A_636, %add3A_637 : vector<32xbf16>
      %unpack3A_639 = tpu.unpack_subelements %add3A_638, 0 {pack_format = #tpu.pack_format<interleaved>} : vector<32xbf16> -> vector<16xf32>
      %unpack3A_640 = tpu.unpack_subelements %add3A_638, 1 {pack_format = #tpu.pack_format<interleaved>} : vector<32xbf16> -> vector<16xf32>
      %add3A_641 = arith.addf %unpack3A_639, %unpack3A_640 : vector<16xf32>
      %add3A_642 = arith.constant 1.280000e-10 : f32
      %add3A_643 = vector.broadcast %add3A_642 : f32 to vector<16xf32>
      %add3A_644 = arith.addf %add3A_641, %add3A_643 : vector<16xf32>
      %bitcast3A_645 = vector.bitcast %add3A_644 : vector<16xf32> to vector<16xi32>
      %shift_right_arithmetic3A_646 = arith.constant 1 : i32
      %shift_right_arithmetic3A_647 = vector.broadcast %shift_right_arithmetic3A_646 : i32 to vector<16xi32>
      %shift_right_arithmetic3A_648 = arith.shrsi %bitcast3A_645, %shift_right_arithmetic3A_647 : vector<16xi32>
      %sub3A_649 = arith.constant 1597463007 : i32
      %sub3A_650 = vector.broadcast %sub3A_649 : i32 to vector<16xi32>
      %sub3A_651 = arith.subi %sub3A_650, %shift_right_arithmetic3A_648 : vector<16xi32>
      %bitcast3A_652 = vector.bitcast %sub3A_651 : vector<16xi32> to vector<16xf32>
      %mul3A_653 = arith.constant 5.000000e-01 : f32
      %mul3A_654 = vector.broadcast %mul3A_653 : f32 to vector<16xf32>
      %mul3A_655 = arith.mulf %mul3A_654, %add3A_644 : vector<16xf32>
      %mul3A_656 = arith.mulf %mul3A_655, %bitcast3A_652 : vector<16xf32>
      %mul3A_657 = arith.mulf %mul3A_656, %bitcast3A_652 : vector<16xf32>
      %sub3A_658 = arith.constant 1.500000e+00 : f32
      %sub3A_659 = vector.broadcast %sub3A_658 : f32 to vector<16xf32>
      %sub3A_660 = arith.subf %sub3A_659, %mul3A_657 : vector<16xf32>
      %mul3A_661 = arith.mulf %bitcast3A_652, %sub3A_660 : vector<16xf32>
      %mul3A_662 = arith.constant 5.000000e-01 : f32
      %mul3A_663 = vector.broadcast %mul3A_662 : f32 to vector<16xf32>
      %mul3A_664 = arith.mulf %mul3A_663, %add3A_644 : vector<16xf32>
      %mul3A_665 = arith.mulf %mul3A_664, %mul3A_661 : vector<16xf32>
      %mul3A_666 = arith.mulf %mul3A_665, %mul3A_661 : vector<16xf32>
      %sub3A_667 = arith.constant 1.500000e+00 : f32
      %sub3A_668 = vector.broadcast %sub3A_667 : f32 to vector<16xf32>
      %sub3A_669 = arith.subf %sub3A_668, %mul3A_666 : vector<16xf32>
      %mul3A_670 = arith.mulf %mul3A_661, %sub3A_669 : vector<16xf32>
      %mul3A_671 = arith.mulf %add3A_644, %mul3A_670 : vector<16xf32>
      %neg3A_672 = arith.constant 0.000000e+00 : f32
      %neg3A_673 = vector.broadcast %neg3A_672 : f32 to vector<16xf32>
      %neg3A_674 = arith.subf %neg3A_673, %mul3A_671 : vector<16xf32>
      %exp3A_675 = math.exp %neg3A_674 : vector<16xf32>
      %mul3A_676 = arith.constant 80 : i32
      %mul3A_677 = arith.muli %mul3A_541, %mul3A_676 : i32
      %add3A_678 = arith.constant 0 : i32
      %add3A_679 = arith.addi %mul3A_677, %add3A_678 : i32
      %swap3A_680 = arith.index_cast %add3A_679 : i32 to index
      %swap3A_681 = tpu.vector_load %arg13[%swap3A_680] {strides = array<i32>} : memref<10000xf32, #tpu.memory_space<vmem>>, vector<16xf32>,
      tpu.vector_store %arg13[%swap3A_680], %exp3A_675 {strides = array<i32>} : memref<10000xf32, #tpu.memory_space<vmem>>, vector<16xf32>,
      %get3A_682 = arith.constant 256 : index
      %get3A_683 = tpu.vector_load %arg12[%get3A_682] {strides = array<i32>} : memref<1280xi32, #tpu.memory_space<vmem>>, vector<16xi32>,
      %bitcast3A_684 = vector.bitcast %get3A_683 : vector<16xi32> to vector<32xbf16>
      %get3A_685 = arith.constant 272 : index
      %get3A_686 = tpu.vector_load %arg12[%get3A_685] {strides = array<i32>} : memref<1280xi32, #tpu.memory_space<vmem>>, vector<16xi32>,
      %bitcast3A_687 = vector.bitcast %get3A_686 : vector<16xi32> to vector<32xbf16>
      %get3A_688 = arith.constant 288 : index
      %get3A_689 = tpu.vector_load %arg12[%get3A_688] {strides = array<i32>} : memref<1280xi32, #tpu.memory_space<vmem>>, vector<16xi32>,
      %bitcast3A_690 = vector.bitcast %get3A_689 : vector<16xi32> to vector<32xbf16>
      %get3A_691 = arith.constant 304 : index
      %get3A_692 = tpu.vector_load %arg12[%get3A_691] {strides = array<i32>} : memref<1280xi32, #tpu.memory_space<vmem>>, vector<16xi32>,
      %bitcast3A_693 = vector.bitcast %get3A_692 : vector<16xi32> to vector<32xbf16>
      %get3A_694 = arith.constant 320 : index
      %get3A_695 = tpu.vector_load %arg12[%get3A_694] {strides = array<i32>} : memref<1280xi32, #tpu.memory_space<vmem>>, vector<16xi32>,
      %bitcast3A_696 = vector.bitcast %get3A_695 : vector<16xi32> to vector<32xbf16>
      %get3A_697 = arith.constant 336 : index
      %get3A_698 = tpu.vector_load %arg12[%get3A_697] {strides = array<i32>} : memref<1280xi32, #tpu.memory_space<vmem>>, vector<16xi32>,
      %bitcast3A_699 = vector.bitcast %get3A_698 : vector<16xi32> to vector<32xbf16>
      %get3A_700 = arith.constant 352 : index
      %get3A_701 = tpu.vector_load %arg12[%get3A_700] {strides = array<i32>} : memref<1280xi32, #tpu.memory_space<vmem>>, vector<16xi32>,
      %bitcast3A_702 = vector.bitcast %get3A_701 : vector<16xi32> to vector<32xbf16>
      %get3A_703 = arith.constant 368 : index
      %get3A_704 = tpu.vector_load %arg12[%get3A_703] {strides = array<i32>} : memref<1280xi32, #tpu.memory_space<vmem>>, vector<16xi32>,
      %bitcast3A_705 = vector.bitcast %get3A_704 : vector<16xi32> to vector<32xbf16>
      %get3A_706 = arith.constant 384 : index
      %get3A_707 = tpu.vector_load %arg12[%get3A_706] {strides = array<i32>} : memref<1280xi32, #tpu.memory_space<vmem>>, vector<16xi32>,
      %bitcast3A_708 = vector.bitcast %get3A_707 : vector<16xi32> to vector<32xbf16>
      %get3A_709 = arith.constant 400 : index
      %get3A_710 = tpu.vector_load %arg12[%get3A_709] {strides = array<i32>} : memref<1280xi32, #tpu.memory_space<vmem>>, vector<16xi32>,
      %bitcast3A_711 = vector.bitcast %get3A_710 : vector<16xi32> to vector<32xbf16>
      %get3A_712 = arith.constant 416 : index
      %get3A_713 = tpu.vector_load %arg12[%get3A_712] {strides = array<i32>} : memref<1280xi32, #tpu.memory_space<vmem>>, vector<16xi32>,
      %bitcast3A_714 = vector.bitcast %get3A_713 : vector<16xi32> to vector<32xbf16>
      %get3A_715 = arith.constant 432 : index
      %get3A_716 = tpu.vector_load %arg12[%get3A_715] {strides = array<i32>} : memref<1280xi32, #tpu.memory_space<vmem>>, vector<16xi32>,
      %bitcast3A_717 = vector.bitcast %get3A_716 : vector<16xi32> to vector<32xbf16>
      %get3A_718 = arith.constant 448 : index
      %get3A_719 = tpu.vector_load %arg12[%get3A_718] {strides = array<i32>} : memref<1280xi32, #tpu.memory_space<vmem>>, vector<16xi32>,
      %bitcast3A_720 = vector.bitcast %get3A_719 : vector<16xi32> to vector<32xbf16>
      %get3A_721 = arith.constant 464 : index
      %get3A_722 = tpu.vector_load %arg12[%get3A_721] {strides = array<i32>} : memref<1280xi32, #tpu.memory_space<vmem>>, vector<16xi32>,
      %bitcast3A_723 = vector.bitcast %get3A_722 : vector<16xi32> to vector<32xbf16>
      %get3A_724 = arith.constant 480 : index
      %get3A_725 = tpu.vector_load %arg12[%get3A_724] {strides = array<i32>} : memref<1280xi32, #tpu.memory_space<vmem>>, vector<16xi32>,
      %bitcast3A_726 = vector.bitcast %get3A_725 : vector<16xi32> to vector<32xbf16>
      %get3A_727 = arith.constant 496 : index
      %get3A_728 = tpu.vector_load %arg12[%get3A_727] {strides = array<i32>} : memref<1280xi32, #tpu.memory_space<vmem>>, vector<16xi32>,
      %bitcast3A_729 = vector.bitcast %get3A_728 : vector<16xi32> to vector<32xbf16>
      %add3A_730 = arith.addf %bitcast3A_684, %bitcast3A_687 : vector<32xbf16>
      %add3A_731 = arith.addf %bitcast3A_690, %bitcast3A_693 : vector<32xbf16>
      %add3A_732 = arith.addf %bitcast3A_696, %bitcast3A_699 : vector<32xbf16>
      %add3A_733 = arith.addf %bitcast3A_702, %bitcast3A_705 : vector<32xbf16>
      %add3A_734 = arith.addf %bitcast3A_708, %bitcast3A_711 : vector<32xbf16>
      %add3A_735 = arith.addf %bitcast3A_714, %bitcast3A_717 : vector<32xbf16>
      %add3A_736 = arith.addf %bitcast3A_720, %bitcast3A_723 : vector<32xbf16>
      %add3A_737 = arith.addf %bitcast3A_726, %bitcast3A_729 : vector<32xbf16>
      %add3A_738 = arith.addf %add3A_730, %add3A_731 : vector<32xbf16>
      %add3A_739 = arith.addf %add3A_732, %add3A_733 : vector<32xbf16>
      %add3A_740 = arith.addf %add3A_734, %add3A_735 : vector<32xbf16>
      %add3A_741 = arith.addf %add3A_736, %add3A_737 : vector<32xbf16>
      %add3A_742 = arith.addf %add3A_738, %add3A_739 : vector<32xbf16>
      %add3A_743 = arith.addf %add3A_740, %add3A_741 : vector<32xbf16>
      %add3A_744 = arith.addf %add3A_742, %add3A_743 : vector<32xbf16>
      %unpack3A_745 = tpu.unpack_subelements %add3A_744, 0 {pack_format = #tpu.pack_format<interleaved>} : vector<32xbf16> -> vector<16xf32>
      %unpack3A_746 = tpu.unpack_subelements %add3A_744, 1 {pack_format = #tpu.pack_format<interleaved>} : vector<32xbf16> -> vector<16xf32>
      %add3A_747 = arith.addf %unpack3A_745, %unpack3A_746 : vector<16xf32>
      %add3A_748 = arith.constant 1.280000e-10 : f32
      %add3A_749 = vector.broadcast %add3A_748 : f32 to vector<16xf32>
      %add3A_750 = arith.addf %add3A_747, %add3A_749 : vector<16xf32>
      %bitcast3A_751 = vector.bitcast %add3A_750 : vector<16xf32> to vector<16xi32>
      %shift_right_arithmetic3A_752 = arith.constant 1 : i32
      %shift_right_arithmetic3A_753 = vector.broadcast %shift_right_arithmetic3A_752 : i32 to vector<16xi32>
      %shift_right_arithmetic3A_754 = arith.shrsi %bitcast3A_751, %shift_right_arithmetic3A_753 : vector<16xi32>
      %sub3A_755 = arith.constant 1597463007 : i32
      %sub3A_756 = vector.broadcast %sub3A_755 : i32 to vector<16xi32>
      %sub3A_757 = arith.subi %sub3A_756, %shift_right_arithmetic3A_754 : vector<16xi32>
      %bitcast3A_758 = vector.bitcast %sub3A_757 : vector<16xi32> to vector<16xf32>
      %mul3A_759 = arith.constant 5.000000e-01 : f32
      %mul3A_760 = vector.broadcast %mul3A_759 : f32 to vector<16xf32>
      %mul3A_761 = arith.mulf %mul3A_760, %add3A_750 : vector<16xf32>
      %mul3A_762 = arith.mulf %mul3A_761, %bitcast3A_758 : vector<16xf32>
      %mul3A_763 = arith.mulf %mul3A_762, %bitcast3A_758 : vector<16xf32>
      %sub3A_764 = arith.constant 1.500000e+00 : f32
      %sub3A_765 = vector.broadcast %sub3A_764 : f32 to vector<16xf32>
      %sub3A_766 = arith.subf %sub3A_765, %mul3A_763 : vector<16xf32>
      %mul3A_767 = arith.mulf %bitcast3A_758, %sub3A_766 : vector<16xf32>
      %mul3A_768 = arith.constant 5.000000e-01 : f32
      %mul3A_769 = vector.broadcast %mul3A_768 : f32 to vector<16xf32>
      %mul3A_770 = arith.mulf %mul3A_769, %add3A_750 : vector<16xf32>
      %mul3A_771 = arith.mulf %mul3A_770, %mul3A_767 : vector<16xf32>
      %mul3A_772 = arith.mulf %mul3A_771, %mul3A_767 : vector<16xf32>
      %sub3A_773 = arith.constant 1.500000e+00 : f32
      %sub3A_774 = vector.broadcast %sub3A_773 : f32 to vector<16xf32>
      %sub3A_775 = arith.subf %sub3A_774, %mul3A_772 : vector<16xf32>
      %mul3A_776 = arith.mulf %mul3A_767, %sub3A_775 : vector<16xf32>
      %mul3A_777 = arith.mulf %add3A_750, %mul3A_776 : vector<16xf32>
      %neg3A_778 = arith.constant 0.000000e+00 : f32
      %neg3A_779 = vector.broadcast %neg3A_778 : f32 to vector<16xf32>
      %neg3A_780 = arith.subf %neg3A_779, %mul3A_777 : vector<16xf32>
      %exp3A_781 = math.exp %neg3A_780 : vector<16xf32>
      %mul3A_782 = arith.constant 80 : i32
      %mul3A_783 = arith.muli %mul3A_541, %mul3A_782 : i32
      %add3A_784 = arith.constant 16 : i32
      %add3A_785 = arith.addi %mul3A_783, %add3A_784 : i32
      %swap3A_786 = arith.index_cast %add3A_785 : i32 to index
      %swap3A_787 = tpu.vector_load %arg13[%swap3A_786] {strides = array<i32>} : memref<10000xf32, #tpu.memory_space<vmem>>, vector<16xf32>,
      tpu.vector_store %arg13[%swap3A_786], %exp3A_781 {strides = array<i32>} : memref<10000xf32, #tpu.memory_space<vmem>>, vector<16xf32>,
      %get3A_788 = arith.constant 512 : index
      %get3A_789 = tpu.vector_load %arg12[%get3A_788] {strides = array<i32>} : memref<1280xi32, #tpu.memory_space<vmem>>, vector<16xi32>,
      %bitcast3A_790 = vector.bitcast %get3A_789 : vector<16xi32> to vector<32xbf16>
      %get3A_791 = arith.constant 528 : index
      %get3A_792 = tpu.vector_load %arg12[%get3A_791] {strides = array<i32>} : memref<1280xi32, #tpu.memory_space<vmem>>, vector<16xi32>,
      %bitcast3A_793 = vector.bitcast %get3A_792 : vector<16xi32> to vector<32xbf16>
      %get3A_794 = arith.constant 544 : index
      %get3A_795 = tpu.vector_load %arg12[%get3A_794] {strides = array<i32>} : memref<1280xi32, #tpu.memory_space<vmem>>, vector<16xi32>,
      %bitcast3A_796 = vector.bitcast %get3A_795 : vector<16xi32> to vector<32xbf16>
      %get3A_797 = arith.constant 560 : index
      %get3A_798 = tpu.vector_load %arg12[%get3A_797] {strides = array<i32>} : memref<1280xi32, #tpu.memory_space<vmem>>, vector<16xi32>,
      %bitcast3A_799 = vector.bitcast %get3A_798 : vector<16xi32> to vector<32xbf16>
      %get3A_800 = arith.constant 576 : index
      %get3A_801 = tpu.vector_load %arg12[%get3A_800] {strides = array<i32>} : memref<1280xi32, #tpu.memory_space<vmem>>, vector<16xi32>,
      %bitcast3A_802 = vector.bitcast %get3A_801 : vector<16xi32> to vector<32xbf16>
      %get3A_803 = arith.constant 592 : index
      %get3A_804 = tpu.vector_load %arg12[%get3A_803] {strides = array<i32>} : memref<1280xi32, #tpu.memory_space<vmem>>, vector<16xi32>,
      %bitcast3A_805 = vector.bitcast %get3A_804 : vector<16xi32> to vector<32xbf16>
      %get3A_806 = arith.constant 608 : index
      %get3A_807 = tpu.vector_load %arg12[%get3A_806] {strides = array<i32>} : memref<1280xi32, #tpu.memory_space<vmem>>, vector<16xi32>,
      %bitcast3A_808 = vector.bitcast %get3A_807 : vector<16xi32> to vector<32xbf16>
      %get3A_809 = arith.constant 624 : index
      %get3A_810 = tpu.vector_load %arg12[%get3A_809] {strides = array<i32>} : memref<1280xi32, #tpu.memory_space<vmem>>, vector<16xi32>,
      %bitcast3A_811 = vector.bitcast %get3A_810 : vector<16xi32> to vector<32xbf16>
      %get3A_812 = arith.constant 640 : index
      %get3A_813 = tpu.vector_load %arg12[%get3A_812] {strides = array<i32>} : memref<1280xi32, #tpu.memory_space<vmem>>, vector<16xi32>,
      %bitcast3A_814 = vector.bitcast %get3A_813 : vector<16xi32> to vector<32xbf16>
      %get3A_815 = arith.constant 656 : index
      %get3A_816 = tpu.vector_load %arg12[%get3A_815] {strides = array<i32>} : memref<1280xi32, #tpu.memory_space<vmem>>, vector<16xi32>,
      %bitcast3A_817 = vector.bitcast %get3A_816 : vector<16xi32> to vector<32xbf16>
      %get3A_818 = arith.constant 672 : index
      %get3A_819 = tpu.vector_load %arg12[%get3A_818] {strides = array<i32>} : memref<1280xi32, #tpu.memory_space<vmem>>, vector<16xi32>,
      %bitcast3A_820 = vector.bitcast %get3A_819 : vector<16xi32> to vector<32xbf16>
      %get3A_821 = arith.constant 688 : index
      %get3A_822 = tpu.vector_load %arg12[%get3A_821] {strides = array<i32>} : memref<1280xi32, #tpu.memory_space<vmem>>, vector<16xi32>,
      %bitcast3A_823 = vector.bitcast %get3A_822 : vector<16xi32> to vector<32xbf16>
      %get3A_824 = arith.constant 704 : index
      %get3A_825 = tpu.vector_load %arg12[%get3A_824] {strides = array<i32>} : memref<1280xi32, #tpu.memory_space<vmem>>, vector<16xi32>,
      %bitcast3A_826 = vector.bitcast %get3A_825 : vector<16xi32> to vector<32xbf16>
      %get3A_827 = arith.constant 720 : index
      %get3A_828 = tpu.vector_load %arg12[%get3A_827] {strides = array<i32>} : memref<1280xi32, #tpu.memory_space<vmem>>, vector<16xi32>,
      %bitcast3A_829 = vector.bitcast %get3A_828 : vector<16xi32> to vector<32xbf16>
      %get3A_830 = arith.constant 736 : index
      %get3A_831 = tpu.vector_load %arg12[%get3A_830] {strides = array<i32>} : memref<1280xi32, #tpu.memory_space<vmem>>, vector<16xi32>,
      %bitcast3A_832 = vector.bitcast %get3A_831 : vector<16xi32> to vector<32xbf16>
      %get3A_833 = arith.constant 752 : index
      %get3A_834 = tpu.vector_load %arg12[%get3A_833] {strides = array<i32>} : memref<1280xi32, #tpu.memory_space<vmem>>, vector<16xi32>,
      %bitcast3A_835 = vector.bitcast %get3A_834 : vector<16xi32> to vector<32xbf16>
      %add3A_836 = arith.addf %bitcast3A_790, %bitcast3A_793 : vector<32xbf16>
      %add3A_837 = arith.addf %bitcast3A_796, %bitcast3A_799 : vector<32xbf16>
      %add3A_838 = arith.addf %bitcast3A_802, %bitcast3A_805 : vector<32xbf16>
      %add3A_839 = arith.addf %bitcast3A_808, %bitcast3A_811 : vector<32xbf16>
      %add3A_840 = arith.addf %bitcast3A_814, %bitcast3A_817 : vector<32xbf16>
      %add3A_841 = arith.addf %bitcast3A_820, %bitcast3A_823 : vector<32xbf16>
      %add3A_842 = arith.addf %bitcast3A_826, %bitcast3A_829 : vector<32xbf16>
      %add3A_843 = arith.addf %bitcast3A_832, %bitcast3A_835 : vector<32xbf16>
      %add3A_844 = arith.addf %add3A_836, %add3A_837 : vector<32xbf16>
      %add3A_845 = arith.addf %add3A_838, %add3A_839 : vector<32xbf16>
      %add3A_846 = arith.addf %add3A_840, %add3A_841 : vector<32xbf16>
      %add3A_847 = arith.addf %add3A_842, %add3A_843 : vector<32xbf16>
      %add3A_848 = arith.addf %add3A_844, %add3A_845 : vector<32xbf16>
      %add3A_849 = arith.addf %add3A_846, %add3A_847 : vector<32xbf16>
      %add3A_850 = arith.addf %add3A_848, %add3A_849 : vector<32xbf16>
      %unpack3A_851 = tpu.unpack_subelements %add3A_850, 0 {pack_format = #tpu.pack_format<interleaved>} : vector<32xbf16> -> vector<16xf32>
      %unpack3A_852 = tpu.unpack_subelements %add3A_850, 1 {pack_format = #tpu.pack_format<interleaved>} : vector<32xbf16> -> vector<16xf32>
      %add3A_853 = arith.addf %unpack3A_851, %unpack3A_852 : vector<16xf32>
      %add3A_854 = arith.constant 1.280000e-10 : f32
      %add3A_855 = vector.broadcast %add3A_854 : f32 to vector<16xf32>
      %add3A_856 = arith.addf %add3A_853, %add3A_855 : vector<16xf32>
      %bitcast3A_857 = vector.bitcast %add3A_856 : vector<16xf32> to vector<16xi32>
      %shift_right_arithmetic3A_858 = arith.constant 1 : i32
      %shift_right_arithmetic3A_859 = vector.broadcast %shift_right_arithmetic3A_858 : i32 to vector<16xi32>
      %shift_right_arithmetic3A_860 = arith.shrsi %bitcast3A_857, %shift_right_arithmetic3A_859 : vector<16xi32>
      %sub3A_861 = arith.constant 1597463007 : i32
      %sub3A_862 = vector.broadcast %sub3A_861 : i32 to vector<16xi32>
      %sub3A_863 = arith.subi %sub3A_862, %shift_right_arithmetic3A_860 : vector<16xi32>
      %bitcast3A_864 = vector.bitcast %sub3A_863 : vector<16xi32> to vector<16xf32>
      %mul3A_865 = arith.constant 5.000000e-01 : f32
      %mul3A_866 = vector.broadcast %mul3A_865 : f32 to vector<16xf32>
      %mul3A_867 = arith.mulf %mul3A_866, %add3A_856 : vector<16xf32>
      %mul3A_868 = arith.mulf %mul3A_867, %bitcast3A_864 : vector<16xf32>
      %mul3A_869 = arith.mulf %mul3A_868, %bitcast3A_864 : vector<16xf32>
      %sub3A_870 = arith.constant 1.500000e+00 : f32
      %sub3A_871 = vector.broadcast %sub3A_870 : f32 to vector<16xf32>
      %sub3A_872 = arith.subf %sub3A_871, %mul3A_869 : vector<16xf32>
      %mul3A_873 = arith.mulf %bitcast3A_864, %sub3A_872 : vector<16xf32>
      %mul3A_874 = arith.constant 5.000000e-01 : f32
      %mul3A_875 = vector.broadcast %mul3A_874 : f32 to vector<16xf32>
      %mul3A_876 = arith.mulf %mul3A_875, %add3A_856 : vector<16xf32>
      %mul3A_877 = arith.mulf %mul3A_876, %mul3A_873 : vector<16xf32>
      %mul3A_878 = arith.mulf %mul3A_877, %mul3A_873 : vector<16xf32>
      %sub3A_879 = arith.constant 1.500000e+00 : f32
      %sub3A_880 = vector.broadcast %sub3A_879 : f32 to vector<16xf32>
      %sub3A_881 = arith.subf %sub3A_880, %mul3A_878 : vector<16xf32>
      %mul3A_882 = arith.mulf %mul3A_873, %sub3A_881 : vector<16xf32>
      %mul3A_883 = arith.mulf %add3A_856, %mul3A_882 : vector<16xf32>
      %neg3A_884 = arith.constant 0.000000e+00 : f32
      %neg3A_885 = vector.broadcast %neg3A_884 : f32 to vector<16xf32>
      %neg3A_886 = arith.subf %neg3A_885, %mul3A_883 : vector<16xf32>
      %exp3A_887 = math.exp %neg3A_886 : vector<16xf32>
      %mul3A_888 = arith.constant 80 : i32
      %mul3A_889 = arith.muli %mul3A_541, %mul3A_888 : i32
      %add3A_890 = arith.constant 32 : i32
      %add3A_891 = arith.addi %mul3A_889, %add3A_890 : i32
      %swap3A_892 = arith.index_cast %add3A_891 : i32 to index
      %swap3A_893 = tpu.vector_load %arg13[%swap3A_892] {strides = array<i32>} : memref<10000xf32, #tpu.memory_space<vmem>>, vector<16xf32>,
      tpu.vector_store %arg13[%swap3A_892], %exp3A_887 {strides = array<i32>} : memref<10000xf32, #tpu.memory_space<vmem>>, vector<16xf32>,
      %get3A_894 = arith.constant 768 : index
      %get3A_895 = tpu.vector_load %arg12[%get3A_894] {strides = array<i32>} : memref<1280xi32, #tpu.memory_space<vmem>>, vector<16xi32>,
      %bitcast3A_896 = vector.bitcast %get3A_895 : vector<16xi32> to vector<32xbf16>
      %get3A_897 = arith.constant 784 : index
      %get3A_898 = tpu.vector_load %arg12[%get3A_897] {strides = array<i32>} : memref<1280xi32, #tpu.memory_space<vmem>>, vector<16xi32>,
      %bitcast3A_899 = vector.bitcast %get3A_898 : vector<16xi32> to vector<32xbf16>
      %get3A_900 = arith.constant 800 : index
      %get3A_901 = tpu.vector_load %arg12[%get3A_900] {strides = array<i32>} : memref<1280xi32, #tpu.memory_space<vmem>>, vector<16xi32>,
      %bitcast3A_902 = vector.bitcast %get3A_901 : vector<16xi32> to vector<32xbf16>
      %get3A_903 = arith.constant 816 : index
      %get3A_904 = tpu.vector_load %arg12[%get3A_903] {strides = array<i32>} : memref<1280xi32, #tpu.memory_space<vmem>>, vector<16xi32>,
      %bitcast3A_905 = vector.bitcast %get3A_904 : vector<16xi32> to vector<32xbf16>
      %get3A_906 = arith.constant 832 : index
      %get3A_907 = tpu.vector_load %arg12[%get3A_906] {strides = array<i32>} : memref<1280xi32, #tpu.memory_space<vmem>>, vector<16xi32>,
      %bitcast3A_908 = vector.bitcast %get3A_907 : vector<16xi32> to vector<32xbf16>
      %get3A_909 = arith.constant 848 : index
      %get3A_910 = tpu.vector_load %arg12[%get3A_909] {strides = array<i32>} : memref<1280xi32, #tpu.memory_space<vmem>>, vector<16xi32>,
      %bitcast3A_911 = vector.bitcast %get3A_910 : vector<16xi32> to vector<32xbf16>
      %get3A_912 = arith.constant 864 : index
      %get3A_913 = tpu.vector_load %arg12[%get3A_912] {strides = array<i32>} : memref<1280xi32, #tpu.memory_space<vmem>>, vector<16xi32>,
      %bitcast3A_914 = vector.bitcast %get3A_913 : vector<16xi32> to vector<32xbf16>
      %get3A_915 = arith.constant 880 : index
      %get3A_916 = tpu.vector_load %arg12[%get3A_915] {strides = array<i32>} : memref<1280xi32, #tpu.memory_space<vmem>>, vector<16xi32>,
      %bitcast3A_917 = vector.bitcast %get3A_916 : vector<16xi32> to vector<32xbf16>
      %get3A_918 = arith.constant 896 : index
      %get3A_919 = tpu.vector_load %arg12[%get3A_918] {strides = array<i32>} : memref<1280xi32, #tpu.memory_space<vmem>>, vector<16xi32>,
      %bitcast3A_920 = vector.bitcast %get3A_919 : vector<16xi32> to vector<32xbf16>
      %get3A_921 = arith.constant 912 : index
      %get3A_922 = tpu.vector_load %arg12[%get3A_921] {strides = array<i32>} : memref<1280xi32, #tpu.memory_space<vmem>>, vector<16xi32>,
      %bitcast3A_923 = vector.bitcast %get3A_922 : vector<16xi32> to vector<32xbf16>
      %get3A_924 = arith.constant 928 : index
      %get3A_925 = tpu.vector_load %arg12[%get3A_924] {strides = array<i32>} : memref<1280xi32, #tpu.memory_space<vmem>>, vector<16xi32>,
      %bitcast3A_926 = vector.bitcast %get3A_925 : vector<16xi32> to vector<32xbf16>
      %get3A_927 = arith.constant 944 : index
      %get3A_928 = tpu.vector_load %arg12[%get3A_927] {strides = array<i32>} : memref<1280xi32, #tpu.memory_space<vmem>>, vector<16xi32>,
      %bitcast3A_929 = vector.bitcast %get3A_928 : vector<16xi32> to vector<32xbf16>
      %get3A_930 = arith.constant 960 : index
      %get3A_931 = tpu.vector_load %arg12[%get3A_930] {strides = array<i32>} : memref<1280xi32, #tpu.memory_space<vmem>>, vector<16xi32>,
      %bitcast3A_932 = vector.bitcast %get3A_931 : vector<16xi32> to vector<32xbf16>
      %get3A_933 = arith.constant 976 : index
      %get3A_934 = tpu.vector_load %arg12[%get3A_933] {strides = array<i32>} : memref<1280xi32, #tpu.memory_space<vmem>>, vector<16xi32>,
      %bitcast3A_935 = vector.bitcast %get3A_934 : vector<16xi32> to vector<32xbf16>
      %get3A_936 = arith.constant 992 : index
      %get3A_937 = tpu.vector_load %arg12[%get3A_936] {strides = array<i32>} : memref<1280xi32, #tpu.memory_space<vmem>>, vector<16xi32>,
      %bitcast3A_938 = vector.bitcast %get3A_937 : vector<16xi32> to vector<32xbf16>
      %get3A_939 = arith.constant 1008 : index
      %get3A_940 = tpu.vector_load %arg12[%get3A_939] {strides = array<i32>} : memref<1280xi32, #tpu.memory_space<vmem>>, vector<16xi32>,
      %bitcast3A_941 = vector.bitcast %get3A_940 : vector<16xi32> to vector<32xbf16>
      %add3A_942 = arith.addf %bitcast3A_896, %bitcast3A_899 : vector<32xbf16>
      %add3A_943 = arith.addf %bitcast3A_902, %bitcast3A_905 : vector<32xbf16>
      %add3A_944 = arith.addf %bitcast3A_908, %bitcast3A_911 : vector<32xbf16>
      %add3A_945 = arith.addf %bitcast3A_914, %bitcast3A_917 : vector<32xbf16>
      %add3A_946 = arith.addf %bitcast3A_920, %bitcast3A_923 : vector<32xbf16>
      %add3A_947 = arith.addf %bitcast3A_926, %bitcast3A_929 : vector<32xbf16>
      %add3A_948 = arith.addf %bitcast3A_932, %bitcast3A_935 : vector<32xbf16>
      %add3A_949 = arith.addf %bitcast3A_938, %bitcast3A_941 : vector<32xbf16>
      %add3A_950 = arith.addf %add3A_942, %add3A_943 : vector<32xbf16>
      %add3A_951 = arith.addf %add3A_944, %add3A_945 : vector<32xbf16>
      %add3A_952 = arith.addf %add3A_946, %add3A_947 : vector<32xbf16>
      %add3A_953 = arith.addf %add3A_948, %add3A_949 : vector<32xbf16>
      %add3A_954 = arith.addf %add3A_950, %add3A_951 : vector<32xbf16>
      %add3A_955 = arith.addf %add3A_952, %add3A_953 : vector<32xbf16>
      %add3A_956 = arith.addf %add3A_954, %add3A_955 : vector<32xbf16>
      %unpack3A_957 = tpu.unpack_subelements %add3A_956, 0 {pack_format = #tpu.pack_format<interleaved>} : vector<32xbf16> -> vector<16xf32>
      %unpack3A_958 = tpu.unpack_subelements %add3A_956, 1 {pack_format = #tpu.pack_format<interleaved>} : vector<32xbf16> -> vector<16xf32>
      %add3A_959 = arith.addf %unpack3A_957, %unpack3A_958 : vector<16xf32>
      %add3A_960 = arith.constant 1.280000e-10 : f32
      %add3A_961 = vector.broadcast %add3A_960 : f32 to vector<16xf32>
      %add3A_962 = arith.addf %add3A_959, %add3A_961 : vector<16xf32>
      %bitcast3A_963 = vector.bitcast %add3A_962 : vector<16xf32> to vector<16xi32>
      %shift_right_arithmetic3A_964 = arith.constant 1 : i32
      %shift_right_arithmetic3A_965 = vector.broadcast %shift_right_arithmetic3A_964 : i32 to vector<16xi32>
      %shift_right_arithmetic3A_966 = arith.shrsi %bitcast3A_963, %shift_right_arithmetic3A_965 : vector<16xi32>
      %sub3A_967 = arith.constant 1597463007 : i32
      %sub3A_968 = vector.broadcast %sub3A_967 : i32 to vector<16xi32>
      %sub3A_969 = arith.subi %sub3A_968, %shift_right_arithmetic3A_966 : vector<16xi32>
      %bitcast3A_970 = vector.bitcast %sub3A_969 : vector<16xi32> to vector<16xf32>
      %mul3A_971 = arith.constant 5.000000e-01 : f32
      %mul3A_972 = vector.broadcast %mul3A_971 : f32 to vector<16xf32>
      %mul3A_973 = arith.mulf %mul3A_972, %add3A_962 : vector<16xf32>
      %mul3A_974 = arith.mulf %mul3A_973, %bitcast3A_970 : vector<16xf32>
      %mul3A_975 = arith.mulf %mul3A_974, %bitcast3A_970 : vector<16xf32>
      %sub3A_976 = arith.constant 1.500000e+00 : f32
      %sub3A_977 = vector.broadcast %sub3A_976 : f32 to vector<16xf32>
      %sub3A_978 = arith.subf %sub3A_977, %mul3A_975 : vector<16xf32>
      %mul3A_979 = arith.mulf %bitcast3A_970, %sub3A_978 : vector<16xf32>
      %mul3A_980 = arith.constant 5.000000e-01 : f32
      %mul3A_981 = vector.broadcast %mul3A_980 : f32 to vector<16xf32>
      %mul3A_982 = arith.mulf %mul3A_981, %add3A_962 : vector<16xf32>
      %mul3A_983 = arith.mulf %mul3A_982, %mul3A_979 : vector<16xf32>
      %mul3A_984 = arith.mulf %mul3A_983, %mul3A_979 : vector<16xf32>
      %sub3A_985 = arith.constant 1.500000e+00 : f32
      %sub3A_986 = vector.broadcast %sub3A_985 : f32 to vector<16xf32>
      %sub3A_987 = arith.subf %sub3A_986, %mul3A_984 : vector<16xf32>
      %mul3A_988 = arith.mulf %mul3A_979, %sub3A_987 : vector<16xf32>
      %mul3A_989 = arith.mulf %add3A_962, %mul3A_988 : vector<16xf32>
      %neg3A_990 = arith.constant 0.000000e+00 : f32
      %neg3A_991 = vector.broadcast %neg3A_990 : f32 to vector<16xf32>
      %neg3A_992 = arith.subf %neg3A_991, %mul3A_989 : vector<16xf32>
      %exp3A_993 = math.exp %neg3A_992 : vector<16xf32>
      %mul3A_994 = arith.constant 80 : i32
      %mul3A_995 = arith.muli %mul3A_541, %mul3A_994 : i32
      %add3A_996 = arith.constant 48 : i32
      %add3A_997 = arith.addi %mul3A_995, %add3A_996 : i32
      %swap3A_998 = arith.index_cast %add3A_997 : i32 to index
      %swap3A_999 = tpu.vector_load %arg13[%swap3A_998] {strides = array<i32>} : memref<10000xf32, #tpu.memory_space<vmem>>, vector<16xf32>,
      tpu.vector_store %arg13[%swap3A_998], %exp3A_993 {strides = array<i32>} : memref<10000xf32, #tpu.memory_space<vmem>>, vector<16xf32>,
      %get3A_1000 = arith.constant 1024 : index
      %get3A_1001 = tpu.vector_load %arg12[%get3A_1000] {strides = array<i32>} : memref<1280xi32, #tpu.memory_space<vmem>>, vector<16xi32>,
      %bitcast3A_1002 = vector.bitcast %get3A_1001 : vector<16xi32> to vector<32xbf16>
      %get3A_1003 = arith.constant 1040 : index
      %get3A_1004 = tpu.vector_load %arg12[%get3A_1003] {strides = array<i32>} : memref<1280xi32, #tpu.memory_space<vmem>>, vector<16xi32>,
      %bitcast3A_1005 = vector.bitcast %get3A_1004 : vector<16xi32> to vector<32xbf16>
      %get3A_1006 = arith.constant 1056 : index
      %get3A_1007 = tpu.vector_load %arg12[%get3A_1006] {strides = array<i32>} : memref<1280xi32, #tpu.memory_space<vmem>>, vector<16xi32>,
      %bitcast3A_1008 = vector.bitcast %get3A_1007 : vector<16xi32> to vector<32xbf16>
      %get3A_1009 = arith.constant 1072 : index
      %get3A_1010 = tpu.vector_load %arg12[%get3A_1009] {strides = array<i32>} : memref<1280xi32, #tpu.memory_space<vmem>>, vector<16xi32>,
      %bitcast3A_1011 = vector.bitcast %get3A_1010 : vector<16xi32> to vector<32xbf16>
      %get3A_1012 = arith.constant 1088 : index
      %get3A_1013 = tpu.vector_load %arg12[%get3A_1012] {strides = array<i32>} : memref<1280xi32, #tpu.memory_space<vmem>>, vector<16xi32>,
      %bitcast3A_1014 = vector.bitcast %get3A_1013 : vector<16xi32> to vector<32xbf16>
      %get3A_1015 = arith.constant 1104 : index
      %get3A_1016 = tpu.vector_load %arg12[%get3A_1015] {strides = array<i32>} : memref<1280xi32, #tpu.memory_space<vmem>>, vector<16xi32>,
      %bitcast3A_1017 = vector.bitcast %get3A_1016 : vector<16xi32> to vector<32xbf16>
      %get3A_1018 = arith.constant 1120 : index
      %get3A_1019 = tpu.vector_load %arg12[%get3A_1018] {strides = array<i32>} : memref<1280xi32, #tpu.memory_space<vmem>>, vector<16xi32>,
      %bitcast3A_1020 = vector.bitcast %get3A_1019 : vector<16xi32> to vector<32xbf16>
      %get3A_1021 = arith.constant 1136 : index
      %get3A_1022 = tpu.vector_load %arg12[%get3A_1021] {strides = array<i32>} : memref<1280xi32, #tpu.memory_space<vmem>>, vector<16xi32>,
      %bitcast3A_1023 = vector.bitcast %get3A_1022 : vector<16xi32> to vector<32xbf16>
      %get3A_1024 = arith.constant 1152 : index
      %get3A_1025 = tpu.vector_load %arg12[%get3A_1024] {strides = array<i32>} : memref<1280xi32, #tpu.memory_space<vmem>>, vector<16xi32>,
      %bitcast3A_1026 = vector.bitcast %get3A_1025 : vector<16xi32> to vector<32xbf16>
      %get3A_1027 = arith.constant 1168 : index
      %get3A_1028 = tpu.vector_load %arg12[%get3A_1027] {strides = array<i32>} : memref<1280xi32, #tpu.memory_space<vmem>>, vector<16xi32>,
      %bitcast3A_1029 = vector.bitcast %get3A_1028 : vector<16xi32> to vector<32xbf16>
      %get3A_1030 = arith.constant 1184 : index
      %get3A_1031 = tpu.vector_load %arg12[%get3A_1030] {strides = array<i32>} : memref<1280xi32, #tpu.memory_space<vmem>>, vector<16xi32>,
      %bitcast3A_1032 = vector.bitcast %get3A_1031 : vector<16xi32> to vector<32xbf16>
      %get3A_1033 = arith.constant 1200 : index
      %get3A_1034 = tpu.vector_load %arg12[%get3A_1033] {strides = array<i32>} : memref<1280xi32, #tpu.memory_space<vmem>>, vector<16xi32>,
      %bitcast3A_1035 = vector.bitcast %get3A_1034 : vector<16xi32> to vector<32xbf16>
      %get3A_1036 = arith.constant 1216 : index
      %get3A_1037 = tpu.vector_load %arg12[%get3A_1036] {strides = array<i32>} : memref<1280xi32, #tpu.memory_space<vmem>>, vector<16xi32>,
      %bitcast3A_1038 = vector.bitcast %get3A_1037 : vector<16xi32> to vector<32xbf16>
      %get3A_1039 = arith.constant 1232 : index
      %get3A_1040 = tpu.vector_load %arg12[%get3A_1039] {strides = array<i32>} : memref<1280xi32, #tpu.memory_space<vmem>>, vector<16xi32>,
      %bitcast3A_1041 = vector.bitcast %get3A_1040 : vector<16xi32> to vector<32xbf16>
      %get3A_1042 = arith.constant 1248 : index
      %get3A_1043 = tpu.vector_load %arg12[%get3A_1042] {strides = array<i32>} : memref<1280xi32, #tpu.memory_space<vmem>>, vector<16xi32>,
      %bitcast3A_1044 = vector.bitcast %get3A_1043 : vector<16xi32> to vector<32xbf16>
      %get3A_1045 = arith.constant 1264 : index
      %get3A_1046 = tpu.vector_load %arg12[%get3A_1045] {strides = array<i32>} : memref<1280xi32, #tpu.memory_space<vmem>>, vector<16xi32>,
      %bitcast3A_1047 = vector.bitcast %get3A_1046 : vector<16xi32> to vector<32xbf16>
      %add3A_1048 = arith.addf %bitcast3A_1002, %bitcast3A_1005 : vector<32xbf16>
      %add3A_1049 = arith.addf %bitcast3A_1008, %bitcast3A_1011 : vector<32xbf16>
      %add3A_1050 = arith.addf %bitcast3A_1014, %bitcast3A_1017 : vector<32xbf16>
      %add3A_1051 = arith.addf %bitcast3A_1020, %bitcast3A_1023 : vector<32xbf16>
      %add3A_1052 = arith.addf %bitcast3A_1026, %bitcast3A_1029 : vector<32xbf16>
      %add3A_1053 = arith.addf %bitcast3A_1032, %bitcast3A_1035 : vector<32xbf16>
      %add3A_1054 = arith.addf %bitcast3A_1038, %bitcast3A_1041 : vector<32xbf16>
      %add3A_1055 = arith.addf %bitcast3A_1044, %bitcast3A_1047 : vector<32xbf16>
      %add3A_1056 = arith.addf %add3A_1048, %add3A_1049 : vector<32xbf16>
      %add3A_1057 = arith.addf %add3A_1050, %add3A_1051 : vector<32xbf16>
      %add3A_1058 = arith.addf %add3A_1052, %add3A_1053 : vector<32xbf16>
      %add3A_1059 = arith.addf %add3A_1054, %add3A_1055 : vector<32xbf16>
      %add3A_1060 = arith.addf %add3A_1056, %add3A_1057 : vector<32xbf16>
      %add3A_1061 = arith.addf %add3A_1058, %add3A_1059 : vector<32xbf16>
      %add3A_1062 = arith.addf %add3A_1060, %add3A_1061 : vector<32xbf16>
      %unpack3A_1063 = tpu.unpack_subelements %add3A_1062, 0 {pack_format = #tpu.pack_format<interleaved>} : vector<32xbf16> -> vector<16xf32>
      %unpack3A_1064 = tpu.unpack_subelements %add3A_1062, 1 {pack_format = #tpu.pack_format<interleaved>} : vector<32xbf16> -> vector<16xf32>
      %add3A_1065 = arith.addf %unpack3A_1063, %unpack3A_1064 : vector<16xf32>
      %add3A_1066 = arith.constant 1.280000e-10 : f32
      %add3A_1067 = vector.broadcast %add3A_1066 : f32 to vector<16xf32>
      %add3A_1068 = arith.addf %add3A_1065, %add3A_1067 : vector<16xf32>
      %bitcast3A_1069 = vector.bitcast %add3A_1068 : vector<16xf32> to vector<16xi32>
      %shift_right_arithmetic3A_1070 = arith.constant 1 : i32
      %shift_right_arithmetic3A_1071 = vector.broadcast %shift_right_arithmetic3A_1070 : i32 to vector<16xi32>
      %shift_right_arithmetic3A_1072 = arith.shrsi %bitcast3A_1069, %shift_right_arithmetic3A_1071 : vector<16xi32>
      %sub3A_1073 = arith.constant 1597463007 : i32
      %sub3A_1074 = vector.broadcast %sub3A_1073 : i32 to vector<16xi32>
      %sub3A_1075 = arith.subi %sub3A_1074, %shift_right_arithmetic3A_1072 : vector<16xi32>
      %bitcast3A_1076 = vector.bitcast %sub3A_1075 : vector<16xi32> to vector<16xf32>
      %mul3A_1077 = arith.constant 5.000000e-01 : f32
      %mul3A_1078 = vector.broadcast %mul3A_1077 : f32 to vector<16xf32>
      %mul3A_1079 = arith.mulf %mul3A_1078, %add3A_1068 : vector<16xf32>
      %mul3A_1080 = arith.mulf %mul3A_1079, %bitcast3A_1076 : vector<16xf32>
      %mul3A_1081 = arith.mulf %mul3A_1080, %bitcast3A_1076 : vector<16xf32>
      %sub3A_1082 = arith.constant 1.500000e+00 : f32
      %sub3A_1083 = vector.broadcast %sub3A_1082 : f32 to vector<16xf32>
      %sub3A_1084 = arith.subf %sub3A_1083, %mul3A_1081 : vector<16xf32>
      %mul3A_1085 = arith.mulf %bitcast3A_1076, %sub3A_1084 : vector<16xf32>
      %mul3A_1086 = arith.constant 5.000000e-01 : f32
      %mul3A_1087 = vector.broadcast %mul3A_1086 : f32 to vector<16xf32>
      %mul3A_1088 = arith.mulf %mul3A_1087, %add3A_1068 : vector<16xf32>
      %mul3A_1089 = arith.mulf %mul3A_1088, %mul3A_1085 : vector<16xf32>
      %mul3A_1090 = arith.mulf %mul3A_1089, %mul3A_1085 : vector<16xf32>
      %sub3A_1091 = arith.constant 1.500000e+00 : f32
      %sub3A_1092 = vector.broadcast %sub3A_1091 : f32 to vector<16xf32>
      %sub3A_1093 = arith.subf %sub3A_1092, %mul3A_1090 : vector<16xf32>
      %mul3A_1094 = arith.mulf %mul3A_1085, %sub3A_1093 : vector<16xf32>
      %mul3A_1095 = arith.mulf %add3A_1068, %mul3A_1094 : vector<16xf32>
      %neg3A_1096 = arith.constant 0.000000e+00 : f32
      %neg3A_1097 = vector.broadcast %neg3A_1096 : f32 to vector<16xf32>
      %neg3A_1098 = arith.subf %neg3A_1097, %mul3A_1095 : vector<16xf32>
      %exp3A_1099 = math.exp %neg3A_1098 : vector<16xf32>
      %mul3A_1100 = arith.constant 80 : i32
      %mul3A_1101 = arith.muli %mul3A_541, %mul3A_1100 : i32
      %add3A_1102 = arith.constant 64 : i32
      %add3A_1103 = arith.addi %mul3A_1101, %add3A_1102 : i32
      %swap3A_1104 = arith.index_cast %add3A_1103 : i32 to index
      %swap3A_1105 = tpu.vector_load %arg13[%swap3A_1104] {strides = array<i32>} : memref<10000xf32, #tpu.memory_space<vmem>>, vector<16xf32>,
      tpu.vector_store %arg13[%swap3A_1104], %exp3A_1099 {strides = array<i32>} : memref<10000xf32, #tpu.memory_space<vmem>>, vector<16xf32>,
      %add3A_1106 = arith.constant 2 : i32
      %add3A_1107 = arith.addi %mul3A_541, %add3A_1106 : i32
      %mul3A_1108 = arith.constant 80 : i32
      %mul3A_1109 = arith.muli %add3A_1107, %mul3A_1108 : i32
      %mul3A_1110 = arith.constant 80 : i32
      %mul3A_1111 = arith.muli %add3A_1107, %mul3A_1110 : i32
      %dma_start3A_1112 = tpu.memref_slice %arg6[%mul3A_1109] : memref<10000xi32, #tpu.memory_space<vmem>> -> memref<80xi32, #tpu.memory_space<vmem>>
      %dma_start3A_1113 = arith.constant 0 : i32
      %dma_start3A_1114 = arith.constant 0 : i32
      %dma_start3A_1115 = tpu.memref_slice %arg14[%dma_start3A_1113, %dma_start3A_1114] : memref<10000x128xbf16, #tpu.memory_space<vmem_shared>> -> memref<10000x128xbf16, #tpu.memory_space<vmem_shared>>
      tpu.enqueue_indirect_dma source(%dma_start3A_1115 : memref<10000x128xbf16, #tpu.memory_space<vmem_shared>>) target(%arg8 : memref<80x128xbf16, #tpu.memory_space<vmem>>) offsets(%dma_start3A_1112 : memref<80xi32, #tpu.memory_space<vmem>>) semaphore(%arg15 : memref<!tpu.dma_semaphore, #tpu.memory_space<semaphore_mem>>)
      %dma_start3A_1116 = tpu.memref_slice %arg7[%mul3A_1111] : memref<10000xi32, #tpu.memory_space<vmem>> -> memref<80xi32, #tpu.memory_space<vmem>>
      %dma_start3A_1117 = arith.constant 0 : i32
      %dma_start3A_1118 = arith.constant 0 : i32
      %dma_start3A_1119 = tpu.memref_slice %arg14[%dma_start3A_1117, %dma_start3A_1118] : memref<10000x128xbf16, #tpu.memory_space<vmem_shared>> -> memref<10000x128xbf16, #tpu.memory_space<vmem_shared>>
      tpu.enqueue_indirect_dma source(%dma_start3A_1119 : memref<10000x128xbf16, #tpu.memory_space<vmem_shared>>) target(%arg9 : memref<80x128xbf16, #tpu.memory_space<vmem>>) offsets(%dma_start3A_1116 : memref<80xi32, #tpu.memory_space<vmem>>) semaphore(%arg16 : memref<!tpu.dma_semaphore, #tpu.memory_space<semaphore_mem>>)
      %dma_wait3A_1120 = arith.constant 0 : i32
      %dma_wait3A_1121 = tpu.memref_slice %arg6[%dma_wait3A_1120] : memref<10000xi32, #tpu.memory_space<vmem>> -> memref<80xi32, #tpu.memory_space<vmem>>
      %dma_wait3A_1122 = arith.constant 0 : i32
      %dma_wait3A_1123 = arith.constant 0 : i32
      %dma_wait3A_1124 = tpu.memref_slice %arg14[%dma_wait3A_1122, %dma_wait3A_1123] : memref<10000x128xbf16, #tpu.memory_space<vmem_shared>> -> memref<10000x128xbf16, #tpu.memory_space<vmem_shared>>
      tpu.wait_indirect_dma semaphore(%arg17 : memref<!tpu.dma_semaphore, #tpu.memory_space<semaphore_mem>>) src(%dma_wait3A_1124 : memref<10000x128xbf16, #tpu.memory_space<vmem_shared>>) dst(%arg10 : memref<80x128xbf16, #tpu.memory_space<vmem>>)
      %dma_wait3A_1125 = arith.constant 0 : i32
      %dma_wait3A_1126 = tpu.memref_slice %arg7[%dma_wait3A_1125] : memref<10000xi32, #tpu.memory_space<vmem>> -> memref<80xi32, #tpu.memory_space<vmem>>
      %dma_wait3A_1127 = arith.constant 0 : i32
      %dma_wait3A_1128 = arith.constant 0 : i32
      %dma_wait3A_1129 = tpu.memref_slice %arg14[%dma_wait3A_1127, %dma_wait3A_1128] : memref<10000x128xbf16, #tpu.memory_space<vmem_shared>> -> memref<10000x128xbf16, #tpu.memory_space<vmem_shared>>
      tpu.wait_indirect_dma semaphore(%arg18 : memref<!tpu.dma_semaphore, #tpu.memory_space<semaphore_mem>>) src(%dma_wait3A_1129 : memref<10000x128xbf16, #tpu.memory_space<vmem_shared>>) dst(%arg11 : memref<80x128xbf16, #tpu.memory_space<vmem>>)
      %add3A_1130 = arith.constant 1 : i32
      %add3A_1131 = arith.addi %mul3A_541, %add3A_1130 : i32
      %iota3A_1132 = tpu.iota {dimensions = array<i32: 0>} : vector<16xi32>
      %mul3A_1133 = arith.constant 16 : i32
      %mul3A_1134 = vector.broadcast %mul3A_1133 : i32 to vector<16xi32>
      %mul3A_1135 = arith.muli %iota3A_1132, %mul3A_1134 : vector<16xi32>
      %scan3A_1136 = arith.constant 0 : i32
      %scan3A_1137 = arith.constant 0 : i32
      %scan3A_1138 = arith.constant 5 : i32
      %scan3A_1139 = arith.addi %scan3A_1137, %scan3A_1138 : i32
      %scan3A_1140 = arith.constant 1 : i32
      scf.for %scan3A_1672 = %scan3A_1137 to %scan3A_1139 step %scan3A_1140  : i32 {
        %mul3A_1673 = arith.constant 256 : i32
        %mul3A_1674 = arith.muli %scan3A_1672, %mul3A_1673 : i32
        %add3A_1675 = vector.broadcast %mul3A_1674 : i32 to vector<16xi32>
        %add3A_1676 = arith.addi %mul3A_1135, %add3A_1675 : vector<16xi32>
        %mul3A_1677 = arith.constant 16 : i32
        %mul3A_1678 = arith.muli %scan3A_1672, %mul3A_1677 : i32
        %add3A_1679 = arith.constant 0 : i32
        %add3A_1680 = arith.addi %mul3A_1678, %add3A_1679 : i32
        %add3A_1681 = arith.constant 0 : i32
        %add3A_1682 = arith.addi %add3A_1680, %add3A_1681 : i32
        %get3A_1683 = arith.index_cast %add3A_1682 : i32 to index
        %get3A_1684 = arith.constant 0 : index
        %get3A_1685 = tpu.vector_load %arg10[%get3A_1683, %get3A_1684] {strides = array<i32>} : memref<80x128xbf16, #tpu.memory_space<vmem>>, vector<32xbf16>,
        %get3A_1686 = arith.index_cast %add3A_1682 : i32 to index
        %get3A_1687 = arith.constant 0 : index
        %get3A_1688 = tpu.vector_load %arg11[%get3A_1686, %get3A_1687] {strides = array<i32>} : memref<80x128xbf16, #tpu.memory_space<vmem>>, vector<32xbf16>,
        %sub3A_1689 = arith.subf %get3A_1685, %get3A_1688 : vector<32xbf16>
        %mul3A_1690 = arith.mulf %sub3A_1689, %sub3A_1689 : vector<32xbf16>
        %mul3A_1691 = arith.constant 16 : i32
        %mul3A_1692 = arith.muli %scan3A_1672, %mul3A_1691 : i32
        %add3A_1693 = arith.constant 0 : i32
        %add3A_1694 = arith.addi %mul3A_1692, %add3A_1693 : i32
        %add3A_1695 = arith.constant 1 : i32
        %add3A_1696 = arith.addi %add3A_1694, %add3A_1695 : i32
        %get3A_1697 = arith.index_cast %add3A_1696 : i32 to index
        %get3A_1698 = arith.constant 0 : index
        %get3A_1699 = tpu.vector_load %arg10[%get3A_1697, %get3A_1698] {strides = array<i32>} : memref<80x128xbf16, #tpu.memory_space<vmem>>, vector<32xbf16>,
        %get3A_1700 = arith.index_cast %add3A_1696 : i32 to index
        %get3A_1701 = arith.constant 0 : index
        %get3A_1702 = tpu.vector_load %arg11[%get3A_1700, %get3A_1701] {strides = array<i32>} : memref<80x128xbf16, #tpu.memory_space<vmem>>, vector<32xbf16>,
        %sub3A_1703 = arith.subf %get3A_1699, %get3A_1702 : vector<32xbf16>
        %mul3A_1704 = arith.mulf %sub3A_1703, %sub3A_1703 : vector<32xbf16>
        %mul3A_1705 = arith.constant 16 : i32
        %mul3A_1706 = arith.muli %scan3A_1672, %mul3A_1705 : i32
        %add3A_1707 = arith.constant 0 : i32
        %add3A_1708 = arith.addi %mul3A_1706, %add3A_1707 : i32
        %add3A_1709 = arith.constant 2 : i32
        %add3A_1710 = arith.addi %add3A_1708, %add3A_1709 : i32
        %get3A_1711 = arith.index_cast %add3A_1710 : i32 to index
        %get3A_1712 = arith.constant 0 : index
        %get3A_1713 = tpu.vector_load %arg10[%get3A_1711, %get3A_1712] {strides = array<i32>} : memref<80x128xbf16, #tpu.memory_space<vmem>>, vector<32xbf16>,
        %get3A_1714 = arith.index_cast %add3A_1710 : i32 to index
        %get3A_1715 = arith.constant 0 : index
        %get3A_1716 = tpu.vector_load %arg11[%get3A_1714, %get3A_1715] {strides = array<i32>} : memref<80x128xbf16, #tpu.memory_space<vmem>>, vector<32xbf16>,
        %sub3A_1717 = arith.subf %get3A_1713, %get3A_1716 : vector<32xbf16>
        %mul3A_1718 = arith.mulf %sub3A_1717, %sub3A_1717 : vector<32xbf16>
        %mul3A_1719 = arith.constant 16 : i32
        %mul3A_1720 = arith.muli %scan3A_1672, %mul3A_1719 : i32
        %add3A_1721 = arith.constant 0 : i32
        %add3A_1722 = arith.addi %mul3A_1720, %add3A_1721 : i32
        %add3A_1723 = arith.constant 3 : i32
        %add3A_1724 = arith.addi %add3A_1722, %add3A_1723 : i32
        %get3A_1725 = arith.index_cast %add3A_1724 : i32 to index
        %get3A_1726 = arith.constant 0 : index
        %get3A_1727 = tpu.vector_load %arg10[%get3A_1725, %get3A_1726] {strides = array<i32>} : memref<80x128xbf16, #tpu.memory_space<vmem>>, vector<32xbf16>,
        %get3A_1728 = arith.index_cast %add3A_1724 : i32 to index
        %get3A_1729 = arith.constant 0 : index
        %get3A_1730 = tpu.vector_load %arg11[%get3A_1728, %get3A_1729] {strides = array<i32>} : memref<80x128xbf16, #tpu.memory_space<vmem>>, vector<32xbf16>,
        %sub3A_1731 = arith.subf %get3A_1727, %get3A_1730 : vector<32xbf16>
        %mul3A_1732 = arith.mulf %sub3A_1731, %sub3A_1731 : vector<32xbf16>
        %mul3A_1733 = arith.constant 16 : i32
        %mul3A_1734 = arith.muli %scan3A_1672, %mul3A_1733 : i32
        %add3A_1735 = arith.constant 0 : i32
        %add3A_1736 = arith.addi %mul3A_1734, %add3A_1735 : i32
        %add3A_1737 = arith.constant 4 : i32
        %add3A_1738 = arith.addi %add3A_1736, %add3A_1737 : i32
        %get3A_1739 = arith.index_cast %add3A_1738 : i32 to index
        %get3A_1740 = arith.constant 0 : index
        %get3A_1741 = tpu.vector_load %arg10[%get3A_1739, %get3A_1740] {strides = array<i32>} : memref<80x128xbf16, #tpu.memory_space<vmem>>, vector<32xbf16>,
        %get3A_1742 = arith.index_cast %add3A_1738 : i32 to index
        %get3A_1743 = arith.constant 0 : index
        %get3A_1744 = tpu.vector_load %arg11[%get3A_1742, %get3A_1743] {strides = array<i32>} : memref<80x128xbf16, #tpu.memory_space<vmem>>, vector<32xbf16>,
        %sub3A_1745 = arith.subf %get3A_1741, %get3A_1744 : vector<32xbf16>
        %mul3A_1746 = arith.mulf %sub3A_1745, %sub3A_1745 : vector<32xbf16>
        %mul3A_1747 = arith.constant 16 : i32
        %mul3A_1748 = arith.muli %scan3A_1672, %mul3A_1747 : i32
        %add3A_1749 = arith.constant 0 : i32
        %add3A_1750 = arith.addi %mul3A_1748, %add3A_1749 : i32
        %add3A_1751 = arith.constant 5 : i32
        %add3A_1752 = arith.addi %add3A_1750, %add3A_1751 : i32
        %get3A_1753 = arith.index_cast %add3A_1752 : i32 to index
        %get3A_1754 = arith.constant 0 : index
        %get3A_1755 = tpu.vector_load %arg10[%get3A_1753, %get3A_1754] {strides = array<i32>} : memref<80x128xbf16, #tpu.memory_space<vmem>>, vector<32xbf16>,
        %get3A_1756 = arith.index_cast %add3A_1752 : i32 to index
        %get3A_1757 = arith.constant 0 : index
        %get3A_1758 = tpu.vector_load %arg11[%get3A_1756, %get3A_1757] {strides = array<i32>} : memref<80x128xbf16, #tpu.memory_space<vmem>>, vector<32xbf16>,
        %sub3A_1759 = arith.subf %get3A_1755, %get3A_1758 : vector<32xbf16>
        %mul3A_1760 = arith.mulf %sub3A_1759, %sub3A_1759 : vector<32xbf16>
        %mul3A_1761 = arith.constant 16 : i32
        %mul3A_1762 = arith.muli %scan3A_1672, %mul3A_1761 : i32
        %add3A_1763 = arith.constant 0 : i32
        %add3A_1764 = arith.addi %mul3A_1762, %add3A_1763 : i32
        %add3A_1765 = arith.constant 6 : i32
        %add3A_1766 = arith.addi %add3A_1764, %add3A_1765 : i32
        %get3A_1767 = arith.index_cast %add3A_1766 : i32 to index
        %get3A_1768 = arith.constant 0 : index
        %get3A_1769 = tpu.vector_load %arg10[%get3A_1767, %get3A_1768] {strides = array<i32>} : memref<80x128xbf16, #tpu.memory_space<vmem>>, vector<32xbf16>,
        %get3A_1770 = arith.index_cast %add3A_1766 : i32 to index
        %get3A_1771 = arith.constant 0 : index
        %get3A_1772 = tpu.vector_load %arg11[%get3A_1770, %get3A_1771] {strides = array<i32>} : memref<80x128xbf16, #tpu.memory_space<vmem>>, vector<32xbf16>,
        %sub3A_1773 = arith.subf %get3A_1769, %get3A_1772 : vector<32xbf16>
        %mul3A_1774 = arith.mulf %sub3A_1773, %sub3A_1773 : vector<32xbf16>
        %mul3A_1775 = arith.constant 16 : i32
        %mul3A_1776 = arith.muli %scan3A_1672, %mul3A_1775 : i32
        %add3A_1777 = arith.constant 0 : i32
        %add3A_1778 = arith.addi %mul3A_1776, %add3A_1777 : i32
        %add3A_1779 = arith.constant 7 : i32
        %add3A_1780 = arith.addi %add3A_1778, %add3A_1779 : i32
        %get3A_1781 = arith.index_cast %add3A_1780 : i32 to index
        %get3A_1782 = arith.constant 0 : index
        %get3A_1783 = tpu.vector_load %arg10[%get3A_1781, %get3A_1782] {strides = array<i32>} : memref<80x128xbf16, #tpu.memory_space<vmem>>, vector<32xbf16>,
        %get3A_1784 = arith.index_cast %add3A_1780 : i32 to index
        %get3A_1785 = arith.constant 0 : index
        %get3A_1786 = tpu.vector_load %arg11[%get3A_1784, %get3A_1785] {strides = array<i32>} : memref<80x128xbf16, #tpu.memory_space<vmem>>, vector<32xbf16>,
        %sub3A_1787 = arith.subf %get3A_1783, %get3A_1786 : vector<32xbf16>
        %mul3A_1788 = arith.mulf %sub3A_1787, %sub3A_1787 : vector<32xbf16>
        %mul3A_1789 = arith.constant 16 : i32
        %mul3A_1790 = arith.muli %scan3A_1672, %mul3A_1789 : i32
        %add3A_1791 = arith.constant 0 : i32
        %add3A_1792 = arith.addi %mul3A_1790, %add3A_1791 : i32
        %add3A_1793 = arith.constant 0 : i32
        %add3A_1794 = arith.addi %add3A_1792, %add3A_1793 : i32
        %get3A_1795 = arith.index_cast %add3A_1794 : i32 to index
        %get3A_1796 = arith.constant 32 : index
        %get3A_1797 = tpu.vector_load %arg10[%get3A_1795, %get3A_1796] {strides = array<i32>} : memref<80x128xbf16, #tpu.memory_space<vmem>>, vector<32xbf16>,
        %get3A_1798 = arith.index_cast %add3A_1794 : i32 to index
        %get3A_1799 = arith.constant 32 : index
        %get3A_1800 = tpu.vector_load %arg11[%get3A_1798, %get3A_1799] {strides = array<i32>} : memref<80x128xbf16, #tpu.memory_space<vmem>>, vector<32xbf16>,
        %sub3A_1801 = arith.subf %get3A_1797, %get3A_1800 : vector<32xbf16>
        %mul3A_1802 = arith.mulf %sub3A_1801, %sub3A_1801 : vector<32xbf16>
        %add3A_1803 = arith.addf %mul3A_1690, %mul3A_1802 : vector<32xbf16>
        %mul3A_1804 = arith.constant 16 : i32
        %mul3A_1805 = arith.muli %scan3A_1672, %mul3A_1804 : i32
        %add3A_1806 = arith.constant 0 : i32
        %add3A_1807 = arith.addi %mul3A_1805, %add3A_1806 : i32
        %add3A_1808 = arith.constant 1 : i32
        %add3A_1809 = arith.addi %add3A_1807, %add3A_1808 : i32
        %get3A_1810 = arith.index_cast %add3A_1809 : i32 to index
        %get3A_1811 = arith.constant 32 : index
        %get3A_1812 = tpu.vector_load %arg10[%get3A_1810, %get3A_1811] {strides = array<i32>} : memref<80x128xbf16, #tpu.memory_space<vmem>>, vector<32xbf16>,
        %get3A_1813 = arith.index_cast %add3A_1809 : i32 to index
        %get3A_1814 = arith.constant 32 : index
        %get3A_1815 = tpu.vector_load %arg11[%get3A_1813, %get3A_1814] {strides = array<i32>} : memref<80x128xbf16, #tpu.memory_space<vmem>>, vector<32xbf16>,
        %sub3A_1816 = arith.subf %get3A_1812, %get3A_1815 : vector<32xbf16>
        %mul3A_1817 = arith.mulf %sub3A_1816, %sub3A_1816 : vector<32xbf16>
        %add3A_1818 = arith.addf %mul3A_1704, %mul3A_1817 : vector<32xbf16>
        %mul3A_1819 = arith.constant 16 : i32
        %mul3A_1820 = arith.muli %scan3A_1672, %mul3A_1819 : i32
        %add3A_1821 = arith.constant 0 : i32
        %add3A_1822 = arith.addi %mul3A_1820, %add3A_1821 : i32
        %add3A_1823 = arith.constant 2 : i32
        %add3A_1824 = arith.addi %add3A_1822, %add3A_1823 : i32
        %get3A_1825 = arith.index_cast %add3A_1824 : i32 to index
        %get3A_1826 = arith.constant 32 : index
        %get3A_1827 = tpu.vector_load %arg10[%get3A_1825, %get3A_1826] {strides = array<i32>} : memref<80x128xbf16, #tpu.memory_space<vmem>>, vector<32xbf16>,
        %get3A_1828 = arith.index_cast %add3A_1824 : i32 to index
        %get3A_1829 = arith.constant 32 : index
        %get3A_1830 = tpu.vector_load %arg11[%get3A_1828, %get3A_1829] {strides = array<i32>} : memref<80x128xbf16, #tpu.memory_space<vmem>>, vector<32xbf16>,
        %sub3A_1831 = arith.subf %get3A_1827, %get3A_1830 : vector<32xbf16>
        %mul3A_1832 = arith.mulf %sub3A_1831, %sub3A_1831 : vector<32xbf16>
        %add3A_1833 = arith.addf %mul3A_1718, %mul3A_1832 : vector<32xbf16>
        %mul3A_1834 = arith.constant 16 : i32
        %mul3A_1835 = arith.muli %scan3A_1672, %mul3A_1834 : i32
        %add3A_1836 = arith.constant 0 : i32
        %add3A_1837 = arith.addi %mul3A_1835, %add3A_1836 : i32
        %add3A_1838 = arith.constant 3 : i32
        %add3A_1839 = arith.addi %add3A_1837, %add3A_1838 : i32
        %get3A_1840 = arith.index_cast %add3A_1839 : i32 to index
        %get3A_1841 = arith.constant 32 : index
        %get3A_1842 = tpu.vector_load %arg10[%get3A_1840, %get3A_1841] {strides = array<i32>} : memref<80x128xbf16, #tpu.memory_space<vmem>>, vector<32xbf16>,
        %get3A_1843 = arith.index_cast %add3A_1839 : i32 to index
        %get3A_1844 = arith.constant 32 : index
        %get3A_1845 = tpu.vector_load %arg11[%get3A_1843, %get3A_1844] {strides = array<i32>} : memref<80x128xbf16, #tpu.memory_space<vmem>>, vector<32xbf16>,
        %sub3A_1846 = arith.subf %get3A_1842, %get3A_1845 : vector<32xbf16>
        %mul3A_1847 = arith.mulf %sub3A_1846, %sub3A_1846 : vector<32xbf16>
        %add3A_1848 = arith.addf %mul3A_1732, %mul3A_1847 : vector<32xbf16>
        %mul3A_1849 = arith.constant 16 : i32
        %mul3A_1850 = arith.muli %scan3A_1672, %mul3A_1849 : i32
        %add3A_1851 = arith.constant 0 : i32
        %add3A_1852 = arith.addi %mul3A_1850, %add3A_1851 : i32
        %add3A_1853 = arith.constant 4 : i32
        %add3A_1854 = arith.addi %add3A_1852, %add3A_1853 : i32
        %get3A_1855 = arith.index_cast %add3A_1854 : i32 to index
        %get3A_1856 = arith.constant 32 : index
        %get3A_1857 = tpu.vector_load %arg10[%get3A_1855, %get3A_1856] {strides = array<i32>} : memref<80x128xbf16, #tpu.memory_space<vmem>>, vector<32xbf16>,
        %get3A_1858 = arith.index_cast %add3A_1854 : i32 to index
        %get3A_1859 = arith.constant 32 : index
        %get3A_1860 = tpu.vector_load %arg11[%get3A_1858, %get3A_1859] {strides = array<i32>} : memref<80x128xbf16, #tpu.memory_space<vmem>>, vector<32xbf16>,
        %sub3A_1861 = arith.subf %get3A_1857, %get3A_1860 : vector<32xbf16>
        %mul3A_1862 = arith.mulf %sub3A_1861, %sub3A_1861 : vector<32xbf16>
        %add3A_1863 = arith.addf %mul3A_1746, %mul3A_1862 : vector<32xbf16>
        %mul3A_1864 = arith.constant 16 : i32
        %mul3A_1865 = arith.muli %scan3A_1672, %mul3A_1864 : i32
        %add3A_1866 = arith.constant 0 : i32
        %add3A_1867 = arith.addi %mul3A_1865, %add3A_1866 : i32
        %add3A_1868 = arith.constant 5 : i32
        %add3A_1869 = arith.addi %add3A_1867, %add3A_1868 : i32
        %get3A_1870 = arith.index_cast %add3A_1869 : i32 to index
        %get3A_1871 = arith.constant 32 : index
        %get3A_1872 = tpu.vector_load %arg10[%get3A_1870, %get3A_1871] {strides = array<i32>} : memref<80x128xbf16, #tpu.memory_space<vmem>>, vector<32xbf16>,
        %get3A_1873 = arith.index_cast %add3A_1869 : i32 to index
        %get3A_1874 = arith.constant 32 : index
        %get3A_1875 = tpu.vector_load %arg11[%get3A_1873, %get3A_1874] {strides = array<i32>} : memref<80x128xbf16, #tpu.memory_space<vmem>>, vector<32xbf16>,
        %sub3A_1876 = arith.subf %get3A_1872, %get3A_1875 : vector<32xbf16>
        %mul3A_1877 = arith.mulf %sub3A_1876, %sub3A_1876 : vector<32xbf16>
        %add3A_1878 = arith.addf %mul3A_1760, %mul3A_1877 : vector<32xbf16>
        %mul3A_1879 = arith.constant 16 : i32
        %mul3A_1880 = arith.muli %scan3A_1672, %mul3A_1879 : i32
        %add3A_1881 = arith.constant 0 : i32
        %add3A_1882 = arith.addi %mul3A_1880, %add3A_1881 : i32
        %add3A_1883 = arith.constant 6 : i32
        %add3A_1884 = arith.addi %add3A_1882, %add3A_1883 : i32
        %get3A_1885 = arith.index_cast %add3A_1884 : i32 to index
        %get3A_1886 = arith.constant 32 : index
        %get3A_1887 = tpu.vector_load %arg10[%get3A_1885, %get3A_1886] {strides = array<i32>} : memref<80x128xbf16, #tpu.memory_space<vmem>>, vector<32xbf16>,
        %get3A_1888 = arith.index_cast %add3A_1884 : i32 to index
        %get3A_1889 = arith.constant 32 : index
        %get3A_1890 = tpu.vector_load %arg11[%get3A_1888, %get3A_1889] {strides = array<i32>} : memref<80x128xbf16, #tpu.memory_space<vmem>>, vector<32xbf16>,
        %sub3A_1891 = arith.subf %get3A_1887, %get3A_1890 : vector<32xbf16>
        %mul3A_1892 = arith.mulf %sub3A_1891, %sub3A_1891 : vector<32xbf16>
        %add3A_1893 = arith.addf %mul3A_1774, %mul3A_1892 : vector<32xbf16>
        %mul3A_1894 = arith.constant 16 : i32
        %mul3A_1895 = arith.muli %scan3A_1672, %mul3A_1894 : i32
        %add3A_1896 = arith.constant 0 : i32
        %add3A_1897 = arith.addi %mul3A_1895, %add3A_1896 : i32
        %add3A_1898 = arith.constant 7 : i32
        %add3A_1899 = arith.addi %add3A_1897, %add3A_1898 : i32
        %get3A_1900 = arith.index_cast %add3A_1899 : i32 to index
        %get3A_1901 = arith.constant 32 : index
        %get3A_1902 = tpu.vector_load %arg10[%get3A_1900, %get3A_1901] {strides = array<i32>} : memref<80x128xbf16, #tpu.memory_space<vmem>>, vector<32xbf16>,
        %get3A_1903 = arith.index_cast %add3A_1899 : i32 to index
        %get3A_1904 = arith.constant 32 : index
        %get3A_1905 = tpu.vector_load %arg11[%get3A_1903, %get3A_1904] {strides = array<i32>} : memref<80x128xbf16, #tpu.memory_space<vmem>>, vector<32xbf16>,
        %sub3A_1906 = arith.subf %get3A_1902, %get3A_1905 : vector<32xbf16>
        %mul3A_1907 = arith.mulf %sub3A_1906, %sub3A_1906 : vector<32xbf16>
        %add3A_1908 = arith.addf %mul3A_1788, %mul3A_1907 : vector<32xbf16>
        %mul3A_1909 = arith.constant 16 : i32
        %mul3A_1910 = arith.muli %scan3A_1672, %mul3A_1909 : i32
        %add3A_1911 = arith.constant 0 : i32
        %add3A_1912 = arith.addi %mul3A_1910, %add3A_1911 : i32
        %add3A_1913 = arith.constant 0 : i32
        %add3A_1914 = arith.addi %add3A_1912, %add3A_1913 : i32
        %get3A_1915 = arith.index_cast %add3A_1914 : i32 to index
        %get3A_1916 = arith.constant 64 : index
        %get3A_1917 = tpu.vector_load %arg10[%get3A_1915, %get3A_1916] {strides = array<i32>} : memref<80x128xbf16, #tpu.memory_space<vmem>>, vector<32xbf16>,
        %get3A_1918 = arith.index_cast %add3A_1914 : i32 to index
        %get3A_1919 = arith.constant 64 : index
        %get3A_1920 = tpu.vector_load %arg11[%get3A_1918, %get3A_1919] {strides = array<i32>} : memref<80x128xbf16, #tpu.memory_space<vmem>>, vector<32xbf16>,
        %sub3A_1921 = arith.subf %get3A_1917, %get3A_1920 : vector<32xbf16>
        %mul3A_1922 = arith.mulf %sub3A_1921, %sub3A_1921 : vector<32xbf16>
        %add3A_1923 = arith.addf %add3A_1803, %mul3A_1922 : vector<32xbf16>
        %mul3A_1924 = arith.constant 16 : i32
        %mul3A_1925 = arith.muli %scan3A_1672, %mul3A_1924 : i32
        %add3A_1926 = arith.constant 0 : i32
        %add3A_1927 = arith.addi %mul3A_1925, %add3A_1926 : i32
        %add3A_1928 = arith.constant 1 : i32
        %add3A_1929 = arith.addi %add3A_1927, %add3A_1928 : i32
        %get3A_1930 = arith.index_cast %add3A_1929 : i32 to index
        %get3A_1931 = arith.constant 64 : index
        %get3A_1932 = tpu.vector_load %arg10[%get3A_1930, %get3A_1931] {strides = array<i32>} : memref<80x128xbf16, #tpu.memory_space<vmem>>, vector<32xbf16>,
        %get3A_1933 = arith.index_cast %add3A_1929 : i32 to index
        %get3A_1934 = arith.constant 64 : index
        %get3A_1935 = tpu.vector_load %arg11[%get3A_1933, %get3A_1934] {strides = array<i32>} : memref<80x128xbf16, #tpu.memory_space<vmem>>, vector<32xbf16>,
        %sub3A_1936 = arith.subf %get3A_1932, %get3A_1935 : vector<32xbf16>
        %mul3A_1937 = arith.mulf %sub3A_1936, %sub3A_1936 : vector<32xbf16>
        %add3A_1938 = arith.addf %add3A_1818, %mul3A_1937 : vector<32xbf16>
        %mul3A_1939 = arith.constant 16 : i32
        %mul3A_1940 = arith.muli %scan3A_1672, %mul3A_1939 : i32
        %add3A_1941 = arith.constant 0 : i32
        %add3A_1942 = arith.addi %mul3A_1940, %add3A_1941 : i32
        %add3A_1943 = arith.constant 2 : i32
        %add3A_1944 = arith.addi %add3A_1942, %add3A_1943 : i32
        %get3A_1945 = arith.index_cast %add3A_1944 : i32 to index
        %get3A_1946 = arith.constant 64 : index
        %get3A_1947 = tpu.vector_load %arg10[%get3A_1945, %get3A_1946] {strides = array<i32>} : memref<80x128xbf16, #tpu.memory_space<vmem>>, vector<32xbf16>,
        %get3A_1948 = arith.index_cast %add3A_1944 : i32 to index
        %get3A_1949 = arith.constant 64 : index
        %get3A_1950 = tpu.vector_load %arg11[%get3A_1948, %get3A_1949] {strides = array<i32>} : memref<80x128xbf16, #tpu.memory_space<vmem>>, vector<32xbf16>,
        %sub3A_1951 = arith.subf %get3A_1947, %get3A_1950 : vector<32xbf16>
        %mul3A_1952 = arith.mulf %sub3A_1951, %sub3A_1951 : vector<32xbf16>
        %add3A_1953 = arith.addf %add3A_1833, %mul3A_1952 : vector<32xbf16>
        %mul3A_1954 = arith.constant 16 : i32
        %mul3A_1955 = arith.muli %scan3A_1672, %mul3A_1954 : i32
        %add3A_1956 = arith.constant 0 : i32
        %add3A_1957 = arith.addi %mul3A_1955, %add3A_1956 : i32
        %add3A_1958 = arith.constant 3 : i32
        %add3A_1959 = arith.addi %add3A_1957, %add3A_1958 : i32
        %get3A_1960 = arith.index_cast %add3A_1959 : i32 to index
        %get3A_1961 = arith.constant 64 : index
        %get3A_1962 = tpu.vector_load %arg10[%get3A_1960, %get3A_1961] {strides = array<i32>} : memref<80x128xbf16, #tpu.memory_space<vmem>>, vector<32xbf16>,
        %get3A_1963 = arith.index_cast %add3A_1959 : i32 to index
        %get3A_1964 = arith.constant 64 : index
        %get3A_1965 = tpu.vector_load %arg11[%get3A_1963, %get3A_1964] {strides = array<i32>} : memref<80x128xbf16, #tpu.memory_space<vmem>>, vector<32xbf16>,
        %sub3A_1966 = arith.subf %get3A_1962, %get3A_1965 : vector<32xbf16>
        %mul3A_1967 = arith.mulf %sub3A_1966, %sub3A_1966 : vector<32xbf16>
        %add3A_1968 = arith.addf %add3A_1848, %mul3A_1967 : vector<32xbf16>
        %mul3A_1969 = arith.constant 16 : i32
        %mul3A_1970 = arith.muli %scan3A_1672, %mul3A_1969 : i32
        %add3A_1971 = arith.constant 0 : i32
        %add3A_1972 = arith.addi %mul3A_1970, %add3A_1971 : i32
        %add3A_1973 = arith.constant 4 : i32
        %add3A_1974 = arith.addi %add3A_1972, %add3A_1973 : i32
        %get3A_1975 = arith.index_cast %add3A_1974 : i32 to index
        %get3A_1976 = arith.constant 64 : index
        %get3A_1977 = tpu.vector_load %arg10[%get3A_1975, %get3A_1976] {strides = array<i32>} : memref<80x128xbf16, #tpu.memory_space<vmem>>, vector<32xbf16>,
        %get3A_1978 = arith.index_cast %add3A_1974 : i32 to index
        %get3A_1979 = arith.constant 64 : index
        %get3A_1980 = tpu.vector_load %arg11[%get3A_1978, %get3A_1979] {strides = array<i32>} : memref<80x128xbf16, #tpu.memory_space<vmem>>, vector<32xbf16>,
        %sub3A_1981 = arith.subf %get3A_1977, %get3A_1980 : vector<32xbf16>
        %mul3A_1982 = arith.mulf %sub3A_1981, %sub3A_1981 : vector<32xbf16>
        %add3A_1983 = arith.addf %add3A_1863, %mul3A_1982 : vector<32xbf16>
        %mul3A_1984 = arith.constant 16 : i32
        %mul3A_1985 = arith.muli %scan3A_1672, %mul3A_1984 : i32
        %add3A_1986 = arith.constant 0 : i32
        %add3A_1987 = arith.addi %mul3A_1985, %add3A_1986 : i32
        %add3A_1988 = arith.constant 5 : i32
        %add3A_1989 = arith.addi %add3A_1987, %add3A_1988 : i32
        %get3A_1990 = arith.index_cast %add3A_1989 : i32 to index
        %get3A_1991 = arith.constant 64 : index
        %get3A_1992 = tpu.vector_load %arg10[%get3A_1990, %get3A_1991] {strides = array<i32>} : memref<80x128xbf16, #tpu.memory_space<vmem>>, vector<32xbf16>,
        %get3A_1993 = arith.index_cast %add3A_1989 : i32 to index
        %get3A_1994 = arith.constant 64 : index
        %get3A_1995 = tpu.vector_load %arg11[%get3A_1993, %get3A_1994] {strides = array<i32>} : memref<80x128xbf16, #tpu.memory_space<vmem>>, vector<32xbf16>,
        %sub3A_1996 = arith.subf %get3A_1992, %get3A_1995 : vector<32xbf16>
        %mul3A_1997 = arith.mulf %sub3A_1996, %sub3A_1996 : vector<32xbf16>
        %add3A_1998 = arith.addf %add3A_1878, %mul3A_1997 : vector<32xbf16>
        %mul3A_1999 = arith.constant 16 : i32
        %mul3A_2000 = arith.muli %scan3A_1672, %mul3A_1999 : i32
        %add3A_2001 = arith.constant 0 : i32
        %add3A_2002 = arith.addi %mul3A_2000, %add3A_2001 : i32
        %add3A_2003 = arith.constant 6 : i32
        %add3A_2004 = arith.addi %add3A_2002, %add3A_2003 : i32
        %get3A_2005 = arith.index_cast %add3A_2004 : i32 to index
        %get3A_2006 = arith.constant 64 : index
        %get3A_2007 = tpu.vector_load %arg10[%get3A_2005, %get3A_2006] {strides = array<i32>} : memref<80x128xbf16, #tpu.memory_space<vmem>>, vector<32xbf16>,
        %get3A_2008 = arith.index_cast %add3A_2004 : i32 to index
        %get3A_2009 = arith.constant 64 : index
        %get3A_2010 = tpu.vector_load %arg11[%get3A_2008, %get3A_2009] {strides = array<i32>} : memref<80x128xbf16, #tpu.memory_space<vmem>>, vector<32xbf16>,
        %sub3A_2011 = arith.subf %get3A_2007, %get3A_2010 : vector<32xbf16>
        %mul3A_2012 = arith.mulf %sub3A_2011, %sub3A_2011 : vector<32xbf16>
        %add3A_2013 = arith.addf %add3A_1893, %mul3A_2012 : vector<32xbf16>
        %mul3A_2014 = arith.constant 16 : i32
        %mul3A_2015 = arith.muli %scan3A_1672, %mul3A_2014 : i32
        %add3A_2016 = arith.constant 0 : i32
        %add3A_2017 = arith.addi %mul3A_2015, %add3A_2016 : i32
        %add3A_2018 = arith.constant 7 : i32
        %add3A_2019 = arith.addi %add3A_2017, %add3A_2018 : i32
        %get3A_2020 = arith.index_cast %add3A_2019 : i32 to index
        %get3A_2021 = arith.constant 64 : index
        %get3A_2022 = tpu.vector_load %arg10[%get3A_2020, %get3A_2021] {strides = array<i32>} : memref<80x128xbf16, #tpu.memory_space<vmem>>, vector<32xbf16>,
        %get3A_2023 = arith.index_cast %add3A_2019 : i32 to index
        %get3A_2024 = arith.constant 64 : index
        %get3A_2025 = tpu.vector_load %arg11[%get3A_2023, %get3A_2024] {strides = array<i32>} : memref<80x128xbf16, #tpu.memory_space<vmem>>, vector<32xbf16>,
        %sub3A_2026 = arith.subf %get3A_2022, %get3A_2025 : vector<32xbf16>
        %mul3A_2027 = arith.mulf %sub3A_2026, %sub3A_2026 : vector<32xbf16>
        %add3A_2028 = arith.addf %add3A_1908, %mul3A_2027 : vector<32xbf16>
        %mul3A_2029 = arith.constant 16 : i32
        %mul3A_2030 = arith.muli %scan3A_1672, %mul3A_2029 : i32
        %add3A_2031 = arith.constant 0 : i32
        %add3A_2032 = arith.addi %mul3A_2030, %add3A_2031 : i32
        %add3A_2033 = arith.constant 0 : i32
        %add3A_2034 = arith.addi %add3A_2032, %add3A_2033 : i32
        %get3A_2035 = arith.index_cast %add3A_2034 : i32 to index
        %get3A_2036 = arith.constant 96 : index
        %get3A_2037 = tpu.vector_load %arg10[%get3A_2035, %get3A_2036] {strides = array<i32>} : memref<80x128xbf16, #tpu.memory_space<vmem>>, vector<32xbf16>,
        %get3A_2038 = arith.index_cast %add3A_2034 : i32 to index
        %get3A_2039 = arith.constant 96 : index
        %get3A_2040 = tpu.vector_load %arg11[%get3A_2038, %get3A_2039] {strides = array<i32>} : memref<80x128xbf16, #tpu.memory_space<vmem>>, vector<32xbf16>,
        %sub3A_2041 = arith.subf %get3A_2037, %get3A_2040 : vector<32xbf16>
        %mul3A_2042 = arith.mulf %sub3A_2041, %sub3A_2041 : vector<32xbf16>
        %add3A_2043 = arith.addf %add3A_1923, %mul3A_2042 : vector<32xbf16>
        %mul3A_2044 = arith.constant 16 : i32
        %mul3A_2045 = arith.muli %scan3A_1672, %mul3A_2044 : i32
        %add3A_2046 = arith.constant 0 : i32
        %add3A_2047 = arith.addi %mul3A_2045, %add3A_2046 : i32
        %add3A_2048 = arith.constant 1 : i32
        %add3A_2049 = arith.addi %add3A_2047, %add3A_2048 : i32
        %get3A_2050 = arith.index_cast %add3A_2049 : i32 to index
        %get3A_2051 = arith.constant 96 : index
        %get3A_2052 = tpu.vector_load %arg10[%get3A_2050, %get3A_2051] {strides = array<i32>} : memref<80x128xbf16, #tpu.memory_space<vmem>>, vector<32xbf16>,
        %get3A_2053 = arith.index_cast %add3A_2049 : i32 to index
        %get3A_2054 = arith.constant 96 : index
        %get3A_2055 = tpu.vector_load %arg11[%get3A_2053, %get3A_2054] {strides = array<i32>} : memref<80x128xbf16, #tpu.memory_space<vmem>>, vector<32xbf16>,
        %sub3A_2056 = arith.subf %get3A_2052, %get3A_2055 : vector<32xbf16>
        %mul3A_2057 = arith.mulf %sub3A_2056, %sub3A_2056 : vector<32xbf16>
        %add3A_2058 = arith.addf %add3A_1938, %mul3A_2057 : vector<32xbf16>
        %mul3A_2059 = arith.constant 16 : i32
        %mul3A_2060 = arith.muli %scan3A_1672, %mul3A_2059 : i32
        %add3A_2061 = arith.constant 0 : i32
        %add3A_2062 = arith.addi %mul3A_2060, %add3A_2061 : i32
        %add3A_2063 = arith.constant 2 : i32
        %add3A_2064 = arith.addi %add3A_2062, %add3A_2063 : i32
        %get3A_2065 = arith.index_cast %add3A_2064 : i32 to index
        %get3A_2066 = arith.constant 96 : index
        %get3A_2067 = tpu.vector_load %arg10[%get3A_2065, %get3A_2066] {strides = array<i32>} : memref<80x128xbf16, #tpu.memory_space<vmem>>, vector<32xbf16>,
        %get3A_2068 = arith.index_cast %add3A_2064 : i32 to index
        %get3A_2069 = arith.constant 96 : index
        %get3A_2070 = tpu.vector_load %arg11[%get3A_2068, %get3A_2069] {strides = array<i32>} : memref<80x128xbf16, #tpu.memory_space<vmem>>, vector<32xbf16>,
        %sub3A_2071 = arith.subf %get3A_2067, %get3A_2070 : vector<32xbf16>
        %mul3A_2072 = arith.mulf %sub3A_2071, %sub3A_2071 : vector<32xbf16>
        %add3A_2073 = arith.addf %add3A_1953, %mul3A_2072 : vector<32xbf16>
        %mul3A_2074 = arith.constant 16 : i32
        %mul3A_2075 = arith.muli %scan3A_1672, %mul3A_2074 : i32
        %add3A_2076 = arith.constant 0 : i32
        %add3A_2077 = arith.addi %mul3A_2075, %add3A_2076 : i32
        %add3A_2078 = arith.constant 3 : i32
        %add3A_2079 = arith.addi %add3A_2077, %add3A_2078 : i32
        %get3A_2080 = arith.index_cast %add3A_2079 : i32 to index
        %get3A_2081 = arith.constant 96 : index
        %get3A_2082 = tpu.vector_load %arg10[%get3A_2080, %get3A_2081] {strides = array<i32>} : memref<80x128xbf16, #tpu.memory_space<vmem>>, vector<32xbf16>,
        %get3A_2083 = arith.index_cast %add3A_2079 : i32 to index
        %get3A_2084 = arith.constant 96 : index
        %get3A_2085 = tpu.vector_load %arg11[%get3A_2083, %get3A_2084] {strides = array<i32>} : memref<80x128xbf16, #tpu.memory_space<vmem>>, vector<32xbf16>,
        %sub3A_2086 = arith.subf %get3A_2082, %get3A_2085 : vector<32xbf16>
        %mul3A_2087 = arith.mulf %sub3A_2086, %sub3A_2086 : vector<32xbf16>
        %add3A_2088 = arith.addf %add3A_1968, %mul3A_2087 : vector<32xbf16>
        %mul3A_2089 = arith.constant 16 : i32
        %mul3A_2090 = arith.muli %scan3A_1672, %mul3A_2089 : i32
        %add3A_2091 = arith.constant 0 : i32
        %add3A_2092 = arith.addi %mul3A_2090, %add3A_2091 : i32
        %add3A_2093 = arith.constant 4 : i32
        %add3A_2094 = arith.addi %add3A_2092, %add3A_2093 : i32
        %get3A_2095 = arith.index_cast %add3A_2094 : i32 to index
        %get3A_2096 = arith.constant 96 : index
        %get3A_2097 = tpu.vector_load %arg10[%get3A_2095, %get3A_2096] {strides = array<i32>} : memref<80x128xbf16, #tpu.memory_space<vmem>>, vector<32xbf16>,
        %get3A_2098 = arith.index_cast %add3A_2094 : i32 to index
        %get3A_2099 = arith.constant 96 : index
        %get3A_2100 = tpu.vector_load %arg11[%get3A_2098, %get3A_2099] {strides = array<i32>} : memref<80x128xbf16, #tpu.memory_space<vmem>>, vector<32xbf16>,
        %sub3A_2101 = arith.subf %get3A_2097, %get3A_2100 : vector<32xbf16>
        %mul3A_2102 = arith.mulf %sub3A_2101, %sub3A_2101 : vector<32xbf16>
        %add3A_2103 = arith.addf %add3A_1983, %mul3A_2102 : vector<32xbf16>
        %mul3A_2104 = arith.constant 16 : i32
        %mul3A_2105 = arith.muli %scan3A_1672, %mul3A_2104 : i32
        %add3A_2106 = arith.constant 0 : i32
        %add3A_2107 = arith.addi %mul3A_2105, %add3A_2106 : i32
        %add3A_2108 = arith.constant 5 : i32
        %add3A_2109 = arith.addi %add3A_2107, %add3A_2108 : i32
        %get3A_2110 = arith.index_cast %add3A_2109 : i32 to index
        %get3A_2111 = arith.constant 96 : index
        %get3A_2112 = tpu.vector_load %arg10[%get3A_2110, %get3A_2111] {strides = array<i32>} : memref<80x128xbf16, #tpu.memory_space<vmem>>, vector<32xbf16>,
        %get3A_2113 = arith.index_cast %add3A_2109 : i32 to index
        %get3A_2114 = arith.constant 96 : index
        %get3A_2115 = tpu.vector_load %arg11[%get3A_2113, %get3A_2114] {strides = array<i32>} : memref<80x128xbf16, #tpu.memory_space<vmem>>, vector<32xbf16>,
        %sub3A_2116 = arith.subf %get3A_2112, %get3A_2115 : vector<32xbf16>
        %mul3A_2117 = arith.mulf %sub3A_2116, %sub3A_2116 : vector<32xbf16>
        %add3A_2118 = arith.addf %add3A_1998, %mul3A_2117 : vector<32xbf16>
        %mul3A_2119 = arith.constant 16 : i32
        %mul3A_2120 = arith.muli %scan3A_1672, %mul3A_2119 : i32
        %add3A_2121 = arith.constant 0 : i32
        %add3A_2122 = arith.addi %mul3A_2120, %add3A_2121 : i32
        %add3A_2123 = arith.constant 6 : i32
        %add3A_2124 = arith.addi %add3A_2122, %add3A_2123 : i32
        %get3A_2125 = arith.index_cast %add3A_2124 : i32 to index
        %get3A_2126 = arith.constant 96 : index
        %get3A_2127 = tpu.vector_load %arg10[%get3A_2125, %get3A_2126] {strides = array<i32>} : memref<80x128xbf16, #tpu.memory_space<vmem>>, vector<32xbf16>,
        %get3A_2128 = arith.index_cast %add3A_2124 : i32 to index
        %get3A_2129 = arith.constant 96 : index
        %get3A_2130 = tpu.vector_load %arg11[%get3A_2128, %get3A_2129] {strides = array<i32>} : memref<80x128xbf16, #tpu.memory_space<vmem>>, vector<32xbf16>,
        %sub3A_2131 = arith.subf %get3A_2127, %get3A_2130 : vector<32xbf16>
        %mul3A_2132 = arith.mulf %sub3A_2131, %sub3A_2131 : vector<32xbf16>
        %add3A_2133 = arith.addf %add3A_2013, %mul3A_2132 : vector<32xbf16>
        %mul3A_2134 = arith.constant 16 : i32
        %mul3A_2135 = arith.muli %scan3A_1672, %mul3A_2134 : i32
        %add3A_2136 = arith.constant 0 : i32
        %add3A_2137 = arith.addi %mul3A_2135, %add3A_2136 : i32
        %add3A_2138 = arith.constant 7 : i32
        %add3A_2139 = arith.addi %add3A_2137, %add3A_2138 : i32
        %get3A_2140 = arith.index_cast %add3A_2139 : i32 to index
        %get3A_2141 = arith.constant 96 : index
        %get3A_2142 = tpu.vector_load %arg10[%get3A_2140, %get3A_2141] {strides = array<i32>} : memref<80x128xbf16, #tpu.memory_space<vmem>>, vector<32xbf16>,
        %get3A_2143 = arith.index_cast %add3A_2139 : i32 to index
        %get3A_2144 = arith.constant 96 : index
        %get3A_2145 = tpu.vector_load %arg11[%get3A_2143, %get3A_2144] {strides = array<i32>} : memref<80x128xbf16, #tpu.memory_space<vmem>>, vector<32xbf16>,
        %sub3A_2146 = arith.subf %get3A_2142, %get3A_2145 : vector<32xbf16>
        %mul3A_2147 = arith.mulf %sub3A_2146, %sub3A_2146 : vector<32xbf16>
        %add3A_2148 = arith.addf %add3A_2028, %mul3A_2147 : vector<32xbf16>
        %add3A_2149 = arith.constant 0 : i32
        %add3A_2150 = vector.broadcast %add3A_2149 : i32 to vector<16xi32>
        %add3A_2151 = arith.addi %add3A_1676, %add3A_2150 : vector<16xi32>
        %bitcast3A_2152 = vector.bitcast %add3A_2043 : vector<32xbf16> to vector<16xi32>
        tpu.vector_store_idx %arg12[%add3A_2151], %bitcast3A_2152 : memref<1280xi32, #tpu.memory_space<vmem>>[vector<16xi32>], vector<16xi32>,
        %add3A_2153 = arith.constant 1 : i32
        %add3A_2154 = vector.broadcast %add3A_2153 : i32 to vector<16xi32>
        %add3A_2155 = arith.addi %add3A_1676, %add3A_2154 : vector<16xi32>
        %bitcast3A_2156 = vector.bitcast %add3A_2058 : vector<32xbf16> to vector<16xi32>
        tpu.vector_store_idx %arg12[%add3A_2155], %bitcast3A_2156 : memref<1280xi32, #tpu.memory_space<vmem>>[vector<16xi32>], vector<16xi32>,
        %add3A_2157 = arith.constant 2 : i32
        %add3A_2158 = vector.broadcast %add3A_2157 : i32 to vector<16xi32>
        %add3A_2159 = arith.addi %add3A_1676, %add3A_2158 : vector<16xi32>
        %bitcast3A_2160 = vector.bitcast %add3A_2073 : vector<32xbf16> to vector<16xi32>
        tpu.vector_store_idx %arg12[%add3A_2159], %bitcast3A_2160 : memref<1280xi32, #tpu.memory_space<vmem>>[vector<16xi32>], vector<16xi32>,
        %add3A_2161 = arith.constant 3 : i32
        %add3A_2162 = vector.broadcast %add3A_2161 : i32 to vector<16xi32>
        %add3A_2163 = arith.addi %add3A_1676, %add3A_2162 : vector<16xi32>
        %bitcast3A_2164 = vector.bitcast %add3A_2088 : vector<32xbf16> to vector<16xi32>
        tpu.vector_store_idx %arg12[%add3A_2163], %bitcast3A_2164 : memref<1280xi32, #tpu.memory_space<vmem>>[vector<16xi32>], vector<16xi32>,
        %add3A_2165 = arith.constant 4 : i32
        %add3A_2166 = vector.broadcast %add3A_2165 : i32 to vector<16xi32>
        %add3A_2167 = arith.addi %add3A_1676, %add3A_2166 : vector<16xi32>
        %bitcast3A_2168 = vector.bitcast %add3A_2103 : vector<32xbf16> to vector<16xi32>
        tpu.vector_store_idx %arg12[%add3A_2167], %bitcast3A_2168 : memref<1280xi32, #tpu.memory_space<vmem>>[vector<16xi32>], vector<16xi32>,
        %add3A_2169 = arith.constant 5 : i32
        %add3A_2170 = vector.broadcast %add3A_2169 : i32 to vector<16xi32>
        %add3A_2171 = arith.addi %add3A_1676, %add3A_2170 : vector<16xi32>
        %bitcast3A_2172 = vector.bitcast %add3A_2118 : vector<32xbf16> to vector<16xi32>
        tpu.vector_store_idx %arg12[%add3A_2171], %bitcast3A_2172 : memref<1280xi32, #tpu.memory_space<vmem>>[vector<16xi32>], vector<16xi32>,
        %add3A_2173 = arith.constant 6 : i32
        %add3A_2174 = vector.broadcast %add3A_2173 : i32 to vector<16xi32>
        %add3A_2175 = arith.addi %add3A_1676, %add3A_2174 : vector<16xi32>
        %bitcast3A_2176 = vector.bitcast %add3A_2133 : vector<32xbf16> to vector<16xi32>
        tpu.vector_store_idx %arg12[%add3A_2175], %bitcast3A_2176 : memref<1280xi32, #tpu.memory_space<vmem>>[vector<16xi32>], vector<16xi32>,
        %add3A_2177 = arith.constant 7 : i32
        %add3A_2178 = vector.broadcast %add3A_2177 : i32 to vector<16xi32>
        %add3A_2179 = arith.addi %add3A_1676, %add3A_2178 : vector<16xi32>
        %bitcast3A_2180 = vector.bitcast %add3A_2148 : vector<32xbf16> to vector<16xi32>
        tpu.vector_store_idx %arg12[%add3A_2179], %bitcast3A_2180 : memref<1280xi32, #tpu.memory_space<vmem>>[vector<16xi32>], vector<16xi32>,
        %mul3A_2181 = arith.constant 16 : i32
        %mul3A_2182 = arith.muli %scan3A_1672, %mul3A_2181 : i32
        %add3A_2183 = arith.constant 8 : i32
        %add3A_2184 = arith.addi %mul3A_2182, %add3A_2183 : i32
        %add3A_2185 = arith.constant 0 : i32
        %add3A_2186 = arith.addi %add3A_2184, %add3A_2185 : i32
        %get3A_2187 = arith.index_cast %add3A_2186 : i32 to index
        %get3A_2188 = arith.constant 0 : index
        %get3A_2189 = tpu.vector_load %arg10[%get3A_2187, %get3A_2188] {strides = array<i32>} : memref<80x128xbf16, #tpu.memory_space<vmem>>, vector<32xbf16>,
        %get3A_2190 = arith.index_cast %add3A_2186 : i32 to index
        %get3A_2191 = arith.constant 0 : index
        %get3A_2192 = tpu.vector_load %arg11[%get3A_2190, %get3A_2191] {strides = array<i32>} : memref<80x128xbf16, #tpu.memory_space<vmem>>, vector<32xbf16>,
        %sub3A_2193 = arith.subf %get3A_2189, %get3A_2192 : vector<32xbf16>
        %mul3A_2194 = arith.mulf %sub3A_2193, %sub3A_2193 : vector<32xbf16>
        %mul3A_2195 = arith.constant 16 : i32
        %mul3A_2196 = arith.muli %scan3A_1672, %mul3A_2195 : i32
        %add3A_2197 = arith.constant 8 : i32
        %add3A_2198 = arith.addi %mul3A_2196, %add3A_2197 : i32
        %add3A_2199 = arith.constant 1 : i32
        %add3A_2200 = arith.addi %add3A_2198, %add3A_2199 : i32
        %get3A_2201 = arith.index_cast %add3A_2200 : i32 to index
        %get3A_2202 = arith.constant 0 : index
        %get3A_2203 = tpu.vector_load %arg10[%get3A_2201, %get3A_2202] {strides = array<i32>} : memref<80x128xbf16, #tpu.memory_space<vmem>>, vector<32xbf16>,
        %get3A_2204 = arith.index_cast %add3A_2200 : i32 to index
        %get3A_2205 = arith.constant 0 : index
        %get3A_2206 = tpu.vector_load %arg11[%get3A_2204, %get3A_2205] {strides = array<i32>} : memref<80x128xbf16, #tpu.memory_space<vmem>>, vector<32xbf16>,
        %sub3A_2207 = arith.subf %get3A_2203, %get3A_2206 : vector<32xbf16>
        %mul3A_2208 = arith.mulf %sub3A_2207, %sub3A_2207 : vector<32xbf16>
        %mul3A_2209 = arith.constant 16 : i32
        %mul3A_2210 = arith.muli %scan3A_1672, %mul3A_2209 : i32
        %add3A_2211 = arith.constant 8 : i32
        %add3A_2212 = arith.addi %mul3A_2210, %add3A_2211 : i32
        %add3A_2213 = arith.constant 2 : i32
        %add3A_2214 = arith.addi %add3A_2212, %add3A_2213 : i32
        %get3A_2215 = arith.index_cast %add3A_2214 : i32 to index
        %get3A_2216 = arith.constant 0 : index
        %get3A_2217 = tpu.vector_load %arg10[%get3A_2215, %get3A_2216] {strides = array<i32>} : memref<80x128xbf16, #tpu.memory_space<vmem>>, vector<32xbf16>,
        %get3A_2218 = arith.index_cast %add3A_2214 : i32 to index
        %get3A_2219 = arith.constant 0 : index
        %get3A_2220 = tpu.vector_load %arg11[%get3A_2218, %get3A_2219] {strides = array<i32>} : memref<80x128xbf16, #tpu.memory_space<vmem>>, vector<32xbf16>,
        %sub3A_2221 = arith.subf %get3A_2217, %get3A_2220 : vector<32xbf16>
        %mul3A_2222 = arith.mulf %sub3A_2221, %sub3A_2221 : vector<32xbf16>
        %mul3A_2223 = arith.constant 16 : i32
        %mul3A_2224 = arith.muli %scan3A_1672, %mul3A_2223 : i32
        %add3A_2225 = arith.constant 8 : i32
        %add3A_2226 = arith.addi %mul3A_2224, %add3A_2225 : i32
        %add3A_2227 = arith.constant 3 : i32
        %add3A_2228 = arith.addi %add3A_2226, %add3A_2227 : i32
        %get3A_2229 = arith.index_cast %add3A_2228 : i32 to index
        %get3A_2230 = arith.constant 0 : index
        %get3A_2231 = tpu.vector_load %arg10[%get3A_2229, %get3A_2230] {strides = array<i32>} : memref<80x128xbf16, #tpu.memory_space<vmem>>, vector<32xbf16>,
        %get3A_2232 = arith.index_cast %add3A_2228 : i32 to index
        %get3A_2233 = arith.constant 0 : index
        %get3A_2234 = tpu.vector_load %arg11[%get3A_2232, %get3A_2233] {strides = array<i32>} : memref<80x128xbf16, #tpu.memory_space<vmem>>, vector<32xbf16>,
        %sub3A_2235 = arith.subf %get3A_2231, %get3A_2234 : vector<32xbf16>
        %mul3A_2236 = arith.mulf %sub3A_2235, %sub3A_2235 : vector<32xbf16>
        %mul3A_2237 = arith.constant 16 : i32
        %mul3A_2238 = arith.muli %scan3A_1672, %mul3A_2237 : i32
        %add3A_2239 = arith.constant 8 : i32
        %add3A_2240 = arith.addi %mul3A_2238, %add3A_2239 : i32
        %add3A_2241 = arith.constant 4 : i32
        %add3A_2242 = arith.addi %add3A_2240, %add3A_2241 : i32
        %get3A_2243 = arith.index_cast %add3A_2242 : i32 to index
        %get3A_2244 = arith.constant 0 : index
        %get3A_2245 = tpu.vector_load %arg10[%get3A_2243, %get3A_2244] {strides = array<i32>} : memref<80x128xbf16, #tpu.memory_space<vmem>>, vector<32xbf16>,
        %get3A_2246 = arith.index_cast %add3A_2242 : i32 to index
        %get3A_2247 = arith.constant 0 : index
        %get3A_2248 = tpu.vector_load %arg11[%get3A_2246, %get3A_2247] {strides = array<i32>} : memref<80x128xbf16, #tpu.memory_space<vmem>>, vector<32xbf16>,
        %sub3A_2249 = arith.subf %get3A_2245, %get3A_2248 : vector<32xbf16>
        %mul3A_2250 = arith.mulf %sub3A_2249, %sub3A_2249 : vector<32xbf16>
        %mul3A_2251 = arith.constant 16 : i32
        %mul3A_2252 = arith.muli %scan3A_1672, %mul3A_2251 : i32
        %add3A_2253 = arith.constant 8 : i32
        %add3A_2254 = arith.addi %mul3A_2252, %add3A_2253 : i32
        %add3A_2255 = arith.constant 5 : i32
        %add3A_2256 = arith.addi %add3A_2254, %add3A_2255 : i32
        %get3A_2257 = arith.index_cast %add3A_2256 : i32 to index
        %get3A_2258 = arith.constant 0 : index
        %get3A_2259 = tpu.vector_load %arg10[%get3A_2257, %get3A_2258] {strides = array<i32>} : memref<80x128xbf16, #tpu.memory_space<vmem>>, vector<32xbf16>,
        %get3A_2260 = arith.index_cast %add3A_2256 : i32 to index
        %get3A_2261 = arith.constant 0 : index
        %get3A_2262 = tpu.vector_load %arg11[%get3A_2260, %get3A_2261] {strides = array<i32>} : memref<80x128xbf16, #tpu.memory_space<vmem>>, vector<32xbf16>,
        %sub3A_2263 = arith.subf %get3A_2259, %get3A_2262 : vector<32xbf16>
        %mul3A_2264 = arith.mulf %sub3A_2263, %sub3A_2263 : vector<32xbf16>
        %mul3A_2265 = arith.constant 16 : i32
        %mul3A_2266 = arith.muli %scan3A_1672, %mul3A_2265 : i32
        %add3A_2267 = arith.constant 8 : i32
        %add3A_2268 = arith.addi %mul3A_2266, %add3A_2267 : i32
        %add3A_2269 = arith.constant 6 : i32
        %add3A_2270 = arith.addi %add3A_2268, %add3A_2269 : i32
        %get3A_2271 = arith.index_cast %add3A_2270 : i32 to index
        %get3A_2272 = arith.constant 0 : index
        %get3A_2273 = tpu.vector_load %arg10[%get3A_2271, %get3A_2272] {strides = array<i32>} : memref<80x128xbf16, #tpu.memory_space<vmem>>, vector<32xbf16>,
        %get3A_2274 = arith.index_cast %add3A_2270 : i32 to index
        %get3A_2275 = arith.constant 0 : index
        %get3A_2276 = tpu.vector_load %arg11[%get3A_2274, %get3A_2275] {strides = array<i32>} : memref<80x128xbf16, #tpu.memory_space<vmem>>, vector<32xbf16>,
        %sub3A_2277 = arith.subf %get3A_2273, %get3A_2276 : vector<32xbf16>
        %mul3A_2278 = arith.mulf %sub3A_2277, %sub3A_2277 : vector<32xbf16>
        %mul3A_2279 = arith.constant 16 : i32
        %mul3A_2280 = arith.muli %scan3A_1672, %mul3A_2279 : i32
        %add3A_2281 = arith.constant 8 : i32
        %add3A_2282 = arith.addi %mul3A_2280, %add3A_2281 : i32
        %add3A_2283 = arith.constant 7 : i32
        %add3A_2284 = arith.addi %add3A_2282, %add3A_2283 : i32
        %get3A_2285 = arith.index_cast %add3A_2284 : i32 to index
        %get3A_2286 = arith.constant 0 : index
        %get3A_2287 = tpu.vector_load %arg10[%get3A_2285, %get3A_2286] {strides = array<i32>} : memref<80x128xbf16, #tpu.memory_space<vmem>>, vector<32xbf16>,
        %get3A_2288 = arith.index_cast %add3A_2284 : i32 to index
        %get3A_2289 = arith.constant 0 : index
        %get3A_2290 = tpu.vector_load %arg11[%get3A_2288, %get3A_2289] {strides = array<i32>} : memref<80x128xbf16, #tpu.memory_space<vmem>>, vector<32xbf16>,
        %sub3A_2291 = arith.subf %get3A_2287, %get3A_2290 : vector<32xbf16>
        %mul3A_2292 = arith.mulf %sub3A_2291, %sub3A_2291 : vector<32xbf16>
        %mul3A_2293 = arith.constant 16 : i32
        %mul3A_2294 = arith.muli %scan3A_1672, %mul3A_2293 : i32
        %add3A_2295 = arith.constant 8 : i32
        %add3A_2296 = arith.addi %mul3A_2294, %add3A_2295 : i32
        %add3A_2297 = arith.constant 0 : i32
        %add3A_2298 = arith.addi %add3A_2296, %add3A_2297 : i32
        %get3A_2299 = arith.index_cast %add3A_2298 : i32 to index
        %get3A_2300 = arith.constant 32 : index
        %get3A_2301 = tpu.vector_load %arg10[%get3A_2299, %get3A_2300] {strides = array<i32>} : memref<80x128xbf16, #tpu.memory_space<vmem>>, vector<32xbf16>,
        %get3A_2302 = arith.index_cast %add3A_2298 : i32 to index
        %get3A_2303 = arith.constant 32 : index
        %get3A_2304 = tpu.vector_load %arg11[%get3A_2302, %get3A_2303] {strides = array<i32>} : memref<80x128xbf16, #tpu.memory_space<vmem>>, vector<32xbf16>,
        %sub3A_2305 = arith.subf %get3A_2301, %get3A_2304 : vector<32xbf16>
        %mul3A_2306 = arith.mulf %sub3A_2305, %sub3A_2305 : vector<32xbf16>
        %add3A_2307 = arith.addf %mul3A_2194, %mul3A_2306 : vector<32xbf16>
        %mul3A_2308 = arith.constant 16 : i32
        %mul3A_2309 = arith.muli %scan3A_1672, %mul3A_2308 : i32
        %add3A_2310 = arith.constant 8 : i32
        %add3A_2311 = arith.addi %mul3A_2309, %add3A_2310 : i32
        %add3A_2312 = arith.constant 1 : i32
        %add3A_2313 = arith.addi %add3A_2311, %add3A_2312 : i32
        %get3A_2314 = arith.index_cast %add3A_2313 : i32 to index
        %get3A_2315 = arith.constant 32 : index
        %get3A_2316 = tpu.vector_load %arg10[%get3A_2314, %get3A_2315] {strides = array<i32>} : memref<80x128xbf16, #tpu.memory_space<vmem>>, vector<32xbf16>,
        %get3A_2317 = arith.index_cast %add3A_2313 : i32 to index
        %get3A_2318 = arith.constant 32 : index
        %get3A_2319 = tpu.vector_load %arg11[%get3A_2317, %get3A_2318] {strides = array<i32>} : memref<80x128xbf16, #tpu.memory_space<vmem>>, vector<32xbf16>,
        %sub3A_2320 = arith.subf %get3A_2316, %get3A_2319 : vector<32xbf16>
        %mul3A_2321 = arith.mulf %sub3A_2320, %sub3A_2320 : vector<32xbf16>
        %add3A_2322 = arith.addf %mul3A_2208, %mul3A_2321 : vector<32xbf16>
        %mul3A_2323 = arith.constant 16 : i32
        %mul3A_2324 = arith.muli %scan3A_1672, %mul3A_2323 : i32
        %add3A_2325 = arith.constant 8 : i32
        %add3A_2326 = arith.addi %mul3A_2324, %add3A_2325 : i32
        %add3A_2327 = arith.constant 2 : i32
        %add3A_2328 = arith.addi %add3A_2326, %add3A_2327 : i32
        %get3A_2329 = arith.index_cast %add3A_2328 : i32 to index
        %get3A_2330 = arith.constant 32 : index
        %get3A_2331 = tpu.vector_load %arg10[%get3A_2329, %get3A_2330] {strides = array<i32>} : memref<80x128xbf16, #tpu.memory_space<vmem>>, vector<32xbf16>,
        %get3A_2332 = arith.index_cast %add3A_2328 : i32 to index
        %get3A_2333 = arith.constant 32 : index
        %get3A_2334 = tpu.vector_load %arg11[%get3A_2332, %get3A_2333] {strides = array<i32>} : memref<80x128xbf16, #tpu.memory_space<vmem>>, vector<32xbf16>,
        %sub3A_2335 = arith.subf %get3A_2331, %get3A_2334 : vector<32xbf16>
        %mul3A_2336 = arith.mulf %sub3A_2335, %sub3A_2335 : vector<32xbf16>
        %add3A_2337 = arith.addf %mul3A_2222, %mul3A_2336 : vector<32xbf16>
        %mul3A_2338 = arith.constant 16 : i32
        %mul3A_2339 = arith.muli %scan3A_1672, %mul3A_2338 : i32
        %add3A_2340 = arith.constant 8 : i32
        %add3A_2341 = arith.addi %mul3A_2339, %add3A_2340 : i32
        %add3A_2342 = arith.constant 3 : i32
        %add3A_2343 = arith.addi %add3A_2341, %add3A_2342 : i32
        %get3A_2344 = arith.index_cast %add3A_2343 : i32 to index
        %get3A_2345 = arith.constant 32 : index
        %get3A_2346 = tpu.vector_load %arg10[%get3A_2344, %get3A_2345] {strides = array<i32>} : memref<80x128xbf16, #tpu.memory_space<vmem>>, vector<32xbf16>,
        %get3A_2347 = arith.index_cast %add3A_2343 : i32 to index
        %get3A_2348 = arith.constant 32 : index
        %get3A_2349 = tpu.vector_load %arg11[%get3A_2347, %get3A_2348] {strides = array<i32>} : memref<80x128xbf16, #tpu.memory_space<vmem>>, vector<32xbf16>,
        %sub3A_2350 = arith.subf %get3A_2346, %get3A_2349 : vector<32xbf16>
        %mul3A_2351 = arith.mulf %sub3A_2350, %sub3A_2350 : vector<32xbf16>
        %add3A_2352 = arith.addf %mul3A_2236, %mul3A_2351 : vector<32xbf16>
        %mul3A_2353 = arith.constant 16 : i32
        %mul3A_2354 = arith.muli %scan3A_1672, %mul3A_2353 : i32
        %add3A_2355 = arith.constant 8 : i32
        %add3A_2356 = arith.addi %mul3A_2354, %add3A_2355 : i32
        %add3A_2357 = arith.constant 4 : i32
        %add3A_2358 = arith.addi %add3A_2356, %add3A_2357 : i32
        %get3A_2359 = arith.index_cast %add3A_2358 : i32 to index
        %get3A_2360 = arith.constant 32 : index
        %get3A_2361 = tpu.vector_load %arg10[%get3A_2359, %get3A_2360] {strides = array<i32>} : memref<80x128xbf16, #tpu.memory_space<vmem>>, vector<32xbf16>,
        %get3A_2362 = arith.index_cast %add3A_2358 : i32 to index
        %get3A_2363 = arith.constant 32 : index
        %get3A_2364 = tpu.vector_load %arg11[%get3A_2362, %get3A_2363] {strides = array<i32>} : memref<80x128xbf16, #tpu.memory_space<vmem>>, vector<32xbf16>,
        %sub3A_2365 = arith.subf %get3A_2361, %get3A_2364 : vector<32xbf16>
        %mul3A_2366 = arith.mulf %sub3A_2365, %sub3A_2365 : vector<32xbf16>
        %add3A_2367 = arith.addf %mul3A_2250, %mul3A_2366 : vector<32xbf16>
        %mul3A_2368 = arith.constant 16 : i32
        %mul3A_2369 = arith.muli %scan3A_1672, %mul3A_2368 : i32
        %add3A_2370 = arith.constant 8 : i32
        %add3A_2371 = arith.addi %mul3A_2369, %add3A_2370 : i32
        %add3A_2372 = arith.constant 5 : i32
        %add3A_2373 = arith.addi %add3A_2371, %add3A_2372 : i32
        %get3A_2374 = arith.index_cast %add3A_2373 : i32 to index
        %get3A_2375 = arith.constant 32 : index
        %get3A_2376 = tpu.vector_load %arg10[%get3A_2374, %get3A_2375] {strides = array<i32>} : memref<80x128xbf16, #tpu.memory_space<vmem>>, vector<32xbf16>,
        %get3A_2377 = arith.index_cast %add3A_2373 : i32 to index
        %get3A_2378 = arith.constant 32 : index
        %get3A_2379 = tpu.vector_load %arg11[%get3A_2377, %get3A_2378] {strides = array<i32>} : memref<80x128xbf16, #tpu.memory_space<vmem>>, vector<32xbf16>,
        %sub3A_2380 = arith.subf %get3A_2376, %get3A_2379 : vector<32xbf16>
        %mul3A_2381 = arith.mulf %sub3A_2380, %sub3A_2380 : vector<32xbf16>
        %add3A_2382 = arith.addf %mul3A_2264, %mul3A_2381 : vector<32xbf16>
        %mul3A_2383 = arith.constant 16 : i32
        %mul3A_2384 = arith.muli %scan3A_1672, %mul3A_2383 : i32
        %add3A_2385 = arith.constant 8 : i32
        %add3A_2386 = arith.addi %mul3A_2384, %add3A_2385 : i32
        %add3A_2387 = arith.constant 6 : i32
        %add3A_2388 = arith.addi %add3A_2386, %add3A_2387 : i32
        %get3A_2389 = arith.index_cast %add3A_2388 : i32 to index
        %get3A_2390 = arith.constant 32 : index
        %get3A_2391 = tpu.vector_load %arg10[%get3A_2389, %get3A_2390] {strides = array<i32>} : memref<80x128xbf16, #tpu.memory_space<vmem>>, vector<32xbf16>,
        %get3A_2392 = arith.index_cast %add3A_2388 : i32 to index
        %get3A_2393 = arith.constant 32 : index
        %get3A_2394 = tpu.vector_load %arg11[%get3A_2392, %get3A_2393] {strides = array<i32>} : memref<80x128xbf16, #tpu.memory_space<vmem>>, vector<32xbf16>,
        %sub3A_2395 = arith.subf %get3A_2391, %get3A_2394 : vector<32xbf16>
        %mul3A_2396 = arith.mulf %sub3A_2395, %sub3A_2395 : vector<32xbf16>
        %add3A_2397 = arith.addf %mul3A_2278, %mul3A_2396 : vector<32xbf16>
        %mul3A_2398 = arith.constant 16 : i32
        %mul3A_2399 = arith.muli %scan3A_1672, %mul3A_2398 : i32
        %add3A_2400 = arith.constant 8 : i32
        %add3A_2401 = arith.addi %mul3A_2399, %add3A_2400 : i32
        %add3A_2402 = arith.constant 7 : i32
        %add3A_2403 = arith.addi %add3A_2401, %add3A_2402 : i32
        %get3A_2404 = arith.index_cast %add3A_2403 : i32 to index
        %get3A_2405 = arith.constant 32 : index
        %get3A_2406 = tpu.vector_load %arg10[%get3A_2404, %get3A_2405] {strides = array<i32>} : memref<80x128xbf16, #tpu.memory_space<vmem>>, vector<32xbf16>,
        %get3A_2407 = arith.index_cast %add3A_2403 : i32 to index
        %get3A_2408 = arith.constant 32 : index
        %get3A_2409 = tpu.vector_load %arg11[%get3A_2407, %get3A_2408] {strides = array<i32>} : memref<80x128xbf16, #tpu.memory_space<vmem>>, vector<32xbf16>,
        %sub3A_2410 = arith.subf %get3A_2406, %get3A_2409 : vector<32xbf16>
        %mul3A_2411 = arith.mulf %sub3A_2410, %sub3A_2410 : vector<32xbf16>
        %add3A_2412 = arith.addf %mul3A_2292, %mul3A_2411 : vector<32xbf16>
        %mul3A_2413 = arith.constant 16 : i32
        %mul3A_2414 = arith.muli %scan3A_1672, %mul3A_2413 : i32
        %add3A_2415 = arith.constant 8 : i32
        %add3A_2416 = arith.addi %mul3A_2414, %add3A_2415 : i32
        %add3A_2417 = arith.constant 0 : i32
        %add3A_2418 = arith.addi %add3A_2416, %add3A_2417 : i32
        %get3A_2419 = arith.index_cast %add3A_2418 : i32 to index
        %get3A_2420 = arith.constant 64 : index
        %get3A_2421 = tpu.vector_load %arg10[%get3A_2419, %get3A_2420] {strides = array<i32>} : memref<80x128xbf16, #tpu.memory_space<vmem>>, vector<32xbf16>,
        %get3A_2422 = arith.index_cast %add3A_2418 : i32 to index
        %get3A_2423 = arith.constant 64 : index
        %get3A_2424 = tpu.vector_load %arg11[%get3A_2422, %get3A_2423] {strides = array<i32>} : memref<80x128xbf16, #tpu.memory_space<vmem>>, vector<32xbf16>,
        %sub3A_2425 = arith.subf %get3A_2421, %get3A_2424 : vector<32xbf16>
        %mul3A_2426 = arith.mulf %sub3A_2425, %sub3A_2425 : vector<32xbf16>
        %add3A_2427 = arith.addf %add3A_2307, %mul3A_2426 : vector<32xbf16>
        %mul3A_2428 = arith.constant 16 : i32
        %mul3A_2429 = arith.muli %scan3A_1672, %mul3A_2428 : i32
        %add3A_2430 = arith.constant 8 : i32
        %add3A_2431 = arith.addi %mul3A_2429, %add3A_2430 : i32
        %add3A_2432 = arith.constant 1 : i32
        %add3A_2433 = arith.addi %add3A_2431, %add3A_2432 : i32
        %get3A_2434 = arith.index_cast %add3A_2433 : i32 to index
        %get3A_2435 = arith.constant 64 : index
        %get3A_2436 = tpu.vector_load %arg10[%get3A_2434, %get3A_2435] {strides = array<i32>} : memref<80x128xbf16, #tpu.memory_space<vmem>>, vector<32xbf16>,
        %get3A_2437 = arith.index_cast %add3A_2433 : i32 to index
        %get3A_2438 = arith.constant 64 : index
        %get3A_2439 = tpu.vector_load %arg11[%get3A_2437, %get3A_2438] {strides = array<i32>} : memref<80x128xbf16, #tpu.memory_space<vmem>>, vector<32xbf16>,
        %sub3A_2440 = arith.subf %get3A_2436, %get3A_2439 : vector<32xbf16>
        %mul3A_2441 = arith.mulf %sub3A_2440, %sub3A_2440 : vector<32xbf16>
        %add3A_2442 = arith.addf %add3A_2322, %mul3A_2441 : vector<32xbf16>
        %mul3A_2443 = arith.constant 16 : i32
        %mul3A_2444 = arith.muli %scan3A_1672, %mul3A_2443 : i32
        %add3A_2445 = arith.constant 8 : i32
        %add3A_2446 = arith.addi %mul3A_2444, %add3A_2445 : i32
        %add3A_2447 = arith.constant 2 : i32
        %add3A_2448 = arith.addi %add3A_2446, %add3A_2447 : i32
        %get3A_2449 = arith.index_cast %add3A_2448 : i32 to index
        %get3A_2450 = arith.constant 64 : index
        %get3A_2451 = tpu.vector_load %arg10[%get3A_2449, %get3A_2450] {strides = array<i32>} : memref<80x128xbf16, #tpu.memory_space<vmem>>, vector<32xbf16>,
        %get3A_2452 = arith.index_cast %add3A_2448 : i32 to index
        %get3A_2453 = arith.constant 64 : index
        %get3A_2454 = tpu.vector_load %arg11[%get3A_2452, %get3A_2453] {strides = array<i32>} : memref<80x128xbf16, #tpu.memory_space<vmem>>, vector<32xbf16>,
        %sub3A_2455 = arith.subf %get3A_2451, %get3A_2454 : vector<32xbf16>
        %mul3A_2456 = arith.mulf %sub3A_2455, %sub3A_2455 : vector<32xbf16>
        %add3A_2457 = arith.addf %add3A_2337, %mul3A_2456 : vector<32xbf16>
        %mul3A_2458 = arith.constant 16 : i32
        %mul3A_2459 = arith.muli %scan3A_1672, %mul3A_2458 : i32
        %add3A_2460 = arith.constant 8 : i32
        %add3A_2461 = arith.addi %mul3A_2459, %add3A_2460 : i32
        %add3A_2462 = arith.constant 3 : i32
        %add3A_2463 = arith.addi %add3A_2461, %add3A_2462 : i32
        %get3A_2464 = arith.index_cast %add3A_2463 : i32 to index
        %get3A_2465 = arith.constant 64 : index
        %get3A_2466 = tpu.vector_load %arg10[%get3A_2464, %get3A_2465] {strides = array<i32>} : memref<80x128xbf16, #tpu.memory_space<vmem>>, vector<32xbf16>,
        %get3A_2467 = arith.index_cast %add3A_2463 : i32 to index
        %get3A_2468 = arith.constant 64 : index
        %get3A_2469 = tpu.vector_load %arg11[%get3A_2467, %get3A_2468] {strides = array<i32>} : memref<80x128xbf16, #tpu.memory_space<vmem>>, vector<32xbf16>,
        %sub3A_2470 = arith.subf %get3A_2466, %get3A_2469 : vector<32xbf16>
        %mul3A_2471 = arith.mulf %sub3A_2470, %sub3A_2470 : vector<32xbf16>
        %add3A_2472 = arith.addf %add3A_2352, %mul3A_2471 : vector<32xbf16>
        %mul3A_2473 = arith.constant 16 : i32
        %mul3A_2474 = arith.muli %scan3A_1672, %mul3A_2473 : i32
        %add3A_2475 = arith.constant 8 : i32
        %add3A_2476 = arith.addi %mul3A_2474, %add3A_2475 : i32
        %add3A_2477 = arith.constant 4 : i32
        %add3A_2478 = arith.addi %add3A_2476, %add3A_2477 : i32
        %get3A_2479 = arith.index_cast %add3A_2478 : i32 to index
        %get3A_2480 = arith.constant 64 : index
        %get3A_2481 = tpu.vector_load %arg10[%get3A_2479, %get3A_2480] {strides = array<i32>} : memref<80x128xbf16, #tpu.memory_space<vmem>>, vector<32xbf16>,
        %get3A_2482 = arith.index_cast %add3A_2478 : i32 to index
        %get3A_2483 = arith.constant 64 : index
        %get3A_2484 = tpu.vector_load %arg11[%get3A_2482, %get3A_2483] {strides = array<i32>} : memref<80x128xbf16, #tpu.memory_space<vmem>>, vector<32xbf16>,
        %sub3A_2485 = arith.subf %get3A_2481, %get3A_2484 : vector<32xbf16>
        %mul3A_2486 = arith.mulf %sub3A_2485, %sub3A_2485 : vector<32xbf16>
        %add3A_2487 = arith.addf %add3A_2367, %mul3A_2486 : vector<32xbf16>
        %mul3A_2488 = arith.constant 16 : i32
        %mul3A_2489 = arith.muli %scan3A_1672, %mul3A_2488 : i32
        %add3A_2490 = arith.constant 8 : i32
        %add3A_2491 = arith.addi %mul3A_2489, %add3A_2490 : i32
        %add3A_2492 = arith.constant 5 : i32
        %add3A_2493 = arith.addi %add3A_2491, %add3A_2492 : i32
        %get3A_2494 = arith.index_cast %add3A_2493 : i32 to index
        %get3A_2495 = arith.constant 64 : index
        %get3A_2496 = tpu.vector_load %arg10[%get3A_2494, %get3A_2495] {strides = array<i32>} : memref<80x128xbf16, #tpu.memory_space<vmem>>, vector<32xbf16>,
        %get3A_2497 = arith.index_cast %add3A_2493 : i32 to index
        %get3A_2498 = arith.constant 64 : index
        %get3A_2499 = tpu.vector_load %arg11[%get3A_2497, %get3A_2498] {strides = array<i32>} : memref<80x128xbf16, #tpu.memory_space<vmem>>, vector<32xbf16>,
        %sub3A_2500 = arith.subf %get3A_2496, %get3A_2499 : vector<32xbf16>
        %mul3A_2501 = arith.mulf %sub3A_2500, %sub3A_2500 : vector<32xbf16>
        %add3A_2502 = arith.addf %add3A_2382, %mul3A_2501 : vector<32xbf16>
        %mul3A_2503 = arith.constant 16 : i32
        %mul3A_2504 = arith.muli %scan3A_1672, %mul3A_2503 : i32
        %add3A_2505 = arith.constant 8 : i32
        %add3A_2506 = arith.addi %mul3A_2504, %add3A_2505 : i32
        %add3A_2507 = arith.constant 6 : i32
        %add3A_2508 = arith.addi %add3A_2506, %add3A_2507 : i32
        %get3A_2509 = arith.index_cast %add3A_2508 : i32 to index
        %get3A_2510 = arith.constant 64 : index
        %get3A_2511 = tpu.vector_load %arg10[%get3A_2509, %get3A_2510] {strides = array<i32>} : memref<80x128xbf16, #tpu.memory_space<vmem>>, vector<32xbf16>,
        %get3A_2512 = arith.index_cast %add3A_2508 : i32 to index
        %get3A_2513 = arith.constant 64 : index
        %get3A_2514 = tpu.vector_load %arg11[%get3A_2512, %get3A_2513] {strides = array<i32>} : memref<80x128xbf16, #tpu.memory_space<vmem>>, vector<32xbf16>,
        %sub3A_2515 = arith.subf %get3A_2511, %get3A_2514 : vector<32xbf16>
        %mul3A_2516 = arith.mulf %sub3A_2515, %sub3A_2515 : vector<32xbf16>
        %add3A_2517 = arith.addf %add3A_2397, %mul3A_2516 : vector<32xbf16>
        %mul3A_2518 = arith.constant 16 : i32
        %mul3A_2519 = arith.muli %scan3A_1672, %mul3A_2518 : i32
        %add3A_2520 = arith.constant 8 : i32
        %add3A_2521 = arith.addi %mul3A_2519, %add3A_2520 : i32
        %add3A_2522 = arith.constant 7 : i32
        %add3A_2523 = arith.addi %add3A_2521, %add3A_2522 : i32
        %get3A_2524 = arith.index_cast %add3A_2523 : i32 to index
        %get3A_2525 = arith.constant 64 : index
        %get3A_2526 = tpu.vector_load %arg10[%get3A_2524, %get3A_2525] {strides = array<i32>} : memref<80x128xbf16, #tpu.memory_space<vmem>>, vector<32xbf16>,
        %get3A_2527 = arith.index_cast %add3A_2523 : i32 to index
        %get3A_2528 = arith.constant 64 : index
        %get3A_2529 = tpu.vector_load %arg11[%get3A_2527, %get3A_2528] {strides = array<i32>} : memref<80x128xbf16, #tpu.memory_space<vmem>>, vector<32xbf16>,
        %sub3A_2530 = arith.subf %get3A_2526, %get3A_2529 : vector<32xbf16>
        %mul3A_2531 = arith.mulf %sub3A_2530, %sub3A_2530 : vector<32xbf16>
        %add3A_2532 = arith.addf %add3A_2412, %mul3A_2531 : vector<32xbf16>
        %mul3A_2533 = arith.constant 16 : i32
        %mul3A_2534 = arith.muli %scan3A_1672, %mul3A_2533 : i32
        %add3A_2535 = arith.constant 8 : i32
        %add3A_2536 = arith.addi %mul3A_2534, %add3A_2535 : i32
        %add3A_2537 = arith.constant 0 : i32
        %add3A_2538 = arith.addi %add3A_2536, %add3A_2537 : i32
        %get3A_2539 = arith.index_cast %add3A_2538 : i32 to index
        %get3A_2540 = arith.constant 96 : index
        %get3A_2541 = tpu.vector_load %arg10[%get3A_2539, %get3A_2540] {strides = array<i32>} : memref<80x128xbf16, #tpu.memory_space<vmem>>, vector<32xbf16>,
        %get3A_2542 = arith.index_cast %add3A_2538 : i32 to index
        %get3A_2543 = arith.constant 96 : index
        %get3A_2544 = tpu.vector_load %arg11[%get3A_2542, %get3A_2543] {strides = array<i32>} : memref<80x128xbf16, #tpu.memory_space<vmem>>, vector<32xbf16>,
        %sub3A_2545 = arith.subf %get3A_2541, %get3A_2544 : vector<32xbf16>
        %mul3A_2546 = arith.mulf %sub3A_2545, %sub3A_2545 : vector<32xbf16>
        %add3A_2547 = arith.addf %add3A_2427, %mul3A_2546 : vector<32xbf16>
        %mul3A_2548 = arith.constant 16 : i32
        %mul3A_2549 = arith.muli %scan3A_1672, %mul3A_2548 : i32
        %add3A_2550 = arith.constant 8 : i32
        %add3A_2551 = arith.addi %mul3A_2549, %add3A_2550 : i32
        %add3A_2552 = arith.constant 1 : i32
        %add3A_2553 = arith.addi %add3A_2551, %add3A_2552 : i32
        %get3A_2554 = arith.index_cast %add3A_2553 : i32 to index
        %get3A_2555 = arith.constant 96 : index
        %get3A_2556 = tpu.vector_load %arg10[%get3A_2554, %get3A_2555] {strides = array<i32>} : memref<80x128xbf16, #tpu.memory_space<vmem>>, vector<32xbf16>,
        %get3A_2557 = arith.index_cast %add3A_2553 : i32 to index
        %get3A_2558 = arith.constant 96 : index
        %get3A_2559 = tpu.vector_load %arg11[%get3A_2557, %get3A_2558] {strides = array<i32>} : memref<80x128xbf16, #tpu.memory_space<vmem>>, vector<32xbf16>,
        %sub3A_2560 = arith.subf %get3A_2556, %get3A_2559 : vector<32xbf16>
        %mul3A_2561 = arith.mulf %sub3A_2560, %sub3A_2560 : vector<32xbf16>
        %add3A_2562 = arith.addf %add3A_2442, %mul3A_2561 : vector<32xbf16>
        %mul3A_2563 = arith.constant 16 : i32
        %mul3A_2564 = arith.muli %scan3A_1672, %mul3A_2563 : i32
        %add3A_2565 = arith.constant 8 : i32
        %add3A_2566 = arith.addi %mul3A_2564, %add3A_2565 : i32
        %add3A_2567 = arith.constant 2 : i32
        %add3A_2568 = arith.addi %add3A_2566, %add3A_2567 : i32
        %get3A_2569 = arith.index_cast %add3A_2568 : i32 to index
        %get3A_2570 = arith.constant 96 : index
        %get3A_2571 = tpu.vector_load %arg10[%get3A_2569, %get3A_2570] {strides = array<i32>} : memref<80x128xbf16, #tpu.memory_space<vmem>>, vector<32xbf16>,
        %get3A_2572 = arith.index_cast %add3A_2568 : i32 to index
        %get3A_2573 = arith.constant 96 : index
        %get3A_2574 = tpu.vector_load %arg11[%get3A_2572, %get3A_2573] {strides = array<i32>} : memref<80x128xbf16, #tpu.memory_space<vmem>>, vector<32xbf16>,
        %sub3A_2575 = arith.subf %get3A_2571, %get3A_2574 : vector<32xbf16>
        %mul3A_2576 = arith.mulf %sub3A_2575, %sub3A_2575 : vector<32xbf16>
        %add3A_2577 = arith.addf %add3A_2457, %mul3A_2576 : vector<32xbf16>
        %mul3A_2578 = arith.constant 16 : i32
        %mul3A_2579 = arith.muli %scan3A_1672, %mul3A_2578 : i32
        %add3A_2580 = arith.constant 8 : i32
        %add3A_2581 = arith.addi %mul3A_2579, %add3A_2580 : i32
        %add3A_2582 = arith.constant 3 : i32
        %add3A_2583 = arith.addi %add3A_2581, %add3A_2582 : i32
        %get3A_2584 = arith.index_cast %add3A_2583 : i32 to index
        %get3A_2585 = arith.constant 96 : index
        %get3A_2586 = tpu.vector_load %arg10[%get3A_2584, %get3A_2585] {strides = array<i32>} : memref<80x128xbf16, #tpu.memory_space<vmem>>, vector<32xbf16>,
        %get3A_2587 = arith.index_cast %add3A_2583 : i32 to index
        %get3A_2588 = arith.constant 96 : index
        %get3A_2589 = tpu.vector_load %arg11[%get3A_2587, %get3A_2588] {strides = array<i32>} : memref<80x128xbf16, #tpu.memory_space<vmem>>, vector<32xbf16>,
        %sub3A_2590 = arith.subf %get3A_2586, %get3A_2589 : vector<32xbf16>
        %mul3A_2591 = arith.mulf %sub3A_2590, %sub3A_2590 : vector<32xbf16>
        %add3A_2592 = arith.addf %add3A_2472, %mul3A_2591 : vector<32xbf16>
        %mul3A_2593 = arith.constant 16 : i32
        %mul3A_2594 = arith.muli %scan3A_1672, %mul3A_2593 : i32
        %add3A_2595 = arith.constant 8 : i32
        %add3A_2596 = arith.addi %mul3A_2594, %add3A_2595 : i32
        %add3A_2597 = arith.constant 4 : i32
        %add3A_2598 = arith.addi %add3A_2596, %add3A_2597 : i32
        %get3A_2599 = arith.index_cast %add3A_2598 : i32 to index
        %get3A_2600 = arith.constant 96 : index
        %get3A_2601 = tpu.vector_load %arg10[%get3A_2599, %get3A_2600] {strides = array<i32>} : memref<80x128xbf16, #tpu.memory_space<vmem>>, vector<32xbf16>,
        %get3A_2602 = arith.index_cast %add3A_2598 : i32 to index
        %get3A_2603 = arith.constant 96 : index
        %get3A_2604 = tpu.vector_load %arg11[%get3A_2602, %get3A_2603] {strides = array<i32>} : memref<80x128xbf16, #tpu.memory_space<vmem>>, vector<32xbf16>,
        %sub3A_2605 = arith.subf %get3A_2601, %get3A_2604 : vector<32xbf16>
        %mul3A_2606 = arith.mulf %sub3A_2605, %sub3A_2605 : vector<32xbf16>
        %add3A_2607 = arith.addf %add3A_2487, %mul3A_2606 : vector<32xbf16>
        %mul3A_2608 = arith.constant 16 : i32
        %mul3A_2609 = arith.muli %scan3A_1672, %mul3A_2608 : i32
        %add3A_2610 = arith.constant 8 : i32
        %add3A_2611 = arith.addi %mul3A_2609, %add3A_2610 : i32
        %add3A_2612 = arith.constant 5 : i32
        %add3A_2613 = arith.addi %add3A_2611, %add3A_2612 : i32
        %get3A_2614 = arith.index_cast %add3A_2613 : i32 to index
        %get3A_2615 = arith.constant 96 : index
        %get3A_2616 = tpu.vector_load %arg10[%get3A_2614, %get3A_2615] {strides = array<i32>} : memref<80x128xbf16, #tpu.memory_space<vmem>>, vector<32xbf16>,
        %get3A_2617 = arith.index_cast %add3A_2613 : i32 to index
        %get3A_2618 = arith.constant 96 : index
        %get3A_2619 = tpu.vector_load %arg11[%get3A_2617, %get3A_2618] {strides = array<i32>} : memref<80x128xbf16, #tpu.memory_space<vmem>>, vector<32xbf16>,
        %sub3A_2620 = arith.subf %get3A_2616, %get3A_2619 : vector<32xbf16>
        %mul3A_2621 = arith.mulf %sub3A_2620, %sub3A_2620 : vector<32xbf16>
        %add3A_2622 = arith.addf %add3A_2502, %mul3A_2621 : vector<32xbf16>
        %mul3A_2623 = arith.constant 16 : i32
        %mul3A_2624 = arith.muli %scan3A_1672, %mul3A_2623 : i32
        %add3A_2625 = arith.constant 8 : i32
        %add3A_2626 = arith.addi %mul3A_2624, %add3A_2625 : i32
        %add3A_2627 = arith.constant 6 : i32
        %add3A_2628 = arith.addi %add3A_2626, %add3A_2627 : i32
        %get3A_2629 = arith.index_cast %add3A_2628 : i32 to index
        %get3A_2630 = arith.constant 96 : index
        %get3A_2631 = tpu.vector_load %arg10[%get3A_2629, %get3A_2630] {strides = array<i32>} : memref<80x128xbf16, #tpu.memory_space<vmem>>, vector<32xbf16>,
        %get3A_2632 = arith.index_cast %add3A_2628 : i32 to index
        %get3A_2633 = arith.constant 96 : index
        %get3A_2634 = tpu.vector_load %arg11[%get3A_2632, %get3A_2633] {strides = array<i32>} : memref<80x128xbf16, #tpu.memory_space<vmem>>, vector<32xbf16>,
        %sub3A_2635 = arith.subf %get3A_2631, %get3A_2634 : vector<32xbf16>
        %mul3A_2636 = arith.mulf %sub3A_2635, %sub3A_2635 : vector<32xbf16>
        %add3A_2637 = arith.addf %add3A_2517, %mul3A_2636 : vector<32xbf16>
        %mul3A_2638 = arith.constant 16 : i32
        %mul3A_2639 = arith.muli %scan3A_1672, %mul3A_2638 : i32
        %add3A_2640 = arith.constant 8 : i32
        %add3A_2641 = arith.addi %mul3A_2639, %add3A_2640 : i32
        %add3A_2642 = arith.constant 7 : i32
        %add3A_2643 = arith.addi %add3A_2641, %add3A_2642 : i32
        %get3A_2644 = arith.index_cast %add3A_2643 : i32 to index
        %get3A_2645 = arith.constant 96 : index
        %get3A_2646 = tpu.vector_load %arg10[%get3A_2644, %get3A_2645] {strides = array<i32>} : memref<80x128xbf16, #tpu.memory_space<vmem>>, vector<32xbf16>,
        %get3A_2647 = arith.index_cast %add3A_2643 : i32 to index
        %get3A_2648 = arith.constant 96 : index
        %get3A_2649 = tpu.vector_load %arg11[%get3A_2647, %get3A_2648] {strides = array<i32>} : memref<80x128xbf16, #tpu.memory_space<vmem>>, vector<32xbf16>,
        %sub3A_2650 = arith.subf %get3A_2646, %get3A_2649 : vector<32xbf16>
        %mul3A_2651 = arith.mulf %sub3A_2650, %sub3A_2650 : vector<32xbf16>
        %add3A_2652 = arith.addf %add3A_2532, %mul3A_2651 : vector<32xbf16>
        %add3A_2653 = arith.constant 8 : i32
        %add3A_2654 = vector.broadcast %add3A_2653 : i32 to vector<16xi32>
        %add3A_2655 = arith.addi %add3A_1676, %add3A_2654 : vector<16xi32>
        %bitcast3A_2656 = vector.bitcast %add3A_2547 : vector<32xbf16> to vector<16xi32>
        tpu.vector_store_idx %arg12[%add3A_2655], %bitcast3A_2656 : memref<1280xi32, #tpu.memory_space<vmem>>[vector<16xi32>], vector<16xi32>,
        %add3A_2657 = arith.constant 9 : i32
        %add3A_2658 = vector.broadcast %add3A_2657 : i32 to vector<16xi32>
        %add3A_2659 = arith.addi %add3A_1676, %add3A_2658 : vector<16xi32>
        %bitcast3A_2660 = vector.bitcast %add3A_2562 : vector<32xbf16> to vector<16xi32>
        tpu.vector_store_idx %arg12[%add3A_2659], %bitcast3A_2660 : memref<1280xi32, #tpu.memory_space<vmem>>[vector<16xi32>], vector<16xi32>,
        %add3A_2661 = arith.constant 10 : i32
        %add3A_2662 = vector.broadcast %add3A_2661 : i32 to vector<16xi32>
        %add3A_2663 = arith.addi %add3A_1676, %add3A_2662 : vector<16xi32>
        %bitcast3A_2664 = vector.bitcast %add3A_2577 : vector<32xbf16> to vector<16xi32>
        tpu.vector_store_idx %arg12[%add3A_2663], %bitcast3A_2664 : memref<1280xi32, #tpu.memory_space<vmem>>[vector<16xi32>], vector<16xi32>,
        %add3A_2665 = arith.constant 11 : i32
        %add3A_2666 = vector.broadcast %add3A_2665 : i32 to vector<16xi32>
        %add3A_2667 = arith.addi %add3A_1676, %add3A_2666 : vector<16xi32>
        %bitcast3A_2668 = vector.bitcast %add3A_2592 : vector<32xbf16> to vector<16xi32>
        tpu.vector_store_idx %arg12[%add3A_2667], %bitcast3A_2668 : memref<1280xi32, #tpu.memory_space<vmem>>[vector<16xi32>], vector<16xi32>,
        %add3A_2669 = arith.constant 12 : i32
        %add3A_2670 = vector.broadcast %add3A_2669 : i32 to vector<16xi32>
        %add3A_2671 = arith.addi %add3A_1676, %add3A_2670 : vector<16xi32>
        %bitcast3A_2672 = vector.bitcast %add3A_2607 : vector<32xbf16> to vector<16xi32>
        tpu.vector_store_idx %arg12[%add3A_2671], %bitcast3A_2672 : memref<1280xi32, #tpu.memory_space<vmem>>[vector<16xi32>], vector<16xi32>,
        %add3A_2673 = arith.constant 13 : i32
        %add3A_2674 = vector.broadcast %add3A_2673 : i32 to vector<16xi32>
        %add3A_2675 = arith.addi %add3A_1676, %add3A_2674 : vector<16xi32>
        %bitcast3A_2676 = vector.bitcast %add3A_2622 : vector<32xbf16> to vector<16xi32>
        tpu.vector_store_idx %arg12[%add3A_2675], %bitcast3A_2676 : memref<1280xi32, #tpu.memory_space<vmem>>[vector<16xi32>], vector<16xi32>,
        %add3A_2677 = arith.constant 14 : i32
        %add3A_2678 = vector.broadcast %add3A_2677 : i32 to vector<16xi32>
        %add3A_2679 = arith.addi %add3A_1676, %add3A_2678 : vector<16xi32>
        %bitcast3A_2680 = vector.bitcast %add3A_2637 : vector<32xbf16> to vector<16xi32>
        tpu.vector_store_idx %arg12[%add3A_2679], %bitcast3A_2680 : memref<1280xi32, #tpu.memory_space<vmem>>[vector<16xi32>], vector<16xi32>,
        %add3A_2681 = arith.constant 15 : i32
        %add3A_2682 = vector.broadcast %add3A_2681 : i32 to vector<16xi32>
        %add3A_2683 = arith.addi %add3A_1676, %add3A_2682 : vector<16xi32>
        %bitcast3A_2684 = vector.bitcast %add3A_2652 : vector<32xbf16> to vector<16xi32>
        tpu.vector_store_idx %arg12[%add3A_2683], %bitcast3A_2684 : memref<1280xi32, #tpu.memory_space<vmem>>[vector<16xi32>], vector<16xi32>,
      }
      %scan3A_1141 = arith.constant 5 : i32
      %get3A_1142 = arith.constant 0 : index
      %get3A_1143 = tpu.vector_load %arg12[%get3A_1142] {strides = array<i32>} : memref<1280xi32, #tpu.memory_space<vmem>>, vector<16xi32>,
      %bitcast3A_1144 = vector.bitcast %get3A_1143 : vector<16xi32> to vector<32xbf16>
      %get3A_1145 = arith.constant 16 : index
      %get3A_1146 = tpu.vector_load %arg12[%get3A_1145] {strides = array<i32>} : memref<1280xi32, #tpu.memory_space<vmem>>, vector<16xi32>,
      %bitcast3A_1147 = vector.bitcast %get3A_1146 : vector<16xi32> to vector<32xbf16>
      %get3A_1148 = arith.constant 32 : index
      %get3A_1149 = tpu.vector_load %arg12[%get3A_1148] {strides = array<i32>} : memref<1280xi32, #tpu.memory_space<vmem>>, vector<16xi32>,
      %bitcast3A_1150 = vector.bitcast %get3A_1149 : vector<16xi32> to vector<32xbf16>
      %get3A_1151 = arith.constant 48 : index
      %get3A_1152 = tpu.vector_load %arg12[%get3A_1151] {strides = array<i32>} : memref<1280xi32, #tpu.memory_space<vmem>>, vector<16xi32>,
      %bitcast3A_1153 = vector.bitcast %get3A_1152 : vector<16xi32> to vector<32xbf16>
      %get3A_1154 = arith.constant 64 : index
      %get3A_1155 = tpu.vector_load %arg12[%get3A_1154] {strides = array<i32>} : memref<1280xi32, #tpu.memory_space<vmem>>, vector<16xi32>,
      %bitcast3A_1156 = vector.bitcast %get3A_1155 : vector<16xi32> to vector<32xbf16>
      %get3A_1157 = arith.constant 80 : index
      %get3A_1158 = tpu.vector_load %arg12[%get3A_1157] {strides = array<i32>} : memref<1280xi32, #tpu.memory_space<vmem>>, vector<16xi32>,
      %bitcast3A_1159 = vector.bitcast %get3A_1158 : vector<16xi32> to vector<32xbf16>
      %get3A_1160 = arith.constant 96 : index
      %get3A_1161 = tpu.vector_load %arg12[%get3A_1160] {strides = array<i32>} : memref<1280xi32, #tpu.memory_space<vmem>>, vector<16xi32>,
      %bitcast3A_1162 = vector.bitcast %get3A_1161 : vector<16xi32> to vector<32xbf16>
      %get3A_1163 = arith.constant 112 : index
      %get3A_1164 = tpu.vector_load %arg12[%get3A_1163] {strides = array<i32>} : memref<1280xi32, #tpu.memory_space<vmem>>, vector<16xi32>,
      %bitcast3A_1165 = vector.bitcast %get3A_1164 : vector<16xi32> to vector<32xbf16>
      %get3A_1166 = arith.constant 128 : index
      %get3A_1167 = tpu.vector_load %arg12[%get3A_1166] {strides = array<i32>} : memref<1280xi32, #tpu.memory_space<vmem>>, vector<16xi32>,
      %bitcast3A_1168 = vector.bitcast %get3A_1167 : vector<16xi32> to vector<32xbf16>
      %get3A_1169 = arith.constant 144 : index
      %get3A_1170 = tpu.vector_load %arg12[%get3A_1169] {strides = array<i32>} : memref<1280xi32, #tpu.memory_space<vmem>>, vector<16xi32>,
      %bitcast3A_1171 = vector.bitcast %get3A_1170 : vector<16xi32> to vector<32xbf16>
      %get3A_1172 = arith.constant 160 : index
      %get3A_1173 = tpu.vector_load %arg12[%get3A_1172] {strides = array<i32>} : memref<1280xi32, #tpu.memory_space<vmem>>, vector<16xi32>,
      %bitcast3A_1174 = vector.bitcast %get3A_1173 : vector<16xi32> to vector<32xbf16>
      %get3A_1175 = arith.constant 176 : index
      %get3A_1176 = tpu.vector_load %arg12[%get3A_1175] {strides = array<i32>} : memref<1280xi32, #tpu.memory_space<vmem>>, vector<16xi32>,
      %bitcast3A_1177 = vector.bitcast %get3A_1176 : vector<16xi32> to vector<32xbf16>
      %get3A_1178 = arith.constant 192 : index
      %get3A_1179 = tpu.vector_load %arg12[%get3A_1178] {strides = array<i32>} : memref<1280xi32, #tpu.memory_space<vmem>>, vector<16xi32>,
      %bitcast3A_1180 = vector.bitcast %get3A_1179 : vector<16xi32> to vector<32xbf16>
      %get3A_1181 = arith.constant 208 : index
      %get3A_1182 = tpu.vector_load %arg12[%get3A_1181] {strides = array<i32>} : memref<1280xi32, #tpu.memory_space<vmem>>, vector<16xi32>,
      %bitcast3A_1183 = vector.bitcast %get3A_1182 : vector<16xi32> to vector<32xbf16>
      %get3A_1184 = arith.constant 224 : index
      %get3A_1185 = tpu.vector_load %arg12[%get3A_1184] {strides = array<i32>} : memref<1280xi32, #tpu.memory_space<vmem>>, vector<16xi32>,
      %bitcast3A_1186 = vector.bitcast %get3A_1185 : vector<16xi32> to vector<32xbf16>
      %get3A_1187 = arith.constant 240 : index
      %get3A_1188 = tpu.vector_load %arg12[%get3A_1187] {strides = array<i32>} : memref<1280xi32, #tpu.memory_space<vmem>>, vector<16xi32>,
      %bitcast3A_1189 = vector.bitcast %get3A_1188 : vector<16xi32> to vector<32xbf16>
      %add3A_1190 = arith.addf %bitcast3A_1144, %bitcast3A_1147 : vector<32xbf16>
      %add3A_1191 = arith.addf %bitcast3A_1150, %bitcast3A_1153 : vector<32xbf16>
      %add3A_1192 = arith.addf %bitcast3A_1156, %bitcast3A_1159 : vector<32xbf16>
      %add3A_1193 = arith.addf %bitcast3A_1162, %bitcast3A_1165 : vector<32xbf16>
      %add3A_1194 = arith.addf %bitcast3A_1168, %bitcast3A_1171 : vector<32xbf16>
      %add3A_1195 = arith.addf %bitcast3A_1174, %bitcast3A_1177 : vector<32xbf16>
      %add3A_1196 = arith.addf %bitcast3A_1180, %bitcast3A_1183 : vector<32xbf16>
      %add3A_1197 = arith.addf %bitcast3A_1186, %bitcast3A_1189 : vector<32xbf16>
      %add3A_1198 = arith.addf %add3A_1190, %add3A_1191 : vector<32xbf16>
      %add3A_1199 = arith.addf %add3A_1192, %add3A_1193 : vector<32xbf16>
      %add3A_1200 = arith.addf %add3A_1194, %add3A_1195 : vector<32xbf16>
      %add3A_1201 = arith.addf %add3A_1196, %add3A_1197 : vector<32xbf16>
      %add3A_1202 = arith.addf %add3A_1198, %add3A_1199 : vector<32xbf16>
      %add3A_1203 = arith.addf %add3A_1200, %add3A_1201 : vector<32xbf16>
      %add3A_1204 = arith.addf %add3A_1202, %add3A_1203 : vector<32xbf16>
      %unpack3A_1205 = tpu.unpack_subelements %add3A_1204, 0 {pack_format = #tpu.pack_format<interleaved>} : vector<32xbf16> -> vector<16xf32>
      %unpack3A_1206 = tpu.unpack_subelements %add3A_1204, 1 {pack_format = #tpu.pack_format<interleaved>} : vector<32xbf16> -> vector<16xf32>
      %add3A_1207 = arith.addf %unpack3A_1205, %unpack3A_1206 : vector<16xf32>
      %add3A_1208 = arith.constant 1.280000e-10 : f32
      %add3A_1209 = vector.broadcast %add3A_1208 : f32 to vector<16xf32>
      %add3A_1210 = arith.addf %add3A_1207, %add3A_1209 : vector<16xf32>
      %bitcast3A_1211 = vector.bitcast %add3A_1210 : vector<16xf32> to vector<16xi32>
      %shift_right_arithmetic3A_1212 = arith.constant 1 : i32
      %shift_right_arithmetic3A_1213 = vector.broadcast %shift_right_arithmetic3A_1212 : i32 to vector<16xi32>
      %shift_right_arithmetic3A_1214 = arith.shrsi %bitcast3A_1211, %shift_right_arithmetic3A_1213 : vector<16xi32>
      %sub3A_1215 = arith.constant 1597463007 : i32
      %sub3A_1216 = vector.broadcast %sub3A_1215 : i32 to vector<16xi32>
      %sub3A_1217 = arith.subi %sub3A_1216, %shift_right_arithmetic3A_1214 : vector<16xi32>
      %bitcast3A_1218 = vector.bitcast %sub3A_1217 : vector<16xi32> to vector<16xf32>
      %mul3A_1219 = arith.constant 5.000000e-01 : f32
      %mul3A_1220 = vector.broadcast %mul3A_1219 : f32 to vector<16xf32>
      %mul3A_1221 = arith.mulf %mul3A_1220, %add3A_1210 : vector<16xf32>
      %mul3A_1222 = arith.mulf %mul3A_1221, %bitcast3A_1218 : vector<16xf32>
      %mul3A_1223 = arith.mulf %mul3A_1222, %bitcast3A_1218 : vector<16xf32>
      %sub3A_1224 = arith.constant 1.500000e+00 : f32
      %sub3A_1225 = vector.broadcast %sub3A_1224 : f32 to vector<16xf32>
      %sub3A_1226 = arith.subf %sub3A_1225, %mul3A_1223 : vector<16xf32>
      %mul3A_1227 = arith.mulf %bitcast3A_1218, %sub3A_1226 : vector<16xf32>
      %mul3A_1228 = arith.constant 5.000000e-01 : f32
      %mul3A_1229 = vector.broadcast %mul3A_1228 : f32 to vector<16xf32>
      %mul3A_1230 = arith.mulf %mul3A_1229, %add3A_1210 : vector<16xf32>
      %mul3A_1231 = arith.mulf %mul3A_1230, %mul3A_1227 : vector<16xf32>
      %mul3A_1232 = arith.mulf %mul3A_1231, %mul3A_1227 : vector<16xf32>
      %sub3A_1233 = arith.constant 1.500000e+00 : f32
      %sub3A_1234 = vector.broadcast %sub3A_1233 : f32 to vector<16xf32>
      %sub3A_1235 = arith.subf %sub3A_1234, %mul3A_1232 : vector<16xf32>
      %mul3A_1236 = arith.mulf %mul3A_1227, %sub3A_1235 : vector<16xf32>
      %mul3A_1237 = arith.mulf %add3A_1210, %mul3A_1236 : vector<16xf32>
      %neg3A_1238 = arith.constant 0.000000e+00 : f32
      %neg3A_1239 = vector.broadcast %neg3A_1238 : f32 to vector<16xf32>
      %neg3A_1240 = arith.subf %neg3A_1239, %mul3A_1237 : vector<16xf32>
      %exp3A_1241 = math.exp %neg3A_1240 : vector<16xf32>
      %mul3A_1242 = arith.constant 80 : i32
      %mul3A_1243 = arith.muli %add3A_1131, %mul3A_1242 : i32
      %add3A_1244 = arith.constant 0 : i32
      %add3A_1245 = arith.addi %mul3A_1243, %add3A_1244 : i32
      %swap3A_1246 = arith.index_cast %add3A_1245 : i32 to index
      %swap3A_1247 = tpu.vector_load %arg13[%swap3A_1246] {strides = array<i32>} : memref<10000xf32, #tpu.memory_space<vmem>>, vector<16xf32>,
      tpu.vector_store %arg13[%swap3A_1246], %exp3A_1241 {strides = array<i32>} : memref<10000xf32, #tpu.memory_space<vmem>>, vector<16xf32>,
      %get3A_1248 = arith.constant 256 : index
      %get3A_1249 = tpu.vector_load %arg12[%get3A_1248] {strides = array<i32>} : memref<1280xi32, #tpu.memory_space<vmem>>, vector<16xi32>,
      %bitcast3A_1250 = vector.bitcast %get3A_1249 : vector<16xi32> to vector<32xbf16>
      %get3A_1251 = arith.constant 272 : index
      %get3A_1252 = tpu.vector_load %arg12[%get3A_1251] {strides = array<i32>} : memref<1280xi32, #tpu.memory_space<vmem>>, vector<16xi32>,
      %bitcast3A_1253 = vector.bitcast %get3A_1252 : vector<16xi32> to vector<32xbf16>
      %get3A_1254 = arith.constant 288 : index
      %get3A_1255 = tpu.vector_load %arg12[%get3A_1254] {strides = array<i32>} : memref<1280xi32, #tpu.memory_space<vmem>>, vector<16xi32>,
      %bitcast3A_1256 = vector.bitcast %get3A_1255 : vector<16xi32> to vector<32xbf16>
      %get3A_1257 = arith.constant 304 : index
      %get3A_1258 = tpu.vector_load %arg12[%get3A_1257] {strides = array<i32>} : memref<1280xi32, #tpu.memory_space<vmem>>, vector<16xi32>,
      %bitcast3A_1259 = vector.bitcast %get3A_1258 : vector<16xi32> to vector<32xbf16>
      %get3A_1260 = arith.constant 320 : index
      %get3A_1261 = tpu.vector_load %arg12[%get3A_1260] {strides = array<i32>} : memref<1280xi32, #tpu.memory_space<vmem>>, vector<16xi32>,
      %bitcast3A_1262 = vector.bitcast %get3A_1261 : vector<16xi32> to vector<32xbf16>
      %get3A_1263 = arith.constant 336 : index
      %get3A_1264 = tpu.vector_load %arg12[%get3A_1263] {strides = array<i32>} : memref<1280xi32, #tpu.memory_space<vmem>>, vector<16xi32>,
      %bitcast3A_1265 = vector.bitcast %get3A_1264 : vector<16xi32> to vector<32xbf16>
      %get3A_1266 = arith.constant 352 : index
      %get3A_1267 = tpu.vector_load %arg12[%get3A_1266] {strides = array<i32>} : memref<1280xi32, #tpu.memory_space<vmem>>, vector<16xi32>,
      %bitcast3A_1268 = vector.bitcast %get3A_1267 : vector<16xi32> to vector<32xbf16>
      %get3A_1269 = arith.constant 368 : index
      %get3A_1270 = tpu.vector_load %arg12[%get3A_1269] {strides = array<i32>} : memref<1280xi32, #tpu.memory_space<vmem>>, vector<16xi32>,
      %bitcast3A_1271 = vector.bitcast %get3A_1270 : vector<16xi32> to vector<32xbf16>
      %get3A_1272 = arith.constant 384 : index
      %get3A_1273 = tpu.vector_load %arg12[%get3A_1272] {strides = array<i32>} : memref<1280xi32, #tpu.memory_space<vmem>>, vector<16xi32>,
      %bitcast3A_1274 = vector.bitcast %get3A_1273 : vector<16xi32> to vector<32xbf16>
      %get3A_1275 = arith.constant 400 : index
      %get3A_1276 = tpu.vector_load %arg12[%get3A_1275] {strides = array<i32>} : memref<1280xi32, #tpu.memory_space<vmem>>, vector<16xi32>,
      %bitcast3A_1277 = vector.bitcast %get3A_1276 : vector<16xi32> to vector<32xbf16>
      %get3A_1278 = arith.constant 416 : index
      %get3A_1279 = tpu.vector_load %arg12[%get3A_1278] {strides = array<i32>} : memref<1280xi32, #tpu.memory_space<vmem>>, vector<16xi32>,
      %bitcast3A_1280 = vector.bitcast %get3A_1279 : vector<16xi32> to vector<32xbf16>
      %get3A_1281 = arith.constant 432 : index
      %get3A_1282 = tpu.vector_load %arg12[%get3A_1281] {strides = array<i32>} : memref<1280xi32, #tpu.memory_space<vmem>>, vector<16xi32>,
      %bitcast3A_1283 = vector.bitcast %get3A_1282 : vector<16xi32> to vector<32xbf16>
      %get3A_1284 = arith.constant 448 : index
      %get3A_1285 = tpu.vector_load %arg12[%get3A_1284] {strides = array<i32>} : memref<1280xi32, #tpu.memory_space<vmem>>, vector<16xi32>,
      %bitcast3A_1286 = vector.bitcast %get3A_1285 : vector<16xi32> to vector<32xbf16>
      %get3A_1287 = arith.constant 464 : index
      %get3A_1288 = tpu.vector_load %arg12[%get3A_1287] {strides = array<i32>} : memref<1280xi32, #tpu.memory_space<vmem>>, vector<16xi32>,
      %bitcast3A_1289 = vector.bitcast %get3A_1288 : vector<16xi32> to vector<32xbf16>
      %get3A_1290 = arith.constant 480 : index
      %get3A_1291 = tpu.vector_load %arg12[%get3A_1290] {strides = array<i32>} : memref<1280xi32, #tpu.memory_space<vmem>>, vector<16xi32>,
      %bitcast3A_1292 = vector.bitcast %get3A_1291 : vector<16xi32> to vector<32xbf16>
      %get3A_1293 = arith.constant 496 : index
      %get3A_1294 = tpu.vector_load %arg12[%get3A_1293] {strides = array<i32>} : memref<1280xi32, #tpu.memory_space<vmem>>, vector<16xi32>,
      %bitcast3A_1295 = vector.bitcast %get3A_1294 : vector<16xi32> to vector<32xbf16>
      %add3A_1296 = arith.addf %bitcast3A_1250, %bitcast3A_1253 : vector<32xbf16>
      %add3A_1297 = arith.addf %bitcast3A_1256, %bitcast3A_1259 : vector<32xbf16>
      %add3A_1298 = arith.addf %bitcast3A_1262, %bitcast3A_1265 : vector<32xbf16>
      %add3A_1299 = arith.addf %bitcast3A_1268, %bitcast3A_1271 : vector<32xbf16>
      %add3A_1300 = arith.addf %bitcast3A_1274, %bitcast3A_1277 : vector<32xbf16>
      %add3A_1301 = arith.addf %bitcast3A_1280, %bitcast3A_1283 : vector<32xbf16>
      %add3A_1302 = arith.addf %bitcast3A_1286, %bitcast3A_1289 : vector<32xbf16>
      %add3A_1303 = arith.addf %bitcast3A_1292, %bitcast3A_1295 : vector<32xbf16>
      %add3A_1304 = arith.addf %add3A_1296, %add3A_1297 : vector<32xbf16>
      %add3A_1305 = arith.addf %add3A_1298, %add3A_1299 : vector<32xbf16>
      %add3A_1306 = arith.addf %add3A_1300, %add3A_1301 : vector<32xbf16>
      %add3A_1307 = arith.addf %add3A_1302, %add3A_1303 : vector<32xbf16>
      %add3A_1308 = arith.addf %add3A_1304, %add3A_1305 : vector<32xbf16>
      %add3A_1309 = arith.addf %add3A_1306, %add3A_1307 : vector<32xbf16>
      %add3A_1310 = arith.addf %add3A_1308, %add3A_1309 : vector<32xbf16>
      %unpack3A_1311 = tpu.unpack_subelements %add3A_1310, 0 {pack_format = #tpu.pack_format<interleaved>} : vector<32xbf16> -> vector<16xf32>
      %unpack3A_1312 = tpu.unpack_subelements %add3A_1310, 1 {pack_format = #tpu.pack_format<interleaved>} : vector<32xbf16> -> vector<16xf32>
      %add3A_1313 = arith.addf %unpack3A_1311, %unpack3A_1312 : vector<16xf32>
      %add3A_1314 = arith.constant 1.280000e-10 : f32
      %add3A_1315 = vector.broadcast %add3A_1314 : f32 to vector<16xf32>
      %add3A_1316 = arith.addf %add3A_1313, %add3A_1315 : vector<16xf32>
      %bitcast3A_1317 = vector.bitcast %add3A_1316 : vector<16xf32> to vector<16xi32>
      %shift_right_arithmetic3A_1318 = arith.constant 1 : i32
      %shift_right_arithmetic3A_1319 = vector.broadcast %shift_right_arithmetic3A_1318 : i32 to vector<16xi32>
      %shift_right_arithmetic3A_1320 = arith.shrsi %bitcast3A_1317, %shift_right_arithmetic3A_1319 : vector<16xi32>
      %sub3A_1321 = arith.constant 1597463007 : i32
      %sub3A_1322 = vector.broadcast %sub3A_1321 : i32 to vector<16xi32>
      %sub3A_1323 = arith.subi %sub3A_1322, %shift_right_arithmetic3A_1320 : vector<16xi32>
      %bitcast3A_1324 = vector.bitcast %sub3A_1323 : vector<16xi32> to vector<16xf32>
      %mul3A_1325 = arith.constant 5.000000e-01 : f32
      %mul3A_1326 = vector.broadcast %mul3A_1325 : f32 to vector<16xf32>
      %mul3A_1327 = arith.mulf %mul3A_1326, %add3A_1316 : vector<16xf32>
      %mul3A_1328 = arith.mulf %mul3A_1327, %bitcast3A_1324 : vector<16xf32>
      %mul3A_1329 = arith.mulf %mul3A_1328, %bitcast3A_1324 : vector<16xf32>
      %sub3A_1330 = arith.constant 1.500000e+00 : f32
      %sub3A_1331 = vector.broadcast %sub3A_1330 : f32 to vector<16xf32>
      %sub3A_1332 = arith.subf %sub3A_1331, %mul3A_1329 : vector<16xf32>
      %mul3A_1333 = arith.mulf %bitcast3A_1324, %sub3A_1332 : vector<16xf32>
      %mul3A_1334 = arith.constant 5.000000e-01 : f32
      %mul3A_1335 = vector.broadcast %mul3A_1334 : f32 to vector<16xf32>
      %mul3A_1336 = arith.mulf %mul3A_1335, %add3A_1316 : vector<16xf32>
      %mul3A_1337 = arith.mulf %mul3A_1336, %mul3A_1333 : vector<16xf32>
      %mul3A_1338 = arith.mulf %mul3A_1337, %mul3A_1333 : vector<16xf32>
      %sub3A_1339 = arith.constant 1.500000e+00 : f32
      %sub3A_1340 = vector.broadcast %sub3A_1339 : f32 to vector<16xf32>
      %sub3A_1341 = arith.subf %sub3A_1340, %mul3A_1338 : vector<16xf32>
      %mul3A_1342 = arith.mulf %mul3A_1333, %sub3A_1341 : vector<16xf32>
      %mul3A_1343 = arith.mulf %add3A_1316, %mul3A_1342 : vector<16xf32>
      %neg3A_1344 = arith.constant 0.000000e+00 : f32
      %neg3A_1345 = vector.broadcast %neg3A_1344 : f32 to vector<16xf32>
      %neg3A_1346 = arith.subf %neg3A_1345, %mul3A_1343 : vector<16xf32>
      %exp3A_1347 = math.exp %neg3A_1346 : vector<16xf32>
      %mul3A_1348 = arith.constant 80 : i32
      %mul3A_1349 = arith.muli %add3A_1131, %mul3A_1348 : i32
      %add3A_1350 = arith.constant 16 : i32
      %add3A_1351 = arith.addi %mul3A_1349, %add3A_1350 : i32
      %swap3A_1352 = arith.index_cast %add3A_1351 : i32 to index
      %swap3A_1353 = tpu.vector_load %arg13[%swap3A_1352] {strides = array<i32>} : memref<10000xf32, #tpu.memory_space<vmem>>, vector<16xf32>,
      tpu.vector_store %arg13[%swap3A_1352], %exp3A_1347 {strides = array<i32>} : memref<10000xf32, #tpu.memory_space<vmem>>, vector<16xf32>,
      %get3A_1354 = arith.constant 512 : index
      %get3A_1355 = tpu.vector_load %arg12[%get3A_1354] {strides = array<i32>} : memref<1280xi32, #tpu.memory_space<vmem>>, vector<16xi32>,
      %bitcast3A_1356 = vector.bitcast %get3A_1355 : vector<16xi32> to vector<32xbf16>
      %get3A_1357 = arith.constant 528 : index
      %get3A_1358 = tpu.vector_load %arg12[%get3A_1357] {strides = array<i32>} : memref<1280xi32, #tpu.memory_space<vmem>>, vector<16xi32>,
      %bitcast3A_1359 = vector.bitcast %get3A_1358 : vector<16xi32> to vector<32xbf16>
      %get3A_1360 = arith.constant 544 : index
      %get3A_1361 = tpu.vector_load %arg12[%get3A_1360] {strides = array<i32>} : memref<1280xi32, #tpu.memory_space<vmem>>, vector<16xi32>,
      %bitcast3A_1362 = vector.bitcast %get3A_1361 : vector<16xi32> to vector<32xbf16>
      %get3A_1363 = arith.constant 560 : index
      %get3A_1364 = tpu.vector_load %arg12[%get3A_1363] {strides = array<i32>} : memref<1280xi32, #tpu.memory_space<vmem>>, vector<16xi32>,
      %bitcast3A_1365 = vector.bitcast %get3A_1364 : vector<16xi32> to vector<32xbf16>
      %get3A_1366 = arith.constant 576 : index
      %get3A_1367 = tpu.vector_load %arg12[%get3A_1366] {strides = array<i32>} : memref<1280xi32, #tpu.memory_space<vmem>>, vector<16xi32>,
      %bitcast3A_1368 = vector.bitcast %get3A_1367 : vector<16xi32> to vector<32xbf16>
      %get3A_1369 = arith.constant 592 : index
      %get3A_1370 = tpu.vector_load %arg12[%get3A_1369] {strides = array<i32>} : memref<1280xi32, #tpu.memory_space<vmem>>, vector<16xi32>,
      %bitcast3A_1371 = vector.bitcast %get3A_1370 : vector<16xi32> to vector<32xbf16>
      %get3A_1372 = arith.constant 608 : index
      %get3A_1373 = tpu.vector_load %arg12[%get3A_1372] {strides = array<i32>} : memref<1280xi32, #tpu.memory_space<vmem>>, vector<16xi32>,
      %bitcast3A_1374 = vector.bitcast %get3A_1373 : vector<16xi32> to vector<32xbf16>
      %get3A_1375 = arith.constant 624 : index
      %get3A_1376 = tpu.vector_load %arg12[%get3A_1375] {strides = array<i32>} : memref<1280xi32, #tpu.memory_space<vmem>>, vector<16xi32>,
      %bitcast3A_1377 = vector.bitcast %get3A_1376 : vector<16xi32> to vector<32xbf16>
      %get3A_1378 = arith.constant 640 : index
      %get3A_1379 = tpu.vector_load %arg12[%get3A_1378] {strides = array<i32>} : memref<1280xi32, #tpu.memory_space<vmem>>, vector<16xi32>,
      %bitcast3A_1380 = vector.bitcast %get3A_1379 : vector<16xi32> to vector<32xbf16>
      %get3A_1381 = arith.constant 656 : index
      %get3A_1382 = tpu.vector_load %arg12[%get3A_1381] {strides = array<i32>} : memref<1280xi32, #tpu.memory_space<vmem>>, vector<16xi32>,
      %bitcast3A_1383 = vector.bitcast %get3A_1382 : vector<16xi32> to vector<32xbf16>
      %get3A_1384 = arith.constant 672 : index
      %get3A_1385 = tpu.vector_load %arg12[%get3A_1384] {strides = array<i32>} : memref<1280xi32, #tpu.memory_space<vmem>>, vector<16xi32>,
      %bitcast3A_1386 = vector.bitcast %get3A_1385 : vector<16xi32> to vector<32xbf16>
      %get3A_1387 = arith.constant 688 : index
      %get3A_1388 = tpu.vector_load %arg12[%get3A_1387] {strides = array<i32>} : memref<1280xi32, #tpu.memory_space<vmem>>, vector<16xi32>,
      %bitcast3A_1389 = vector.bitcast %get3A_1388 : vector<16xi32> to vector<32xbf16>
      %get3A_1390 = arith.constant 704 : index
      %get3A_1391 = tpu.vector_load %arg12[%get3A_1390] {strides = array<i32>} : memref<1280xi32, #tpu.memory_space<vmem>>, vector<16xi32>,
      %bitcast3A_1392 = vector.bitcast %get3A_1391 : vector<16xi32> to vector<32xbf16>
      %get3A_1393 = arith.constant 720 : index
      %get3A_1394 = tpu.vector_load %arg12[%get3A_1393] {strides = array<i32>} : memref<1280xi32, #tpu.memory_space<vmem>>, vector<16xi32>,
      %bitcast3A_1395 = vector.bitcast %get3A_1394 : vector<16xi32> to vector<32xbf16>
      %get3A_1396 = arith.constant 736 : index
      %get3A_1397 = tpu.vector_load %arg12[%get3A_1396] {strides = array<i32>} : memref<1280xi32, #tpu.memory_space<vmem>>, vector<16xi32>,
      %bitcast3A_1398 = vector.bitcast %get3A_1397 : vector<16xi32> to vector<32xbf16>
      %get3A_1399 = arith.constant 752 : index
      %get3A_1400 = tpu.vector_load %arg12[%get3A_1399] {strides = array<i32>} : memref<1280xi32, #tpu.memory_space<vmem>>, vector<16xi32>,
      %bitcast3A_1401 = vector.bitcast %get3A_1400 : vector<16xi32> to vector<32xbf16>
      %add3A_1402 = arith.addf %bitcast3A_1356, %bitcast3A_1359 : vector<32xbf16>
      %add3A_1403 = arith.addf %bitcast3A_1362, %bitcast3A_1365 : vector<32xbf16>
      %add3A_1404 = arith.addf %bitcast3A_1368, %bitcast3A_1371 : vector<32xbf16>
      %add3A_1405 = arith.addf %bitcast3A_1374, %bitcast3A_1377 : vector<32xbf16>
      %add3A_1406 = arith.addf %bitcast3A_1380, %bitcast3A_1383 : vector<32xbf16>
      %add3A_1407 = arith.addf %bitcast3A_1386, %bitcast3A_1389 : vector<32xbf16>
      %add3A_1408 = arith.addf %bitcast3A_1392, %bitcast3A_1395 : vector<32xbf16>
      %add3A_1409 = arith.addf %bitcast3A_1398, %bitcast3A_1401 : vector<32xbf16>
      %add3A_1410 = arith.addf %add3A_1402, %add3A_1403 : vector<32xbf16>
      %add3A_1411 = arith.addf %add3A_1404, %add3A_1405 : vector<32xbf16>
      %add3A_1412 = arith.addf %add3A_1406, %add3A_1407 : vector<32xbf16>
      %add3A_1413 = arith.addf %add3A_1408, %add3A_1409 : vector<32xbf16>
      %add3A_1414 = arith.addf %add3A_1410, %add3A_1411 : vector<32xbf16>
      %add3A_1415 = arith.addf %add3A_1412, %add3A_1413 : vector<32xbf16>
      %add3A_1416 = arith.addf %add3A_1414, %add3A_1415 : vector<32xbf16>
      %unpack3A_1417 = tpu.unpack_subelements %add3A_1416, 0 {pack_format = #tpu.pack_format<interleaved>} : vector<32xbf16> -> vector<16xf32>
      %unpack3A_1418 = tpu.unpack_subelements %add3A_1416, 1 {pack_format = #tpu.pack_format<interleaved>} : vector<32xbf16> -> vector<16xf32>
      %add3A_1419 = arith.addf %unpack3A_1417, %unpack3A_1418 : vector<16xf32>
      %add3A_1420 = arith.constant 1.280000e-10 : f32
      %add3A_1421 = vector.broadcast %add3A_1420 : f32 to vector<16xf32>
      %add3A_1422 = arith.addf %add3A_1419, %add3A_1421 : vector<16xf32>
      %bitcast3A_1423 = vector.bitcast %add3A_1422 : vector<16xf32> to vector<16xi32>
      %shift_right_arithmetic3A_1424 = arith.constant 1 : i32
      %shift_right_arithmetic3A_1425 = vector.broadcast %shift_right_arithmetic3A_1424 : i32 to vector<16xi32>
      %shift_right_arithmetic3A_1426 = arith.shrsi %bitcast3A_1423, %shift_right_arithmetic3A_1425 : vector<16xi32>
      %sub3A_1427 = arith.constant 1597463007 : i32
      %sub3A_1428 = vector.broadcast %sub3A_1427 : i32 to vector<16xi32>
      %sub3A_1429 = arith.subi %sub3A_1428, %shift_right_arithmetic3A_1426 : vector<16xi32>
      %bitcast3A_1430 = vector.bitcast %sub3A_1429 : vector<16xi32> to vector<16xf32>
      %mul3A_1431 = arith.constant 5.000000e-01 : f32
      %mul3A_1432 = vector.broadcast %mul3A_1431 : f32 to vector<16xf32>
      %mul3A_1433 = arith.mulf %mul3A_1432, %add3A_1422 : vector<16xf32>
      %mul3A_1434 = arith.mulf %mul3A_1433, %bitcast3A_1430 : vector<16xf32>
      %mul3A_1435 = arith.mulf %mul3A_1434, %bitcast3A_1430 : vector<16xf32>
      %sub3A_1436 = arith.constant 1.500000e+00 : f32
      %sub3A_1437 = vector.broadcast %sub3A_1436 : f32 to vector<16xf32>
      %sub3A_1438 = arith.subf %sub3A_1437, %mul3A_1435 : vector<16xf32>
      %mul3A_1439 = arith.mulf %bitcast3A_1430, %sub3A_1438 : vector<16xf32>
      %mul3A_1440 = arith.constant 5.000000e-01 : f32
      %mul3A_1441 = vector.broadcast %mul3A_1440 : f32 to vector<16xf32>
      %mul3A_1442 = arith.mulf %mul3A_1441, %add3A_1422 : vector<16xf32>
      %mul3A_1443 = arith.mulf %mul3A_1442, %mul3A_1439 : vector<16xf32>
      %mul3A_1444 = arith.mulf %mul3A_1443, %mul3A_1439 : vector<16xf32>
      %sub3A_1445 = arith.constant 1.500000e+00 : f32
      %sub3A_1446 = vector.broadcast %sub3A_1445 : f32 to vector<16xf32>
      %sub3A_1447 = arith.subf %sub3A_1446, %mul3A_1444 : vector<16xf32>
      %mul3A_1448 = arith.mulf %mul3A_1439, %sub3A_1447 : vector<16xf32>
      %mul3A_1449 = arith.mulf %add3A_1422, %mul3A_1448 : vector<16xf32>
      %neg3A_1450 = arith.constant 0.000000e+00 : f32
      %neg3A_1451 = vector.broadcast %neg3A_1450 : f32 to vector<16xf32>
      %neg3A_1452 = arith.subf %neg3A_1451, %mul3A_1449 : vector<16xf32>
      %exp3A_1453 = math.exp %neg3A_1452 : vector<16xf32>
      %mul3A_1454 = arith.constant 80 : i32
      %mul3A_1455 = arith.muli %add3A_1131, %mul3A_1454 : i32
      %add3A_1456 = arith.constant 32 : i32
      %add3A_1457 = arith.addi %mul3A_1455, %add3A_1456 : i32
      %swap3A_1458 = arith.index_cast %add3A_1457 : i32 to index
      %swap3A_1459 = tpu.vector_load %arg13[%swap3A_1458] {strides = array<i32>} : memref<10000xf32, #tpu.memory_space<vmem>>, vector<16xf32>,
      tpu.vector_store %arg13[%swap3A_1458], %exp3A_1453 {strides = array<i32>} : memref<10000xf32, #tpu.memory_space<vmem>>, vector<16xf32>,
      %get3A_1460 = arith.constant 768 : index
      %get3A_1461 = tpu.vector_load %arg12[%get3A_1460] {strides = array<i32>} : memref<1280xi32, #tpu.memory_space<vmem>>, vector<16xi32>,
      %bitcast3A_1462 = vector.bitcast %get3A_1461 : vector<16xi32> to vector<32xbf16>
      %get3A_1463 = arith.constant 784 : index
      %get3A_1464 = tpu.vector_load %arg12[%get3A_1463] {strides = array<i32>} : memref<1280xi32, #tpu.memory_space<vmem>>, vector<16xi32>,
      %bitcast3A_1465 = vector.bitcast %get3A_1464 : vector<16xi32> to vector<32xbf16>
      %get3A_1466 = arith.constant 800 : index
      %get3A_1467 = tpu.vector_load %arg12[%get3A_1466] {strides = array<i32>} : memref<1280xi32, #tpu.memory_space<vmem>>, vector<16xi32>,
      %bitcast3A_1468 = vector.bitcast %get3A_1467 : vector<16xi32> to vector<32xbf16>
      %get3A_1469 = arith.constant 816 : index
      %get3A_1470 = tpu.vector_load %arg12[%get3A_1469] {strides = array<i32>} : memref<1280xi32, #tpu.memory_space<vmem>>, vector<16xi32>,
      %bitcast3A_1471 = vector.bitcast %get3A_1470 : vector<16xi32> to vector<32xbf16>
      %get3A_1472 = arith.constant 832 : index
      %get3A_1473 = tpu.vector_load %arg12[%get3A_1472] {strides = array<i32>} : memref<1280xi32, #tpu.memory_space<vmem>>, vector<16xi32>,
      %bitcast3A_1474 = vector.bitcast %get3A_1473 : vector<16xi32> to vector<32xbf16>
      %get3A_1475 = arith.constant 848 : index
      %get3A_1476 = tpu.vector_load %arg12[%get3A_1475] {strides = array<i32>} : memref<1280xi32, #tpu.memory_space<vmem>>, vector<16xi32>,
      %bitcast3A_1477 = vector.bitcast %get3A_1476 : vector<16xi32> to vector<32xbf16>
      %get3A_1478 = arith.constant 864 : index
      %get3A_1479 = tpu.vector_load %arg12[%get3A_1478] {strides = array<i32>} : memref<1280xi32, #tpu.memory_space<vmem>>, vector<16xi32>,
      %bitcast3A_1480 = vector.bitcast %get3A_1479 : vector<16xi32> to vector<32xbf16>
      %get3A_1481 = arith.constant 880 : index
      %get3A_1482 = tpu.vector_load %arg12[%get3A_1481] {strides = array<i32>} : memref<1280xi32, #tpu.memory_space<vmem>>, vector<16xi32>,
      %bitcast3A_1483 = vector.bitcast %get3A_1482 : vector<16xi32> to vector<32xbf16>
      %get3A_1484 = arith.constant 896 : index
      %get3A_1485 = tpu.vector_load %arg12[%get3A_1484] {strides = array<i32>} : memref<1280xi32, #tpu.memory_space<vmem>>, vector<16xi32>,
      %bitcast3A_1486 = vector.bitcast %get3A_1485 : vector<16xi32> to vector<32xbf16>
      %get3A_1487 = arith.constant 912 : index
      %get3A_1488 = tpu.vector_load %arg12[%get3A_1487] {strides = array<i32>} : memref<1280xi32, #tpu.memory_space<vmem>>, vector<16xi32>,
      %bitcast3A_1489 = vector.bitcast %get3A_1488 : vector<16xi32> to vector<32xbf16>
      %get3A_1490 = arith.constant 928 : index
      %get3A_1491 = tpu.vector_load %arg12[%get3A_1490] {strides = array<i32>} : memref<1280xi32, #tpu.memory_space<vmem>>, vector<16xi32>,
      %bitcast3A_1492 = vector.bitcast %get3A_1491 : vector<16xi32> to vector<32xbf16>
      %get3A_1493 = arith.constant 944 : index
      %get3A_1494 = tpu.vector_load %arg12[%get3A_1493] {strides = array<i32>} : memref<1280xi32, #tpu.memory_space<vmem>>, vector<16xi32>,
      %bitcast3A_1495 = vector.bitcast %get3A_1494 : vector<16xi32> to vector<32xbf16>
      %get3A_1496 = arith.constant 960 : index
      %get3A_1497 = tpu.vector_load %arg12[%get3A_1496] {strides = array<i32>} : memref<1280xi32, #tpu.memory_space<vmem>>, vector<16xi32>,
      %bitcast3A_1498 = vector.bitcast %get3A_1497 : vector<16xi32> to vector<32xbf16>
      %get3A_1499 = arith.constant 976 : index
      %get3A_1500 = tpu.vector_load %arg12[%get3A_1499] {strides = array<i32>} : memref<1280xi32, #tpu.memory_space<vmem>>, vector<16xi32>,
      %bitcast3A_1501 = vector.bitcast %get3A_1500 : vector<16xi32> to vector<32xbf16>
      %get3A_1502 = arith.constant 992 : index
      %get3A_1503 = tpu.vector_load %arg12[%get3A_1502] {strides = array<i32>} : memref<1280xi32, #tpu.memory_space<vmem>>, vector<16xi32>,
      %bitcast3A_1504 = vector.bitcast %get3A_1503 : vector<16xi32> to vector<32xbf16>
      %get3A_1505 = arith.constant 1008 : index
      %get3A_1506 = tpu.vector_load %arg12[%get3A_1505] {strides = array<i32>} : memref<1280xi32, #tpu.memory_space<vmem>>, vector<16xi32>,
      %bitcast3A_1507 = vector.bitcast %get3A_1506 : vector<16xi32> to vector<32xbf16>
      %add3A_1508 = arith.addf %bitcast3A_1462, %bitcast3A_1465 : vector<32xbf16>
      %add3A_1509 = arith.addf %bitcast3A_1468, %bitcast3A_1471 : vector<32xbf16>
      %add3A_1510 = arith.addf %bitcast3A_1474, %bitcast3A_1477 : vector<32xbf16>
      %add3A_1511 = arith.addf %bitcast3A_1480, %bitcast3A_1483 : vector<32xbf16>
      %add3A_1512 = arith.addf %bitcast3A_1486, %bitcast3A_1489 : vector<32xbf16>
      %add3A_1513 = arith.addf %bitcast3A_1492, %bitcast3A_1495 : vector<32xbf16>
      %add3A_1514 = arith.addf %bitcast3A_1498, %bitcast3A_1501 : vector<32xbf16>
      %add3A_1515 = arith.addf %bitcast3A_1504, %bitcast3A_1507 : vector<32xbf16>
      %add3A_1516 = arith.addf %add3A_1508, %add3A_1509 : vector<32xbf16>
      %add3A_1517 = arith.addf %add3A_1510, %add3A_1511 : vector<32xbf16>
      %add3A_1518 = arith.addf %add3A_1512, %add3A_1513 : vector<32xbf16>
      %add3A_1519 = arith.addf %add3A_1514, %add3A_1515 : vector<32xbf16>
      %add3A_1520 = arith.addf %add3A_1516, %add3A_1517 : vector<32xbf16>
      %add3A_1521 = arith.addf %add3A_1518, %add3A_1519 : vector<32xbf16>
      %add3A_1522 = arith.addf %add3A_1520, %add3A_1521 : vector<32xbf16>
      %unpack3A_1523 = tpu.unpack_subelements %add3A_1522, 0 {pack_format = #tpu.pack_format<interleaved>} : vector<32xbf16> -> vector<16xf32>
      %unpack3A_1524 = tpu.unpack_subelements %add3A_1522, 1 {pack_format = #tpu.pack_format<interleaved>} : vector<32xbf16> -> vector<16xf32>
      %add3A_1525 = arith.addf %unpack3A_1523, %unpack3A_1524 : vector<16xf32>
      %add3A_1526 = arith.constant 1.280000e-10 : f32
      %add3A_1527 = vector.broadcast %add3A_1526 : f32 to vector<16xf32>
      %add3A_1528 = arith.addf %add3A_1525, %add3A_1527 : vector<16xf32>
      %bitcast3A_1529 = vector.bitcast %add3A_1528 : vector<16xf32> to vector<16xi32>
      %shift_right_arithmetic3A_1530 = arith.constant 1 : i32
      %shift_right_arithmetic3A_1531 = vector.broadcast %shift_right_arithmetic3A_1530 : i32 to vector<16xi32>
      %shift_right_arithmetic3A_1532 = arith.shrsi %bitcast3A_1529, %shift_right_arithmetic3A_1531 : vector<16xi32>
      %sub3A_1533 = arith.constant 1597463007 : i32
      %sub3A_1534 = vector.broadcast %sub3A_1533 : i32 to vector<16xi32>
      %sub3A_1535 = arith.subi %sub3A_1534, %shift_right_arithmetic3A_1532 : vector<16xi32>
      %bitcast3A_1536 = vector.bitcast %sub3A_1535 : vector<16xi32> to vector<16xf32>
      %mul3A_1537 = arith.constant 5.000000e-01 : f32
      %mul3A_1538 = vector.broadcast %mul3A_1537 : f32 to vector<16xf32>
      %mul3A_1539 = arith.mulf %mul3A_1538, %add3A_1528 : vector<16xf32>
      %mul3A_1540 = arith.mulf %mul3A_1539, %bitcast3A_1536 : vector<16xf32>
      %mul3A_1541 = arith.mulf %mul3A_1540, %bitcast3A_1536 : vector<16xf32>
      %sub3A_1542 = arith.constant 1.500000e+00 : f32
      %sub3A_1543 = vector.broadcast %sub3A_1542 : f32 to vector<16xf32>
      %sub3A_1544 = arith.subf %sub3A_1543, %mul3A_1541 : vector<16xf32>
      %mul3A_1545 = arith.mulf %bitcast3A_1536, %sub3A_1544 : vector<16xf32>
      %mul3A_1546 = arith.constant 5.000000e-01 : f32
      %mul3A_1547 = vector.broadcast %mul3A_1546 : f32 to vector<16xf32>
      %mul3A_1548 = arith.mulf %mul3A_1547, %add3A_1528 : vector<16xf32>
      %mul3A_1549 = arith.mulf %mul3A_1548, %mul3A_1545 : vector<16xf32>
      %mul3A_1550 = arith.mulf %mul3A_1549, %mul3A_1545 : vector<16xf32>
      %sub3A_1551 = arith.constant 1.500000e+00 : f32
      %sub3A_1552 = vector.broadcast %sub3A_1551 : f32 to vector<16xf32>
      %sub3A_1553 = arith.subf %sub3A_1552, %mul3A_1550 : vector<16xf32>
      %mul3A_1554 = arith.mulf %mul3A_1545, %sub3A_1553 : vector<16xf32>
      %mul3A_1555 = arith.mulf %add3A_1528, %mul3A_1554 : vector<16xf32>
      %neg3A_1556 = arith.constant 0.000000e+00 : f32
      %neg3A_1557 = vector.broadcast %neg3A_1556 : f32 to vector<16xf32>
      %neg3A_1558 = arith.subf %neg3A_1557, %mul3A_1555 : vector<16xf32>
      %exp3A_1559 = math.exp %neg3A_1558 : vector<16xf32>
      %mul3A_1560 = arith.constant 80 : i32
      %mul3A_1561 = arith.muli %add3A_1131, %mul3A_1560 : i32
      %add3A_1562 = arith.constant 48 : i32
      %add3A_1563 = arith.addi %mul3A_1561, %add3A_1562 : i32
      %swap3A_1564 = arith.index_cast %add3A_1563 : i32 to index
      %swap3A_1565 = tpu.vector_load %arg13[%swap3A_1564] {strides = array<i32>} : memref<10000xf32, #tpu.memory_space<vmem>>, vector<16xf32>,
      tpu.vector_store %arg13[%swap3A_1564], %exp3A_1559 {strides = array<i32>} : memref<10000xf32, #tpu.memory_space<vmem>>, vector<16xf32>,
      %get3A_1566 = arith.constant 1024 : index
      %get3A_1567 = tpu.vector_load %arg12[%get3A_1566] {strides = array<i32>} : memref<1280xi32, #tpu.memory_space<vmem>>, vector<16xi32>,
      %bitcast3A_1568 = vector.bitcast %get3A_1567 : vector<16xi32> to vector<32xbf16>
      %get3A_1569 = arith.constant 1040 : index
      %get3A_1570 = tpu.vector_load %arg12[%get3A_1569] {strides = array<i32>} : memref<1280xi32, #tpu.memory_space<vmem>>, vector<16xi32>,
      %bitcast3A_1571 = vector.bitcast %get3A_1570 : vector<16xi32> to vector<32xbf16>
      %get3A_1572 = arith.constant 1056 : index
      %get3A_1573 = tpu.vector_load %arg12[%get3A_1572] {strides = array<i32>} : memref<1280xi32, #tpu.memory_space<vmem>>, vector<16xi32>,
      %bitcast3A_1574 = vector.bitcast %get3A_1573 : vector<16xi32> to vector<32xbf16>
      %get3A_1575 = arith.constant 1072 : index
      %get3A_1576 = tpu.vector_load %arg12[%get3A_1575] {strides = array<i32>} : memref<1280xi32, #tpu.memory_space<vmem>>, vector<16xi32>,
      %bitcast3A_1577 = vector.bitcast %get3A_1576 : vector<16xi32> to vector<32xbf16>
      %get3A_1578 = arith.constant 1088 : index
      %get3A_1579 = tpu.vector_load %arg12[%get3A_1578] {strides = array<i32>} : memref<1280xi32, #tpu.memory_space<vmem>>, vector<16xi32>,
      %bitcast3A_1580 = vector.bitcast %get3A_1579 : vector<16xi32> to vector<32xbf16>
      %get3A_1581 = arith.constant 1104 : index
      %get3A_1582 = tpu.vector_load %arg12[%get3A_1581] {strides = array<i32>} : memref<1280xi32, #tpu.memory_space<vmem>>, vector<16xi32>,
      %bitcast3A_1583 = vector.bitcast %get3A_1582 : vector<16xi32> to vector<32xbf16>
      %get3A_1584 = arith.constant 1120 : index
      %get3A_1585 = tpu.vector_load %arg12[%get3A_1584] {strides = array<i32>} : memref<1280xi32, #tpu.memory_space<vmem>>, vector<16xi32>,
      %bitcast3A_1586 = vector.bitcast %get3A_1585 : vector<16xi32> to vector<32xbf16>
      %get3A_1587 = arith.constant 1136 : index
      %get3A_1588 = tpu.vector_load %arg12[%get3A_1587] {strides = array<i32>} : memref<1280xi32, #tpu.memory_space<vmem>>, vector<16xi32>,
      %bitcast3A_1589 = vector.bitcast %get3A_1588 : vector<16xi32> to vector<32xbf16>
      %get3A_1590 = arith.constant 1152 : index
      %get3A_1591 = tpu.vector_load %arg12[%get3A_1590] {strides = array<i32>} : memref<1280xi32, #tpu.memory_space<vmem>>, vector<16xi32>,
      %bitcast3A_1592 = vector.bitcast %get3A_1591 : vector<16xi32> to vector<32xbf16>
      %get3A_1593 = arith.constant 1168 : index
      %get3A_1594 = tpu.vector_load %arg12[%get3A_1593] {strides = array<i32>} : memref<1280xi32, #tpu.memory_space<vmem>>, vector<16xi32>,
      %bitcast3A_1595 = vector.bitcast %get3A_1594 : vector<16xi32> to vector<32xbf16>
      %get3A_1596 = arith.constant 1184 : index
      %get3A_1597 = tpu.vector_load %arg12[%get3A_1596] {strides = array<i32>} : memref<1280xi32, #tpu.memory_space<vmem>>, vector<16xi32>,
      %bitcast3A_1598 = vector.bitcast %get3A_1597 : vector<16xi32> to vector<32xbf16>
      %get3A_1599 = arith.constant 1200 : index
      %get3A_1600 = tpu.vector_load %arg12[%get3A_1599] {strides = array<i32>} : memref<1280xi32, #tpu.memory_space<vmem>>, vector<16xi32>,
      %bitcast3A_1601 = vector.bitcast %get3A_1600 : vector<16xi32> to vector<32xbf16>
      %get3A_1602 = arith.constant 1216 : index
      %get3A_1603 = tpu.vector_load %arg12[%get3A_1602] {strides = array<i32>} : memref<1280xi32, #tpu.memory_space<vmem>>, vector<16xi32>,
      %bitcast3A_1604 = vector.bitcast %get3A_1603 : vector<16xi32> to vector<32xbf16>
      %get3A_1605 = arith.constant 1232 : index
      %get3A_1606 = tpu.vector_load %arg12[%get3A_1605] {strides = array<i32>} : memref<1280xi32, #tpu.memory_space<vmem>>, vector<16xi32>,
      %bitcast3A_1607 = vector.bitcast %get3A_1606 : vector<16xi32> to vector<32xbf16>
      %get3A_1608 = arith.constant 1248 : index
      %get3A_1609 = tpu.vector_load %arg12[%get3A_1608] {strides = array<i32>} : memref<1280xi32, #tpu.memory_space<vmem>>, vector<16xi32>,
      %bitcast3A_1610 = vector.bitcast %get3A_1609 : vector<16xi32> to vector<32xbf16>
      %get3A_1611 = arith.constant 1264 : index
      %get3A_1612 = tpu.vector_load %arg12[%get3A_1611] {strides = array<i32>} : memref<1280xi32, #tpu.memory_space<vmem>>, vector<16xi32>,
      %bitcast3A_1613 = vector.bitcast %get3A_1612 : vector<16xi32> to vector<32xbf16>
      %add3A_1614 = arith.addf %bitcast3A_1568, %bitcast3A_1571 : vector<32xbf16>
      %add3A_1615 = arith.addf %bitcast3A_1574, %bitcast3A_1577 : vector<32xbf16>
      %add3A_1616 = arith.addf %bitcast3A_1580, %bitcast3A_1583 : vector<32xbf16>
      %add3A_1617 = arith.addf %bitcast3A_1586, %bitcast3A_1589 : vector<32xbf16>
      %add3A_1618 = arith.addf %bitcast3A_1592, %bitcast3A_1595 : vector<32xbf16>
      %add3A_1619 = arith.addf %bitcast3A_1598, %bitcast3A_1601 : vector<32xbf16>
      %add3A_1620 = arith.addf %bitcast3A_1604, %bitcast3A_1607 : vector<32xbf16>
      %add3A_1621 = arith.addf %bitcast3A_1610, %bitcast3A_1613 : vector<32xbf16>
      %add3A_1622 = arith.addf %add3A_1614, %add3A_1615 : vector<32xbf16>
      %add3A_1623 = arith.addf %add3A_1616, %add3A_1617 : vector<32xbf16>
      %add3A_1624 = arith.addf %add3A_1618, %add3A_1619 : vector<32xbf16>
      %add3A_1625 = arith.addf %add3A_1620, %add3A_1621 : vector<32xbf16>
      %add3A_1626 = arith.addf %add3A_1622, %add3A_1623 : vector<32xbf16>
      %add3A_1627 = arith.addf %add3A_1624, %add3A_1625 : vector<32xbf16>
      %add3A_1628 = arith.addf %add3A_1626, %add3A_1627 : vector<32xbf16>
      %unpack3A_1629 = tpu.unpack_subelements %add3A_1628, 0 {pack_format = #tpu.pack_format<interleaved>} : vector<32xbf16> -> vector<16xf32>
      %unpack3A_1630 = tpu.unpack_subelements %add3A_1628, 1 {pack_format = #tpu.pack_format<interleaved>} : vector<32xbf16> -> vector<16xf32>
      %add3A_1631 = arith.addf %unpack3A_1629, %unpack3A_1630 : vector<16xf32>
      %add3A_1632 = arith.constant 1.280000e-10 : f32
      %add3A_1633 = vector.broadcast %add3A_1632 : f32 to vector<16xf32>
      %add3A_1634 = arith.addf %add3A_1631, %add3A_1633 : vector<16xf32>
      %bitcast3A_1635 = vector.bitcast %add3A_1634 : vector<16xf32> to vector<16xi32>
      %shift_right_arithmetic3A_1636 = arith.constant 1 : i32
      %shift_right_arithmetic3A_1637 = vector.broadcast %shift_right_arithmetic3A_1636 : i32 to vector<16xi32>
      %shift_right_arithmetic3A_1638 = arith.shrsi %bitcast3A_1635, %shift_right_arithmetic3A_1637 : vector<16xi32>
      %sub3A_1639 = arith.constant 1597463007 : i32
      %sub3A_1640 = vector.broadcast %sub3A_1639 : i32 to vector<16xi32>
      %sub3A_1641 = arith.subi %sub3A_1640, %shift_right_arithmetic3A_1638 : vector<16xi32>
      %bitcast3A_1642 = vector.bitcast %sub3A_1641 : vector<16xi32> to vector<16xf32>
      %mul3A_1643 = arith.constant 5.000000e-01 : f32
      %mul3A_1644 = vector.broadcast %mul3A_1643 : f32 to vector<16xf32>
      %mul3A_1645 = arith.mulf %mul3A_1644, %add3A_1634 : vector<16xf32>
      %mul3A_1646 = arith.mulf %mul3A_1645, %bitcast3A_1642 : vector<16xf32>
      %mul3A_1647 = arith.mulf %mul3A_1646, %bitcast3A_1642 : vector<16xf32>
      %sub3A_1648 = arith.constant 1.500000e+00 : f32
      %sub3A_1649 = vector.broadcast %sub3A_1648 : f32 to vector<16xf32>
      %sub3A_1650 = arith.subf %sub3A_1649, %mul3A_1647 : vector<16xf32>
      %mul3A_1651 = arith.mulf %bitcast3A_1642, %sub3A_1650 : vector<16xf32>
      %mul3A_1652 = arith.constant 5.000000e-01 : f32
      %mul3A_1653 = vector.broadcast %mul3A_1652 : f32 to vector<16xf32>
      %mul3A_1654 = arith.mulf %mul3A_1653, %add3A_1634 : vector<16xf32>
      %mul3A_1655 = arith.mulf %mul3A_1654, %mul3A_1651 : vector<16xf32>
      %mul3A_1656 = arith.mulf %mul3A_1655, %mul3A_1651 : vector<16xf32>
      %sub3A_1657 = arith.constant 1.500000e+00 : f32
      %sub3A_1658 = vector.broadcast %sub3A_1657 : f32 to vector<16xf32>
      %sub3A_1659 = arith.subf %sub3A_1658, %mul3A_1656 : vector<16xf32>
      %mul3A_1660 = arith.mulf %mul3A_1651, %sub3A_1659 : vector<16xf32>
      %mul3A_1661 = arith.mulf %add3A_1634, %mul3A_1660 : vector<16xf32>
      %neg3A_1662 = arith.constant 0.000000e+00 : f32
      %neg3A_1663 = vector.broadcast %neg3A_1662 : f32 to vector<16xf32>
      %neg3A_1664 = arith.subf %neg3A_1663, %mul3A_1661 : vector<16xf32>
      %exp3A_1665 = math.exp %neg3A_1664 : vector<16xf32>
      %mul3A_1666 = arith.constant 80 : i32
      %mul3A_1667 = arith.muli %add3A_1131, %mul3A_1666 : i32
      %add3A_1668 = arith.constant 64 : i32
      %add3A_1669 = arith.addi %mul3A_1667, %add3A_1668 : i32
      %swap3A_1670 = arith.index_cast %add3A_1669 : i32 to index
      %swap3A_1671 = tpu.vector_load %arg13[%swap3A_1670] {strides = array<i32>} : memref<10000xf32, #tpu.memory_space<vmem>>, vector<16xf32>,
      tpu.vector_store %arg13[%swap3A_1670], %exp3A_1665 {strides = array<i32>} : memref<10000xf32, #tpu.memory_space<vmem>>, vector<16xf32>,
    }
    %scan3A_18 = arith.constant 62 : i32
    %dma_wait3A = arith.constant 0 : i32
    %dma_wait3A_19 = tpu.memref_slice %arg6[%dma_wait3A] : memref<10000xi32, #tpu.memory_space<vmem>> -> memref<80xi32, #tpu.memory_space<vmem>>
    %dma_wait3A_20 = arith.constant 0 : i32
    %dma_wait3A_21 = arith.constant 0 : i32
    %dma_wait3A_22 = tpu.memref_slice %arg14[%dma_wait3A_20, %dma_wait3A_21] : memref<10000x128xbf16, #tpu.memory_space<vmem_shared>> -> memref<10000x128xbf16, #tpu.memory_space<vmem_shared>>
    tpu.wait_indirect_dma semaphore(%arg15 : memref<!tpu.dma_semaphore, #tpu.memory_space<semaphore_mem>>) src(%dma_wait3A_22 : memref<10000x128xbf16, #tpu.memory_space<vmem_shared>>) dst(%arg8 : memref<80x128xbf16, #tpu.memory_space<vmem>>)
    %dma_wait3A_23 = arith.constant 0 : i32
    %dma_wait3A_24 = tpu.memref_slice %arg7[%dma_wait3A_23] : memref<10000xi32, #tpu.memory_space<vmem>> -> memref<80xi32, #tpu.memory_space<vmem>>
    %dma_wait3A_25 = arith.constant 0 : i32
    %dma_wait3A_26 = arith.constant 0 : i32
    %dma_wait3A_27 = tpu.memref_slice %arg14[%dma_wait3A_25, %dma_wait3A_26] : memref<10000x128xbf16, #tpu.memory_space<vmem_shared>> -> memref<10000x128xbf16, #tpu.memory_space<vmem_shared>>
    tpu.wait_indirect_dma semaphore(%arg16 : memref<!tpu.dma_semaphore, #tpu.memory_space<semaphore_mem>>) src(%dma_wait3A_27 : memref<10000x128xbf16, #tpu.memory_space<vmem_shared>>) dst(%arg9 : memref<80x128xbf16, #tpu.memory_space<vmem>>)
    %iota3A = tpu.iota {dimensions = array<i32: 0>} : vector<16xi32>
    %mul3A_28 = arith.constant 16 : i32
    %mul3A_29 = vector.broadcast %mul3A_28 : i32 to vector<16xi32>
    %mul3A_30 = arith.muli %iota3A, %mul3A_29 : vector<16xi32>
    %scan3A_31 = arith.constant 0 : i32
    %scan3A_32 = arith.constant 0 : i32
    %scan3A_33 = arith.constant 5 : i32
    %scan3A_34 = arith.addi %scan3A_32, %scan3A_33 : i32
    %scan3A_35 = arith.constant 1 : i32
    scf.for %scan3A_539 = %scan3A_32 to %scan3A_34 step %scan3A_35  : i32 {
      %mul3A_540 = arith.constant 256 : i32
      %mul3A_541 = arith.muli %scan3A_539, %mul3A_540 : i32
      %add3A_542 = vector.broadcast %mul3A_541 : i32 to vector<16xi32>
      %add3A_543 = arith.addi %mul3A_30, %add3A_542 : vector<16xi32>
      %mul3A_544 = arith.constant 16 : i32
      %mul3A_545 = arith.muli %scan3A_539, %mul3A_544 : i32
      %add3A_546 = arith.constant 0 : i32
      %add3A_547 = arith.addi %mul3A_545, %add3A_546 : i32
      %add3A_548 = arith.constant 0 : i32
      %add3A_549 = arith.addi %add3A_547, %add3A_548 : i32
      %get3A_550 = arith.index_cast %add3A_549 : i32 to index
      %get3A_551 = arith.constant 0 : index
      %get3A_552 = tpu.vector_load %arg8[%get3A_550, %get3A_551] {strides = array<i32>} : memref<80x128xbf16, #tpu.memory_space<vmem>>, vector<32xbf16>,
      %get3A_553 = arith.index_cast %add3A_549 : i32 to index
      %get3A_554 = arith.constant 0 : index
      %get3A_555 = tpu.vector_load %arg9[%get3A_553, %get3A_554] {strides = array<i32>} : memref<80x128xbf16, #tpu.memory_space<vmem>>, vector<32xbf16>,
      %sub3A_556 = arith.subf %get3A_552, %get3A_555 : vector<32xbf16>
      %mul3A_557 = arith.mulf %sub3A_556, %sub3A_556 : vector<32xbf16>
      %mul3A_558 = arith.constant 16 : i32
      %mul3A_559 = arith.muli %scan3A_539, %mul3A_558 : i32
      %add3A_560 = arith.constant 0 : i32
      %add3A_561 = arith.addi %mul3A_559, %add3A_560 : i32
      %add3A_562 = arith.constant 1 : i32
      %add3A_563 = arith.addi %add3A_561, %add3A_562 : i32
      %get3A_564 = arith.index_cast %add3A_563 : i32 to index
      %get3A_565 = arith.constant 0 : index
      %get3A_566 = tpu.vector_load %arg8[%get3A_564, %get3A_565] {strides = array<i32>} : memref<80x128xbf16, #tpu.memory_space<vmem>>, vector<32xbf16>,
      %get3A_567 = arith.index_cast %add3A_563 : i32 to index
      %get3A_568 = arith.constant 0 : index
      %get3A_569 = tpu.vector_load %arg9[%get3A_567, %get3A_568] {strides = array<i32>} : memref<80x128xbf16, #tpu.memory_space<vmem>>, vector<32xbf16>,
      %sub3A_570 = arith.subf %get3A_566, %get3A_569 : vector<32xbf16>
      %mul3A_571 = arith.mulf %sub3A_570, %sub3A_570 : vector<32xbf16>
      %mul3A_572 = arith.constant 16 : i32
      %mul3A_573 = arith.muli %scan3A_539, %mul3A_572 : i32
      %add3A_574 = arith.constant 0 : i32
      %add3A_575 = arith.addi %mul3A_573, %add3A_574 : i32
      %add3A_576 = arith.constant 2 : i32
      %add3A_577 = arith.addi %add3A_575, %add3A_576 : i32
      %get3A_578 = arith.index_cast %add3A_577 : i32 to index
      %get3A_579 = arith.constant 0 : index
      %get3A_580 = tpu.vector_load %arg8[%get3A_578, %get3A_579] {strides = array<i32>} : memref<80x128xbf16, #tpu.memory_space<vmem>>, vector<32xbf16>,
      %get3A_581 = arith.index_cast %add3A_577 : i32 to index
      %get3A_582 = arith.constant 0 : index
      %get3A_583 = tpu.vector_load %arg9[%get3A_581, %get3A_582] {strides = array<i32>} : memref<80x128xbf16, #tpu.memory_space<vmem>>, vector<32xbf16>,
      %sub3A_584 = arith.subf %get3A_580, %get3A_583 : vector<32xbf16>
      %mul3A_585 = arith.mulf %sub3A_584, %sub3A_584 : vector<32xbf16>
      %mul3A_586 = arith.constant 16 : i32
      %mul3A_587 = arith.muli %scan3A_539, %mul3A_586 : i32
      %add3A_588 = arith.constant 0 : i32
      %add3A_589 = arith.addi %mul3A_587, %add3A_588 : i32
      %add3A_590 = arith.constant 3 : i32
      %add3A_591 = arith.addi %add3A_589, %add3A_590 : i32
      %get3A_592 = arith.index_cast %add3A_591 : i32 to index
      %get3A_593 = arith.constant 0 : index
      %get3A_594 = tpu.vector_load %arg8[%get3A_592, %get3A_593] {strides = array<i32>} : memref<80x128xbf16, #tpu.memory_space<vmem>>, vector<32xbf16>,
      %get3A_595 = arith.index_cast %add3A_591 : i32 to index
      %get3A_596 = arith.constant 0 : index
      %get3A_597 = tpu.vector_load %arg9[%get3A_595, %get3A_596] {strides = array<i32>} : memref<80x128xbf16, #tpu.memory_space<vmem>>, vector<32xbf16>,
      %sub3A_598 = arith.subf %get3A_594, %get3A_597 : vector<32xbf16>
      %mul3A_599 = arith.mulf %sub3A_598, %sub3A_598 : vector<32xbf16>
      %mul3A_600 = arith.constant 16 : i32
      %mul3A_601 = arith.muli %scan3A_539, %mul3A_600 : i32
      %add3A_602 = arith.constant 0 : i32
      %add3A_603 = arith.addi %mul3A_601, %add3A_602 : i32
      %add3A_604 = arith.constant 4 : i32
      %add3A_605 = arith.addi %add3A_603, %add3A_604 : i32
      %get3A_606 = arith.index_cast %add3A_605 : i32 to index
      %get3A_607 = arith.constant 0 : index
      %get3A_608 = tpu.vector_load %arg8[%get3A_606, %get3A_607] {strides = array<i32>} : memref<80x128xbf16, #tpu.memory_space<vmem>>, vector<32xbf16>,
      %get3A_609 = arith.index_cast %add3A_605 : i32 to index
      %get3A_610 = arith.constant 0 : index
      %get3A_611 = tpu.vector_load %arg9[%get3A_609, %get3A_610] {strides = array<i32>} : memref<80x128xbf16, #tpu.memory_space<vmem>>, vector<32xbf16>,
      %sub3A_612 = arith.subf %get3A_608, %get3A_611 : vector<32xbf16>
      %mul3A_613 = arith.mulf %sub3A_612, %sub3A_612 : vector<32xbf16>
      %mul3A_614 = arith.constant 16 : i32
      %mul3A_615 = arith.muli %scan3A_539, %mul3A_614 : i32
      %add3A_616 = arith.constant 0 : i32
      %add3A_617 = arith.addi %mul3A_615, %add3A_616 : i32
      %add3A_618 = arith.constant 5 : i32
      %add3A_619 = arith.addi %add3A_617, %add3A_618 : i32
      %get3A_620 = arith.index_cast %add3A_619 : i32 to index
      %get3A_621 = arith.constant 0 : index
      %get3A_622 = tpu.vector_load %arg8[%get3A_620, %get3A_621] {strides = array<i32>} : memref<80x128xbf16, #tpu.memory_space<vmem>>, vector<32xbf16>,
      %get3A_623 = arith.index_cast %add3A_619 : i32 to index
      %get3A_624 = arith.constant 0 : index
      %get3A_625 = tpu.vector_load %arg9[%get3A_623, %get3A_624] {strides = array<i32>} : memref<80x128xbf16, #tpu.memory_space<vmem>>, vector<32xbf16>,
      %sub3A_626 = arith.subf %get3A_622, %get3A_625 : vector<32xbf16>
      %mul3A_627 = arith.mulf %sub3A_626, %sub3A_626 : vector<32xbf16>
      %mul3A_628 = arith.constant 16 : i32
      %mul3A_629 = arith.muli %scan3A_539, %mul3A_628 : i32
      %add3A_630 = arith.constant 0 : i32
      %add3A_631 = arith.addi %mul3A_629, %add3A_630 : i32
      %add3A_632 = arith.constant 6 : i32
      %add3A_633 = arith.addi %add3A_631, %add3A_632 : i32
      %get3A_634 = arith.index_cast %add3A_633 : i32 to index
      %get3A_635 = arith.constant 0 : index
      %get3A_636 = tpu.vector_load %arg8[%get3A_634, %get3A_635] {strides = array<i32>} : memref<80x128xbf16, #tpu.memory_space<vmem>>, vector<32xbf16>,
      %get3A_637 = arith.index_cast %add3A_633 : i32 to index
      %get3A_638 = arith.constant 0 : index
      %get3A_639 = tpu.vector_load %arg9[%get3A_637, %get3A_638] {strides = array<i32>} : memref<80x128xbf16, #tpu.memory_space<vmem>>, vector<32xbf16>,
      %sub3A_640 = arith.subf %get3A_636, %get3A_639 : vector<32xbf16>
      %mul3A_641 = arith.mulf %sub3A_640, %sub3A_640 : vector<32xbf16>
      %mul3A_642 = arith.constant 16 : i32
      %mul3A_643 = arith.muli %scan3A_539, %mul3A_642 : i32
      %add3A_644 = arith.constant 0 : i32
      %add3A_645 = arith.addi %mul3A_643, %add3A_644 : i32
      %add3A_646 = arith.constant 7 : i32
      %add3A_647 = arith.addi %add3A_645, %add3A_646 : i32
      %get3A_648 = arith.index_cast %add3A_647 : i32 to index
      %get3A_649 = arith.constant 0 : index
      %get3A_650 = tpu.vector_load %arg8[%get3A_648, %get3A_649] {strides = array<i32>} : memref<80x128xbf16, #tpu.memory_space<vmem>>, vector<32xbf16>,
      %get3A_651 = arith.index_cast %add3A_647 : i32 to index
      %get3A_652 = arith.constant 0 : index
      %get3A_653 = tpu.vector_load %arg9[%get3A_651, %get3A_652] {strides = array<i32>} : memref<80x128xbf16, #tpu.memory_space<vmem>>, vector<32xbf16>,
      %sub3A_654 = arith.subf %get3A_650, %get3A_653 : vector<32xbf16>
      %mul3A_655 = arith.mulf %sub3A_654, %sub3A_654 : vector<32xbf16>
      %mul3A_656 = arith.constant 16 : i32
      %mul3A_657 = arith.muli %scan3A_539, %mul3A_656 : i32
      %add3A_658 = arith.constant 0 : i32
      %add3A_659 = arith.addi %mul3A_657, %add3A_658 : i32
      %add3A_660 = arith.constant 0 : i32
      %add3A_661 = arith.addi %add3A_659, %add3A_660 : i32
      %get3A_662 = arith.index_cast %add3A_661 : i32 to index
      %get3A_663 = arith.constant 32 : index
      %get3A_664 = tpu.vector_load %arg8[%get3A_662, %get3A_663] {strides = array<i32>} : memref<80x128xbf16, #tpu.memory_space<vmem>>, vector<32xbf16>,
      %get3A_665 = arith.index_cast %add3A_661 : i32 to index
      %get3A_666 = arith.constant 32 : index
      %get3A_667 = tpu.vector_load %arg9[%get3A_665, %get3A_666] {strides = array<i32>} : memref<80x128xbf16, #tpu.memory_space<vmem>>, vector<32xbf16>,
      %sub3A_668 = arith.subf %get3A_664, %get3A_667 : vector<32xbf16>
      %mul3A_669 = arith.mulf %sub3A_668, %sub3A_668 : vector<32xbf16>
      %add3A_670 = arith.addf %mul3A_557, %mul3A_669 : vector<32xbf16>
      %mul3A_671 = arith.constant 16 : i32
      %mul3A_672 = arith.muli %scan3A_539, %mul3A_671 : i32
      %add3A_673 = arith.constant 0 : i32
      %add3A_674 = arith.addi %mul3A_672, %add3A_673 : i32
      %add3A_675 = arith.constant 1 : i32
      %add3A_676 = arith.addi %add3A_674, %add3A_675 : i32
      %get3A_677 = arith.index_cast %add3A_676 : i32 to index
      %get3A_678 = arith.constant 32 : index
      %get3A_679 = tpu.vector_load %arg8[%get3A_677, %get3A_678] {strides = array<i32>} : memref<80x128xbf16, #tpu.memory_space<vmem>>, vector<32xbf16>,
      %get3A_680 = arith.index_cast %add3A_676 : i32 to index
      %get3A_681 = arith.constant 32 : index
      %get3A_682 = tpu.vector_load %arg9[%get3A_680, %get3A_681] {strides = array<i32>} : memref<80x128xbf16, #tpu.memory_space<vmem>>, vector<32xbf16>,
      %sub3A_683 = arith.subf %get3A_679, %get3A_682 : vector<32xbf16>
      %mul3A_684 = arith.mulf %sub3A_683, %sub3A_683 : vector<32xbf16>
      %add3A_685 = arith.addf %mul3A_571, %mul3A_684 : vector<32xbf16>
      %mul3A_686 = arith.constant 16 : i32
      %mul3A_687 = arith.muli %scan3A_539, %mul3A_686 : i32
      %add3A_688 = arith.constant 0 : i32
      %add3A_689 = arith.addi %mul3A_687, %add3A_688 : i32
      %add3A_690 = arith.constant 2 : i32
      %add3A_691 = arith.addi %add3A_689, %add3A_690 : i32
      %get3A_692 = arith.index_cast %add3A_691 : i32 to index
      %get3A_693 = arith.constant 32 : index
      %get3A_694 = tpu.vector_load %arg8[%get3A_692, %get3A_693] {strides = array<i32>} : memref<80x128xbf16, #tpu.memory_space<vmem>>, vector<32xbf16>,
      %get3A_695 = arith.index_cast %add3A_691 : i32 to index
      %get3A_696 = arith.constant 32 : index
      %get3A_697 = tpu.vector_load %arg9[%get3A_695, %get3A_696] {strides = array<i32>} : memref<80x128xbf16, #tpu.memory_space<vmem>>, vector<32xbf16>,
      %sub3A_698 = arith.subf %get3A_694, %get3A_697 : vector<32xbf16>
      %mul3A_699 = arith.mulf %sub3A_698, %sub3A_698 : vector<32xbf16>
      %add3A_700 = arith.addf %mul3A_585, %mul3A_699 : vector<32xbf16>
      %mul3A_701 = arith.constant 16 : i32
      %mul3A_702 = arith.muli %scan3A_539, %mul3A_701 : i32
      %add3A_703 = arith.constant 0 : i32
      %add3A_704 = arith.addi %mul3A_702, %add3A_703 : i32
      %add3A_705 = arith.constant 3 : i32
      %add3A_706 = arith.addi %add3A_704, %add3A_705 : i32
      %get3A_707 = arith.index_cast %add3A_706 : i32 to index
      %get3A_708 = arith.constant 32 : index
      %get3A_709 = tpu.vector_load %arg8[%get3A_707, %get3A_708] {strides = array<i32>} : memref<80x128xbf16, #tpu.memory_space<vmem>>, vector<32xbf16>,
      %get3A_710 = arith.index_cast %add3A_706 : i32 to index
      %get3A_711 = arith.constant 32 : index
      %get3A_712 = tpu.vector_load %arg9[%get3A_710, %get3A_711] {strides = array<i32>} : memref<80x128xbf16, #tpu.memory_space<vmem>>, vector<32xbf16>,
      %sub3A_713 = arith.subf %get3A_709, %get3A_712 : vector<32xbf16>
      %mul3A_714 = arith.mulf %sub3A_713, %sub3A_713 : vector<32xbf16>
      %add3A_715 = arith.addf %mul3A_599, %mul3A_714 : vector<32xbf16>
      %mul3A_716 = arith.constant 16 : i32
      %mul3A_717 = arith.muli %scan3A_539, %mul3A_716 : i32
      %add3A_718 = arith.constant 0 : i32
      %add3A_719 = arith.addi %mul3A_717, %add3A_718 : i32
      %add3A_720 = arith.constant 4 : i32
      %add3A_721 = arith.addi %add3A_719, %add3A_720 : i32
      %get3A_722 = arith.index_cast %add3A_721 : i32 to index
      %get3A_723 = arith.constant 32 : index
      %get3A_724 = tpu.vector_load %arg8[%get3A_722, %get3A_723] {strides = array<i32>} : memref<80x128xbf16, #tpu.memory_space<vmem>>, vector<32xbf16>,
      %get3A_725 = arith.index_cast %add3A_721 : i32 to index
      %get3A_726 = arith.constant 32 : index
      %get3A_727 = tpu.vector_load %arg9[%get3A_725, %get3A_726] {strides = array<i32>} : memref<80x128xbf16, #tpu.memory_space<vmem>>, vector<32xbf16>,
      %sub3A_728 = arith.subf %get3A_724, %get3A_727 : vector<32xbf16>
      %mul3A_729 = arith.mulf %sub3A_728, %sub3A_728 : vector<32xbf16>
      %add3A_730 = arith.addf %mul3A_613, %mul3A_729 : vector<32xbf16>
      %mul3A_731 = arith.constant 16 : i32
      %mul3A_732 = arith.muli %scan3A_539, %mul3A_731 : i32
      %add3A_733 = arith.constant 0 : i32
      %add3A_734 = arith.addi %mul3A_732, %add3A_733 : i32
      %add3A_735 = arith.constant 5 : i32
      %add3A_736 = arith.addi %add3A_734, %add3A_735 : i32
      %get3A_737 = arith.index_cast %add3A_736 : i32 to index
      %get3A_738 = arith.constant 32 : index
      %get3A_739 = tpu.vector_load %arg8[%get3A_737, %get3A_738] {strides = array<i32>} : memref<80x128xbf16, #tpu.memory_space<vmem>>, vector<32xbf16>,
      %get3A_740 = arith.index_cast %add3A_736 : i32 to index
      %get3A_741 = arith.constant 32 : index
      %get3A_742 = tpu.vector_load %arg9[%get3A_740, %get3A_741] {strides = array<i32>} : memref<80x128xbf16, #tpu.memory_space<vmem>>, vector<32xbf16>,
      %sub3A_743 = arith.subf %get3A_739, %get3A_742 : vector<32xbf16>
      %mul3A_744 = arith.mulf %sub3A_743, %sub3A_743 : vector<32xbf16>
      %add3A_745 = arith.addf %mul3A_627, %mul3A_744 : vector<32xbf16>
      %mul3A_746 = arith.constant 16 : i32
      %mul3A_747 = arith.muli %scan3A_539, %mul3A_746 : i32
      %add3A_748 = arith.constant 0 : i32
      %add3A_749 = arith.addi %mul3A_747, %add3A_748 : i32
      %add3A_750 = arith.constant 6 : i32
      %add3A_751 = arith.addi %add3A_749, %add3A_750 : i32
      %get3A_752 = arith.index_cast %add3A_751 : i32 to index
      %get3A_753 = arith.constant 32 : index
      %get3A_754 = tpu.vector_load %arg8[%get3A_752, %get3A_753] {strides = array<i32>} : memref<80x128xbf16, #tpu.memory_space<vmem>>, vector<32xbf16>,
      %get3A_755 = arith.index_cast %add3A_751 : i32 to index
      %get3A_756 = arith.constant 32 : index
      %get3A_757 = tpu.vector_load %arg9[%get3A_755, %get3A_756] {strides = array<i32>} : memref<80x128xbf16, #tpu.memory_space<vmem>>, vector<32xbf16>,
      %sub3A_758 = arith.subf %get3A_754, %get3A_757 : vector<32xbf16>
      %mul3A_759 = arith.mulf %sub3A_758, %sub3A_758 : vector<32xbf16>
      %add3A_760 = arith.addf %mul3A_641, %mul3A_759 : vector<32xbf16>
      %mul3A_761 = arith.constant 16 : i32
      %mul3A_762 = arith.muli %scan3A_539, %mul3A_761 : i32
      %add3A_763 = arith.constant 0 : i32
      %add3A_764 = arith.addi %mul3A_762, %add3A_763 : i32
      %add3A_765 = arith.constant 7 : i32
      %add3A_766 = arith.addi %add3A_764, %add3A_765 : i32
      %get3A_767 = arith.index_cast %add3A_766 : i32 to index
      %get3A_768 = arith.constant 32 : index
      %get3A_769 = tpu.vector_load %arg8[%get3A_767, %get3A_768] {strides = array<i32>} : memref<80x128xbf16, #tpu.memory_space<vmem>>, vector<32xbf16>,
      %get3A_770 = arith.index_cast %add3A_766 : i32 to index
      %get3A_771 = arith.constant 32 : index
      %get3A_772 = tpu.vector_load %arg9[%get3A_770, %get3A_771] {strides = array<i32>} : memref<80x128xbf16, #tpu.memory_space<vmem>>, vector<32xbf16>,
      %sub3A_773 = arith.subf %get3A_769, %get3A_772 : vector<32xbf16>
      %mul3A_774 = arith.mulf %sub3A_773, %sub3A_773 : vector<32xbf16>
      %add3A_775 = arith.addf %mul3A_655, %mul3A_774 : vector<32xbf16>
      %mul3A_776 = arith.constant 16 : i32
      %mul3A_777 = arith.muli %scan3A_539, %mul3A_776 : i32
      %add3A_778 = arith.constant 0 : i32
      %add3A_779 = arith.addi %mul3A_777, %add3A_778 : i32
      %add3A_780 = arith.constant 0 : i32
      %add3A_781 = arith.addi %add3A_779, %add3A_780 : i32
      %get3A_782 = arith.index_cast %add3A_781 : i32 to index
      %get3A_783 = arith.constant 64 : index
      %get3A_784 = tpu.vector_load %arg8[%get3A_782, %get3A_783] {strides = array<i32>} : memref<80x128xbf16, #tpu.memory_space<vmem>>, vector<32xbf16>,
      %get3A_785 = arith.index_cast %add3A_781 : i32 to index
      %get3A_786 = arith.constant 64 : index
      %get3A_787 = tpu.vector_load %arg9[%get3A_785, %get3A_786] {strides = array<i32>} : memref<80x128xbf16, #tpu.memory_space<vmem>>, vector<32xbf16>,
      %sub3A_788 = arith.subf %get3A_784, %get3A_787 : vector<32xbf16>
      %mul3A_789 = arith.mulf %sub3A_788, %sub3A_788 : vector<32xbf16>
      %add3A_790 = arith.addf %add3A_670, %mul3A_789 : vector<32xbf16>
      %mul3A_791 = arith.constant 16 : i32
      %mul3A_792 = arith.muli %scan3A_539, %mul3A_791 : i32
      %add3A_793 = arith.constant 0 : i32
      %add3A_794 = arith.addi %mul3A_792, %add3A_793 : i32
      %add3A_795 = arith.constant 1 : i32
      %add3A_796 = arith.addi %add3A_794, %add3A_795 : i32
      %get3A_797 = arith.index_cast %add3A_796 : i32 to index
      %get3A_798 = arith.constant 64 : index
      %get3A_799 = tpu.vector_load %arg8[%get3A_797, %get3A_798] {strides = array<i32>} : memref<80x128xbf16, #tpu.memory_space<vmem>>, vector<32xbf16>,
      %get3A_800 = arith.index_cast %add3A_796 : i32 to index
      %get3A_801 = arith.constant 64 : index
      %get3A_802 = tpu.vector_load %arg9[%get3A_800, %get3A_801] {strides = array<i32>} : memref<80x128xbf16, #tpu.memory_space<vmem>>, vector<32xbf16>,
      %sub3A_803 = arith.subf %get3A_799, %get3A_802 : vector<32xbf16>
      %mul3A_804 = arith.mulf %sub3A_803, %sub3A_803 : vector<32xbf16>
      %add3A_805 = arith.addf %add3A_685, %mul3A_804 : vector<32xbf16>
      %mul3A_806 = arith.constant 16 : i32
      %mul3A_807 = arith.muli %scan3A_539, %mul3A_806 : i32
      %add3A_808 = arith.constant 0 : i32
      %add3A_809 = arith.addi %mul3A_807, %add3A_808 : i32
      %add3A_810 = arith.constant 2 : i32
      %add3A_811 = arith.addi %add3A_809, %add3A_810 : i32
      %get3A_812 = arith.index_cast %add3A_811 : i32 to index
      %get3A_813 = arith.constant 64 : index
      %get3A_814 = tpu.vector_load %arg8[%get3A_812, %get3A_813] {strides = array<i32>} : memref<80x128xbf16, #tpu.memory_space<vmem>>, vector<32xbf16>,
      %get3A_815 = arith.index_cast %add3A_811 : i32 to index
      %get3A_816 = arith.constant 64 : index
      %get3A_817 = tpu.vector_load %arg9[%get3A_815, %get3A_816] {strides = array<i32>} : memref<80x128xbf16, #tpu.memory_space<vmem>>, vector<32xbf16>,
      %sub3A_818 = arith.subf %get3A_814, %get3A_817 : vector<32xbf16>
      %mul3A_819 = arith.mulf %sub3A_818, %sub3A_818 : vector<32xbf16>
      %add3A_820 = arith.addf %add3A_700, %mul3A_819 : vector<32xbf16>
      %mul3A_821 = arith.constant 16 : i32
      %mul3A_822 = arith.muli %scan3A_539, %mul3A_821 : i32
      %add3A_823 = arith.constant 0 : i32
      %add3A_824 = arith.addi %mul3A_822, %add3A_823 : i32
      %add3A_825 = arith.constant 3 : i32
      %add3A_826 = arith.addi %add3A_824, %add3A_825 : i32
      %get3A_827 = arith.index_cast %add3A_826 : i32 to index
      %get3A_828 = arith.constant 64 : index
      %get3A_829 = tpu.vector_load %arg8[%get3A_827, %get3A_828] {strides = array<i32>} : memref<80x128xbf16, #tpu.memory_space<vmem>>, vector<32xbf16>,
      %get3A_830 = arith.index_cast %add3A_826 : i32 to index
      %get3A_831 = arith.constant 64 : index
      %get3A_832 = tpu.vector_load %arg9[%get3A_830, %get3A_831] {strides = array<i32>} : memref<80x128xbf16, #tpu.memory_space<vmem>>, vector<32xbf16>,
      %sub3A_833 = arith.subf %get3A_829, %get3A_832 : vector<32xbf16>
      %mul3A_834 = arith.mulf %sub3A_833, %sub3A_833 : vector<32xbf16>
      %add3A_835 = arith.addf %add3A_715, %mul3A_834 : vector<32xbf16>
      %mul3A_836 = arith.constant 16 : i32
      %mul3A_837 = arith.muli %scan3A_539, %mul3A_836 : i32
      %add3A_838 = arith.constant 0 : i32
      %add3A_839 = arith.addi %mul3A_837, %add3A_838 : i32
      %add3A_840 = arith.constant 4 : i32
      %add3A_841 = arith.addi %add3A_839, %add3A_840 : i32
      %get3A_842 = arith.index_cast %add3A_841 : i32 to index
      %get3A_843 = arith.constant 64 : index
      %get3A_844 = tpu.vector_load %arg8[%get3A_842, %get3A_843] {strides = array<i32>} : memref<80x128xbf16, #tpu.memory_space<vmem>>, vector<32xbf16>,
      %get3A_845 = arith.index_cast %add3A_841 : i32 to index
      %get3A_846 = arith.constant 64 : index
      %get3A_847 = tpu.vector_load %arg9[%get3A_845, %get3A_846] {strides = array<i32>} : memref<80x128xbf16, #tpu.memory_space<vmem>>, vector<32xbf16>,
      %sub3A_848 = arith.subf %get3A_844, %get3A_847 : vector<32xbf16>
      %mul3A_849 = arith.mulf %sub3A_848, %sub3A_848 : vector<32xbf16>
      %add3A_850 = arith.addf %add3A_730, %mul3A_849 : vector<32xbf16>
      %mul3A_851 = arith.constant 16 : i32
      %mul3A_852 = arith.muli %scan3A_539, %mul3A_851 : i32
      %add3A_853 = arith.constant 0 : i32
      %add3A_854 = arith.addi %mul3A_852, %add3A_853 : i32
      %add3A_855 = arith.constant 5 : i32
      %add3A_856 = arith.addi %add3A_854, %add3A_855 : i32
      %get3A_857 = arith.index_cast %add3A_856 : i32 to index
      %get3A_858 = arith.constant 64 : index
      %get3A_859 = tpu.vector_load %arg8[%get3A_857, %get3A_858] {strides = array<i32>} : memref<80x128xbf16, #tpu.memory_space<vmem>>, vector<32xbf16>,
      %get3A_860 = arith.index_cast %add3A_856 : i32 to index
      %get3A_861 = arith.constant 64 : index
      %get3A_862 = tpu.vector_load %arg9[%get3A_860, %get3A_861] {strides = array<i32>} : memref<80x128xbf16, #tpu.memory_space<vmem>>, vector<32xbf16>,
      %sub3A_863 = arith.subf %get3A_859, %get3A_862 : vector<32xbf16>
      %mul3A_864 = arith.mulf %sub3A_863, %sub3A_863 : vector<32xbf16>
      %add3A_865 = arith.addf %add3A_745, %mul3A_864 : vector<32xbf16>
      %mul3A_866 = arith.constant 16 : i32
      %mul3A_867 = arith.muli %scan3A_539, %mul3A_866 : i32
      %add3A_868 = arith.constant 0 : i32
      %add3A_869 = arith.addi %mul3A_867, %add3A_868 : i32
      %add3A_870 = arith.constant 6 : i32
      %add3A_871 = arith.addi %add3A_869, %add3A_870 : i32
      %get3A_872 = arith.index_cast %add3A_871 : i32 to index
      %get3A_873 = arith.constant 64 : index
      %get3A_874 = tpu.vector_load %arg8[%get3A_872, %get3A_873] {strides = array<i32>} : memref<80x128xbf16, #tpu.memory_space<vmem>>, vector<32xbf16>,
      %get3A_875 = arith.index_cast %add3A_871 : i32 to index
      %get3A_876 = arith.constant 64 : index
      %get3A_877 = tpu.vector_load %arg9[%get3A_875, %get3A_876] {strides = array<i32>} : memref<80x128xbf16, #tpu.memory_space<vmem>>, vector<32xbf16>,
      %sub3A_878 = arith.subf %get3A_874, %get3A_877 : vector<32xbf16>
      %mul3A_879 = arith.mulf %sub3A_878, %sub3A_878 : vector<32xbf16>
      %add3A_880 = arith.addf %add3A_760, %mul3A_879 : vector<32xbf16>
      %mul3A_881 = arith.constant 16 : i32
      %mul3A_882 = arith.muli %scan3A_539, %mul3A_881 : i32
      %add3A_883 = arith.constant 0 : i32
      %add3A_884 = arith.addi %mul3A_882, %add3A_883 : i32
      %add3A_885 = arith.constant 7 : i32
      %add3A_886 = arith.addi %add3A_884, %add3A_885 : i32
      %get3A_887 = arith.index_cast %add3A_886 : i32 to index
      %get3A_888 = arith.constant 64 : index
      %get3A_889 = tpu.vector_load %arg8[%get3A_887, %get3A_888] {strides = array<i32>} : memref<80x128xbf16, #tpu.memory_space<vmem>>, vector<32xbf16>,
      %get3A_890 = arith.index_cast %add3A_886 : i32 to index
      %get3A_891 = arith.constant 64 : index
      %get3A_892 = tpu.vector_load %arg9[%get3A_890, %get3A_891] {strides = array<i32>} : memref<80x128xbf16, #tpu.memory_space<vmem>>, vector<32xbf16>,
      %sub3A_893 = arith.subf %get3A_889, %get3A_892 : vector<32xbf16>
      %mul3A_894 = arith.mulf %sub3A_893, %sub3A_893 : vector<32xbf16>
      %add3A_895 = arith.addf %add3A_775, %mul3A_894 : vector<32xbf16>
      %mul3A_896 = arith.constant 16 : i32
      %mul3A_897 = arith.muli %scan3A_539, %mul3A_896 : i32
      %add3A_898 = arith.constant 0 : i32
      %add3A_899 = arith.addi %mul3A_897, %add3A_898 : i32
      %add3A_900 = arith.constant 0 : i32
      %add3A_901 = arith.addi %add3A_899, %add3A_900 : i32
      %get3A_902 = arith.index_cast %add3A_901 : i32 to index
      %get3A_903 = arith.constant 96 : index
      %get3A_904 = tpu.vector_load %arg8[%get3A_902, %get3A_903] {strides = array<i32>} : memref<80x128xbf16, #tpu.memory_space<vmem>>, vector<32xbf16>,
      %get3A_905 = arith.index_cast %add3A_901 : i32 to index
      %get3A_906 = arith.constant 96 : index
      %get3A_907 = tpu.vector_load %arg9[%get3A_905, %get3A_906] {strides = array<i32>} : memref<80x128xbf16, #tpu.memory_space<vmem>>, vector<32xbf16>,
      %sub3A_908 = arith.subf %get3A_904, %get3A_907 : vector<32xbf16>
      %mul3A_909 = arith.mulf %sub3A_908, %sub3A_908 : vector<32xbf16>
      %add3A_910 = arith.addf %add3A_790, %mul3A_909 : vector<32xbf16>
      %mul3A_911 = arith.constant 16 : i32
      %mul3A_912 = arith.muli %scan3A_539, %mul3A_911 : i32
      %add3A_913 = arith.constant 0 : i32
      %add3A_914 = arith.addi %mul3A_912, %add3A_913 : i32
      %add3A_915 = arith.constant 1 : i32
      %add3A_916 = arith.addi %add3A_914, %add3A_915 : i32
      %get3A_917 = arith.index_cast %add3A_916 : i32 to index
      %get3A_918 = arith.constant 96 : index
      %get3A_919 = tpu.vector_load %arg8[%get3A_917, %get3A_918] {strides = array<i32>} : memref<80x128xbf16, #tpu.memory_space<vmem>>, vector<32xbf16>,
      %get3A_920 = arith.index_cast %add3A_916 : i32 to index
      %get3A_921 = arith.constant 96 : index
      %get3A_922 = tpu.vector_load %arg9[%get3A_920, %get3A_921] {strides = array<i32>} : memref<80x128xbf16, #tpu.memory_space<vmem>>, vector<32xbf16>,
      %sub3A_923 = arith.subf %get3A_919, %get3A_922 : vector<32xbf16>
      %mul3A_924 = arith.mulf %sub3A_923, %sub3A_923 : vector<32xbf16>
      %add3A_925 = arith.addf %add3A_805, %mul3A_924 : vector<32xbf16>
      %mul3A_926 = arith.constant 16 : i32
      %mul3A_927 = arith.muli %scan3A_539, %mul3A_926 : i32
      %add3A_928 = arith.constant 0 : i32
      %add3A_929 = arith.addi %mul3A_927, %add3A_928 : i32
      %add3A_930 = arith.constant 2 : i32
      %add3A_931 = arith.addi %add3A_929, %add3A_930 : i32
      %get3A_932 = arith.index_cast %add3A_931 : i32 to index
      %get3A_933 = arith.constant 96 : index
      %get3A_934 = tpu.vector_load %arg8[%get3A_932, %get3A_933] {strides = array<i32>} : memref<80x128xbf16, #tpu.memory_space<vmem>>, vector<32xbf16>,
      %get3A_935 = arith.index_cast %add3A_931 : i32 to index
      %get3A_936 = arith.constant 96 : index
      %get3A_937 = tpu.vector_load %arg9[%get3A_935, %get3A_936] {strides = array<i32>} : memref<80x128xbf16, #tpu.memory_space<vmem>>, vector<32xbf16>,
      %sub3A_938 = arith.subf %get3A_934, %get3A_937 : vector<32xbf16>
      %mul3A_939 = arith.mulf %sub3A_938, %sub3A_938 : vector<32xbf16>
      %add3A_940 = arith.addf %add3A_820, %mul3A_939 : vector<32xbf16>
      %mul3A_941 = arith.constant 16 : i32
      %mul3A_942 = arith.muli %scan3A_539, %mul3A_941 : i32
      %add3A_943 = arith.constant 0 : i32
      %add3A_944 = arith.addi %mul3A_942, %add3A_943 : i32
      %add3A_945 = arith.constant 3 : i32
      %add3A_946 = arith.addi %add3A_944, %add3A_945 : i32
      %get3A_947 = arith.index_cast %add3A_946 : i32 to index
      %get3A_948 = arith.constant 96 : index
      %get3A_949 = tpu.vector_load %arg8[%get3A_947, %get3A_948] {strides = array<i32>} : memref<80x128xbf16, #tpu.memory_space<vmem>>, vector<32xbf16>,
      %get3A_950 = arith.index_cast %add3A_946 : i32 to index
      %get3A_951 = arith.constant 96 : index
      %get3A_952 = tpu.vector_load %arg9[%get3A_950, %get3A_951] {strides = array<i32>} : memref<80x128xbf16, #tpu.memory_space<vmem>>, vector<32xbf16>,
      %sub3A_953 = arith.subf %get3A_949, %get3A_952 : vector<32xbf16>
      %mul3A_954 = arith.mulf %sub3A_953, %sub3A_953 : vector<32xbf16>
      %add3A_955 = arith.addf %add3A_835, %mul3A_954 : vector<32xbf16>
      %mul3A_956 = arith.constant 16 : i32
      %mul3A_957 = arith.muli %scan3A_539, %mul3A_956 : i32
      %add3A_958 = arith.constant 0 : i32
      %add3A_959 = arith.addi %mul3A_957, %add3A_958 : i32
      %add3A_960 = arith.constant 4 : i32
      %add3A_961 = arith.addi %add3A_959, %add3A_960 : i32
      %get3A_962 = arith.index_cast %add3A_961 : i32 to index
      %get3A_963 = arith.constant 96 : index
      %get3A_964 = tpu.vector_load %arg8[%get3A_962, %get3A_963] {strides = array<i32>} : memref<80x128xbf16, #tpu.memory_space<vmem>>, vector<32xbf16>,
      %get3A_965 = arith.index_cast %add3A_961 : i32 to index
      %get3A_966 = arith.constant 96 : index
      %get3A_967 = tpu.vector_load %arg9[%get3A_965, %get3A_966] {strides = array<i32>} : memref<80x128xbf16, #tpu.memory_space<vmem>>, vector<32xbf16>,
      %sub3A_968 = arith.subf %get3A_964, %get3A_967 : vector<32xbf16>
      %mul3A_969 = arith.mulf %sub3A_968, %sub3A_968 : vector<32xbf16>
      %add3A_970 = arith.addf %add3A_850, %mul3A_969 : vector<32xbf16>
      %mul3A_971 = arith.constant 16 : i32
      %mul3A_972 = arith.muli %scan3A_539, %mul3A_971 : i32
      %add3A_973 = arith.constant 0 : i32
      %add3A_974 = arith.addi %mul3A_972, %add3A_973 : i32
      %add3A_975 = arith.constant 5 : i32
      %add3A_976 = arith.addi %add3A_974, %add3A_975 : i32
      %get3A_977 = arith.index_cast %add3A_976 : i32 to index
      %get3A_978 = arith.constant 96 : index
      %get3A_979 = tpu.vector_load %arg8[%get3A_977, %get3A_978] {strides = array<i32>} : memref<80x128xbf16, #tpu.memory_space<vmem>>, vector<32xbf16>,
      %get3A_980 = arith.index_cast %add3A_976 : i32 to index
      %get3A_981 = arith.constant 96 : index
      %get3A_982 = tpu.vector_load %arg9[%get3A_980, %get3A_981] {strides = array<i32>} : memref<80x128xbf16, #tpu.memory_space<vmem>>, vector<32xbf16>,
      %sub3A_983 = arith.subf %get3A_979, %get3A_982 : vector<32xbf16>
      %mul3A_984 = arith.mulf %sub3A_983, %sub3A_983 : vector<32xbf16>
      %add3A_985 = arith.addf %add3A_865, %mul3A_984 : vector<32xbf16>
      %mul3A_986 = arith.constant 16 : i32
      %mul3A_987 = arith.muli %scan3A_539, %mul3A_986 : i32
      %add3A_988 = arith.constant 0 : i32
      %add3A_989 = arith.addi %mul3A_987, %add3A_988 : i32
      %add3A_990 = arith.constant 6 : i32
      %add3A_991 = arith.addi %add3A_989, %add3A_990 : i32
      %get3A_992 = arith.index_cast %add3A_991 : i32 to index
      %get3A_993 = arith.constant 96 : index
      %get3A_994 = tpu.vector_load %arg8[%get3A_992, %get3A_993] {strides = array<i32>} : memref<80x128xbf16, #tpu.memory_space<vmem>>, vector<32xbf16>,
      %get3A_995 = arith.index_cast %add3A_991 : i32 to index
      %get3A_996 = arith.constant 96 : index
      %get3A_997 = tpu.vector_load %arg9[%get3A_995, %get3A_996] {strides = array<i32>} : memref<80x128xbf16, #tpu.memory_space<vmem>>, vector<32xbf16>,
      %sub3A_998 = arith.subf %get3A_994, %get3A_997 : vector<32xbf16>
      %mul3A_999 = arith.mulf %sub3A_998, %sub3A_998 : vector<32xbf16>
      %add3A_1000 = arith.addf %add3A_880, %mul3A_999 : vector<32xbf16>
      %mul3A_1001 = arith.constant 16 : i32
      %mul3A_1002 = arith.muli %scan3A_539, %mul3A_1001 : i32
      %add3A_1003 = arith.constant 0 : i32
      %add3A_1004 = arith.addi %mul3A_1002, %add3A_1003 : i32
      %add3A_1005 = arith.constant 7 : i32
      %add3A_1006 = arith.addi %add3A_1004, %add3A_1005 : i32
      %get3A_1007 = arith.index_cast %add3A_1006 : i32 to index
      %get3A_1008 = arith.constant 96 : index
      %get3A_1009 = tpu.vector_load %arg8[%get3A_1007, %get3A_1008] {strides = array<i32>} : memref<80x128xbf16, #tpu.memory_space<vmem>>, vector<32xbf16>,
      %get3A_1010 = arith.index_cast %add3A_1006 : i32 to index
      %get3A_1011 = arith.constant 96 : index
      %get3A_1012 = tpu.vector_load %arg9[%get3A_1010, %get3A_1011] {strides = array<i32>} : memref<80x128xbf16, #tpu.memory_space<vmem>>, vector<32xbf16>,
      %sub3A_1013 = arith.subf %get3A_1009, %get3A_1012 : vector<32xbf16>
      %mul3A_1014 = arith.mulf %sub3A_1013, %sub3A_1013 : vector<32xbf16>
      %add3A_1015 = arith.addf %add3A_895, %mul3A_1014 : vector<32xbf16>
      %add3A_1016 = arith.constant 0 : i32
      %add3A_1017 = vector.broadcast %add3A_1016 : i32 to vector<16xi32>
      %add3A_1018 = arith.addi %add3A_543, %add3A_1017 : vector<16xi32>
      %bitcast3A_1019 = vector.bitcast %add3A_910 : vector<32xbf16> to vector<16xi32>
      tpu.vector_store_idx %arg12[%add3A_1018], %bitcast3A_1019 : memref<1280xi32, #tpu.memory_space<vmem>>[vector<16xi32>], vector<16xi32>,
      %add3A_1020 = arith.constant 1 : i32
      %add3A_1021 = vector.broadcast %add3A_1020 : i32 to vector<16xi32>
      %add3A_1022 = arith.addi %add3A_543, %add3A_1021 : vector<16xi32>
      %bitcast3A_1023 = vector.bitcast %add3A_925 : vector<32xbf16> to vector<16xi32>
      tpu.vector_store_idx %arg12[%add3A_1022], %bitcast3A_1023 : memref<1280xi32, #tpu.memory_space<vmem>>[vector<16xi32>], vector<16xi32>,
      %add3A_1024 = arith.constant 2 : i32
      %add3A_1025 = vector.broadcast %add3A_1024 : i32 to vector<16xi32>
      %add3A_1026 = arith.addi %add3A_543, %add3A_1025 : vector<16xi32>
      %bitcast3A_1027 = vector.bitcast %add3A_940 : vector<32xbf16> to vector<16xi32>
      tpu.vector_store_idx %arg12[%add3A_1026], %bitcast3A_1027 : memref<1280xi32, #tpu.memory_space<vmem>>[vector<16xi32>], vector<16xi32>,
      %add3A_1028 = arith.constant 3 : i32
      %add3A_1029 = vector.broadcast %add3A_1028 : i32 to vector<16xi32>
      %add3A_1030 = arith.addi %add3A_543, %add3A_1029 : vector<16xi32>
      %bitcast3A_1031 = vector.bitcast %add3A_955 : vector<32xbf16> to vector<16xi32>
      tpu.vector_store_idx %arg12[%add3A_1030], %bitcast3A_1031 : memref<1280xi32, #tpu.memory_space<vmem>>[vector<16xi32>], vector<16xi32>,
      %add3A_1032 = arith.constant 4 : i32
      %add3A_1033 = vector.broadcast %add3A_1032 : i32 to vector<16xi32>
      %add3A_1034 = arith.addi %add3A_543, %add3A_1033 : vector<16xi32>
      %bitcast3A_1035 = vector.bitcast %add3A_970 : vector<32xbf16> to vector<16xi32>
      tpu.vector_store_idx %arg12[%add3A_1034], %bitcast3A_1035 : memref<1280xi32, #tpu.memory_space<vmem>>[vector<16xi32>], vector<16xi32>,
      %add3A_1036 = arith.constant 5 : i32
      %add3A_1037 = vector.broadcast %add3A_1036 : i32 to vector<16xi32>
      %add3A_1038 = arith.addi %add3A_543, %add3A_1037 : vector<16xi32>
      %bitcast3A_1039 = vector.bitcast %add3A_985 : vector<32xbf16> to vector<16xi32>
      tpu.vector_store_idx %arg12[%add3A_1038], %bitcast3A_1039 : memref<1280xi32, #tpu.memory_space<vmem>>[vector<16xi32>], vector<16xi32>,
      %add3A_1040 = arith.constant 6 : i32
      %add3A_1041 = vector.broadcast %add3A_1040 : i32 to vector<16xi32>
      %add3A_1042 = arith.addi %add3A_543, %add3A_1041 : vector<16xi32>
      %bitcast3A_1043 = vector.bitcast %add3A_1000 : vector<32xbf16> to vector<16xi32>
      tpu.vector_store_idx %arg12[%add3A_1042], %bitcast3A_1043 : memref<1280xi32, #tpu.memory_space<vmem>>[vector<16xi32>], vector<16xi32>,
      %add3A_1044 = arith.constant 7 : i32
      %add3A_1045 = vector.broadcast %add3A_1044 : i32 to vector<16xi32>
      %add3A_1046 = arith.addi %add3A_543, %add3A_1045 : vector<16xi32>
      %bitcast3A_1047 = vector.bitcast %add3A_1015 : vector<32xbf16> to vector<16xi32>
      tpu.vector_store_idx %arg12[%add3A_1046], %bitcast3A_1047 : memref<1280xi32, #tpu.memory_space<vmem>>[vector<16xi32>], vector<16xi32>,
      %mul3A_1048 = arith.constant 16 : i32
      %mul3A_1049 = arith.muli %scan3A_539, %mul3A_1048 : i32
      %add3A_1050 = arith.constant 8 : i32
      %add3A_1051 = arith.addi %mul3A_1049, %add3A_1050 : i32
      %add3A_1052 = arith.constant 0 : i32
      %add3A_1053 = arith.addi %add3A_1051, %add3A_1052 : i32
      %get3A_1054 = arith.index_cast %add3A_1053 : i32 to index
      %get3A_1055 = arith.constant 0 : index
      %get3A_1056 = tpu.vector_load %arg8[%get3A_1054, %get3A_1055] {strides = array<i32>} : memref<80x128xbf16, #tpu.memory_space<vmem>>, vector<32xbf16>,
      %get3A_1057 = arith.index_cast %add3A_1053 : i32 to index
      %get3A_1058 = arith.constant 0 : index
      %get3A_1059 = tpu.vector_load %arg9[%get3A_1057, %get3A_1058] {strides = array<i32>} : memref<80x128xbf16, #tpu.memory_space<vmem>>, vector<32xbf16>,
      %sub3A_1060 = arith.subf %get3A_1056, %get3A_1059 : vector<32xbf16>
      %mul3A_1061 = arith.mulf %sub3A_1060, %sub3A_1060 : vector<32xbf16>
      %mul3A_1062 = arith.constant 16 : i32
      %mul3A_1063 = arith.muli %scan3A_539, %mul3A_1062 : i32
      %add3A_1064 = arith.constant 8 : i32
      %add3A_1065 = arith.addi %mul3A_1063, %add3A_1064 : i32
      %add3A_1066 = arith.constant 1 : i32
      %add3A_1067 = arith.addi %add3A_1065, %add3A_1066 : i32
      %get3A_1068 = arith.index_cast %add3A_1067 : i32 to index
      %get3A_1069 = arith.constant 0 : index
      %get3A_1070 = tpu.vector_load %arg8[%get3A_1068, %get3A_1069] {strides = array<i32>} : memref<80x128xbf16, #tpu.memory_space<vmem>>, vector<32xbf16>,
      %get3A_1071 = arith.index_cast %add3A_1067 : i32 to index
      %get3A_1072 = arith.constant 0 : index
      %get3A_1073 = tpu.vector_load %arg9[%get3A_1071, %get3A_1072] {strides = array<i32>} : memref<80x128xbf16, #tpu.memory_space<vmem>>, vector<32xbf16>,
      %sub3A_1074 = arith.subf %get3A_1070, %get3A_1073 : vector<32xbf16>
      %mul3A_1075 = arith.mulf %sub3A_1074, %sub3A_1074 : vector<32xbf16>
      %mul3A_1076 = arith.constant 16 : i32
      %mul3A_1077 = arith.muli %scan3A_539, %mul3A_1076 : i32
      %add3A_1078 = arith.constant 8 : i32
      %add3A_1079 = arith.addi %mul3A_1077, %add3A_1078 : i32
      %add3A_1080 = arith.constant 2 : i32
      %add3A_1081 = arith.addi %add3A_1079, %add3A_1080 : i32
      %get3A_1082 = arith.index_cast %add3A_1081 : i32 to index
      %get3A_1083 = arith.constant 0 : index
      %get3A_1084 = tpu.vector_load %arg8[%get3A_1082, %get3A_1083] {strides = array<i32>} : memref<80x128xbf16, #tpu.memory_space<vmem>>, vector<32xbf16>,
      %get3A_1085 = arith.index_cast %add3A_1081 : i32 to index
      %get3A_1086 = arith.constant 0 : index
      %get3A_1087 = tpu.vector_load %arg9[%get3A_1085, %get3A_1086] {strides = array<i32>} : memref<80x128xbf16, #tpu.memory_space<vmem>>, vector<32xbf16>,
      %sub3A_1088 = arith.subf %get3A_1084, %get3A_1087 : vector<32xbf16>
      %mul3A_1089 = arith.mulf %sub3A_1088, %sub3A_1088 : vector<32xbf16>
      %mul3A_1090 = arith.constant 16 : i32
      %mul3A_1091 = arith.muli %scan3A_539, %mul3A_1090 : i32
      %add3A_1092 = arith.constant 8 : i32
      %add3A_1093 = arith.addi %mul3A_1091, %add3A_1092 : i32
      %add3A_1094 = arith.constant 3 : i32
      %add3A_1095 = arith.addi %add3A_1093, %add3A_1094 : i32
      %get3A_1096 = arith.index_cast %add3A_1095 : i32 to index
      %get3A_1097 = arith.constant 0 : index
      %get3A_1098 = tpu.vector_load %arg8[%get3A_1096, %get3A_1097] {strides = array<i32>} : memref<80x128xbf16, #tpu.memory_space<vmem>>, vector<32xbf16>,
      %get3A_1099 = arith.index_cast %add3A_1095 : i32 to index
      %get3A_1100 = arith.constant 0 : index
      %get3A_1101 = tpu.vector_load %arg9[%get3A_1099, %get3A_1100] {strides = array<i32>} : memref<80x128xbf16, #tpu.memory_space<vmem>>, vector<32xbf16>,
      %sub3A_1102 = arith.subf %get3A_1098, %get3A_1101 : vector<32xbf16>
      %mul3A_1103 = arith.mulf %sub3A_1102, %sub3A_1102 : vector<32xbf16>
      %mul3A_1104 = arith.constant 16 : i32
      %mul3A_1105 = arith.muli %scan3A_539, %mul3A_1104 : i32
      %add3A_1106 = arith.constant 8 : i32
      %add3A_1107 = arith.addi %mul3A_1105, %add3A_1106 : i32
      %add3A_1108 = arith.constant 4 : i32
      %add3A_1109 = arith.addi %add3A_1107, %add3A_1108 : i32
      %get3A_1110 = arith.index_cast %add3A_1109 : i32 to index
      %get3A_1111 = arith.constant 0 : index
      %get3A_1112 = tpu.vector_load %arg8[%get3A_1110, %get3A_1111] {strides = array<i32>} : memref<80x128xbf16, #tpu.memory_space<vmem>>, vector<32xbf16>,
      %get3A_1113 = arith.index_cast %add3A_1109 : i32 to index
      %get3A_1114 = arith.constant 0 : index
      %get3A_1115 = tpu.vector_load %arg9[%get3A_1113, %get3A_1114] {strides = array<i32>} : memref<80x128xbf16, #tpu.memory_space<vmem>>, vector<32xbf16>,
      %sub3A_1116 = arith.subf %get3A_1112, %get3A_1115 : vector<32xbf16>
      %mul3A_1117 = arith.mulf %sub3A_1116, %sub3A_1116 : vector<32xbf16>
      %mul3A_1118 = arith.constant 16 : i32
      %mul3A_1119 = arith.muli %scan3A_539, %mul3A_1118 : i32
      %add3A_1120 = arith.constant 8 : i32
      %add3A_1121 = arith.addi %mul3A_1119, %add3A_1120 : i32
      %add3A_1122 = arith.constant 5 : i32
      %add3A_1123 = arith.addi %add3A_1121, %add3A_1122 : i32
      %get3A_1124 = arith.index_cast %add3A_1123 : i32 to index
      %get3A_1125 = arith.constant 0 : index
      %get3A_1126 = tpu.vector_load %arg8[%get3A_1124, %get3A_1125] {strides = array<i32>} : memref<80x128xbf16, #tpu.memory_space<vmem>>, vector<32xbf16>,
      %get3A_1127 = arith.index_cast %add3A_1123 : i32 to index
      %get3A_1128 = arith.constant 0 : index
      %get3A_1129 = tpu.vector_load %arg9[%get3A_1127, %get3A_1128] {strides = array<i32>} : memref<80x128xbf16, #tpu.memory_space<vmem>>, vector<32xbf16>,
      %sub3A_1130 = arith.subf %get3A_1126, %get3A_1129 : vector<32xbf16>
      %mul3A_1131 = arith.mulf %sub3A_1130, %sub3A_1130 : vector<32xbf16>
      %mul3A_1132 = arith.constant 16 : i32
      %mul3A_1133 = arith.muli %scan3A_539, %mul3A_1132 : i32
      %add3A_1134 = arith.constant 8 : i32
      %add3A_1135 = arith.addi %mul3A_1133, %add3A_1134 : i32
      %add3A_1136 = arith.constant 6 : i32
      %add3A_1137 = arith.addi %add3A_1135, %add3A_1136 : i32
      %get3A_1138 = arith.index_cast %add3A_1137 : i32 to index
      %get3A_1139 = arith.constant 0 : index
      %get3A_1140 = tpu.vector_load %arg8[%get3A_1138, %get3A_1139] {strides = array<i32>} : memref<80x128xbf16, #tpu.memory_space<vmem>>, vector<32xbf16>,
      %get3A_1141 = arith.index_cast %add3A_1137 : i32 to index
      %get3A_1142 = arith.constant 0 : index
      %get3A_1143 = tpu.vector_load %arg9[%get3A_1141, %get3A_1142] {strides = array<i32>} : memref<80x128xbf16, #tpu.memory_space<vmem>>, vector<32xbf16>,
      %sub3A_1144 = arith.subf %get3A_1140, %get3A_1143 : vector<32xbf16>
      %mul3A_1145 = arith.mulf %sub3A_1144, %sub3A_1144 : vector<32xbf16>
      %mul3A_1146 = arith.constant 16 : i32
      %mul3A_1147 = arith.muli %scan3A_539, %mul3A_1146 : i32
      %add3A_1148 = arith.constant 8 : i32
      %add3A_1149 = arith.addi %mul3A_1147, %add3A_1148 : i32
      %add3A_1150 = arith.constant 7 : i32
      %add3A_1151 = arith.addi %add3A_1149, %add3A_1150 : i32
      %get3A_1152 = arith.index_cast %add3A_1151 : i32 to index
      %get3A_1153 = arith.constant 0 : index
      %get3A_1154 = tpu.vector_load %arg8[%get3A_1152, %get3A_1153] {strides = array<i32>} : memref<80x128xbf16, #tpu.memory_space<vmem>>, vector<32xbf16>,
      %get3A_1155 = arith.index_cast %add3A_1151 : i32 to index
      %get3A_1156 = arith.constant 0 : index
      %get3A_1157 = tpu.vector_load %arg9[%get3A_1155, %get3A_1156] {strides = array<i32>} : memref<80x128xbf16, #tpu.memory_space<vmem>>, vector<32xbf16>,
      %sub3A_1158 = arith.subf %get3A_1154, %get3A_1157 : vector<32xbf16>
      %mul3A_1159 = arith.mulf %sub3A_1158, %sub3A_1158 : vector<32xbf16>
      %mul3A_1160 = arith.constant 16 : i32
      %mul3A_1161 = arith.muli %scan3A_539, %mul3A_1160 : i32
      %add3A_1162 = arith.constant 8 : i32
      %add3A_1163 = arith.addi %mul3A_1161, %add3A_1162 : i32
      %add3A_1164 = arith.constant 0 : i32
      %add3A_1165 = arith.addi %add3A_1163, %add3A_1164 : i32
      %get3A_1166 = arith.index_cast %add3A_1165 : i32 to index
      %get3A_1167 = arith.constant 32 : index
      %get3A_1168 = tpu.vector_load %arg8[%get3A_1166, %get3A_1167] {strides = array<i32>} : memref<80x128xbf16, #tpu.memory_space<vmem>>, vector<32xbf16>,
      %get3A_1169 = arith.index_cast %add3A_1165 : i32 to index
      %get3A_1170 = arith.constant 32 : index
      %get3A_1171 = tpu.vector_load %arg9[%get3A_1169, %get3A_1170] {strides = array<i32>} : memref<80x128xbf16, #tpu.memory_space<vmem>>, vector<32xbf16>,
      %sub3A_1172 = arith.subf %get3A_1168, %get3A_1171 : vector<32xbf16>
      %mul3A_1173 = arith.mulf %sub3A_1172, %sub3A_1172 : vector<32xbf16>
      %add3A_1174 = arith.addf %mul3A_1061, %mul3A_1173 : vector<32xbf16>
      %mul3A_1175 = arith.constant 16 : i32
      %mul3A_1176 = arith.muli %scan3A_539, %mul3A_1175 : i32
      %add3A_1177 = arith.constant 8 : i32
      %add3A_1178 = arith.addi %mul3A_1176, %add3A_1177 : i32
      %add3A_1179 = arith.constant 1 : i32
      %add3A_1180 = arith.addi %add3A_1178, %add3A_1179 : i32
      %get3A_1181 = arith.index_cast %add3A_1180 : i32 to index
      %get3A_1182 = arith.constant 32 : index
      %get3A_1183 = tpu.vector_load %arg8[%get3A_1181, %get3A_1182] {strides = array<i32>} : memref<80x128xbf16, #tpu.memory_space<vmem>>, vector<32xbf16>,
      %get3A_1184 = arith.index_cast %add3A_1180 : i32 to index
      %get3A_1185 = arith.constant 32 : index
      %get3A_1186 = tpu.vector_load %arg9[%get3A_1184, %get3A_1185] {strides = array<i32>} : memref<80x128xbf16, #tpu.memory_space<vmem>>, vector<32xbf16>,
      %sub3A_1187 = arith.subf %get3A_1183, %get3A_1186 : vector<32xbf16>
      %mul3A_1188 = arith.mulf %sub3A_1187, %sub3A_1187 : vector<32xbf16>
      %add3A_1189 = arith.addf %mul3A_1075, %mul3A_1188 : vector<32xbf16>
      %mul3A_1190 = arith.constant 16 : i32
      %mul3A_1191 = arith.muli %scan3A_539, %mul3A_1190 : i32
      %add3A_1192 = arith.constant 8 : i32
      %add3A_1193 = arith.addi %mul3A_1191, %add3A_1192 : i32
      %add3A_1194 = arith.constant 2 : i32
      %add3A_1195 = arith.addi %add3A_1193, %add3A_1194 : i32
      %get3A_1196 = arith.index_cast %add3A_1195 : i32 to index
      %get3A_1197 = arith.constant 32 : index
      %get3A_1198 = tpu.vector_load %arg8[%get3A_1196, %get3A_1197] {strides = array<i32>} : memref<80x128xbf16, #tpu.memory_space<vmem>>, vector<32xbf16>,
      %get3A_1199 = arith.index_cast %add3A_1195 : i32 to index
      %get3A_1200 = arith.constant 32 : index
      %get3A_1201 = tpu.vector_load %arg9[%get3A_1199, %get3A_1200] {strides = array<i32>} : memref<80x128xbf16, #tpu.memory_space<vmem>>, vector<32xbf16>,
      %sub3A_1202 = arith.subf %get3A_1198, %get3A_1201 : vector<32xbf16>
      %mul3A_1203 = arith.mulf %sub3A_1202, %sub3A_1202 : vector<32xbf16>
      %add3A_1204 = arith.addf %mul3A_1089, %mul3A_1203 : vector<32xbf16>
      %mul3A_1205 = arith.constant 16 : i32
      %mul3A_1206 = arith.muli %scan3A_539, %mul3A_1205 : i32
      %add3A_1207 = arith.constant 8 : i32
      %add3A_1208 = arith.addi %mul3A_1206, %add3A_1207 : i32
      %add3A_1209 = arith.constant 3 : i32
      %add3A_1210 = arith.addi %add3A_1208, %add3A_1209 : i32
      %get3A_1211 = arith.index_cast %add3A_1210 : i32 to index
      %get3A_1212 = arith.constant 32 : index
      %get3A_1213 = tpu.vector_load %arg8[%get3A_1211, %get3A_1212] {strides = array<i32>} : memref<80x128xbf16, #tpu.memory_space<vmem>>, vector<32xbf16>,
      %get3A_1214 = arith.index_cast %add3A_1210 : i32 to index
      %get3A_1215 = arith.constant 32 : index
      %get3A_1216 = tpu.vector_load %arg9[%get3A_1214, %get3A_1215] {strides = array<i32>} : memref<80x128xbf16, #tpu.memory_space<vmem>>, vector<32xbf16>,
      %sub3A_1217 = arith.subf %get3A_1213, %get3A_1216 : vector<32xbf16>
      %mul3A_1218 = arith.mulf %sub3A_1217, %sub3A_1217 : vector<32xbf16>
      %add3A_1219 = arith.addf %mul3A_1103, %mul3A_1218 : vector<32xbf16>
      %mul3A_1220 = arith.constant 16 : i32
      %mul3A_1221 = arith.muli %scan3A_539, %mul3A_1220 : i32
      %add3A_1222 = arith.constant 8 : i32
      %add3A_1223 = arith.addi %mul3A_1221, %add3A_1222 : i32
      %add3A_1224 = arith.constant 4 : i32
      %add3A_1225 = arith.addi %add3A_1223, %add3A_1224 : i32
      %get3A_1226 = arith.index_cast %add3A_1225 : i32 to index
      %get3A_1227 = arith.constant 32 : index
      %get3A_1228 = tpu.vector_load %arg8[%get3A_1226, %get3A_1227] {strides = array<i32>} : memref<80x128xbf16, #tpu.memory_space<vmem>>, vector<32xbf16>,
      %get3A_1229 = arith.index_cast %add3A_1225 : i32 to index
      %get3A_1230 = arith.constant 32 : index
      %get3A_1231 = tpu.vector_load %arg9[%get3A_1229, %get3A_1230] {strides = array<i32>} : memref<80x128xbf16, #tpu.memory_space<vmem>>, vector<32xbf16>,
      %sub3A_1232 = arith.subf %get3A_1228, %get3A_1231 : vector<32xbf16>
      %mul3A_1233 = arith.mulf %sub3A_1232, %sub3A_1232 : vector<32xbf16>
      %add3A_1234 = arith.addf %mul3A_1117, %mul3A_1233 : vector<32xbf16>
      %mul3A_1235 = arith.constant 16 : i32
      %mul3A_1236 = arith.muli %scan3A_539, %mul3A_1235 : i32
      %add3A_1237 = arith.constant 8 : i32
      %add3A_1238 = arith.addi %mul3A_1236, %add3A_1237 : i32
      %add3A_1239 = arith.constant 5 : i32
      %add3A_1240 = arith.addi %add3A_1238, %add3A_1239 : i32
      %get3A_1241 = arith.index_cast %add3A_1240 : i32 to index
      %get3A_1242 = arith.constant 32 : index
      %get3A_1243 = tpu.vector_load %arg8[%get3A_1241, %get3A_1242] {strides = array<i32>} : memref<80x128xbf16, #tpu.memory_space<vmem>>, vector<32xbf16>,
      %get3A_1244 = arith.index_cast %add3A_1240 : i32 to index
      %get3A_1245 = arith.constant 32 : index
      %get3A_1246 = tpu.vector_load %arg9[%get3A_1244, %get3A_1245] {strides = array<i32>} : memref<80x128xbf16, #tpu.memory_space<vmem>>, vector<32xbf16>,
      %sub3A_1247 = arith.subf %get3A_1243, %get3A_1246 : vector<32xbf16>
      %mul3A_1248 = arith.mulf %sub3A_1247, %sub3A_1247 : vector<32xbf16>
      %add3A_1249 = arith.addf %mul3A_1131, %mul3A_1248 : vector<32xbf16>
      %mul3A_1250 = arith.constant 16 : i32
      %mul3A_1251 = arith.muli %scan3A_539, %mul3A_1250 : i32
      %add3A_1252 = arith.constant 8 : i32
      %add3A_1253 = arith.addi %mul3A_1251, %add3A_1252 : i32
      %add3A_1254 = arith.constant 6 : i32
      %add3A_1255 = arith.addi %add3A_1253, %add3A_1254 : i32
      %get3A_1256 = arith.index_cast %add3A_1255 : i32 to index
      %get3A_1257 = arith.constant 32 : index
      %get3A_1258 = tpu.vector_load %arg8[%get3A_1256, %get3A_1257] {strides = array<i32>} : memref<80x128xbf16, #tpu.memory_space<vmem>>, vector<32xbf16>,
      %get3A_1259 = arith.index_cast %add3A_1255 : i32 to index
      %get3A_1260 = arith.constant 32 : index
      %get3A_1261 = tpu.vector_load %arg9[%get3A_1259, %get3A_1260] {strides = array<i32>} : memref<80x128xbf16, #tpu.memory_space<vmem>>, vector<32xbf16>,
      %sub3A_1262 = arith.subf %get3A_1258, %get3A_1261 : vector<32xbf16>
      %mul3A_1263 = arith.mulf %sub3A_1262, %sub3A_1262 : vector<32xbf16>
      %add3A_1264 = arith.addf %mul3A_1145, %mul3A_1263 : vector<32xbf16>
      %mul3A_1265 = arith.constant 16 : i32
      %mul3A_1266 = arith.muli %scan3A_539, %mul3A_1265 : i32
      %add3A_1267 = arith.constant 8 : i32
      %add3A_1268 = arith.addi %mul3A_1266, %add3A_1267 : i32
      %add3A_1269 = arith.constant 7 : i32
      %add3A_1270 = arith.addi %add3A_1268, %add3A_1269 : i32
      %get3A_1271 = arith.index_cast %add3A_1270 : i32 to index
      %get3A_1272 = arith.constant 32 : index
      %get3A_1273 = tpu.vector_load %arg8[%get3A_1271, %get3A_1272] {strides = array<i32>} : memref<80x128xbf16, #tpu.memory_space<vmem>>, vector<32xbf16>,
      %get3A_1274 = arith.index_cast %add3A_1270 : i32 to index
      %get3A_1275 = arith.constant 32 : index
      %get3A_1276 = tpu.vector_load %arg9[%get3A_1274, %get3A_1275] {strides = array<i32>} : memref<80x128xbf16, #tpu.memory_space<vmem>>, vector<32xbf16>,
      %sub3A_1277 = arith.subf %get3A_1273, %get3A_1276 : vector<32xbf16>
      %mul3A_1278 = arith.mulf %sub3A_1277, %sub3A_1277 : vector<32xbf16>
      %add3A_1279 = arith.addf %mul3A_1159, %mul3A_1278 : vector<32xbf16>
      %mul3A_1280 = arith.constant 16 : i32
      %mul3A_1281 = arith.muli %scan3A_539, %mul3A_1280 : i32
      %add3A_1282 = arith.constant 8 : i32
      %add3A_1283 = arith.addi %mul3A_1281, %add3A_1282 : i32
      %add3A_1284 = arith.constant 0 : i32
      %add3A_1285 = arith.addi %add3A_1283, %add3A_1284 : i32
      %get3A_1286 = arith.index_cast %add3A_1285 : i32 to index
      %get3A_1287 = arith.constant 64 : index
      %get3A_1288 = tpu.vector_load %arg8[%get3A_1286, %get3A_1287] {strides = array<i32>} : memref<80x128xbf16, #tpu.memory_space<vmem>>, vector<32xbf16>,
      %get3A_1289 = arith.index_cast %add3A_1285 : i32 to index
      %get3A_1290 = arith.constant 64 : index
      %get3A_1291 = tpu.vector_load %arg9[%get3A_1289, %get3A_1290] {strides = array<i32>} : memref<80x128xbf16, #tpu.memory_space<vmem>>, vector<32xbf16>,
      %sub3A_1292 = arith.subf %get3A_1288, %get3A_1291 : vector<32xbf16>
      %mul3A_1293 = arith.mulf %sub3A_1292, %sub3A_1292 : vector<32xbf16>
      %add3A_1294 = arith.addf %add3A_1174, %mul3A_1293 : vector<32xbf16>
      %mul3A_1295 = arith.constant 16 : i32
      %mul3A_1296 = arith.muli %scan3A_539, %mul3A_1295 : i32
      %add3A_1297 = arith.constant 8 : i32
      %add3A_1298 = arith.addi %mul3A_1296, %add3A_1297 : i32
      %add3A_1299 = arith.constant 1 : i32
      %add3A_1300 = arith.addi %add3A_1298, %add3A_1299 : i32
      %get3A_1301 = arith.index_cast %add3A_1300 : i32 to index
      %get3A_1302 = arith.constant 64 : index
      %get3A_1303 = tpu.vector_load %arg8[%get3A_1301, %get3A_1302] {strides = array<i32>} : memref<80x128xbf16, #tpu.memory_space<vmem>>, vector<32xbf16>,
      %get3A_1304 = arith.index_cast %add3A_1300 : i32 to index
      %get3A_1305 = arith.constant 64 : index
      %get3A_1306 = tpu.vector_load %arg9[%get3A_1304, %get3A_1305] {strides = array<i32>} : memref<80x128xbf16, #tpu.memory_space<vmem>>, vector<32xbf16>,
      %sub3A_1307 = arith.subf %get3A_1303, %get3A_1306 : vector<32xbf16>
      %mul3A_1308 = arith.mulf %sub3A_1307, %sub3A_1307 : vector<32xbf16>
      %add3A_1309 = arith.addf %add3A_1189, %mul3A_1308 : vector<32xbf16>
      %mul3A_1310 = arith.constant 16 : i32
      %mul3A_1311 = arith.muli %scan3A_539, %mul3A_1310 : i32
      %add3A_1312 = arith.constant 8 : i32
      %add3A_1313 = arith.addi %mul3A_1311, %add3A_1312 : i32
      %add3A_1314 = arith.constant 2 : i32
      %add3A_1315 = arith.addi %add3A_1313, %add3A_1314 : i32
      %get3A_1316 = arith.index_cast %add3A_1315 : i32 to index
      %get3A_1317 = arith.constant 64 : index
      %get3A_1318 = tpu.vector_load %arg8[%get3A_1316, %get3A_1317] {strides = array<i32>} : memref<80x128xbf16, #tpu.memory_space<vmem>>, vector<32xbf16>,
      %get3A_1319 = arith.index_cast %add3A_1315 : i32 to index
      %get3A_1320 = arith.constant 64 : index
      %get3A_1321 = tpu.vector_load %arg9[%get3A_1319, %get3A_1320] {strides = array<i32>} : memref<80x128xbf16, #tpu.memory_space<vmem>>, vector<32xbf16>,
      %sub3A_1322 = arith.subf %get3A_1318, %get3A_1321 : vector<32xbf16>
      %mul3A_1323 = arith.mulf %sub3A_1322, %sub3A_1322 : vector<32xbf16>
      %add3A_1324 = arith.addf %add3A_1204, %mul3A_1323 : vector<32xbf16>
      %mul3A_1325 = arith.constant 16 : i32
      %mul3A_1326 = arith.muli %scan3A_539, %mul3A_1325 : i32
      %add3A_1327 = arith.constant 8 : i32
      %add3A_1328 = arith.addi %mul3A_1326, %add3A_1327 : i32
      %add3A_1329 = arith.constant 3 : i32
      %add3A_1330 = arith.addi %add3A_1328, %add3A_1329 : i32
      %get3A_1331 = arith.index_cast %add3A_1330 : i32 to index
      %get3A_1332 = arith.constant 64 : index
      %get3A_1333 = tpu.vector_load %arg8[%get3A_1331, %get3A_1332] {strides = array<i32>} : memref<80x128xbf16, #tpu.memory_space<vmem>>, vector<32xbf16>,
      %get3A_1334 = arith.index_cast %add3A_1330 : i32 to index
      %get3A_1335 = arith.constant 64 : index
      %get3A_1336 = tpu.vector_load %arg9[%get3A_1334, %get3A_1335] {strides = array<i32>} : memref<80x128xbf16, #tpu.memory_space<vmem>>, vector<32xbf16>,
      %sub3A_1337 = arith.subf %get3A_1333, %get3A_1336 : vector<32xbf16>
      %mul3A_1338 = arith.mulf %sub3A_1337, %sub3A_1337 : vector<32xbf16>
      %add3A_1339 = arith.addf %add3A_1219, %mul3A_1338 : vector<32xbf16>
      %mul3A_1340 = arith.constant 16 : i32
      %mul3A_1341 = arith.muli %scan3A_539, %mul3A_1340 : i32
      %add3A_1342 = arith.constant 8 : i32
      %add3A_1343 = arith.addi %mul3A_1341, %add3A_1342 : i32
      %add3A_1344 = arith.constant 4 : i32
      %add3A_1345 = arith.addi %add3A_1343, %add3A_1344 : i32
      %get3A_1346 = arith.index_cast %add3A_1345 : i32 to index
      %get3A_1347 = arith.constant 64 : index
      %get3A_1348 = tpu.vector_load %arg8[%get3A_1346, %get3A_1347] {strides = array<i32>} : memref<80x128xbf16, #tpu.memory_space<vmem>>, vector<32xbf16>,
      %get3A_1349 = arith.index_cast %add3A_1345 : i32 to index
      %get3A_1350 = arith.constant 64 : index
      %get3A_1351 = tpu.vector_load %arg9[%get3A_1349, %get3A_1350] {strides = array<i32>} : memref<80x128xbf16, #tpu.memory_space<vmem>>, vector<32xbf16>,
      %sub3A_1352 = arith.subf %get3A_1348, %get3A_1351 : vector<32xbf16>
      %mul3A_1353 = arith.mulf %sub3A_1352, %sub3A_1352 : vector<32xbf16>
      %add3A_1354 = arith.addf %add3A_1234, %mul3A_1353 : vector<32xbf16>
      %mul3A_1355 = arith.constant 16 : i32
      %mul3A_1356 = arith.muli %scan3A_539, %mul3A_1355 : i32
      %add3A_1357 = arith.constant 8 : i32
      %add3A_1358 = arith.addi %mul3A_1356, %add3A_1357 : i32
      %add3A_1359 = arith.constant 5 : i32
      %add3A_1360 = arith.addi %add3A_1358, %add3A_1359 : i32
      %get3A_1361 = arith.index_cast %add3A_1360 : i32 to index
      %get3A_1362 = arith.constant 64 : index
      %get3A_1363 = tpu.vector_load %arg8[%get3A_1361, %get3A_1362] {strides = array<i32>} : memref<80x128xbf16, #tpu.memory_space<vmem>>, vector<32xbf16>,
      %get3A_1364 = arith.index_cast %add3A_1360 : i32 to index
      %get3A_1365 = arith.constant 64 : index
      %get3A_1366 = tpu.vector_load %arg9[%get3A_1364, %get3A_1365] {strides = array<i32>} : memref<80x128xbf16, #tpu.memory_space<vmem>>, vector<32xbf16>,
      %sub3A_1367 = arith.subf %get3A_1363, %get3A_1366 : vector<32xbf16>
      %mul3A_1368 = arith.mulf %sub3A_1367, %sub3A_1367 : vector<32xbf16>
      %add3A_1369 = arith.addf %add3A_1249, %mul3A_1368 : vector<32xbf16>
      %mul3A_1370 = arith.constant 16 : i32
      %mul3A_1371 = arith.muli %scan3A_539, %mul3A_1370 : i32
      %add3A_1372 = arith.constant 8 : i32
      %add3A_1373 = arith.addi %mul3A_1371, %add3A_1372 : i32
      %add3A_1374 = arith.constant 6 : i32
      %add3A_1375 = arith.addi %add3A_1373, %add3A_1374 : i32
      %get3A_1376 = arith.index_cast %add3A_1375 : i32 to index
      %get3A_1377 = arith.constant 64 : index
      %get3A_1378 = tpu.vector_load %arg8[%get3A_1376, %get3A_1377] {strides = array<i32>} : memref<80x128xbf16, #tpu.memory_space<vmem>>, vector<32xbf16>,
      %get3A_1379 = arith.index_cast %add3A_1375 : i32 to index
      %get3A_1380 = arith.constant 64 : index
      %get3A_1381 = tpu.vector_load %arg9[%get3A_1379, %get3A_1380] {strides = array<i32>} : memref<80x128xbf16, #tpu.memory_space<vmem>>, vector<32xbf16>,
      %sub3A_1382 = arith.subf %get3A_1378, %get3A_1381 : vector<32xbf16>
      %mul3A_1383 = arith.mulf %sub3A_1382, %sub3A_1382 : vector<32xbf16>
      %add3A_1384 = arith.addf %add3A_1264, %mul3A_1383 : vector<32xbf16>
      %mul3A_1385 = arith.constant 16 : i32
      %mul3A_1386 = arith.muli %scan3A_539, %mul3A_1385 : i32
      %add3A_1387 = arith.constant 8 : i32
      %add3A_1388 = arith.addi %mul3A_1386, %add3A_1387 : i32
      %add3A_1389 = arith.constant 7 : i32
      %add3A_1390 = arith.addi %add3A_1388, %add3A_1389 : i32
      %get3A_1391 = arith.index_cast %add3A_1390 : i32 to index
      %get3A_1392 = arith.constant 64 : index
      %get3A_1393 = tpu.vector_load %arg8[%get3A_1391, %get3A_1392] {strides = array<i32>} : memref<80x128xbf16, #tpu.memory_space<vmem>>, vector<32xbf16>,
      %get3A_1394 = arith.index_cast %add3A_1390 : i32 to index
      %get3A_1395 = arith.constant 64 : index
      %get3A_1396 = tpu.vector_load %arg9[%get3A_1394, %get3A_1395] {strides = array<i32>} : memref<80x128xbf16, #tpu.memory_space<vmem>>, vector<32xbf16>,
      %sub3A_1397 = arith.subf %get3A_1393, %get3A_1396 : vector<32xbf16>
      %mul3A_1398 = arith.mulf %sub3A_1397, %sub3A_1397 : vector<32xbf16>
      %add3A_1399 = arith.addf %add3A_1279, %mul3A_1398 : vector<32xbf16>
      %mul3A_1400 = arith.constant 16 : i32
      %mul3A_1401 = arith.muli %scan3A_539, %mul3A_1400 : i32
      %add3A_1402 = arith.constant 8 : i32
      %add3A_1403 = arith.addi %mul3A_1401, %add3A_1402 : i32
      %add3A_1404 = arith.constant 0 : i32
      %add3A_1405 = arith.addi %add3A_1403, %add3A_1404 : i32
      %get3A_1406 = arith.index_cast %add3A_1405 : i32 to index
      %get3A_1407 = arith.constant 96 : index
      %get3A_1408 = tpu.vector_load %arg8[%get3A_1406, %get3A_1407] {strides = array<i32>} : memref<80x128xbf16, #tpu.memory_space<vmem>>, vector<32xbf16>,
      %get3A_1409 = arith.index_cast %add3A_1405 : i32 to index
      %get3A_1410 = arith.constant 96 : index
      %get3A_1411 = tpu.vector_load %arg9[%get3A_1409, %get3A_1410] {strides = array<i32>} : memref<80x128xbf16, #tpu.memory_space<vmem>>, vector<32xbf16>,
      %sub3A_1412 = arith.subf %get3A_1408, %get3A_1411 : vector<32xbf16>
      %mul3A_1413 = arith.mulf %sub3A_1412, %sub3A_1412 : vector<32xbf16>
      %add3A_1414 = arith.addf %add3A_1294, %mul3A_1413 : vector<32xbf16>
      %mul3A_1415 = arith.constant 16 : i32
      %mul3A_1416 = arith.muli %scan3A_539, %mul3A_1415 : i32
      %add3A_1417 = arith.constant 8 : i32
      %add3A_1418 = arith.addi %mul3A_1416, %add3A_1417 : i32
      %add3A_1419 = arith.constant 1 : i32
      %add3A_1420 = arith.addi %add3A_1418, %add3A_1419 : i32
      %get3A_1421 = arith.index_cast %add3A_1420 : i32 to index
      %get3A_1422 = arith.constant 96 : index
      %get3A_1423 = tpu.vector_load %arg8[%get3A_1421, %get3A_1422] {strides = array<i32>} : memref<80x128xbf16, #tpu.memory_space<vmem>>, vector<32xbf16>,
      %get3A_1424 = arith.index_cast %add3A_1420 : i32 to index
      %get3A_1425 = arith.constant 96 : index
      %get3A_1426 = tpu.vector_load %arg9[%get3A_1424, %get3A_1425] {strides = array<i32>} : memref<80x128xbf16, #tpu.memory_space<vmem>>, vector<32xbf16>,
      %sub3A_1427 = arith.subf %get3A_1423, %get3A_1426 : vector<32xbf16>
      %mul3A_1428 = arith.mulf %sub3A_1427, %sub3A_1427 : vector<32xbf16>
      %add3A_1429 = arith.addf %add3A_1309, %mul3A_1428 : vector<32xbf16>
      %mul3A_1430 = arith.constant 16 : i32
      %mul3A_1431 = arith.muli %scan3A_539, %mul3A_1430 : i32
      %add3A_1432 = arith.constant 8 : i32
      %add3A_1433 = arith.addi %mul3A_1431, %add3A_1432 : i32
      %add3A_1434 = arith.constant 2 : i32
      %add3A_1435 = arith.addi %add3A_1433, %add3A_1434 : i32
      %get3A_1436 = arith.index_cast %add3A_1435 : i32 to index
      %get3A_1437 = arith.constant 96 : index
      %get3A_1438 = tpu.vector_load %arg8[%get3A_1436, %get3A_1437] {strides = array<i32>} : memref<80x128xbf16, #tpu.memory_space<vmem>>, vector<32xbf16>,
      %get3A_1439 = arith.index_cast %add3A_1435 : i32 to index
      %get3A_1440 = arith.constant 96 : index
      %get3A_1441 = tpu.vector_load %arg9[%get3A_1439, %get3A_1440] {strides = array<i32>} : memref<80x128xbf16, #tpu.memory_space<vmem>>, vector<32xbf16>,
      %sub3A_1442 = arith.subf %get3A_1438, %get3A_1441 : vector<32xbf16>
      %mul3A_1443 = arith.mulf %sub3A_1442, %sub3A_1442 : vector<32xbf16>
      %add3A_1444 = arith.addf %add3A_1324, %mul3A_1443 : vector<32xbf16>
      %mul3A_1445 = arith.constant 16 : i32
      %mul3A_1446 = arith.muli %scan3A_539, %mul3A_1445 : i32
      %add3A_1447 = arith.constant 8 : i32
      %add3A_1448 = arith.addi %mul3A_1446, %add3A_1447 : i32
      %add3A_1449 = arith.constant 3 : i32
      %add3A_1450 = arith.addi %add3A_1448, %add3A_1449 : i32
      %get3A_1451 = arith.index_cast %add3A_1450 : i32 to index
      %get3A_1452 = arith.constant 96 : index
      %get3A_1453 = tpu.vector_load %arg8[%get3A_1451, %get3A_1452] {strides = array<i32>} : memref<80x128xbf16, #tpu.memory_space<vmem>>, vector<32xbf16>,
      %get3A_1454 = arith.index_cast %add3A_1450 : i32 to index
      %get3A_1455 = arith.constant 96 : index
      %get3A_1456 = tpu.vector_load %arg9[%get3A_1454, %get3A_1455] {strides = array<i32>} : memref<80x128xbf16, #tpu.memory_space<vmem>>, vector<32xbf16>,
      %sub3A_1457 = arith.subf %get3A_1453, %get3A_1456 : vector<32xbf16>
      %mul3A_1458 = arith.mulf %sub3A_1457, %sub3A_1457 : vector<32xbf16>
      %add3A_1459 = arith.addf %add3A_1339, %mul3A_1458 : vector<32xbf16>
      %mul3A_1460 = arith.constant 16 : i32
      %mul3A_1461 = arith.muli %scan3A_539, %mul3A_1460 : i32
      %add3A_1462 = arith.constant 8 : i32
      %add3A_1463 = arith.addi %mul3A_1461, %add3A_1462 : i32
      %add3A_1464 = arith.constant 4 : i32
      %add3A_1465 = arith.addi %add3A_1463, %add3A_1464 : i32
      %get3A_1466 = arith.index_cast %add3A_1465 : i32 to index
      %get3A_1467 = arith.constant 96 : index
      %get3A_1468 = tpu.vector_load %arg8[%get3A_1466, %get3A_1467] {strides = array<i32>} : memref<80x128xbf16, #tpu.memory_space<vmem>>, vector<32xbf16>,
      %get3A_1469 = arith.index_cast %add3A_1465 : i32 to index
      %get3A_1470 = arith.constant 96 : index
      %get3A_1471 = tpu.vector_load %arg9[%get3A_1469, %get3A_1470] {strides = array<i32>} : memref<80x128xbf16, #tpu.memory_space<vmem>>, vector<32xbf16>,
      %sub3A_1472 = arith.subf %get3A_1468, %get3A_1471 : vector<32xbf16>
      %mul3A_1473 = arith.mulf %sub3A_1472, %sub3A_1472 : vector<32xbf16>
      %add3A_1474 = arith.addf %add3A_1354, %mul3A_1473 : vector<32xbf16>
      %mul3A_1475 = arith.constant 16 : i32
      %mul3A_1476 = arith.muli %scan3A_539, %mul3A_1475 : i32
      %add3A_1477 = arith.constant 8 : i32
      %add3A_1478 = arith.addi %mul3A_1476, %add3A_1477 : i32
      %add3A_1479 = arith.constant 5 : i32
      %add3A_1480 = arith.addi %add3A_1478, %add3A_1479 : i32
      %get3A_1481 = arith.index_cast %add3A_1480 : i32 to index
      %get3A_1482 = arith.constant 96 : index
      %get3A_1483 = tpu.vector_load %arg8[%get3A_1481, %get3A_1482] {strides = array<i32>} : memref<80x128xbf16, #tpu.memory_space<vmem>>, vector<32xbf16>,
      %get3A_1484 = arith.index_cast %add3A_1480 : i32 to index
      %get3A_1485 = arith.constant 96 : index
      %get3A_1486 = tpu.vector_load %arg9[%get3A_1484, %get3A_1485] {strides = array<i32>} : memref<80x128xbf16, #tpu.memory_space<vmem>>, vector<32xbf16>,
      %sub3A_1487 = arith.subf %get3A_1483, %get3A_1486 : vector<32xbf16>
      %mul3A_1488 = arith.mulf %sub3A_1487, %sub3A_1487 : vector<32xbf16>
      %add3A_1489 = arith.addf %add3A_1369, %mul3A_1488 : vector<32xbf16>
      %mul3A_1490 = arith.constant 16 : i32
      %mul3A_1491 = arith.muli %scan3A_539, %mul3A_1490 : i32
      %add3A_1492 = arith.constant 8 : i32
      %add3A_1493 = arith.addi %mul3A_1491, %add3A_1492 : i32
      %add3A_1494 = arith.constant 6 : i32
      %add3A_1495 = arith.addi %add3A_1493, %add3A_1494 : i32
      %get3A_1496 = arith.index_cast %add3A_1495 : i32 to index
      %get3A_1497 = arith.constant 96 : index
      %get3A_1498 = tpu.vector_load %arg8[%get3A_1496, %get3A_1497] {strides = array<i32>} : memref<80x128xbf16, #tpu.memory_space<vmem>>, vector<32xbf16>,
      %get3A_1499 = arith.index_cast %add3A_1495 : i32 to index
      %get3A_1500 = arith.constant 96 : index
      %get3A_1501 = tpu.vector_load %arg9[%get3A_1499, %get3A_1500] {strides = array<i32>} : memref<80x128xbf16, #tpu.memory_space<vmem>>, vector<32xbf16>,
      %sub3A_1502 = arith.subf %get3A_1498, %get3A_1501 : vector<32xbf16>
      %mul3A_1503 = arith.mulf %sub3A_1502, %sub3A_1502 : vector<32xbf16>
      %add3A_1504 = arith.addf %add3A_1384, %mul3A_1503 : vector<32xbf16>
      %mul3A_1505 = arith.constant 16 : i32
      %mul3A_1506 = arith.muli %scan3A_539, %mul3A_1505 : i32
      %add3A_1507 = arith.constant 8 : i32
      %add3A_1508 = arith.addi %mul3A_1506, %add3A_1507 : i32
      %add3A_1509 = arith.constant 7 : i32
      %add3A_1510 = arith.addi %add3A_1508, %add3A_1509 : i32
      %get3A_1511 = arith.index_cast %add3A_1510 : i32 to index
      %get3A_1512 = arith.constant 96 : index
      %get3A_1513 = tpu.vector_load %arg8[%get3A_1511, %get3A_1512] {strides = array<i32>} : memref<80x128xbf16, #tpu.memory_space<vmem>>, vector<32xbf16>,
      %get3A_1514 = arith.index_cast %add3A_1510 : i32 to index
      %get3A_1515 = arith.constant 96 : index
      %get3A_1516 = tpu.vector_load %arg9[%get3A_1514, %get3A_1515] {strides = array<i32>} : memref<80x128xbf16, #tpu.memory_space<vmem>>, vector<32xbf16>,
      %sub3A_1517 = arith.subf %get3A_1513, %get3A_1516 : vector<32xbf16>
      %mul3A_1518 = arith.mulf %sub3A_1517, %sub3A_1517 : vector<32xbf16>
      %add3A_1519 = arith.addf %add3A_1399, %mul3A_1518 : vector<32xbf16>
      %add3A_1520 = arith.constant 8 : i32
      %add3A_1521 = vector.broadcast %add3A_1520 : i32 to vector<16xi32>
      %add3A_1522 = arith.addi %add3A_543, %add3A_1521 : vector<16xi32>
      %bitcast3A_1523 = vector.bitcast %add3A_1414 : vector<32xbf16> to vector<16xi32>
      tpu.vector_store_idx %arg12[%add3A_1522], %bitcast3A_1523 : memref<1280xi32, #tpu.memory_space<vmem>>[vector<16xi32>], vector<16xi32>,
      %add3A_1524 = arith.constant 9 : i32
      %add3A_1525 = vector.broadcast %add3A_1524 : i32 to vector<16xi32>
      %add3A_1526 = arith.addi %add3A_543, %add3A_1525 : vector<16xi32>
      %bitcast3A_1527 = vector.bitcast %add3A_1429 : vector<32xbf16> to vector<16xi32>
      tpu.vector_store_idx %arg12[%add3A_1526], %bitcast3A_1527 : memref<1280xi32, #tpu.memory_space<vmem>>[vector<16xi32>], vector<16xi32>,
      %add3A_1528 = arith.constant 10 : i32
      %add3A_1529 = vector.broadcast %add3A_1528 : i32 to vector<16xi32>
      %add3A_1530 = arith.addi %add3A_543, %add3A_1529 : vector<16xi32>
      %bitcast3A_1531 = vector.bitcast %add3A_1444 : vector<32xbf16> to vector<16xi32>
      tpu.vector_store_idx %arg12[%add3A_1530], %bitcast3A_1531 : memref<1280xi32, #tpu.memory_space<vmem>>[vector<16xi32>], vector<16xi32>,
      %add3A_1532 = arith.constant 11 : i32
      %add3A_1533 = vector.broadcast %add3A_1532 : i32 to vector<16xi32>
      %add3A_1534 = arith.addi %add3A_543, %add3A_1533 : vector<16xi32>
      %bitcast3A_1535 = vector.bitcast %add3A_1459 : vector<32xbf16> to vector<16xi32>
      tpu.vector_store_idx %arg12[%add3A_1534], %bitcast3A_1535 : memref<1280xi32, #tpu.memory_space<vmem>>[vector<16xi32>], vector<16xi32>,
      %add3A_1536 = arith.constant 12 : i32
      %add3A_1537 = vector.broadcast %add3A_1536 : i32 to vector<16xi32>
      %add3A_1538 = arith.addi %add3A_543, %add3A_1537 : vector<16xi32>
      %bitcast3A_1539 = vector.bitcast %add3A_1474 : vector<32xbf16> to vector<16xi32>
      tpu.vector_store_idx %arg12[%add3A_1538], %bitcast3A_1539 : memref<1280xi32, #tpu.memory_space<vmem>>[vector<16xi32>], vector<16xi32>,
      %add3A_1540 = arith.constant 13 : i32
      %add3A_1541 = vector.broadcast %add3A_1540 : i32 to vector<16xi32>
      %add3A_1542 = arith.addi %add3A_543, %add3A_1541 : vector<16xi32>
      %bitcast3A_1543 = vector.bitcast %add3A_1489 : vector<32xbf16> to vector<16xi32>
      tpu.vector_store_idx %arg12[%add3A_1542], %bitcast3A_1543 : memref<1280xi32, #tpu.memory_space<vmem>>[vector<16xi32>], vector<16xi32>,
      %add3A_1544 = arith.constant 14 : i32
      %add3A_1545 = vector.broadcast %add3A_1544 : i32 to vector<16xi32>
      %add3A_1546 = arith.addi %add3A_543, %add3A_1545 : vector<16xi32>
      %bitcast3A_1547 = vector.bitcast %add3A_1504 : vector<32xbf16> to vector<16xi32>
      tpu.vector_store_idx %arg12[%add3A_1546], %bitcast3A_1547 : memref<1280xi32, #tpu.memory_space<vmem>>[vector<16xi32>], vector<16xi32>,
      %add3A_1548 = arith.constant 15 : i32
      %add3A_1549 = vector.broadcast %add3A_1548 : i32 to vector<16xi32>
      %add3A_1550 = arith.addi %add3A_543, %add3A_1549 : vector<16xi32>
      %bitcast3A_1551 = vector.bitcast %add3A_1519 : vector<32xbf16> to vector<16xi32>
      tpu.vector_store_idx %arg12[%add3A_1550], %bitcast3A_1551 : memref<1280xi32, #tpu.memory_space<vmem>>[vector<16xi32>], vector<16xi32>,
    }
    %scan3A_36 = arith.constant 5 : i32
    %get3A = arith.constant 0 : index
    %get3A_37 = tpu.vector_load %arg12[%get3A] {strides = array<i32>} : memref<1280xi32, #tpu.memory_space<vmem>>, vector<16xi32>,
    %bitcast3A = vector.bitcast %get3A_37 : vector<16xi32> to vector<32xbf16>
    %get3A_38 = arith.constant 16 : index
    %get3A_39 = tpu.vector_load %arg12[%get3A_38] {strides = array<i32>} : memref<1280xi32, #tpu.memory_space<vmem>>, vector<16xi32>,
    %bitcast3A_40 = vector.bitcast %get3A_39 : vector<16xi32> to vector<32xbf16>
    %get3A_41 = arith.constant 32 : index
    %get3A_42 = tpu.vector_load %arg12[%get3A_41] {strides = array<i32>} : memref<1280xi32, #tpu.memory_space<vmem>>, vector<16xi32>,
    %bitcast3A_43 = vector.bitcast %get3A_42 : vector<16xi32> to vector<32xbf16>
    %get3A_44 = arith.constant 48 : index
    %get3A_45 = tpu.vector_load %arg12[%get3A_44] {strides = array<i32>} : memref<1280xi32, #tpu.memory_space<vmem>>, vector<16xi32>,
    %bitcast3A_46 = vector.bitcast %get3A_45 : vector<16xi32> to vector<32xbf16>
    %get3A_47 = arith.constant 64 : index
    %get3A_48 = tpu.vector_load %arg12[%get3A_47] {strides = array<i32>} : memref<1280xi32, #tpu.memory_space<vmem>>, vector<16xi32>,
    %bitcast3A_49 = vector.bitcast %get3A_48 : vector<16xi32> to vector<32xbf16>
    %get3A_50 = arith.constant 80 : index
    %get3A_51 = tpu.vector_load %arg12[%get3A_50] {strides = array<i32>} : memref<1280xi32, #tpu.memory_space<vmem>>, vector<16xi32>,
    %bitcast3A_52 = vector.bitcast %get3A_51 : vector<16xi32> to vector<32xbf16>
    %get3A_53 = arith.constant 96 : index
    %get3A_54 = tpu.vector_load %arg12[%get3A_53] {strides = array<i32>} : memref<1280xi32, #tpu.memory_space<vmem>>, vector<16xi32>,
    %bitcast3A_55 = vector.bitcast %get3A_54 : vector<16xi32> to vector<32xbf16>
    %get3A_56 = arith.constant 112 : index
    %get3A_57 = tpu.vector_load %arg12[%get3A_56] {strides = array<i32>} : memref<1280xi32, #tpu.memory_space<vmem>>, vector<16xi32>,
    %bitcast3A_58 = vector.bitcast %get3A_57 : vector<16xi32> to vector<32xbf16>
    %get3A_59 = arith.constant 128 : index
    %get3A_60 = tpu.vector_load %arg12[%get3A_59] {strides = array<i32>} : memref<1280xi32, #tpu.memory_space<vmem>>, vector<16xi32>,
    %bitcast3A_61 = vector.bitcast %get3A_60 : vector<16xi32> to vector<32xbf16>
    %get3A_62 = arith.constant 144 : index
    %get3A_63 = tpu.vector_load %arg12[%get3A_62] {strides = array<i32>} : memref<1280xi32, #tpu.memory_space<vmem>>, vector<16xi32>,
    %bitcast3A_64 = vector.bitcast %get3A_63 : vector<16xi32> to vector<32xbf16>
    %get3A_65 = arith.constant 160 : index
    %get3A_66 = tpu.vector_load %arg12[%get3A_65] {strides = array<i32>} : memref<1280xi32, #tpu.memory_space<vmem>>, vector<16xi32>,
    %bitcast3A_67 = vector.bitcast %get3A_66 : vector<16xi32> to vector<32xbf16>
    %get3A_68 = arith.constant 176 : index
    %get3A_69 = tpu.vector_load %arg12[%get3A_68] {strides = array<i32>} : memref<1280xi32, #tpu.memory_space<vmem>>, vector<16xi32>,
    %bitcast3A_70 = vector.bitcast %get3A_69 : vector<16xi32> to vector<32xbf16>
    %get3A_71 = arith.constant 192 : index
    %get3A_72 = tpu.vector_load %arg12[%get3A_71] {strides = array<i32>} : memref<1280xi32, #tpu.memory_space<vmem>>, vector<16xi32>,
    %bitcast3A_73 = vector.bitcast %get3A_72 : vector<16xi32> to vector<32xbf16>
    %get3A_74 = arith.constant 208 : index
    %get3A_75 = tpu.vector_load %arg12[%get3A_74] {strides = array<i32>} : memref<1280xi32, #tpu.memory_space<vmem>>, vector<16xi32>,
    %bitcast3A_76 = vector.bitcast %get3A_75 : vector<16xi32> to vector<32xbf16>
    %get3A_77 = arith.constant 224 : index
    %get3A_78 = tpu.vector_load %arg12[%get3A_77] {strides = array<i32>} : memref<1280xi32, #tpu.memory_space<vmem>>, vector<16xi32>,
    %bitcast3A_79 = vector.bitcast %get3A_78 : vector<16xi32> to vector<32xbf16>
    %get3A_80 = arith.constant 240 : index
    %get3A_81 = tpu.vector_load %arg12[%get3A_80] {strides = array<i32>} : memref<1280xi32, #tpu.memory_space<vmem>>, vector<16xi32>,
    %bitcast3A_82 = vector.bitcast %get3A_81 : vector<16xi32> to vector<32xbf16>
    %add3A_83 = arith.addf %bitcast3A, %bitcast3A_40 : vector<32xbf16>
    %add3A_84 = arith.addf %bitcast3A_43, %bitcast3A_46 : vector<32xbf16>
    %add3A_85 = arith.addf %bitcast3A_49, %bitcast3A_52 : vector<32xbf16>
    %add3A_86 = arith.addf %bitcast3A_55, %bitcast3A_58 : vector<32xbf16>
    %add3A_87 = arith.addf %bitcast3A_61, %bitcast3A_64 : vector<32xbf16>
    %add3A_88 = arith.addf %bitcast3A_67, %bitcast3A_70 : vector<32xbf16>
    %add3A_89 = arith.addf %bitcast3A_73, %bitcast3A_76 : vector<32xbf16>
    %add3A_90 = arith.addf %bitcast3A_79, %bitcast3A_82 : vector<32xbf16>
    %add3A_91 = arith.addf %add3A_83, %add3A_84 : vector<32xbf16>
    %add3A_92 = arith.addf %add3A_85, %add3A_86 : vector<32xbf16>
    %add3A_93 = arith.addf %add3A_87, %add3A_88 : vector<32xbf16>
    %add3A_94 = arith.addf %add3A_89, %add3A_90 : vector<32xbf16>
    %add3A_95 = arith.addf %add3A_91, %add3A_92 : vector<32xbf16>
    %add3A_96 = arith.addf %add3A_93, %add3A_94 : vector<32xbf16>
    %add3A_97 = arith.addf %add3A_95, %add3A_96 : vector<32xbf16>
    %unpack3A = tpu.unpack_subelements %add3A_97, 0 {pack_format = #tpu.pack_format<interleaved>} : vector<32xbf16> -> vector<16xf32>
    %unpack3A_98 = tpu.unpack_subelements %add3A_97, 1 {pack_format = #tpu.pack_format<interleaved>} : vector<32xbf16> -> vector<16xf32>
    %add3A_99 = arith.addf %unpack3A, %unpack3A_98 : vector<16xf32>
    %add3A_100 = arith.constant 1.280000e-10 : f32
    %add3A_101 = vector.broadcast %add3A_100 : f32 to vector<16xf32>
    %add3A_102 = arith.addf %add3A_99, %add3A_101 : vector<16xf32>
    %bitcast3A_103 = vector.bitcast %add3A_102 : vector<16xf32> to vector<16xi32>
    %shift_right_arithmetic3A = arith.constant 1 : i32
    %shift_right_arithmetic3A_104 = vector.broadcast %shift_right_arithmetic3A : i32 to vector<16xi32>
    %shift_right_arithmetic3A_105 = arith.shrsi %bitcast3A_103, %shift_right_arithmetic3A_104 : vector<16xi32>
    %sub3A = arith.constant 1597463007 : i32
    %sub3A_106 = vector.broadcast %sub3A : i32 to vector<16xi32>
    %sub3A_107 = arith.subi %sub3A_106, %shift_right_arithmetic3A_105 : vector<16xi32>
    %bitcast3A_108 = vector.bitcast %sub3A_107 : vector<16xi32> to vector<16xf32>
    %mul3A_109 = arith.constant 5.000000e-01 : f32
    %mul3A_110 = vector.broadcast %mul3A_109 : f32 to vector<16xf32>
    %mul3A_111 = arith.mulf %mul3A_110, %add3A_102 : vector<16xf32>
    %mul3A_112 = arith.mulf %mul3A_111, %bitcast3A_108 : vector<16xf32>
    %mul3A_113 = arith.mulf %mul3A_112, %bitcast3A_108 : vector<16xf32>
    %sub3A_114 = arith.constant 1.500000e+00 : f32
    %sub3A_115 = vector.broadcast %sub3A_114 : f32 to vector<16xf32>
    %sub3A_116 = arith.subf %sub3A_115, %mul3A_113 : vector<16xf32>
    %mul3A_117 = arith.mulf %bitcast3A_108, %sub3A_116 : vector<16xf32>
    %mul3A_118 = arith.constant 5.000000e-01 : f32
    %mul3A_119 = vector.broadcast %mul3A_118 : f32 to vector<16xf32>
    %mul3A_120 = arith.mulf %mul3A_119, %add3A_102 : vector<16xf32>
    %mul3A_121 = arith.mulf %mul3A_120, %mul3A_117 : vector<16xf32>
    %mul3A_122 = arith.mulf %mul3A_121, %mul3A_117 : vector<16xf32>
    %sub3A_123 = arith.constant 1.500000e+00 : f32
    %sub3A_124 = vector.broadcast %sub3A_123 : f32 to vector<16xf32>
    %sub3A_125 = arith.subf %sub3A_124, %mul3A_122 : vector<16xf32>
    %mul3A_126 = arith.mulf %mul3A_117, %sub3A_125 : vector<16xf32>
    %mul3A_127 = arith.mulf %add3A_102, %mul3A_126 : vector<16xf32>
    %neg3A = arith.constant 0.000000e+00 : f32
    %neg3A_128 = vector.broadcast %neg3A : f32 to vector<16xf32>
    %neg3A_129 = arith.subf %neg3A_128, %mul3A_127 : vector<16xf32>
    %exp3A = math.exp %neg3A_129 : vector<16xf32>
    %swap3A = arith.constant 9920 : index
    %swap3A_130 = tpu.vector_load %arg13[%swap3A] {strides = array<i32>} : memref<10000xf32, #tpu.memory_space<vmem>>, vector<16xf32>,
    tpu.vector_store %arg13[%swap3A], %exp3A {strides = array<i32>} : memref<10000xf32, #tpu.memory_space<vmem>>, vector<16xf32>,
    %get3A_131 = arith.constant 256 : index
    %get3A_132 = tpu.vector_load %arg12[%get3A_131] {strides = array<i32>} : memref<1280xi32, #tpu.memory_space<vmem>>, vector<16xi32>,
    %bitcast3A_133 = vector.bitcast %get3A_132 : vector<16xi32> to vector<32xbf16>
    %get3A_134 = arith.constant 272 : index
    %get3A_135 = tpu.vector_load %arg12[%get3A_134] {strides = array<i32>} : memref<1280xi32, #tpu.memory_space<vmem>>, vector<16xi32>,
    %bitcast3A_136 = vector.bitcast %get3A_135 : vector<16xi32> to vector<32xbf16>
    %get3A_137 = arith.constant 288 : index
    %get3A_138 = tpu.vector_load %arg12[%get3A_137] {strides = array<i32>} : memref<1280xi32, #tpu.memory_space<vmem>>, vector<16xi32>,
    %bitcast3A_139 = vector.bitcast %get3A_138 : vector<16xi32> to vector<32xbf16>
    %get3A_140 = arith.constant 304 : index
    %get3A_141 = tpu.vector_load %arg12[%get3A_140] {strides = array<i32>} : memref<1280xi32, #tpu.memory_space<vmem>>, vector<16xi32>,
    %bitcast3A_142 = vector.bitcast %get3A_141 : vector<16xi32> to vector<32xbf16>
    %get3A_143 = arith.constant 320 : index
    %get3A_144 = tpu.vector_load %arg12[%get3A_143] {strides = array<i32>} : memref<1280xi32, #tpu.memory_space<vmem>>, vector<16xi32>,
    %bitcast3A_145 = vector.bitcast %get3A_144 : vector<16xi32> to vector<32xbf16>
    %get3A_146 = arith.constant 336 : index
    %get3A_147 = tpu.vector_load %arg12[%get3A_146] {strides = array<i32>} : memref<1280xi32, #tpu.memory_space<vmem>>, vector<16xi32>,
    %bitcast3A_148 = vector.bitcast %get3A_147 : vector<16xi32> to vector<32xbf16>
    %get3A_149 = arith.constant 352 : index
    %get3A_150 = tpu.vector_load %arg12[%get3A_149] {strides = array<i32>} : memref<1280xi32, #tpu.memory_space<vmem>>, vector<16xi32>,
    %bitcast3A_151 = vector.bitcast %get3A_150 : vector<16xi32> to vector<32xbf16>
    %get3A_152 = arith.constant 368 : index
    %get3A_153 = tpu.vector_load %arg12[%get3A_152] {strides = array<i32>} : memref<1280xi32, #tpu.memory_space<vmem>>, vector<16xi32>,
    %bitcast3A_154 = vector.bitcast %get3A_153 : vector<16xi32> to vector<32xbf16>
    %get3A_155 = arith.constant 384 : index
    %get3A_156 = tpu.vector_load %arg12[%get3A_155] {strides = array<i32>} : memref<1280xi32, #tpu.memory_space<vmem>>, vector<16xi32>,
    %bitcast3A_157 = vector.bitcast %get3A_156 : vector<16xi32> to vector<32xbf16>
    %get3A_158 = arith.constant 400 : index
    %get3A_159 = tpu.vector_load %arg12[%get3A_158] {strides = array<i32>} : memref<1280xi32, #tpu.memory_space<vmem>>, vector<16xi32>,
    %bitcast3A_160 = vector.bitcast %get3A_159 : vector<16xi32> to vector<32xbf16>
    %get3A_161 = arith.constant 416 : index
    %get3A_162 = tpu.vector_load %arg12[%get3A_161] {strides = array<i32>} : memref<1280xi32, #tpu.memory_space<vmem>>, vector<16xi32>,
    %bitcast3A_163 = vector.bitcast %get3A_162 : vector<16xi32> to vector<32xbf16>
    %get3A_164 = arith.constant 432 : index
    %get3A_165 = tpu.vector_load %arg12[%get3A_164] {strides = array<i32>} : memref<1280xi32, #tpu.memory_space<vmem>>, vector<16xi32>,
    %bitcast3A_166 = vector.bitcast %get3A_165 : vector<16xi32> to vector<32xbf16>
    %get3A_167 = arith.constant 448 : index
    %get3A_168 = tpu.vector_load %arg12[%get3A_167] {strides = array<i32>} : memref<1280xi32, #tpu.memory_space<vmem>>, vector<16xi32>,
    %bitcast3A_169 = vector.bitcast %get3A_168 : vector<16xi32> to vector<32xbf16>
    %get3A_170 = arith.constant 464 : index
    %get3A_171 = tpu.vector_load %arg12[%get3A_170] {strides = array<i32>} : memref<1280xi32, #tpu.memory_space<vmem>>, vector<16xi32>,
    %bitcast3A_172 = vector.bitcast %get3A_171 : vector<16xi32> to vector<32xbf16>
    %get3A_173 = arith.constant 480 : index
    %get3A_174 = tpu.vector_load %arg12[%get3A_173] {strides = array<i32>} : memref<1280xi32, #tpu.memory_space<vmem>>, vector<16xi32>,
    %bitcast3A_175 = vector.bitcast %get3A_174 : vector<16xi32> to vector<32xbf16>
    %get3A_176 = arith.constant 496 : index
    %get3A_177 = tpu.vector_load %arg12[%get3A_176] {strides = array<i32>} : memref<1280xi32, #tpu.memory_space<vmem>>, vector<16xi32>,
    %bitcast3A_178 = vector.bitcast %get3A_177 : vector<16xi32> to vector<32xbf16>
    %add3A_179 = arith.addf %bitcast3A_133, %bitcast3A_136 : vector<32xbf16>
    %add3A_180 = arith.addf %bitcast3A_139, %bitcast3A_142 : vector<32xbf16>
    %add3A_181 = arith.addf %bitcast3A_145, %bitcast3A_148 : vector<32xbf16>
    %add3A_182 = arith.addf %bitcast3A_151, %bitcast3A_154 : vector<32xbf16>
    %add3A_183 = arith.addf %bitcast3A_157, %bitcast3A_160 : vector<32xbf16>
    %add3A_184 = arith.addf %bitcast3A_163, %bitcast3A_166 : vector<32xbf16>
    %add3A_185 = arith.addf %bitcast3A_169, %bitcast3A_172 : vector<32xbf16>
    %add3A_186 = arith.addf %bitcast3A_175, %bitcast3A_178 : vector<32xbf16>
    %add3A_187 = arith.addf %add3A_179, %add3A_180 : vector<32xbf16>
    %add3A_188 = arith.addf %add3A_181, %add3A_182 : vector<32xbf16>
    %add3A_189 = arith.addf %add3A_183, %add3A_184 : vector<32xbf16>
    %add3A_190 = arith.addf %add3A_185, %add3A_186 : vector<32xbf16>
    %add3A_191 = arith.addf %add3A_187, %add3A_188 : vector<32xbf16>
    %add3A_192 = arith.addf %add3A_189, %add3A_190 : vector<32xbf16>
    %add3A_193 = arith.addf %add3A_191, %add3A_192 : vector<32xbf16>
    %unpack3A_194 = tpu.unpack_subelements %add3A_193, 0 {pack_format = #tpu.pack_format<interleaved>} : vector<32xbf16> -> vector<16xf32>
    %unpack3A_195 = tpu.unpack_subelements %add3A_193, 1 {pack_format = #tpu.pack_format<interleaved>} : vector<32xbf16> -> vector<16xf32>
    %add3A_196 = arith.addf %unpack3A_194, %unpack3A_195 : vector<16xf32>
    %add3A_197 = arith.constant 1.280000e-10 : f32
    %add3A_198 = vector.broadcast %add3A_197 : f32 to vector<16xf32>
    %add3A_199 = arith.addf %add3A_196, %add3A_198 : vector<16xf32>
    %bitcast3A_200 = vector.bitcast %add3A_199 : vector<16xf32> to vector<16xi32>
    %shift_right_arithmetic3A_201 = arith.constant 1 : i32
    %shift_right_arithmetic3A_202 = vector.broadcast %shift_right_arithmetic3A_201 : i32 to vector<16xi32>
    %shift_right_arithmetic3A_203 = arith.shrsi %bitcast3A_200, %shift_right_arithmetic3A_202 : vector<16xi32>
    %sub3A_204 = arith.constant 1597463007 : i32
    %sub3A_205 = vector.broadcast %sub3A_204 : i32 to vector<16xi32>
    %sub3A_206 = arith.subi %sub3A_205, %shift_right_arithmetic3A_203 : vector<16xi32>
    %bitcast3A_207 = vector.bitcast %sub3A_206 : vector<16xi32> to vector<16xf32>
    %mul3A_208 = arith.constant 5.000000e-01 : f32
    %mul3A_209 = vector.broadcast %mul3A_208 : f32 to vector<16xf32>
    %mul3A_210 = arith.mulf %mul3A_209, %add3A_199 : vector<16xf32>
    %mul3A_211 = arith.mulf %mul3A_210, %bitcast3A_207 : vector<16xf32>
    %mul3A_212 = arith.mulf %mul3A_211, %bitcast3A_207 : vector<16xf32>
    %sub3A_213 = arith.constant 1.500000e+00 : f32
    %sub3A_214 = vector.broadcast %sub3A_213 : f32 to vector<16xf32>
    %sub3A_215 = arith.subf %sub3A_214, %mul3A_212 : vector<16xf32>
    %mul3A_216 = arith.mulf %bitcast3A_207, %sub3A_215 : vector<16xf32>
    %mul3A_217 = arith.constant 5.000000e-01 : f32
    %mul3A_218 = vector.broadcast %mul3A_217 : f32 to vector<16xf32>
    %mul3A_219 = arith.mulf %mul3A_218, %add3A_199 : vector<16xf32>
    %mul3A_220 = arith.mulf %mul3A_219, %mul3A_216 : vector<16xf32>
    %mul3A_221 = arith.mulf %mul3A_220, %mul3A_216 : vector<16xf32>
    %sub3A_222 = arith.constant 1.500000e+00 : f32
    %sub3A_223 = vector.broadcast %sub3A_222 : f32 to vector<16xf32>
    %sub3A_224 = arith.subf %sub3A_223, %mul3A_221 : vector<16xf32>
    %mul3A_225 = arith.mulf %mul3A_216, %sub3A_224 : vector<16xf32>
    %mul3A_226 = arith.mulf %add3A_199, %mul3A_225 : vector<16xf32>
    %neg3A_227 = arith.constant 0.000000e+00 : f32
    %neg3A_228 = vector.broadcast %neg3A_227 : f32 to vector<16xf32>
    %neg3A_229 = arith.subf %neg3A_228, %mul3A_226 : vector<16xf32>
    %exp3A_230 = math.exp %neg3A_229 : vector<16xf32>
    %swap3A_231 = arith.constant 9936 : index
    %swap3A_232 = tpu.vector_load %arg13[%swap3A_231] {strides = array<i32>} : memref<10000xf32, #tpu.memory_space<vmem>>, vector<16xf32>,
    tpu.vector_store %arg13[%swap3A_231], %exp3A_230 {strides = array<i32>} : memref<10000xf32, #tpu.memory_space<vmem>>, vector<16xf32>,
    %get3A_233 = arith.constant 512 : index
    %get3A_234 = tpu.vector_load %arg12[%get3A_233] {strides = array<i32>} : memref<1280xi32, #tpu.memory_space<vmem>>, vector<16xi32>,
    %bitcast3A_235 = vector.bitcast %get3A_234 : vector<16xi32> to vector<32xbf16>
    %get3A_236 = arith.constant 528 : index
    %get3A_237 = tpu.vector_load %arg12[%get3A_236] {strides = array<i32>} : memref<1280xi32, #tpu.memory_space<vmem>>, vector<16xi32>,
    %bitcast3A_238 = vector.bitcast %get3A_237 : vector<16xi32> to vector<32xbf16>
    %get3A_239 = arith.constant 544 : index
    %get3A_240 = tpu.vector_load %arg12[%get3A_239] {strides = array<i32>} : memref<1280xi32, #tpu.memory_space<vmem>>, vector<16xi32>,
    %bitcast3A_241 = vector.bitcast %get3A_240 : vector<16xi32> to vector<32xbf16>
    %get3A_242 = arith.constant 560 : index
    %get3A_243 = tpu.vector_load %arg12[%get3A_242] {strides = array<i32>} : memref<1280xi32, #tpu.memory_space<vmem>>, vector<16xi32>,
    %bitcast3A_244 = vector.bitcast %get3A_243 : vector<16xi32> to vector<32xbf16>
    %get3A_245 = arith.constant 576 : index
    %get3A_246 = tpu.vector_load %arg12[%get3A_245] {strides = array<i32>} : memref<1280xi32, #tpu.memory_space<vmem>>, vector<16xi32>,
    %bitcast3A_247 = vector.bitcast %get3A_246 : vector<16xi32> to vector<32xbf16>
    %get3A_248 = arith.constant 592 : index
    %get3A_249 = tpu.vector_load %arg12[%get3A_248] {strides = array<i32>} : memref<1280xi32, #tpu.memory_space<vmem>>, vector<16xi32>,
    %bitcast3A_250 = vector.bitcast %get3A_249 : vector<16xi32> to vector<32xbf16>
    %get3A_251 = arith.constant 608 : index
    %get3A_252 = tpu.vector_load %arg12[%get3A_251] {strides = array<i32>} : memref<1280xi32, #tpu.memory_space<vmem>>, vector<16xi32>,
    %bitcast3A_253 = vector.bitcast %get3A_252 : vector<16xi32> to vector<32xbf16>
    %get3A_254 = arith.constant 624 : index
    %get3A_255 = tpu.vector_load %arg12[%get3A_254] {strides = array<i32>} : memref<1280xi32, #tpu.memory_space<vmem>>, vector<16xi32>,
    %bitcast3A_256 = vector.bitcast %get3A_255 : vector<16xi32> to vector<32xbf16>
    %get3A_257 = arith.constant 640 : index
    %get3A_258 = tpu.vector_load %arg12[%get3A_257] {strides = array<i32>} : memref<1280xi32, #tpu.memory_space<vmem>>, vector<16xi32>,
    %bitcast3A_259 = vector.bitcast %get3A_258 : vector<16xi32> to vector<32xbf16>
    %get3A_260 = arith.constant 656 : index
    %get3A_261 = tpu.vector_load %arg12[%get3A_260] {strides = array<i32>} : memref<1280xi32, #tpu.memory_space<vmem>>, vector<16xi32>,
    %bitcast3A_262 = vector.bitcast %get3A_261 : vector<16xi32> to vector<32xbf16>
    %get3A_263 = arith.constant 672 : index
    %get3A_264 = tpu.vector_load %arg12[%get3A_263] {strides = array<i32>} : memref<1280xi32, #tpu.memory_space<vmem>>, vector<16xi32>,
    %bitcast3A_265 = vector.bitcast %get3A_264 : vector<16xi32> to vector<32xbf16>
    %get3A_266 = arith.constant 688 : index
    %get3A_267 = tpu.vector_load %arg12[%get3A_266] {strides = array<i32>} : memref<1280xi32, #tpu.memory_space<vmem>>, vector<16xi32>,
    %bitcast3A_268 = vector.bitcast %get3A_267 : vector<16xi32> to vector<32xbf16>
    %get3A_269 = arith.constant 704 : index
    %get3A_270 = tpu.vector_load %arg12[%get3A_269] {strides = array<i32>} : memref<1280xi32, #tpu.memory_space<vmem>>, vector<16xi32>,
    %bitcast3A_271 = vector.bitcast %get3A_270 : vector<16xi32> to vector<32xbf16>
    %get3A_272 = arith.constant 720 : index
    %get3A_273 = tpu.vector_load %arg12[%get3A_272] {strides = array<i32>} : memref<1280xi32, #tpu.memory_space<vmem>>, vector<16xi32>,
    %bitcast3A_274 = vector.bitcast %get3A_273 : vector<16xi32> to vector<32xbf16>
    %get3A_275 = arith.constant 736 : index
    %get3A_276 = tpu.vector_load %arg12[%get3A_275] {strides = array<i32>} : memref<1280xi32, #tpu.memory_space<vmem>>, vector<16xi32>,
    %bitcast3A_277 = vector.bitcast %get3A_276 : vector<16xi32> to vector<32xbf16>
    %get3A_278 = arith.constant 752 : index
    %get3A_279 = tpu.vector_load %arg12[%get3A_278] {strides = array<i32>} : memref<1280xi32, #tpu.memory_space<vmem>>, vector<16xi32>,
    %bitcast3A_280 = vector.bitcast %get3A_279 : vector<16xi32> to vector<32xbf16>
    %add3A_281 = arith.addf %bitcast3A_235, %bitcast3A_238 : vector<32xbf16>
    %add3A_282 = arith.addf %bitcast3A_241, %bitcast3A_244 : vector<32xbf16>
    %add3A_283 = arith.addf %bitcast3A_247, %bitcast3A_250 : vector<32xbf16>
    %add3A_284 = arith.addf %bitcast3A_253, %bitcast3A_256 : vector<32xbf16>
    %add3A_285 = arith.addf %bitcast3A_259, %bitcast3A_262 : vector<32xbf16>
    %add3A_286 = arith.addf %bitcast3A_265, %bitcast3A_268 : vector<32xbf16>
    %add3A_287 = arith.addf %bitcast3A_271, %bitcast3A_274 : vector<32xbf16>
    %add3A_288 = arith.addf %bitcast3A_277, %bitcast3A_280 : vector<32xbf16>
    %add3A_289 = arith.addf %add3A_281, %add3A_282 : vector<32xbf16>
    %add3A_290 = arith.addf %add3A_283, %add3A_284 : vector<32xbf16>
    %add3A_291 = arith.addf %add3A_285, %add3A_286 : vector<32xbf16>
    %add3A_292 = arith.addf %add3A_287, %add3A_288 : vector<32xbf16>
    %add3A_293 = arith.addf %add3A_289, %add3A_290 : vector<32xbf16>
    %add3A_294 = arith.addf %add3A_291, %add3A_292 : vector<32xbf16>
    %add3A_295 = arith.addf %add3A_293, %add3A_294 : vector<32xbf16>
    %unpack3A_296 = tpu.unpack_subelements %add3A_295, 0 {pack_format = #tpu.pack_format<interleaved>} : vector<32xbf16> -> vector<16xf32>
    %unpack3A_297 = tpu.unpack_subelements %add3A_295, 1 {pack_format = #tpu.pack_format<interleaved>} : vector<32xbf16> -> vector<16xf32>
    %add3A_298 = arith.addf %unpack3A_296, %unpack3A_297 : vector<16xf32>
    %add3A_299 = arith.constant 1.280000e-10 : f32
    %add3A_300 = vector.broadcast %add3A_299 : f32 to vector<16xf32>
    %add3A_301 = arith.addf %add3A_298, %add3A_300 : vector<16xf32>
    %bitcast3A_302 = vector.bitcast %add3A_301 : vector<16xf32> to vector<16xi32>
    %shift_right_arithmetic3A_303 = arith.constant 1 : i32
    %shift_right_arithmetic3A_304 = vector.broadcast %shift_right_arithmetic3A_303 : i32 to vector<16xi32>
    %shift_right_arithmetic3A_305 = arith.shrsi %bitcast3A_302, %shift_right_arithmetic3A_304 : vector<16xi32>
    %sub3A_306 = arith.constant 1597463007 : i32
    %sub3A_307 = vector.broadcast %sub3A_306 : i32 to vector<16xi32>
    %sub3A_308 = arith.subi %sub3A_307, %shift_right_arithmetic3A_305 : vector<16xi32>
    %bitcast3A_309 = vector.bitcast %sub3A_308 : vector<16xi32> to vector<16xf32>
    %mul3A_310 = arith.constant 5.000000e-01 : f32
    %mul3A_311 = vector.broadcast %mul3A_310 : f32 to vector<16xf32>
    %mul3A_312 = arith.mulf %mul3A_311, %add3A_301 : vector<16xf32>
    %mul3A_313 = arith.mulf %mul3A_312, %bitcast3A_309 : vector<16xf32>
    %mul3A_314 = arith.mulf %mul3A_313, %bitcast3A_309 : vector<16xf32>
    %sub3A_315 = arith.constant 1.500000e+00 : f32
    %sub3A_316 = vector.broadcast %sub3A_315 : f32 to vector<16xf32>
    %sub3A_317 = arith.subf %sub3A_316, %mul3A_314 : vector<16xf32>
    %mul3A_318 = arith.mulf %bitcast3A_309, %sub3A_317 : vector<16xf32>
    %mul3A_319 = arith.constant 5.000000e-01 : f32
    %mul3A_320 = vector.broadcast %mul3A_319 : f32 to vector<16xf32>
    %mul3A_321 = arith.mulf %mul3A_320, %add3A_301 : vector<16xf32>
    %mul3A_322 = arith.mulf %mul3A_321, %mul3A_318 : vector<16xf32>
    %mul3A_323 = arith.mulf %mul3A_322, %mul3A_318 : vector<16xf32>
    %sub3A_324 = arith.constant 1.500000e+00 : f32
    %sub3A_325 = vector.broadcast %sub3A_324 : f32 to vector<16xf32>
    %sub3A_326 = arith.subf %sub3A_325, %mul3A_323 : vector<16xf32>
    %mul3A_327 = arith.mulf %mul3A_318, %sub3A_326 : vector<16xf32>
    %mul3A_328 = arith.mulf %add3A_301, %mul3A_327 : vector<16xf32>
    %neg3A_329 = arith.constant 0.000000e+00 : f32
    %neg3A_330 = vector.broadcast %neg3A_329 : f32 to vector<16xf32>
    %neg3A_331 = arith.subf %neg3A_330, %mul3A_328 : vector<16xf32>
    %exp3A_332 = math.exp %neg3A_331 : vector<16xf32>
    %swap3A_333 = arith.constant 9952 : index
    %swap3A_334 = tpu.vector_load %arg13[%swap3A_333] {strides = array<i32>} : memref<10000xf32, #tpu.memory_space<vmem>>, vector<16xf32>,
    tpu.vector_store %arg13[%swap3A_333], %exp3A_332 {strides = array<i32>} : memref<10000xf32, #tpu.memory_space<vmem>>, vector<16xf32>,
    %get3A_335 = arith.constant 768 : index
    %get3A_336 = tpu.vector_load %arg12[%get3A_335] {strides = array<i32>} : memref<1280xi32, #tpu.memory_space<vmem>>, vector<16xi32>,
    %bitcast3A_337 = vector.bitcast %get3A_336 : vector<16xi32> to vector<32xbf16>
    %get3A_338 = arith.constant 784 : index
    %get3A_339 = tpu.vector_load %arg12[%get3A_338] {strides = array<i32>} : memref<1280xi32, #tpu.memory_space<vmem>>, vector<16xi32>,
    %bitcast3A_340 = vector.bitcast %get3A_339 : vector<16xi32> to vector<32xbf16>
    %get3A_341 = arith.constant 800 : index
    %get3A_342 = tpu.vector_load %arg12[%get3A_341] {strides = array<i32>} : memref<1280xi32, #tpu.memory_space<vmem>>, vector<16xi32>,
    %bitcast3A_343 = vector.bitcast %get3A_342 : vector<16xi32> to vector<32xbf16>
    %get3A_344 = arith.constant 816 : index
    %get3A_345 = tpu.vector_load %arg12[%get3A_344] {strides = array<i32>} : memref<1280xi32, #tpu.memory_space<vmem>>, vector<16xi32>,
    %bitcast3A_346 = vector.bitcast %get3A_345 : vector<16xi32> to vector<32xbf16>
    %get3A_347 = arith.constant 832 : index
    %get3A_348 = tpu.vector_load %arg12[%get3A_347] {strides = array<i32>} : memref<1280xi32, #tpu.memory_space<vmem>>, vector<16xi32>,
    %bitcast3A_349 = vector.bitcast %get3A_348 : vector<16xi32> to vector<32xbf16>
    %get3A_350 = arith.constant 848 : index
    %get3A_351 = tpu.vector_load %arg12[%get3A_350] {strides = array<i32>} : memref<1280xi32, #tpu.memory_space<vmem>>, vector<16xi32>,
    %bitcast3A_352 = vector.bitcast %get3A_351 : vector<16xi32> to vector<32xbf16>
    %get3A_353 = arith.constant 864 : index
    %get3A_354 = tpu.vector_load %arg12[%get3A_353] {strides = array<i32>} : memref<1280xi32, #tpu.memory_space<vmem>>, vector<16xi32>,
    %bitcast3A_355 = vector.bitcast %get3A_354 : vector<16xi32> to vector<32xbf16>
    %get3A_356 = arith.constant 880 : index
    %get3A_357 = tpu.vector_load %arg12[%get3A_356] {strides = array<i32>} : memref<1280xi32, #tpu.memory_space<vmem>>, vector<16xi32>,
    %bitcast3A_358 = vector.bitcast %get3A_357 : vector<16xi32> to vector<32xbf16>
    %get3A_359 = arith.constant 896 : index
    %get3A_360 = tpu.vector_load %arg12[%get3A_359] {strides = array<i32>} : memref<1280xi32, #tpu.memory_space<vmem>>, vector<16xi32>,
    %bitcast3A_361 = vector.bitcast %get3A_360 : vector<16xi32> to vector<32xbf16>
    %get3A_362 = arith.constant 912 : index
    %get3A_363 = tpu.vector_load %arg12[%get3A_362] {strides = array<i32>} : memref<1280xi32, #tpu.memory_space<vmem>>, vector<16xi32>,
    %bitcast3A_364 = vector.bitcast %get3A_363 : vector<16xi32> to vector<32xbf16>
    %get3A_365 = arith.constant 928 : index
    %get3A_366 = tpu.vector_load %arg12[%get3A_365] {strides = array<i32>} : memref<1280xi32, #tpu.memory_space<vmem>>, vector<16xi32>,
    %bitcast3A_367 = vector.bitcast %get3A_366 : vector<16xi32> to vector<32xbf16>
    %get3A_368 = arith.constant 944 : index
    %get3A_369 = tpu.vector_load %arg12[%get3A_368] {strides = array<i32>} : memref<1280xi32, #tpu.memory_space<vmem>>, vector<16xi32>,
    %bitcast3A_370 = vector.bitcast %get3A_369 : vector<16xi32> to vector<32xbf16>
    %get3A_371 = arith.constant 960 : index
    %get3A_372 = tpu.vector_load %arg12[%get3A_371] {strides = array<i32>} : memref<1280xi32, #tpu.memory_space<vmem>>, vector<16xi32>,
    %bitcast3A_373 = vector.bitcast %get3A_372 : vector<16xi32> to vector<32xbf16>
    %get3A_374 = arith.constant 976 : index
    %get3A_375 = tpu.vector_load %arg12[%get3A_374] {strides = array<i32>} : memref<1280xi32, #tpu.memory_space<vmem>>, vector<16xi32>,
    %bitcast3A_376 = vector.bitcast %get3A_375 : vector<16xi32> to vector<32xbf16>
    %get3A_377 = arith.constant 992 : index
    %get3A_378 = tpu.vector_load %arg12[%get3A_377] {strides = array<i32>} : memref<1280xi32, #tpu.memory_space<vmem>>, vector<16xi32>,
    %bitcast3A_379 = vector.bitcast %get3A_378 : vector<16xi32> to vector<32xbf16>
    %get3A_380 = arith.constant 1008 : index
    %get3A_381 = tpu.vector_load %arg12[%get3A_380] {strides = array<i32>} : memref<1280xi32, #tpu.memory_space<vmem>>, vector<16xi32>,
    %bitcast3A_382 = vector.bitcast %get3A_381 : vector<16xi32> to vector<32xbf16>
    %add3A_383 = arith.addf %bitcast3A_337, %bitcast3A_340 : vector<32xbf16>
    %add3A_384 = arith.addf %bitcast3A_343, %bitcast3A_346 : vector<32xbf16>
    %add3A_385 = arith.addf %bitcast3A_349, %bitcast3A_352 : vector<32xbf16>
    %add3A_386 = arith.addf %bitcast3A_355, %bitcast3A_358 : vector<32xbf16>
    %add3A_387 = arith.addf %bitcast3A_361, %bitcast3A_364 : vector<32xbf16>
    %add3A_388 = arith.addf %bitcast3A_367, %bitcast3A_370 : vector<32xbf16>
    %add3A_389 = arith.addf %bitcast3A_373, %bitcast3A_376 : vector<32xbf16>
    %add3A_390 = arith.addf %bitcast3A_379, %bitcast3A_382 : vector<32xbf16>
    %add3A_391 = arith.addf %add3A_383, %add3A_384 : vector<32xbf16>
    %add3A_392 = arith.addf %add3A_385, %add3A_386 : vector<32xbf16>
    %add3A_393 = arith.addf %add3A_387, %add3A_388 : vector<32xbf16>
    %add3A_394 = arith.addf %add3A_389, %add3A_390 : vector<32xbf16>
    %add3A_395 = arith.addf %add3A_391, %add3A_392 : vector<32xbf16>
    %add3A_396 = arith.addf %add3A_393, %add3A_394 : vector<32xbf16>
    %add3A_397 = arith.addf %add3A_395, %add3A_396 : vector<32xbf16>
    %unpack3A_398 = tpu.unpack_subelements %add3A_397, 0 {pack_format = #tpu.pack_format<interleaved>} : vector<32xbf16> -> vector<16xf32>
    %unpack3A_399 = tpu.unpack_subelements %add3A_397, 1 {pack_format = #tpu.pack_format<interleaved>} : vector<32xbf16> -> vector<16xf32>
    %add3A_400 = arith.addf %unpack3A_398, %unpack3A_399 : vector<16xf32>
    %add3A_401 = arith.constant 1.280000e-10 : f32
    %add3A_402 = vector.broadcast %add3A_401 : f32 to vector<16xf32>
    %add3A_403 = arith.addf %add3A_400, %add3A_402 : vector<16xf32>
    %bitcast3A_404 = vector.bitcast %add3A_403 : vector<16xf32> to vector<16xi32>
    %shift_right_arithmetic3A_405 = arith.constant 1 : i32
    %shift_right_arithmetic3A_406 = vector.broadcast %shift_right_arithmetic3A_405 : i32 to vector<16xi32>
    %shift_right_arithmetic3A_407 = arith.shrsi %bitcast3A_404, %shift_right_arithmetic3A_406 : vector<16xi32>
    %sub3A_408 = arith.constant 1597463007 : i32
    %sub3A_409 = vector.broadcast %sub3A_408 : i32 to vector<16xi32>
    %sub3A_410 = arith.subi %sub3A_409, %shift_right_arithmetic3A_407 : vector<16xi32>
    %bitcast3A_411 = vector.bitcast %sub3A_410 : vector<16xi32> to vector<16xf32>
    %mul3A_412 = arith.constant 5.000000e-01 : f32
    %mul3A_413 = vector.broadcast %mul3A_412 : f32 to vector<16xf32>
    %mul3A_414 = arith.mulf %mul3A_413, %add3A_403 : vector<16xf32>
    %mul3A_415 = arith.mulf %mul3A_414, %bitcast3A_411 : vector<16xf32>
    %mul3A_416 = arith.mulf %mul3A_415, %bitcast3A_411 : vector<16xf32>
    %sub3A_417 = arith.constant 1.500000e+00 : f32
    %sub3A_418 = vector.broadcast %sub3A_417 : f32 to vector<16xf32>
    %sub3A_419 = arith.subf %sub3A_418, %mul3A_416 : vector<16xf32>
    %mul3A_420 = arith.mulf %bitcast3A_411, %sub3A_419 : vector<16xf32>
    %mul3A_421 = arith.constant 5.000000e-01 : f32
    %mul3A_422 = vector.broadcast %mul3A_421 : f32 to vector<16xf32>
    %mul3A_423 = arith.mulf %mul3A_422, %add3A_403 : vector<16xf32>
    %mul3A_424 = arith.mulf %mul3A_423, %mul3A_420 : vector<16xf32>
    %mul3A_425 = arith.mulf %mul3A_424, %mul3A_420 : vector<16xf32>
    %sub3A_426 = arith.constant 1.500000e+00 : f32
    %sub3A_427 = vector.broadcast %sub3A_426 : f32 to vector<16xf32>
    %sub3A_428 = arith.subf %sub3A_427, %mul3A_425 : vector<16xf32>
    %mul3A_429 = arith.mulf %mul3A_420, %sub3A_428 : vector<16xf32>
    %mul3A_430 = arith.mulf %add3A_403, %mul3A_429 : vector<16xf32>
    %neg3A_431 = arith.constant 0.000000e+00 : f32
    %neg3A_432 = vector.broadcast %neg3A_431 : f32 to vector<16xf32>
    %neg3A_433 = arith.subf %neg3A_432, %mul3A_430 : vector<16xf32>
    %exp3A_434 = math.exp %neg3A_433 : vector<16xf32>
    %swap3A_435 = arith.constant 9968 : index
    %swap3A_436 = tpu.vector_load %arg13[%swap3A_435] {strides = array<i32>} : memref<10000xf32, #tpu.memory_space<vmem>>, vector<16xf32>,
    tpu.vector_store %arg13[%swap3A_435], %exp3A_434 {strides = array<i32>} : memref<10000xf32, #tpu.memory_space<vmem>>, vector<16xf32>,
    %get3A_437 = arith.constant 1024 : index
    %get3A_438 = tpu.vector_load %arg12[%get3A_437] {strides = array<i32>} : memref<1280xi32, #tpu.memory_space<vmem>>, vector<16xi32>,
    %bitcast3A_439 = vector.bitcast %get3A_438 : vector<16xi32> to vector<32xbf16>
    %get3A_440 = arith.constant 1040 : index
    %get3A_441 = tpu.vector_load %arg12[%get3A_440] {strides = array<i32>} : memref<1280xi32, #tpu.memory_space<vmem>>, vector<16xi32>,
    %bitcast3A_442 = vector.bitcast %get3A_441 : vector<16xi32> to vector<32xbf16>
    %get3A_443 = arith.constant 1056 : index
    %get3A_444 = tpu.vector_load %arg12[%get3A_443] {strides = array<i32>} : memref<1280xi32, #tpu.memory_space<vmem>>, vector<16xi32>,
    %bitcast3A_445 = vector.bitcast %get3A_444 : vector<16xi32> to vector<32xbf16>
    %get3A_446 = arith.constant 1072 : index
    %get3A_447 = tpu.vector_load %arg12[%get3A_446] {strides = array<i32>} : memref<1280xi32, #tpu.memory_space<vmem>>, vector<16xi32>,
    %bitcast3A_448 = vector.bitcast %get3A_447 : vector<16xi32> to vector<32xbf16>
    %get3A_449 = arith.constant 1088 : index
    %get3A_450 = tpu.vector_load %arg12[%get3A_449] {strides = array<i32>} : memref<1280xi32, #tpu.memory_space<vmem>>, vector<16xi32>,
    %bitcast3A_451 = vector.bitcast %get3A_450 : vector<16xi32> to vector<32xbf16>
    %get3A_452 = arith.constant 1104 : index
    %get3A_453 = tpu.vector_load %arg12[%get3A_452] {strides = array<i32>} : memref<1280xi32, #tpu.memory_space<vmem>>, vector<16xi32>,
    %bitcast3A_454 = vector.bitcast %get3A_453 : vector<16xi32> to vector<32xbf16>
    %get3A_455 = arith.constant 1120 : index
    %get3A_456 = tpu.vector_load %arg12[%get3A_455] {strides = array<i32>} : memref<1280xi32, #tpu.memory_space<vmem>>, vector<16xi32>,
    %bitcast3A_457 = vector.bitcast %get3A_456 : vector<16xi32> to vector<32xbf16>
    %get3A_458 = arith.constant 1136 : index
    %get3A_459 = tpu.vector_load %arg12[%get3A_458] {strides = array<i32>} : memref<1280xi32, #tpu.memory_space<vmem>>, vector<16xi32>,
    %bitcast3A_460 = vector.bitcast %get3A_459 : vector<16xi32> to vector<32xbf16>
    %get3A_461 = arith.constant 1152 : index
    %get3A_462 = tpu.vector_load %arg12[%get3A_461] {strides = array<i32>} : memref<1280xi32, #tpu.memory_space<vmem>>, vector<16xi32>,
    %bitcast3A_463 = vector.bitcast %get3A_462 : vector<16xi32> to vector<32xbf16>
    %get3A_464 = arith.constant 1168 : index
    %get3A_465 = tpu.vector_load %arg12[%get3A_464] {strides = array<i32>} : memref<1280xi32, #tpu.memory_space<vmem>>, vector<16xi32>,
    %bitcast3A_466 = vector.bitcast %get3A_465 : vector<16xi32> to vector<32xbf16>
    %get3A_467 = arith.constant 1184 : index
    %get3A_468 = tpu.vector_load %arg12[%get3A_467] {strides = array<i32>} : memref<1280xi32, #tpu.memory_space<vmem>>, vector<16xi32>,
    %bitcast3A_469 = vector.bitcast %get3A_468 : vector<16xi32> to vector<32xbf16>
    %get3A_470 = arith.constant 1200 : index
    %get3A_471 = tpu.vector_load %arg12[%get3A_470] {strides = array<i32>} : memref<1280xi32, #tpu.memory_space<vmem>>, vector<16xi32>,
    %bitcast3A_472 = vector.bitcast %get3A_471 : vector<16xi32> to vector<32xbf16>
    %get3A_473 = arith.constant 1216 : index
    %get3A_474 = tpu.vector_load %arg12[%get3A_473] {strides = array<i32>} : memref<1280xi32, #tpu.memory_space<vmem>>, vector<16xi32>,
    %bitcast3A_475 = vector.bitcast %get3A_474 : vector<16xi32> to vector<32xbf16>
    %get3A_476 = arith.constant 1232 : index
    %get3A_477 = tpu.vector_load %arg12[%get3A_476] {strides = array<i32>} : memref<1280xi32, #tpu.memory_space<vmem>>, vector<16xi32>,
    %bitcast3A_478 = vector.bitcast %get3A_477 : vector<16xi32> to vector<32xbf16>
    %get3A_479 = arith.constant 1248 : index
    %get3A_480 = tpu.vector_load %arg12[%get3A_479] {strides = array<i32>} : memref<1280xi32, #tpu.memory_space<vmem>>, vector<16xi32>,
    %bitcast3A_481 = vector.bitcast %get3A_480 : vector<16xi32> to vector<32xbf16>
    %get3A_482 = arith.constant 1264 : index
    %get3A_483 = tpu.vector_load %arg12[%get3A_482] {strides = array<i32>} : memref<1280xi32, #tpu.memory_space<vmem>>, vector<16xi32>,
    %bitcast3A_484 = vector.bitcast %get3A_483 : vector<16xi32> to vector<32xbf16>
    %add3A_485 = arith.addf %bitcast3A_439, %bitcast3A_442 : vector<32xbf16>
    %add3A_486 = arith.addf %bitcast3A_445, %bitcast3A_448 : vector<32xbf16>
    %add3A_487 = arith.addf %bitcast3A_451, %bitcast3A_454 : vector<32xbf16>
    %add3A_488 = arith.addf %bitcast3A_457, %bitcast3A_460 : vector<32xbf16>
    %add3A_489 = arith.addf %bitcast3A_463, %bitcast3A_466 : vector<32xbf16>
    %add3A_490 = arith.addf %bitcast3A_469, %bitcast3A_472 : vector<32xbf16>
    %add3A_491 = arith.addf %bitcast3A_475, %bitcast3A_478 : vector<32xbf16>
    %add3A_492 = arith.addf %bitcast3A_481, %bitcast3A_484 : vector<32xbf16>
    %add3A_493 = arith.addf %add3A_485, %add3A_486 : vector<32xbf16>
    %add3A_494 = arith.addf %add3A_487, %add3A_488 : vector<32xbf16>
    %add3A_495 = arith.addf %add3A_489, %add3A_490 : vector<32xbf16>
    %add3A_496 = arith.addf %add3A_491, %add3A_492 : vector<32xbf16>
    %add3A_497 = arith.addf %add3A_493, %add3A_494 : vector<32xbf16>
    %add3A_498 = arith.addf %add3A_495, %add3A_496 : vector<32xbf16>
    %add3A_499 = arith.addf %add3A_497, %add3A_498 : vector<32xbf16>
    %unpack3A_500 = tpu.unpack_subelements %add3A_499, 0 {pack_format = #tpu.pack_format<interleaved>} : vector<32xbf16> -> vector<16xf32>
    %unpack3A_501 = tpu.unpack_subelements %add3A_499, 1 {pack_format = #tpu.pack_format<interleaved>} : vector<32xbf16> -> vector<16xf32>
    %add3A_502 = arith.addf %unpack3A_500, %unpack3A_501 : vector<16xf32>
    %add3A_503 = arith.constant 1.280000e-10 : f32
    %add3A_504 = vector.broadcast %add3A_503 : f32 to vector<16xf32>
    %add3A_505 = arith.addf %add3A_502, %add3A_504 : vector<16xf32>
    %bitcast3A_506 = vector.bitcast %add3A_505 : vector<16xf32> to vector<16xi32>
    %shift_right_arithmetic3A_507 = arith.constant 1 : i32
    %shift_right_arithmetic3A_508 = vector.broadcast %shift_right_arithmetic3A_507 : i32 to vector<16xi32>
    %shift_right_arithmetic3A_509 = arith.shrsi %bitcast3A_506, %shift_right_arithmetic3A_508 : vector<16xi32>
    %sub3A_510 = arith.constant 1597463007 : i32
    %sub3A_511 = vector.broadcast %sub3A_510 : i32 to vector<16xi32>
    %sub3A_512 = arith.subi %sub3A_511, %shift_right_arithmetic3A_509 : vector<16xi32>
    %bitcast3A_513 = vector.bitcast %sub3A_512 : vector<16xi32> to vector<16xf32>
    %mul3A_514 = arith.constant 5.000000e-01 : f32
    %mul3A_515 = vector.broadcast %mul3A_514 : f32 to vector<16xf32>
    %mul3A_516 = arith.mulf %mul3A_515, %add3A_505 : vector<16xf32>
    %mul3A_517 = arith.mulf %mul3A_516, %bitcast3A_513 : vector<16xf32>
    %mul3A_518 = arith.mulf %mul3A_517, %bitcast3A_513 : vector<16xf32>
    %sub3A_519 = arith.constant 1.500000e+00 : f32
    %sub3A_520 = vector.broadcast %sub3A_519 : f32 to vector<16xf32>
    %sub3A_521 = arith.subf %sub3A_520, %mul3A_518 : vector<16xf32>
    %mul3A_522 = arith.mulf %bitcast3A_513, %sub3A_521 : vector<16xf32>
    %mul3A_523 = arith.constant 5.000000e-01 : f32
    %mul3A_524 = vector.broadcast %mul3A_523 : f32 to vector<16xf32>
    %mul3A_525 = arith.mulf %mul3A_524, %add3A_505 : vector<16xf32>
    %mul3A_526 = arith.mulf %mul3A_525, %mul3A_522 : vector<16xf32>
    %mul3A_527 = arith.mulf %mul3A_526, %mul3A_522 : vector<16xf32>
    %sub3A_528 = arith.constant 1.500000e+00 : f32
    %sub3A_529 = vector.broadcast %sub3A_528 : f32 to vector<16xf32>
    %sub3A_530 = arith.subf %sub3A_529, %mul3A_527 : vector<16xf32>
    %mul3A_531 = arith.mulf %mul3A_522, %sub3A_530 : vector<16xf32>
    %mul3A_532 = arith.mulf %add3A_505, %mul3A_531 : vector<16xf32>
    %neg3A_533 = arith.constant 0.000000e+00 : f32
    %neg3A_534 = vector.broadcast %neg3A_533 : f32 to vector<16xf32>
    %neg3A_535 = arith.subf %neg3A_534, %mul3A_532 : vector<16xf32>
    %exp3A_536 = math.exp %neg3A_535 : vector<16xf32>
    %swap3A_537 = arith.constant 9984 : index
    %swap3A_538 = tpu.vector_load %arg13[%swap3A_537] {strides = array<i32>} : memref<10000xf32, #tpu.memory_space<vmem>>, vector<16xf32>,
    tpu.vector_store %arg13[%swap3A_537], %exp3A_536 {strides = array<i32>} : memref<10000xf32, #tpu.memory_space<vmem>>, vector<16xf32>,
    "tpu.region"() ({
      %run_scoped3A = tpu.sem_alloc : memref<!tpu.dma_semaphore, #tpu.memory_space<semaphore_mem>>
      %dma_start3A_539 = tpu.memref_slice %arg5[%mul3A_2] : memref<320000xf32, #tpu.memory_space<hbm>> -> memref<10000xf32, #tpu.memory_space<hbm>>
      %dma_start3A_540 = tpu.memref_slice %arg5[%mul3A_2] : memref<320000xf32, #tpu.memory_space<hbm>> -> memref<10000xf32, #tpu.memory_space<hbm>>
      tpu.enqueue_dma source(%arg13 : memref<10000xf32, #tpu.memory_space<vmem>>) target(%dma_start3A_540 : memref<10000xf32, #tpu.memory_space<hbm>>) target_semaphore(%run_scoped3A : memref<!tpu.dma_semaphore, #tpu.memory_space<semaphore_mem>>)
      %dma_wait3A_541 = tpu.memref_slice %arg5[%mul3A_2] : memref<320000xf32, #tpu.memory_space<hbm>> -> memref<10000xf32, #tpu.memory_space<hbm>>
      %dma_wait3A_542 = tpu.memref_slice %arg5[%mul3A_2] : memref<320000xf32, #tpu.memory_space<hbm>> -> memref<10000xf32, #tpu.memory_space<hbm>>
      tpu.wait_dma2 semaphore(%run_scoped3A : memref<!tpu.dma_semaphore, #tpu.memory_space<semaphore_mem>>) src(%arg13 : memref<10000xf32, #tpu.memory_space<vmem>>) dst(%dma_wait3A_542 : memref<10000xf32, #tpu.memory_space<hbm>>)
      tpu.yield
    }) : () -> ()
    return
  }
}

</mosaic_0001>

<sc_bundles>
// kernel: kernel.3.cloned.1.call-start
scs
__scs_entry_jumppad:
0x0: {  	(pc) =	sbr.rel $0x88, $3  }
0x1: {  	(tag) =	ssettag $0x0;
	lr =	simm.s32 $0x1  }
0x2: {  	[smem:$0x3F9F] =	sst lr;
	_ =	strace $0xD0000000  }
0x3: {  	_ = 	snop  }
0x4: {  	_ = 	snop  }
0x5: {  	_ = 	snop  }
0x6: {  	_ = 	snop  }
0x7: {  	_ = 	snop  }
__scs_overlays_trampoline_lowered:
0x8: {  	[smem:$0x3FAE] =	sst s0  }
0x9: {  	[smem:$0x3FAF] =	sst s1  }
0xa: {  	[smem:$0x3FB0] =	sst s2  }
0xb: {  	[smem:$0x3FB1] =	sst s3  }
0xc: {  	[smem:$0x3FB2] =	sst s4  }
0xd: {  	[smem:$0x3FB3] =	sst s5  }
0xe: {  	[smem:$0x3FB4] =	sst s6  }
0xf: {  	[smem:$0x3FB5] =	sst s7  }
0x10: {  	[smem:$0x3FB6] =	sst s8  }
0x11: {  	[smem:$0x3FB7] =	sst s9;
	s0 =	simm.s32 @!p0 $0x0  }
0x12: {  	s1 =	sld [smem:$0x3F9D];
	s0 =	simm.s32 @p0 $0x1  }
0x13: {  	[smem:$0x3FB8] =	sst s0;
	s0 =	simm.s32 @!p1 $0x0  }
0x14: {  	s2 =	sld [smem:$0x3F9C];
	s0 =	simm.s32 @p1 $0x1  }
0x15: {  	[smem:$0x3FB9] =	sst s0;
	s0 =	simm.s32 @!p2 $0x0  }
0x16: {  	s3 =	sld [smem:$0x3FDB];
	s0 =	simm.s32 @p2 $0x1  }
0x17: {  	s4 =	simm.s32 $0x1BF5;
	[smem:$0x3FBB] =	sst s0  }
0x18: {  	s0 =	sld [smem:$0x3F9E];
	_ =	swait.ge [sflag:s4], $0x0  }
0x19: {  	s7 =	sld [smem:$0x3F9F]  }
0x1a: {  	s8 =	sadd.s32 $0xFFFFE003, lr  }
0x1b: {  	s9 =	sadd.s32 $0xFFFFFEF7, lr;
	s5 =	simm.s32 $0xFFFFFFFF;
	p2 =	slt.u32 s8, $0xFFFFF086  }
0x1c: {  	p1 =	slt.u32 s9, $0xF7A;
	s5 =	simm.s32 @!p2 $0x0  }
0x1d: {  	s5 =	simm.s32 @p1 $0x1;
	p0 =	seq.s32 s7, s2  }
0x1e: {  	s7 =	smul.u32 @!p0 $0xF7A, s2;
	p2 =	seq.s32 @!p0 s5, $0x0  }
0x1f: {  	s9 =	smul.u32 $0xF7A, s1;
	s8 =	simm.s32 @!p0 $0x1BF5;
	p2 =	por !p2, p0  }
0x20: {  	[sflag:s8] =	ssyncset.s32 @!p0 $0xFFFFF086;
	s6 =	sadd.s32 @!p0 s3, s7;
	s7 =	simm.s32 @!p0 $0x108  }
0x21: {  	s3 =	sadd.s32 s3, s9;
	s6 =	sadd.s32 @!p0 $0x88, s6;
	s7 =	simm.s32 @p2 $0x1082  }
0x22: {  	[simem:s7], [sflag:s8] =	dma.local @!p0 [hbm:s6], $0xF7A  }
0x23: {  	s9 =	sor.u32 $0xD0000000, s2;
	s6 =	simm.s32 $0x108;
	_ =	swait.ge @!p0 [sflag:s8], $0x0  }
0x24: {  	s3 =	sadd.s32 $0x88, s3;
	s6 =	simm.s32 @!p1 $0x1082;
	[sflag:s4] =	ssyncset.s32 $0xFFFFF086  }
0x25: {  	[simem:s6], [sflag:s4] =	dma.local [hbm:s3], $0xF7A  }
0x26: {  	[smem:$0x3F9F] =	sst s1;
	(tag) =	ssettag s2;
	_ =	strace s9  }
0x27: {  	s1 =	sld [smem:$0x3FAF]  }
0x28: {  	s2 =	sld [smem:$0x3FB0]  }
0x29: {  	s4 =	sld [smem:$0x3FB2]  }
0x2a: {  	p0 =	seq.s32 s5, $0x0;
	s5 =	sld [smem:$0x3FB3]  }
0x2b: {  	s6 =	sld [smem:$0x3FB4]  }
0x2c: {  	s7 =	sld [smem:$0x3FB5]  }
0x2d: {  	s3 =	simm.s32 $0x108;
	s8 =	sld [smem:$0x3FB6]  }
0x2e: {  	s3 =	simm.s32 @!p0 $0x1082;
	s9 =	sld [smem:$0x3FB7]  }
0x2f: {  	lr =	sadd.s32 s0, s3;
	s0 =	sld [smem:$0x3FAE]  }
0x30: {  	s3 =	sld [smem:$0x3FB1]  }
0x31: {  	[smem:$0x3FBA] =	sst s10  }
0x32: {  	s10 =	sld [smem:$0x3FB8];
	_ =	sdelay $0x3  }
0x33: {  	p0 =	seq.s32 s10, $0x1;
	s10 =	sld [smem:$0x3FBA];
	_ =	sdelay $0x3  }
0x34: {  	[smem:$0x3FBA] =	sst s10  }
0x35: {  	s10 =	sld [smem:$0x3FB9];
	_ =	sdelay $0x3  }
0x36: {  	p1 =	seq.s32 s10, $0x1;
	s10 =	sld [smem:$0x3FBA];
	_ =	sdelay $0x3  }
0x37: {  	[smem:$0x3FBA] =	sst s10  }
0x38: {  	s10 =	sld [smem:$0x3FBB]  }
0x39: {  	_ = 	snop;
	(pc) =	sbr.ind lr, $3  }
0x3a: {  	_ = 	snop  }
0x3b: {  	_ = 	snop  }
0x3c: {  	p2 =	seq.s32 s10, $0x1;
	s10 =	sld [smem:$0x3FBA]  }
0x3d: {  	_ =	shalt  }
0x3e: {  	_ =	shalt  }
0x3f: {  	_ =	shalt  }
0x40: {  	_ =	shalt  }
0x41: {  	_ =	shalt  }
0x42: {  	_ =	shalt  }
0x43: {  	_ =	shalt  }
0x44: {  	_ =	shalt  }
0x45: {  	_ =	shalt  }
0x46: {  	_ =	shalt  }
0x47: {  	_ =	shalt  }
0x48: {  	_ =	shalt  }
0x49: {  	_ =	shalt  }
0x4a: {  	_ =	shalt  }
0x4b: {  	_ =	shalt  }
0x4c: {  	_ =	shalt  }
0x4d: {  	_ =	shalt  }
0x4e: {  	_ =	shalt  }
0x4f: {  	_ =	shalt  }
0x50: {  	_ =	shalt  }
0x51: {  	_ =	shalt  }
0x52: {  	_ =	shalt  }
0x53: {  	_ =	shalt  }
0x54: {  	_ =	shalt  }
0x55: {  	_ =	shalt  }
0x56: {  	_ =	shalt  }
0x57: {  	_ =	shalt  }
0x58: {  	_ =	shalt  }
0x59: {  	_ =	shalt  }
0x5a: {  	_ =	shalt  }
0x5b: {  	_ =	shalt  }
0x5c: {  	_ =	shalt  }
0x5d: {  	_ =	shalt  }
0x5e: {  	_ =	shalt  }
0x5f: {  	_ =	shalt  }
0x60: {  	_ =	shalt  }
0x61: {  	_ =	shalt  }
0x62: {  	_ =	shalt  }
0x63: {  	_ =	shalt  }
0x64: {  	_ =	shalt  }
0x65: {  	_ =	shalt  }
0x66: {  	_ =	shalt  }
0x67: {  	_ =	shalt  }
0x68: {  	_ =	shalt  }
0x69: {  	_ =	shalt  }
0x6a: {  	_ =	shalt  }
0x6b: {  	_ =	shalt  }
0x6c: {  	_ =	shalt  }
0x6d: {  	_ =	shalt  }
0x6e: {  	_ =	shalt  }
0x6f: {  	_ =	shalt  }
0x70: {  	_ =	shalt  }
0x71: {  	_ =	shalt  }
0x72: {  	_ =	shalt  }
0x73: {  	_ =	shalt  }
0x74: {  	_ =	shalt  }
0x75: {  	_ =	shalt  }
0x76: {  	_ =	shalt  }
0x77: {  	_ =	shalt  }
0x78: {  	_ =	shalt  }
0x79: {  	_ =	shalt  }
0x7a: {  	_ =	shalt  }
0x7b: {  	_ =	shalt  }
0x7c: {  	_ =	shalt  }
0x7d: {  	_ =	shalt  }
0x7e: {  	_ =	shalt  }
0x7f: {  	_ =	shalt  }
0x80: {  	_ =	shalt  }
0x81: {  	_ =	shalt  }
0x82: {  	_ =	shalt  }
0x83: {  	_ =	shalt  }
0x84: {  	_ =	shalt  }
0x85: {  	_ =	shalt  }
0x86: {  	_ =	shalt  }
0x87: {  	_ =	shalt  }
.Lfunc_end0:
.L_simem_size_0:
called_computation_lowered:
.L_overlay_start_0:
0x88: {  	s2 =	sld [smem:$0x3FD9]  }
0x89: {  	s3 =	sld [smem:$0x3FFE];
	_ =	sdelay $0x1  }
0x8a: {  	s1 =	srdreg.scid  }
0x8b: {  	s0 =	sand.u32 $0x1, s1  }
0x8c: {  	s17 =	sshll.u32 s0, $0xA;
	s2 =	sadd.s32 s3, s2  }
0x8d: {  	s2 =	sadd.s32 s2, s17  }
0x8e: {  	[smem:$0x3FC6] =	sst s2  }
0x8f: {  	_ = 	snop  }
0x90: {  	s2 =	sld [smem:$0x3FD0];
	(tm) =	ssettm $0x1  }
0x91: {  	s18 =	sld [smem:$0x3FFB];
	_ =	sdelay $0x3  }
0x92: {  	_ =	strace s18  }
0x93: {  	s3 =	sld [smem:$0x3FFC];
	_ =	sdelay $0x3  }
0x94: {  	_ =	strace s3  }
0x95: {  	s3 =	sld [smem:$0x3FFD];
	_ =	sdelay $0x3  }
0x96: {  	_ =	strace s3  }
0x97: {  	_ =	strace $0x8FFFFFFF  }
0x98: {  	s19 =	sld [smem:$0x3FDB];
	_ =	sdelay $0x1  }
0x99: {  	s4 =	simm.s32 $_scs_section_size  }
0x9a: {  	s5 =	simm.s32 $_size__tile_overlayer_lowered;
	s6 =	simm.s32 $_tile_overlayer_lowered  }
0x9b: {  	s22 =	simm.s32 $0x1BFF;
	s21 =	sshll.u32 s6, $0x1;
	s3 =	sadd.s32 s4, s19  }
0x9c: {  	s7 =	simm.s32 $0x0;
	s20 =	sshll.u32 s5, $0x1;
	s5 =	sadd.s32 s21, s3  }
0x9d: {  	[timem:s7], [sflag:s22] =	dma.local [hbm:s5], s20  }
0x9e: {  	_ =	swait.ge [sflag:s22], s20  }
0x9f: {  	s4 =	ssub.s32 $0x0, s20;
	[sflag:s22] =	ssyncset.done $0x0  }
0xa0: {  	[sflag:s22] =	ssyncadd.s32 s4;
	_ =	sdelay $0x1  }
0xa1: {  	s23 =	simm.s32 $0x1B8B  }
0xa2: {  	_ =	swait.ge [sflag:s23], $0x1  }
0xa3: {  	[sflag:s23] =	ssyncset.done $0x0  }
0xa4: {  	s25 =	simm.s32 $0x1B8E;
	s24 =	sld [smem:$0x3FFE];
	[sflag:s23] =	ssyncadd.s32 $0xFFFFFFFF  }
0xa5: {  	s26 =	simm.s32 $execute0_lowered;
	[smem:$0x3FD2] =	sst s25  }
0xa6: {  	s5 =	sshll.u32 s26, $0x1;
	_ =	strace $0x80000046;
	[dreg:$0x1] =	wrdreg $0xFFFFFFFF  }
0xa7: {  	s28 =	simm.s32 $_size_execute0_lowered;
	s3 =	sadd.s32 s3, s5;
	[dreg:$0x0] =	wrdreg $0x0  }
0xa8: {  	s5 =	sshll.u32 s28, $0x1;
	[dreg:$0x2] =	wrdreg s3  }
0xa9: {  	[dreg:$0x3] =	wrdreg s5  }
0xaa: {  	[dreg:$0x4] =	wrdreg $0xC0  }
0xab: {  	_ =	task [dreg:s7], $0x5FFFF  }
0xac: {  	[dreg:$0x1] =	wrdreg $0xFFFFFFFF  }
0xad: {  	[dreg:$0x0] =	wrdreg $0x60  }
0xae: {  	[dreg:$0x2] =	wrdreg s24  }
0xaf: {  	[dreg:$0x3] =	wrdreg s2  }
0xb0: {  	[dreg:$0x4] =	wrdreg $0xCA300  }
0xb1: {  	[dreg:$0x5] =	wrdreg $0x9  }
0xb2: {  	_ =	task.clear_ibuf [dreg:s7], $0x6FFFF;
	_ =	strace $0x90000046  }
0xb3: {  	s29 =	simm.s32 $0x9;
	_ =	strace $0x80000048  }
0xb4: {  	_ =	swait.ge [sflag:s29], $0x1  }
0xb5: {  	[sflag:s29] =	ssyncadd.s32 $0xFFFFFFFF  }
0xb6: {  	_ =	strace $0x90000048  }
0xb7: {  	_ =	sfence  }
0xb8: {  	s30 =	sld [smem:$0x0];
	_ =	sdelay $0x2  }
0xb9: {  	s31 =	sshll.u32 s1, $0xD;
	s1 =	sshrl.u32 s1, $0x2  }
0xba: {  	s3 =	sand.u32 $0x4000, s31;
	s1 =	sadd.s32 s1, s30  }
0xbb: {  	s0 =	sor.u32 s3, s0;
	s1 =	sshll.u32 s1, $0x11  }
0xbc: {  	s0 =	sor.u32 s1, s0  }
0xbd: {  	s0 =	sadd.s32 $0x8F2B, s0  }
0xbe: {  	[sflag:s0] =	ssyncadd.remote.s32 $0x1  }
0xbf: {  	_ =	sfence.sel $0xFFFF  }
0xc0: {  	[dreg:$0x0] =	wrdreg $0xFFFFFFFF;
	(pc) =	sbr.abs _section_cstart, $3  }
0xc1: {  	[dreg:$0x1] =	wrdreg $0xFFFFFFFF  }
0xc2: {  	_ =	task.clear_ibuf [dreg:s7], $0x2FFFF;
	_ =	strace $0x9FFFFFFF  }
0xc3: {  	(tm) =	ssettm $0x7FFFFFFF  }
tec
execute0_lowered:
.L_overlay_start_1:
0x0: {  	(tag) =	ssettag $0x1  }
0x1: {  	s4 =	rddreg [dreg:$0x0];
	s1 =	srdreg.scid  }
0x2: {  	s0 =	stileid.u32;
	s8 =	rddreg [dreg:$0x1]  }
0x3: {  	s2 =	rddreg [dreg:$0x2];
	s3 =	simm.s32 $0x0;
	s13 =	simm.s32 $0x50  }
0x4: {  	s14 =	simm.s32 $0x4E20;
	s15 =	simm.s32 $0x6220;
	s16 =	simm.s32 $0x7620  }
0x5: {  	s17 =	simm.s32 $0x8A20;
	s18 =	simm.s32 $0x1;
	s19 =	simm.s32 $0x2  }
0x6: {  	s20 =	simm.s32 $0x9E20;
	s21 =	simm.s32 $0x3;
	s22 =	simm.s32 $0x4  }
0x7: {  	s23 =	simm.s32 $0xA320;
	s5 =	sand.u32 $0x1, s1;
	s1 =	rddreg [dreg:$0x3]  }
0x8: {  	v0 =	vlaneseq.u32;
	s24 =	simm.s32 $0x0;
	s26 =	sshll.u32 s0, $0x1;
	[smem:$0x7FF] =	sst s3  }
0x9: {  	s28 =	smul.u32 $0x13880, s0;
	s31 =	sshll.u32 s0, $0x6;
	v0 =	vmul.u32 $0x10, v0;
	s6 =	sor.u32 s5, s26  }
0xa: {  	s5 =	ssub.s32 $0x2, s5;
	_ =	strace $0x80000047;
	s9 =	smul.u32 $0x4E2, s6  }
0xb: {  	s7 =	sshrl.u32 s5, $0x1;
	s29 =	sshrl.u32 s28, $0x1;
	s30 =	sshrl.u32 s28, $0x4;
	v1 =	vor.u32 $0x1, v0;
	v2 =	vor.u32 $0x2, v0;
	v3 =	vor.u32 $0x3, v0  }
0xc: {  	v4 =	vor.u32 $0x4, v0;
	v5 =	vor.u32 $0x5, v0;
	v6 =	vor.u32 $0x6, v0;
	s11 =	ssub.s32 s5, s7;
	s12 =	sadd.s32 s29, s2;
	s5 =	sor.u32 $0x1C05, s31  }
0xd: {  	v7 =	vor.u32 $0x7, v0;
	v8 =	vor.u32 $0x8, v0;
	v9 =	vor.u32 $0x9, v0;
	s10 =	sadd.s32 s9, s4;
	s4 =	sadd.s32 s4, s30;
	s8 =	sadd.s32 s8, s9  }
0xe: {  	v10 =	vor.u32 $0xA, v0;
	v11 =	vor.u32 $0xB, v0;
	v12 =	vor.u32 $0xC, v0;
	s9 =	smax.u32 s11, $0x1;
	s11 =	simm.s32 $0x5;
	s6 =	sadd.s32 $0x1D800, s10  }
0xf: {  	v13 =	vor.u32 $0xD, v0;
	v14 =	vor.u32 $0xE, v0;
	v15 =	vor.u32 $0xF, v0;
	s7 =	sadd.s32 $0x13A00, s10;
	s10 =	sshrl.u32 s12, $0x3;
	s12 =	simm.s32 $0x2710  }
.LBB2_1:
0x10: {  	[spmem:s10], [sflag:s5] =	dma.local [hbm:s4], $0x1388  }
0x11: {  	_ =	swait.ge [sflag:s11], $0x1388  }
0x12: {  	[sflag:s11] =	ssyncset.done $0x0  }
0x13: {  	[sflag:s11] =	ssyncadd.s32 $0xFFFFEC78  }
0x14: {  	[tilespmem:s3], [sflag:$0x5] =	stream.linear.gather [hbm4b:s6+s3], $0x2710, $0x38;
	[tilespmem:$0x16670] =	vst v63  }
0x15: {  	_ =	swait.ge [sflag:s11], $0x2710  }
0x16: {  	[sflag:s11] =	ssyncset.done $0x0  }
0x17: {  	[sflag:s11] =	ssyncadd.s32 $0xFFFFD8F0  }
0x18: {  	[tilespmem:s12], [sflag:$0x5] =	stream.linear.gather [hbm4b:s7+s3], $0x2710, $0x38;
	[tilespmem:$0x16670] =	vst v63  }
0x19: {  	_ =	swait.ge [sflag:s11], $0x2710  }
0x1a: {  	[sflag:s11] =	ssyncset.done $0x0  }
0x1b: {  	[sflag:s11] =	ssyncadd.s32 $0xFFFFD8F0  }
0x1c: {  	[bflag:$0x0] =	sbarrier.arrive $0xFFFF  }
0x1d: {  	[tilespmem:s14], [sflag:$0x1] =	stream.indirect.gather [spmem:s2], $0x40, s3, s13, $0xb8;
	[tilespmem:$0x16670] =	vst v63  }
0x1e: {  	s25 =	simm.s32 $0x0  }
0x1f: {  	[tilespmem:s15], [sflag:$0x2] =	stream.indirect.gather [spmem:s2], $0x40, s12, s13, $0xb8;
	[tilespmem:$0x16670] =	vst v63  }
.LBB2_2:
0x20: {  	s26 =	smul.u32 $0xA0, s25;
	_ =	sdelay $0x1  }
0x21: {  	s28 =	sadd.s32 $0x50, s26  }
0x22: {  	[tilespmem:s16], [sflag:$0x3] =	stream.indirect.gather [spmem:s2], $0x40, s28, s13, $0xb8;
	[tilespmem:$0x16670] =	vst v63  }
0x23: {  	s29 =	sadd.s32 $0x2760, s26  }
0x24: {  	[tilespmem:s17], [sflag:$0x4] =	stream.indirect.gather [spmem:s2], $0x40, s29, s13, $0xb8;
	[tilespmem:$0x16670] =	vst v63  }
0x25: {  	_ =	swait.ge [sflag:s18], $0x1400  }
0x26: {  	[sflag:s18] =	ssyncset.done $0x0  }
0x27: {  	[sflag:s18] =	ssyncadd.s32 $0xFFFFEC00  }
0x28: {  	_ =	swait.ge [sflag:s19], $0x1400  }
0x29: {  	s30 =	simm.s32 $0x5020;
	[sflag:s19] =	ssyncset.done $0x0  }
0x2a: {  	s31 =	simm.s32 $0x6420;
	s29 =	simm.s32 $0x0;
	[sflag:s19] =	ssyncadd.s32 $0xFFFFEC00  }
.LBB2_3:
0x2b: {  	v16 =	vld [tilespmem:s30+$0xFFFFFE00]  }
0x2c: {  	v17 =	vld [tilespmem:s31+$0xFFFFFE00]  }
0x2d: {  	v18 =	vld [tilespmem:s30+$0xFFFFFE40]  }
0x2e: {  	v19 =	vld [tilespmem:s31+$0xFFFFFE40]  }
0x2f: {  	v20 =	vld [tilespmem:s30+$0xFFFFFE80]  }
0x30: {  	v21 =	vld [tilespmem:s31+$0xFFFFFE80]  }
0x31: {  	v22 =	vld [tilespmem:s30+$0xFFFFFEC0]  }
0x32: {  	v23 =	vld [tilespmem:s31+$0xFFFFFEC0]  }
0x33: {  	v24 =	vld [tilespmem:s30+$0xFFFFFF00]  }
0x34: {  	v25 =	vld [tilespmem:s31+$0xFFFFFF00]  }
0x35: {  	v26 =	vld [tilespmem:s30+$0xFFFFFF40]  }
0x36: {  	v27 =	vld [tilespmem:s31+$0xFFFFFF40]  }
0x37: {  	v28 =	vld [tilespmem:s30+$0xFFFFFF80]  }
0x38: {  	v29 =	vld [tilespmem:s31+$0xFFFFFF80]  }
0x39: {  	v30 =	vld [tilespmem:s30+$0xFFFFFFC0]  }
0x3a: {  	v31 =	vld [tilespmem:s31+$0xFFFFFFC0]  }
0x3b: {  	v32 =	vld [tilespmem:s30+$0xFFFFFE10]  }
0x3c: {  	v33 =	vld [tilespmem:s31+$0xFFFFFE10]  }
0x3d: {  	v34 =	vld [tilespmem:s30+$0xFFFFFE50]  }
0x3e: {  	v35 =	vld [tilespmem:s31+$0xFFFFFE50]  }
0x3f: {  	v36 =	vld [tilespmem:s30+$0xFFFFFE90]  }
0x40: {  	v37 =	vld [tilespmem:s31+$0xFFFFFE90]  }
0x41: {  	v38 =	vld [tilespmem:s30+$0xFFFFFED0]  }
0x42: {  	v39 =	vld [tilespmem:s31+$0xFFFFFED0]  }
0x43: {  	v40 =	vld [tilespmem:s30+$0xFFFFFF10]  }
0x44: {  	v41 =	vld [tilespmem:s31+$0xFFFFFF10]  }
0x45: {  	v42 =	vld [tilespmem:s30+$0xFFFFFF50]  }
0x46: {  	v43 =	vld [tilespmem:s31+$0xFFFFFF50]  }
0x47: {  	v44 =	vld [tilespmem:s30+$0xFFFFFF90]  }
0x48: {  	v45 =	vld [tilespmem:s31+$0xFFFFFF90]  }
0x49: {  	v46 =	vld [tilespmem:s30+$0xFFFFFFD0]  }
0x4a: {  	v47 =	vld [tilespmem:s31+$0xFFFFFFD0]  }
0x4b: {  	v48 =	vld [tilespmem:s30+$0xFFFFFE20]  }
0x4c: {  	v49 =	vld [tilespmem:s31+$0xFFFFFE20]  }
0x4d: {  	v50 =	vld [tilespmem:s30+$0xFFFFFE60]  }
0x4e: {  	v51 =	vld [tilespmem:s31+$0xFFFFFE60]  }
0x4f: {  	v52 =	vld [tilespmem:s30+$0xFFFFFEA0]  }
0x50: {  	v53 =	vld [tilespmem:s31+$0xFFFFFEA0]  }
0x51: {  	v16 =	vsub.bf16 v16, v17;
	v17 =	vsub.bf16 v18, v19;
	v18 =	vld [tilespmem:s30+$0xFFFFFEE0]  }
0x52: {  	v54 =	vsub.bf16 v20, v21;
	v21 =	vld [tilespmem:s31+$0xFFFFFEE0]  }
0x53: {  	v56 =	vsub.bf16 v24, v25;
	v24 =	vld [tilespmem:s30+$0xFFFFFF20]  }
0x54: {  	v55 =	vsub.bf16 v32, v33;
	v57 =	vsub.bf16 v26, v27;
	v26 =	vld [tilespmem:s31+$0xFFFFFF20]  }
0x55: {  	v22 =	vsub.bf16 v22, v23;
	v58 =	vsub.bf16 v28, v29;
	v29 =	vld [tilespmem:s30+$0xFFFFFF60]  }
0x56: {  	v59 =	vsub.bf16 v30, v31;
	v30 =	vor.u32 s29, v0;
	v32 =	vld [tilespmem:s30+$0xFFFFFFA0];
	v16 =	vmul.bf16 v16, v16  }
0x57: {  	v60 =	vsub.bf16 v34, v35;
	v34 =	vld [tilespmem:s31+$0xFFFFFFA0];
	v20 =	vmul.bf16 v55, v55;
	v17 =	vmul.bf16 v17, v17  }
0x58: {  	v61 =	vsub.bf16 v36, v37;
	v36 =	vld [tilespmem:s30+$0xFFFFFFE0];
	v19 =	vmul.bf16 v54, v54;
	v22 =	vmul.bf16 v22, v22  }
0x59: {  	v62 =	vsub.bf16 v38, v39;
	v38 =	vld [tilespmem:s31+$0xFFFFFFE0];
	v23 =	vmul.bf16 v56, v56;
	v25 =	vmul.bf16 v57, v57  }
0x5a: {  	v63 =	vsub.bf16 v40, v41;
	v39 =	vld [tilespmem:s30+$0xFFFFFE30];
	v31 =	vmul.bf16 v60, v60;
	v28 =	vmul.bf16 v59, v59  }
0x5b: {  	v40 =	vld [tilespmem:s31+$0xFFFFFE30];
	v33 =	vmul.bf16 v61, v61;
	v55 =	vsub.bf16 v42, v43;
	v57 =	vsub.bf16 v44, v45  }
0x5c: {  	v41 =	vld [tilespmem:s30+$0xFFFFFE70];
	v54 =	vmul.bf16 v62, v62;
	v59 =	vsub.bf16 v46, v47;
	v61 =	vsub.bf16 v48, v49  }
0x5d: {  	v56 =	vmul.bf16 v63, v63;
	v42 =	vld [tilespmem:s31+$0xFFFFFE70];
	v63 =	vsub.bf16 v50, v51;
	v50 =	vsub.bf16 v52, v53  }
0x5e: {  	v27 =	vmul.bf16 v58, v58;
	v48 =	vld [tilespmem:s30+$0xFFFFFEB0];
	v16 =	vadd.bf16 v20, v16;
	v17 =	vadd.bf16 v31, v17  }
0x5f: {  	v51 =	vld [tilespmem:s31+$0xFFFFFEB0];
	v19 =	vadd.bf16 v33, v19;
	v22 =	vadd.bf16 v54, v22;
	v58 =	vmul.bf16 v55, v55  }
0x60: {  	v53 =	vld [tilespmem:s30+$0xFFFFFEF0];
	v23 =	vadd.bf16 v56, v23;
	v60 =	vmul.bf16 v57, v57;
	v62 =	vmul.bf16 v59, v59  }
0x61: {  	v46 =	vld [tilespmem:s31+$0xFFFFFFB0];
	v49 =	vmul.bf16 v61, v61;
	v18 =	vsub.bf16 v18, v21;
	v24 =	vsub.bf16 v24, v26  }
0x62: {  	v47 =	vld [tilespmem:s30+$0xFFFFFFF0];
	v52 =	vmul.bf16 v63, v63;
	v57 =	vsub.bf16 v32, v34;
	v59 =	vsub.bf16 v36, v38  }
0x63: {  	v20 =	vld [tilespmem:s31+$0xFFFFFF60];
	v54 =	vmul.bf16 v50, v50;
	v25 =	vadd.bf16 v58, v25;
	v27 =	vadd.bf16 v60, v27  }
0x64: {  	v55 =	vld [tilespmem:s31+$0xFFFFFEF0];
	v50 =	vor.u32 s29, v1;
	v28 =	vadd.bf16 v62, v28;
	v16 =	vadd.bf16 v49, v16  }
0x65: {  	v56 =	vld [tilespmem:s30+$0xFFFFFF30];
	v17 =	vadd.bf16 v52, v17;
	v19 =	vadd.bf16 v54, v19;
	v18 =	vmul.bf16 v18, v18  }
0x66: {  	v63 =	vld [tilespmem:s31+$0xFFFFFF70];
	v62 =	vsub.bf16 v39, v40;
	v24 =	vmul.bf16 v24, v24;
	v61 =	vmul.bf16 v57, v57  }
0x67: {  	v58 =	vld [tilespmem:s31+$0xFFFFFF30];
	v40 =	vsub.bf16 v41, v42;
	v45 =	vsub.bf16 v48, v51;
	v51 =	vor.u32 s29, v2  }
0x68: {  	v60 =	vld [tilespmem:s30+$0xFFFFFF70];
	v42 =	vmul.bf16 v62, v62;
	v20 =	vsub.bf16 v29, v20;
	v18 =	vadd.bf16 v18, v22  }
0x69: {  	v49 =	vld [tilespmem:s31+$0xFFFFFFF0];
	v23 =	vadd.bf16 v24, v23;
	v22 =	vmul.bf16 v59, v59;
	v24 =	vadd.bf16 v61, v27  }
0x6a: {  	v41 =	vld [tilespmem:s30+$0xFFFFFFB0];
	v21 =	vsub.bf16 v53, v55;
	v48 =	vmul.bf16 v45, v45;
	v20 =	vmul.bf16 v20, v20  }
0x6b: {  	v53 =	vor.u32 s29, v3;
	v16 =	vadd.bf16 v42, v16;
	v22 =	vadd.bf16 v22, v28  }
0x6c: {  	v19 =	vadd.bf16 v48, v19;
	v20 =	vadd.bf16 v20, v25;
	v25 =	vmul.bf16 v40, v40  }
0x6d: {  	v55 =	vor.u32 s29, v4;
	v52 =	vsub.bf16 v56, v58;
	v54 =	vsub.bf16 v60, v63  }
0x6e: {  	v21 =	vmul.bf16 v21, v21;
	v26 =	vsub.bf16 v47, v49;
	v17 =	vadd.bf16 v25, v17  }
0x6f: {  	v56 =	vsub.bf16 v41, v46;
	[tilespmem:v30+s20+$0x0] =	vst.idx.msk $0xffff, v16;
	v16 =	vor.u32 s29, v5;
	v27 =	vmul.bf16 v52, v52  }
0x70: {  	v18 =	vadd.bf16 v21, v18;
	v21 =	vmul.bf16 v54, v54;
	[tilespmem:v50+s20+$0x0] =	vst.idx.msk $0xffff, v17;
	v17 =	vor.u32 s29, v6  }
0x71: {  	v58 =	vor.u32 s29, v7;
	v57 =	vmul.bf16 v56, v56;
	v23 =	vadd.bf16 v27, v23;
	[tilespmem:v51+s20+$0x0] =	vst.idx.msk $0xffff, v19  }
0x72: {  	v59 =	vmul.bf16 v26, v26;
	v20 =	vadd.bf16 v21, v20;
	[tilespmem:v53+s20+$0x0] =	vst.idx.msk $0xffff, v18  }
0x73: {  	v60 =	vadd.bf16 v57, v24;
	[tilespmem:v55+s20+$0x0] =	vst.idx.msk $0xffff, v23  }
0x74: {  	v21 =	vadd.bf16 v59, v22;
	[tilespmem:v16+s20+$0x0] =	vst.idx.msk $0xffff, v20  }
0x75: {  	[tilespmem:v17+s20+$0x0] =	vst.idx.msk $0xffff, v60  }
0x76: {  	[tilespmem:v58+s20+$0x0] =	vst.idx.msk $0xffff, v21  }
0x77: {  	v16 =	vld [tilespmem:s30+$0x0]  }
0x78: {  	v17 =	vld [tilespmem:s31+$0x0]  }
0x79: {  	v18 =	vld [tilespmem:s30+$0x40]  }
0x7a: {  	v19 =	vld [tilespmem:s31+$0x40]  }
0x7b: {  	v20 =	vld [tilespmem:s30+$0x80]  }
0x7c: {  	v21 =	vld [tilespmem:s31+$0x80]  }
0x7d: {  	v61 =	vld [tilespmem:s30+$0xC0]  }
0x7e: {  	v23 =	vld [tilespmem:s31+$0xC0]  }
0x7f: {  	v24 =	vld [tilespmem:s30+$0x100]  }
0x80: {  	v25 =	vld [tilespmem:s31+$0x100]  }
0x81: {  	v62 =	vld [tilespmem:s30+$0x140]  }
0x82: {  	v63 =	vld [tilespmem:s31+$0x140]  }
0x83: {  	v28 =	vld [tilespmem:s30+$0x180]  }
0x84: {  	v29 =	vld [tilespmem:s31+$0x180]  }
0x85: {  	v30 =	vld [tilespmem:s30+$0x1C0]  }
0x86: {  	v31 =	vld [tilespmem:s31+$0x1C0]  }
0x87: {  	v32 =	vld [tilespmem:s30+$0x10]  }
0x88: {  	v52 =	vld [tilespmem:s31+$0x10]  }
0x89: {  	v53 =	vld [tilespmem:s30+$0x50]  }
0x8a: {  	v54 =	vld [tilespmem:s31+$0x50]  }
0x8b: {  	v55 =	vld [tilespmem:s30+$0x90]  }
0x8c: {  	v56 =	vld [tilespmem:s31+$0x90]  }
0x8d: {  	v57 =	vld [tilespmem:s30+$0xD0]  }
0x8e: {  	v58 =	vld [tilespmem:s31+$0xD0]  }
0x8f: {  	v40 =	vld [tilespmem:s30+$0x110]  }
0x90: {  	v59 =	vld [tilespmem:s31+$0x110]  }
0x91: {  	v42 =	vld [tilespmem:s30+$0x150]  }
0x92: {  	v43 =	vld [tilespmem:s31+$0x150]  }
0x93: {  	v44 =	vld [tilespmem:s30+$0x190]  }
0x94: {  	v45 =	vld [tilespmem:s31+$0x190]  }
0x95: {  	v46 =	vld [tilespmem:s30+$0x1D0]  }
0x96: {  	v47 =	vld [tilespmem:s31+$0x1D0]  }
0x97: {  	v48 =	vld [tilespmem:s30+$0x20]  }
0x98: {  	v49 =	vld [tilespmem:s31+$0x20]  }
0x99: {  	v50 =	vld [tilespmem:s30+$0x60]  }
0x9a: {  	v27 =	vld [tilespmem:s30+$0xE0]  }
0x9b: {  	v33 =	vld [tilespmem:s31+$0xE0]  }
0x9c: {  	v35 =	vld [tilespmem:s30+$0x120]  }
0x9d: {  	v38 =	vld [tilespmem:s30+$0x1E0]  }
0x9e: {  	v41 =	vld [tilespmem:s30+$0x170];
	v16 =	vsub.bf16 v16, v17  }
0x9f: {  	v17 =	vsub.bf16 v18, v19;
	v18 =	vld [tilespmem:s31+$0x60];
	v60 =	vsub.bf16 v20, v21  }
0xa0: {  	v61 =	vsub.bf16 v61, v23;
	v21 =	vld [tilespmem:s30+$0xA0];
	v22 =	vsub.bf16 v24, v25  }
0xa1: {  	v62 =	vsub.bf16 v62, v63;
	v24 =	vld [tilespmem:s31+$0xA0];
	v63 =	vsub.bf16 v32, v52  }
0xa2: {  	v51 =	vsub.bf16 v53, v54;
	v28 =	vsub.bf16 v28, v29;
	v29 =	vld [tilespmem:s31+$0x120]  }
0xa3: {  	v52 =	vsub.bf16 v55, v56;
	v53 =	vsub.bf16 v57, v58;
	v56 =	vld [tilespmem:s30+$0x160]  }
0xa4: {  	v30 =	vsub.bf16 v30, v31;
	v57 =	vld [tilespmem:s31+$0x160];
	v16 =	vmul.bf16 v16, v16;
	v17 =	vmul.bf16 v17, v17  }
0xa5: {  	v58 =	vld [tilespmem:s30+$0x1A0];
	v59 =	vsub.bf16 v40, v59;
	v19 =	vmul.bf16 v60, v60;
	v20 =	vmul.bf16 v61, v61  }
0xa6: {  	v40 =	vld [tilespmem:s31+$0x1E0];
	v27 =	vsub.bf16 v27, v33;
	v25 =	vmul.bf16 v63, v63;
	v26 =	vmul.bf16 v51, v51  }
0xa7: {  	v54 =	vmul.bf16 v52, v52;
	v55 =	vmul.bf16 v53, v53;
	v60 =	vsub.bf16 v42, v43;
	v61 =	vld [tilespmem:s31+$0x1A0]  }
0xa8: {  	v22 =	vmul.bf16 v22, v22;
	v23 =	vmul.bf16 v62, v62;
	v63 =	vsub.bf16 v46, v47;
	v46 =	vld [tilespmem:s30+$0x30]  }
0xa9: {  	v62 =	vsub.bf16 v44, v45;
	v28 =	vmul.bf16 v28, v28;
	v45 =	vsub.bf16 v48, v49;
	v48 =	vld [tilespmem:s31+$0x30]  }
0xaa: {  	v31 =	vmul.bf16 v59, v59;
	v51 =	vld [tilespmem:s30+$0x70];
	v16 =	vadd.bf16 v25, v16;
	v17 =	vadd.bf16 v26, v17  }
0xab: {  	v30 =	vmul.bf16 v30, v30;
	v52 =	vld [tilespmem:s31+$0x70];
	v19 =	vadd.bf16 v54, v19;
	v20 =	vadd.bf16 v55, v20  }
0xac: {  	v53 =	vld [tilespmem:s30+$0xB0];
	v32 =	vmul.bf16 v60, v60;
	v37 =	vmul.bf16 v62, v62;
	v22 =	vadd.bf16 v31, v22  }
0xad: {  	v47 =	vmul.bf16 v63, v63;
	v54 =	vld [tilespmem:s31+$0xB0];
	v18 =	vsub.bf16 v50, v18;
	v21 =	vsub.bf16 v21, v24  }
0xae: {  	v49 =	vmul.bf16 v45, v45;
	v55 =	vld [tilespmem:s30+$0xF0];
	v29 =	vsub.bf16 v35, v29;
	v25 =	vsub.bf16 v56, v57  }
0xaf: {  	v63 =	vld [tilespmem:s31+$0x130];
	v56 =	vmul.bf16 v27, v27;
	v43 =	vsub.bf16 v38, v40;
	v23 =	vadd.bf16 v32, v23  }
0xb0: {  	v45 =	vld [tilespmem:s31+$0x170];
	v50 =	vor.u32 s29, v9;
	v28 =	vadd.bf16 v37, v28;
	v30 =	vadd.bf16 v47, v30  }
0xb1: {  	v16 =	vadd.bf16 v49, v16;
	v47 =	vld [tilespmem:s31+$0x1B0];
	v18 =	vmul.bf16 v18, v18;
	v21 =	vmul.bf16 v21, v21  }
0xb2: {  	v49 =	vld [tilespmem:s30+$0x1F0];
	v26 =	vsub.bf16 v58, v61;
	v57 =	vmul.bf16 v29, v29;
	v44 =	vsub.bf16 v46, v48  }
0xb3: {  	v58 =	vld [tilespmem:s31+$0xF0];
	v59 =	vmul.bf16 v25, v25;
	v31 =	vsub.bf16 v51, v52;
	v17 =	vadd.bf16 v18, v17  }
0xb4: {  	v61 =	vld [tilespmem:s30+$0x130];
	v48 =	vor.u32 s29, v8;
	v19 =	vadd.bf16 v21, v19;
	v18 =	vadd.bf16 v56, v20  }
0xb5: {  	v46 =	vld [tilespmem:s30+$0x1B0];
	v60 =	vmul.bf16 v26, v26;
	v62 =	vadd.bf16 v57, v22;
	v21 =	vadd.bf16 v59, v23  }
0xb6: {  	v52 =	vld [tilespmem:s31+$0x1F0];
	v24 =	vsub.bf16 v53, v54;
	v31 =	vmul.bf16 v31, v31;
	v53 =	vor.u32 s29, v10  }
0xb7: {  	v54 =	vor.u32 s29, v11;
	v23 =	vadd.bf16 v60, v28;
	v28 =	vmul.bf16 v44, v44  }
0xb8: {  	v25 =	vsub.bf16 v41, v45;
	v57 =	vor.u32 s29, v13;
	v17 =	vadd.bf16 v31, v17  }
0xb9: {  	v24 =	vmul.bf16 v24, v24;
	v29 =	vsub.bf16 v55, v58;
	v16 =	vadd.bf16 v28, v16  }
0xba: {  	v22 =	vsub.bf16 v61, v63;
	v56 =	vsub.bf16 v46, v47;
	v58 =	vmul.bf16 v25, v25  }
0xbb: {  	v55 =	vor.u32 s29, v12;
	v59 =	vsub.bf16 v49, v52;
	v51 =	vmul.bf16 v29, v29;
	[tilespmem:v48+s20+$0x0] =	vst.idx.msk $0xffff, v16  }
0xbc: {  	v60 =	vor.u32 s29, v14;
	v19 =	vadd.bf16 v24, v19;
	[tilespmem:v50+s20+$0x0] =	vst.idx.msk $0xffff, v17;
	v17 =	vmul.bf16 v22, v22  }
0xbd: {  	v61 =	vmul.bf16 v56, v56;
	v16 =	vmul.bf16 v43, v43;
	v18 =	vadd.bf16 v51, v18  }
0xbe: {  	p0 =	sne.s32 s29, $0x400;
	v63 =	vmul.bf16 v59, v59;
	[tilespmem:v53+s20+$0x0] =	vst.idx.msk $0xffff, v19;
	v17 =	vadd.bf16 v17, v62;
	v62 =	vor.u32 s29, v15  }
.Ltmp0:
0xbf: {  	v16 =	vadd.bf16 v16, v30;
	v19 =	vadd.bf16 v58, v21;
	[tilespmem:v54+s20+$0x0] =	vst.idx.msk $0xffff, v18;
	(pc) =	sbr.rel @p0 .LBB2_3-.Ltmp0, $4  }
0xc0: {  	v18 =	vadd.bf16 v61, v23;
	[tilespmem:v55+s20+$0x0] =	vst.idx.msk $0xffff, v17  }
0xc1: {  	v16 =	vadd.bf16 v63, v16;
	[tilespmem:v57+s20+$0x0] =	vst.idx.msk $0xffff, v19  }
0xc2: {  	[tilespmem:v60+s20+$0x0] =	vst.idx.msk $0xffff, v18  }
0xc3: {  	s30 =	sadd.s32 $0x400, s30;
	s31 =	sadd.s32 $0x400, s31;
	s29 =	sadd.s32 $0x100, s29;
	[tilespmem:v62+s20+$0x0] =	vst.idx.msk $0xffff, v16  }
0xc4: {  	v16 =	vld [tilespmem:$0x9E20]  }
0xc5: {  	v17 =	vld [tilespmem:$0x9E30]  }
0xc6: {  	v18 =	vld [tilespmem:$0x9E40]  }
0xc7: {  	v19 =	vld [tilespmem:$0x9E50]  }
0xc8: {  	v20 =	vld [tilespmem:$0x9E60]  }
0xc9: {  	v21 =	vld [tilespmem:$0x9E70]  }
0xca: {  	v22 =	vld [tilespmem:$0x9E80]  }
0xcb: {  	v23 =	vld [tilespmem:$0x9E90]  }
0xcc: {  	v24 =	vld [tilespmem:$0x9EA0]  }
0xcd: {  	v25 =	vld [tilespmem:$0x9EB0]  }
0xce: {  	v26 =	vld [tilespmem:$0x9EC0]  }
0xcf: {  	v27 =	vld [tilespmem:$0x9ED0]  }
0xd0: {  	v28 =	vld [tilespmem:$0x9EE0]  }
0xd1: {  	v29 =	vld [tilespmem:$0x9EF0]  }
0xd2: {  	v30 =	vld [tilespmem:$0x9F00]  }
0xd3: {  	v31 =	vld [tilespmem:$0x9F10];
	_ =	sdelay $0x1  }
0xd4: {  	v16 =	vadd.bf16 v17, v16;
	v17 =	vadd.bf16 v19, v18  }
0xd5: {  	v52 =	vadd.bf16 v21, v20;
	v53 =	vadd.bf16 v23, v22  }
0xd6: {  	v54 =	vadd.bf16 v25, v24;
	v55 =	vadd.bf16 v27, v26  }
0xd7: {  	v56 =	vadd.bf16 v29, v28;
	v57 =	vadd.bf16 v31, v30  }
0xd8: {  	v16 =	vadd.bf16 v17, v16;
	v17 =	vadd.bf16 v53, v52  }
0xd9: {  	v58 =	vadd.bf16 v55, v54;
	v59 =	vadd.bf16 v57, v56;
	_ =	sdelay $0x1  }
0xda: {  	v16 =	vadd.bf16 v17, v16;
	v17 =	vadd.bf16 v59, v58;
	_ =	sdelay $0x1  }
0xdb: {  	v16 =	vadd.bf16 v17, v16;
	_ =	sdelay $0x1  }
0xdc: {  	v17 =	vunpack.i.u.bf16.f32 v16;
	v16 =	vunpack.i.l.bf16.f32 v16  }
0xdd: {  	v16 =	vadd.f32 v16, v17;
	_ =	sdelay $0x1  }
0xde: {  	v16 =	vadd.f32 $1.279999990e-10, v16;
	_ =	sdelay $0x1  }
0xdf: {  	v17 =	vshra.s32 v16, $0x1;
	v60 =	vmul.f32 $5.000000000e-01, v16  }
0xe0: {  	v17 =	vsub.s32 $0x5F3759DF, v17  }
0xe1: {  	v61 =	vmul.f32 v17, v60;
	_ =	sdelay $0x1  }
0xe2: {  	v19 =	vmul.f32 v17, v61;
	_ =	sdelay $0x1  }
0xe3: {  	v19 =	vsub.f32 $1.500000000e+00, v19;
	_ =	sdelay $0x1  }
0xe4: {  	v17 =	vmul.f32 v17, v19;
	_ =	sdelay $0x1  }
0xe5: {  	v18 =	vmul.f32 v17, v60;
	_ =	sdelay $0x1  }
0xe6: {  	v18 =	vmul.f32 v18, v17;
	_ =	sdelay $0x1  }
0xe7: {  	v18 =	vsub.f32 $1.500000000e+00, v18;
	_ =	sdelay $0x1  }
0xe8: {  	v17 =	vmul.f32 v18, v17;
	_ =	sdelay $0x1  }
0xe9: {  	v16 =	vmul.f32 v17, v16;
	_ =	sdelay $0x1  }
0xea: {  	v16 =	vsub.f32 $0.0e+00, v16;
	_ =	sdelay $0x1  }
0xeb: {  	v16 =	vmul.f32 $1.442695020e+00, v16;
	_ =	sdelay $0x1  }
0xec: {  	(erf) = vpow2.f32 v16;
	_ =	sdelay $0x8  }
0xed: {  	v16 =	vpop (erf)  }
0xee: {  	[tilespmem:s26+$0xA320] =	vst v16  }
0xef: {  	v16 =	vld [tilespmem:$0x9F20]  }
0xf0: {  	v17 =	vld [tilespmem:$0x9F30]  }
0xf1: {  	v62 =	vld [tilespmem:$0x9F40]  }
0xf2: {  	v63 =	vld [tilespmem:$0x9F50]  }
0xf3: {  	v33 =	vld [tilespmem:$0x9F60]  }
0xf4: {  	v34 =	vld [tilespmem:$0x9F70]  }
0xf5: {  	v35 =	vld [tilespmem:$0x9F80]  }
0xf6: {  	v36 =	vld [tilespmem:$0x9F90]  }
0xf7: {  	v37 =	vld [tilespmem:$0x9FA0]  }
0xf8: {  	v38 =	vld [tilespmem:$0x9FB0]  }
0xf9: {  	v39 =	vld [tilespmem:$0x9FC0]  }
0xfa: {  	v40 =	vld [tilespmem:$0x9FD0]  }
0xfb: {  	v41 =	vld [tilespmem:$0x9FE0]  }
0xfc: {  	v42 =	vld [tilespmem:$0x9FF0]  }
0xfd: {  	v43 =	vld [tilespmem:$0xA000]  }
0xfe: {  	v44 =	vld [tilespmem:$0xA010];
	_ =	sdelay $0x1  }
0xff: {  	v16 =	vadd.bf16 v17, v16;
	v17 =	vadd.bf16 v63, v62  }
0x100: {  	v45 =	vadd.bf16 v34, v33;
	v46 =	vadd.bf16 v36, v35  }
0x101: {  	v47 =	vadd.bf16 v38, v37;
	v48 =	vadd.bf16 v40, v39  }
0x102: {  	v49 =	vadd.bf16 v42, v41;
	v50 =	vadd.bf16 v44, v43  }
0x103: {  	v16 =	vadd.bf16 v17, v16;
	v17 =	vadd.bf16 v46, v45  }
0x104: {  	v51 =	vadd.bf16 v48, v47;
	v52 =	vadd.bf16 v50, v49;
	_ =	sdelay $0x1  }
0x105: {  	v16 =	vadd.bf16 v17, v16;
	v17 =	vadd.bf16 v52, v51;
	_ =	sdelay $0x1  }
0x106: {  	v16 =	vadd.bf16 v17, v16;
	_ =	sdelay $0x1  }
0x107: {  	v17 =	vunpack.i.u.bf16.f32 v16;
	v16 =	vunpack.i.l.bf16.f32 v16  }
0x108: {  	v16 =	vadd.f32 v16, v17;
	_ =	sdelay $0x1  }
0x109: {  	v16 =	vadd.f32 $1.279999990e-10, v16;
	_ =	sdelay $0x1  }
0x10a: {  	v17 =	vshra.s32 v16, $0x1;
	v53 =	vmul.f32 $5.000000000e-01, v16  }
0x10b: {  	v17 =	vsub.s32 $0x5F3759DF, v17  }
0x10c: {  	v54 =	vmul.f32 v17, v53;
	_ =	sdelay $0x1  }
0x10d: {  	v19 =	vmul.f32 v17, v54;
	_ =	sdelay $0x1  }
0x10e: {  	v19 =	vsub.f32 $1.500000000e+00, v19;
	_ =	sdelay $0x1  }
0x10f: {  	v17 =	vmul.f32 v17, v19;
	_ =	sdelay $0x1  }
0x110: {  	v18 =	vmul.f32 v17, v53;
	_ =	sdelay $0x1  }
0x111: {  	v18 =	vmul.f32 v18, v17;
	_ =	sdelay $0x1  }
0x112: {  	v18 =	vsub.f32 $1.500000000e+00, v18;
	_ =	sdelay $0x1  }
0x113: {  	v17 =	vmul.f32 v18, v17;
	_ =	sdelay $0x1  }
0x114: {  	v16 =	vmul.f32 v17, v16;
	_ =	sdelay $0x1  }
0x115: {  	v16 =	vsub.f32 $0.0e+00, v16;
	_ =	sdelay $0x1  }
0x116: {  	v16 =	vmul.f32 $1.442695020e+00, v16;
	_ =	sdelay $0x1  }
0x117: {  	(erf) = vpow2.f32 v16;
	_ =	sdelay $0x8  }
0x118: {  	v16 =	vpop (erf)  }
0x119: {  	[tilespmem:s26+$0xA330] =	vst v16  }
0x11a: {  	v16 =	vld [tilespmem:$0xA020]  }
0x11b: {  	v17 =	vld [tilespmem:$0xA030]  }
0x11c: {  	v55 =	vld [tilespmem:$0xA040]  }
0x11d: {  	v56 =	vld [tilespmem:$0xA050]  }
0x11e: {  	v57 =	vld [tilespmem:$0xA060]  }
0x11f: {  	v58 =	vld [tilespmem:$0xA070]  }
0x120: {  	v59 =	vld [tilespmem:$0xA080]  }
0x121: {  	v60 =	vld [tilespmem:$0xA090]  }
0x122: {  	v61 =	vld [tilespmem:$0xA0A0]  }
0x123: {  	v62 =	vld [tilespmem:$0xA0B0]  }
0x124: {  	v63 =	vld [tilespmem:$0xA0C0]  }
0x125: {  	v33 =	vld [tilespmem:$0xA0D0]  }
0x126: {  	v34 =	vld [tilespmem:$0xA0E0]  }
0x127: {  	v35 =	vld [tilespmem:$0xA0F0]  }
0x128: {  	v36 =	vld [tilespmem:$0xA100]  }
0x129: {  	v37 =	vld [tilespmem:$0xA110];
	_ =	sdelay $0x1  }
0x12a: {  	v16 =	vadd.bf16 v17, v16;
	v17 =	vadd.bf16 v56, v55  }
0x12b: {  	v38 =	vadd.bf16 v58, v57;
	v39 =	vadd.bf16 v60, v59  }
0x12c: {  	v40 =	vadd.bf16 v62, v61;
	v41 =	vadd.bf16 v33, v63  }
0x12d: {  	v42 =	vadd.bf16 v35, v34;
	v43 =	vadd.bf16 v37, v36  }
0x12e: {  	v16 =	vadd.bf16 v17, v16;
	v17 =	vadd.bf16 v39, v38  }
0x12f: {  	v44 =	vadd.bf16 v41, v40;
	v45 =	vadd.bf16 v43, v42;
	_ =	sdelay $0x1  }
0x130: {  	v16 =	vadd.bf16 v17, v16;
	v17 =	vadd.bf16 v45, v44;
	_ =	sdelay $0x1  }
0x131: {  	v16 =	vadd.bf16 v17, v16;
	_ =	sdelay $0x1  }
0x132: {  	v17 =	vunpack.i.u.bf16.f32 v16;
	v16 =	vunpack.i.l.bf16.f32 v16  }
0x133: {  	v16 =	vadd.f32 v16, v17;
	_ =	sdelay $0x1  }
0x134: {  	v16 =	vadd.f32 $1.279999990e-10, v16;
	_ =	sdelay $0x1  }
0x135: {  	v17 =	vshra.s32 v16, $0x1;
	v46 =	vmul.f32 $5.000000000e-01, v16  }
0x136: {  	v17 =	vsub.s32 $0x5F3759DF, v17  }
0x137: {  	v47 =	vmul.f32 v17, v46;
	_ =	sdelay $0x1  }
0x138: {  	v19 =	vmul.f32 v17, v47;
	_ =	sdelay $0x1  }
0x139: {  	v19 =	vsub.f32 $1.500000000e+00, v19;
	_ =	sdelay $0x1  }
0x13a: {  	v17 =	vmul.f32 v17, v19;
	_ =	sdelay $0x1  }
0x13b: {  	v18 =	vmul.f32 v17, v46;
	_ =	sdelay $0x1  }
0x13c: {  	v18 =	vmul.f32 v18, v17;
	_ =	sdelay $0x1  }
0x13d: {  	v18 =	vsub.f32 $1.500000000e+00, v18;
	_ =	sdelay $0x1  }
0x13e: {  	v17 =	vmul.f32 v18, v17;
	_ =	sdelay $0x1  }
0x13f: {  	v16 =	vmul.f32 v17, v16;
	_ =	sdelay $0x1  }
0x140: {  	v16 =	vsub.f32 $0.0e+00, v16;
	_ =	sdelay $0x1  }
0x141: {  	v16 =	vmul.f32 $1.442695020e+00, v16;
	_ =	sdelay $0x1  }
0x142: {  	(erf) = vpow2.f32 v16;
	_ =	sdelay $0x8  }
0x143: {  	v16 =	vpop (erf)  }
0x144: {  	[tilespmem:s26+$0xA340] =	vst v16  }
0x145: {  	v16 =	vld [tilespmem:$0xA120]  }
0x146: {  	v17 =	vld [tilespmem:$0xA130]  }
0x147: {  	v48 =	vld [tilespmem:$0xA140]  }
0x148: {  	v49 =	vld [tilespmem:$0xA150]  }
0x149: {  	v50 =	vld [tilespmem:$0xA160]  }
0x14a: {  	v51 =	vld [tilespmem:$0xA170]  }
0x14b: {  	v52 =	vld [tilespmem:$0xA180]  }
0x14c: {  	v53 =	vld [tilespmem:$0xA190]  }
0x14d: {  	v54 =	vld [tilespmem:$0xA1A0]  }
0x14e: {  	v55 =	vld [tilespmem:$0xA1B0]  }
0x14f: {  	v56 =	vld [tilespmem:$0xA1C0]  }
0x150: {  	v57 =	vld [tilespmem:$0xA1D0]  }
0x151: {  	v58 =	vld [tilespmem:$0xA1E0]  }
0x152: {  	v59 =	vld [tilespmem:$0xA1F0]  }
0x153: {  	v60 =	vld [tilespmem:$0xA200]  }
0x154: {  	v61 =	vld [tilespmem:$0xA210];
	_ =	sdelay $0x1  }
0x155: {  	v16 =	vadd.bf16 v17, v16;
	v17 =	vadd.bf16 v49, v48  }
0x156: {  	v62 =	vadd.bf16 v51, v50;
	v63 =	vadd.bf16 v53, v52  }
0x157: {  	v32 =	vadd.bf16 v55, v54;
	v33 =	vadd.bf16 v57, v56  }
0x158: {  	v34 =	vadd.bf16 v59, v58;
	v35 =	vadd.bf16 v61, v60  }
0x159: {  	v16 =	vadd.bf16 v17, v16;
	v17 =	vadd.bf16 v63, v62  }
0x15a: {  	v36 =	vadd.bf16 v33, v32;
	v37 =	vadd.bf16 v35, v34;
	_ =	sdelay $0x1  }
0x15b: {  	v16 =	vadd.bf16 v17, v16;
	v17 =	vadd.bf16 v37, v36;
	_ =	sdelay $0x1  }
0x15c: {  	v16 =	vadd.bf16 v17, v16;
	_ =	sdelay $0x1  }
0x15d: {  	v17 =	vunpack.i.u.bf16.f32 v16;
	v16 =	vunpack.i.l.bf16.f32 v16  }
0x15e: {  	v16 =	vadd.f32 v16, v17;
	_ =	sdelay $0x1  }
0x15f: {  	v16 =	vadd.f32 $1.279999990e-10, v16;
	_ =	sdelay $0x1  }
0x160: {  	v17 =	vshra.s32 v16, $0x1;
	v38 =	vmul.f32 $5.000000000e-01, v16  }
0x161: {  	v17 =	vsub.s32 $0x5F3759DF, v17  }
0x162: {  	v39 =	vmul.f32 v17, v38;
	_ =	sdelay $0x1  }
0x163: {  	v19 =	vmul.f32 v17, v39;
	_ =	sdelay $0x1  }
0x164: {  	v19 =	vsub.f32 $1.500000000e+00, v19;
	_ =	sdelay $0x1  }
0x165: {  	v17 =	vmul.f32 v17, v19;
	_ =	sdelay $0x1  }
0x166: {  	v18 =	vmul.f32 v17, v38;
	_ =	sdelay $0x1  }
0x167: {  	v18 =	vmul.f32 v18, v17;
	_ =	sdelay $0x1  }
0x168: {  	v18 =	vsub.f32 $1.500000000e+00, v18;
	_ =	sdelay $0x1  }
0x169: {  	v17 =	vmul.f32 v18, v17;
	_ =	sdelay $0x1  }
0x16a: {  	v16 =	vmul.f32 v17, v16;
	_ =	sdelay $0x1  }
0x16b: {  	v16 =	vsub.f32 $0.0e+00, v16;
	_ =	sdelay $0x1  }
0x16c: {  	v16 =	vmul.f32 $1.442695020e+00, v16;
	_ =	sdelay $0x1  }
0x16d: {  	(erf) = vpow2.f32 v16;
	_ =	sdelay $0x8  }
0x16e: {  	v16 =	vpop (erf)  }
0x16f: {  	[tilespmem:s26+$0xA350] =	vst v16  }
0x170: {  	v16 =	vld [tilespmem:$0xA220]  }
0x171: {  	v17 =	vld [tilespmem:$0xA230]  }
0x172: {  	v40 =	vld [tilespmem:$0xA240]  }
0x173: {  	v41 =	vld [tilespmem:$0xA250]  }
0x174: {  	v42 =	vld [tilespmem:$0xA260]  }
0x175: {  	v43 =	vld [tilespmem:$0xA270]  }
0x176: {  	v44 =	vld [tilespmem:$0xA280]  }
0x177: {  	v45 =	vld [tilespmem:$0xA290]  }
0x178: {  	v46 =	vld [tilespmem:$0xA2A0]  }
0x179: {  	v47 =	vld [tilespmem:$0xA2B0]  }
0x17a: {  	v48 =	vld [tilespmem:$0xA2C0]  }
0x17b: {  	v49 =	vld [tilespmem:$0xA2D0]  }
0x17c: {  	v50 =	vld [tilespmem:$0xA2E0]  }
0x17d: {  	v51 =	vld [tilespmem:$0xA2F0]  }
0x17e: {  	v52 =	vld [tilespmem:$0xA300]  }
0x17f: {  	v53 =	vld [tilespmem:$0xA310];
	_ =	sdelay $0x1  }
0x180: {  	v16 =	vadd.bf16 v17, v16;
	v17 =	vadd.bf16 v41, v40  }
0x181: {  	v54 =	vadd.bf16 v43, v42;
	v55 =	vadd.bf16 v45, v44  }
0x182: {  	v56 =	vadd.bf16 v47, v46;
	v57 =	vadd.bf16 v49, v48  }
0x183: {  	v58 =	vadd.bf16 v51, v50;
	v59 =	vadd.bf16 v53, v52  }
0x184: {  	v16 =	vadd.bf16 v17, v16;
	v17 =	vadd.bf16 v55, v54  }
0x185: {  	v60 =	vadd.bf16 v57, v56;
	v61 =	vadd.bf16 v59, v58;
	_ =	sdelay $0x1  }
0x186: {  	v16 =	vadd.bf16 v17, v16;
	v17 =	vadd.bf16 v61, v60;
	_ =	sdelay $0x1  }
0x187: {  	v16 =	vadd.bf16 v17, v16;
	_ =	sdelay $0x1  }
0x188: {  	v17 =	vunpack.i.u.bf16.f32 v16;
	v16 =	vunpack.i.l.bf16.f32 v16  }
0x189: {  	v16 =	vadd.f32 v16, v17;
	_ =	sdelay $0x1  }
0x18a: {  	v16 =	vadd.f32 $1.279999990e-10, v16;
	_ =	sdelay $0x1  }
0x18b: {  	v17 =	vshra.s32 v16, $0x1;
	v62 =	vmul.f32 $5.000000000e-01, v16  }
0x18c: {  	v17 =	vsub.s32 $0x5F3759DF, v17  }
0x18d: {  	v63 =	vmul.f32 v17, v62;
	_ =	sdelay $0x1  }
0x18e: {  	v19 =	vmul.f32 v17, v63;
	_ =	sdelay $0x1  }
0x18f: {  	v19 =	vsub.f32 $1.500000000e+00, v19;
	_ =	sdelay $0x1  }
0x190: {  	v17 =	vmul.f32 v17, v19;
	_ =	sdelay $0x1  }
0x191: {  	v18 =	vmul.f32 v17, v62;
	_ =	sdelay $0x1  }
0x192: {  	v18 =	vmul.f32 v18, v17;
	_ =	sdelay $0x1  }
0x193: {  	v18 =	vsub.f32 $1.500000000e+00, v18;
	_ =	sdelay $0x1  }
0x194: {  	v17 =	vmul.f32 v18, v17;
	_ =	sdelay $0x1  }
0x195: {  	v16 =	vmul.f32 v17, v16;
	_ =	sdelay $0x1  }
0x196: {  	v16 =	vsub.f32 $0.0e+00, v16;
	_ =	sdelay $0x1  }
0x197: {  	v16 =	vmul.f32 $1.442695020e+00, v16;
	_ =	sdelay $0x1  }
0x198: {  	(erf) = vpow2.f32 v16;
	_ =	sdelay $0x8  }
0x199: {  	v16 =	vpop (erf)  }
0x19a: {  	s29 =	sadd.s32 $0xA0, s26;
	[tilespmem:s26+$0xA360] =	vst v16  }
0x19b: {  	[tilespmem:s14], [sflag:$0x1] =	stream.indirect.gather [spmem:s2], $0x40, s29, s13, $0xb8;
	[tilespmem:$0x16670] =	vst v63  }
0x19c: {  	s29 =	sadd.s32 $0x27B0, s26  }
0x19d: {  	[tilespmem:s15], [sflag:$0x2] =	stream.indirect.gather [spmem:s2], $0x40, s29, s13, $0xb8;
	[tilespmem:$0x16670] =	vst v63  }
0x19e: {  	_ =	swait.ge [sflag:s21], $0x1400  }
0x19f: {  	[sflag:s21] =	ssyncset.done $0x0  }
0x1a0: {  	[sflag:s21] =	ssyncadd.s32 $0xFFFFEC00  }
0x1a1: {  	_ =	swait.ge [sflag:s22], $0x1400  }
0x1a2: {  	s30 =	simm.s32 $0x7820;
	[sflag:s22] =	ssyncset.done $0x0  }
0x1a3: {  	s31 =	simm.s32 $0x8C20;
	s29 =	simm.s32 $0x0;
	[sflag:s22] =	ssyncadd.s32 $0xFFFFEC00  }
.LBB2_5:
0x1a4: {  	v16 =	vld [tilespmem:s30+$0xFFFFFE00]  }
0x1a5: {  	v17 =	vld [tilespmem:s31+$0xFFFFFE00]  }
0x1a6: {  	v18 =	vld [tilespmem:s30+$0xFFFFFE40]  }
0x1a7: {  	v19 =	vld [tilespmem:s31+$0xFFFFFE40]  }
0x1a8: {  	v20 =	vld [tilespmem:s30+$0xFFFFFE80]  }
0x1a9: {  	v21 =	vld [tilespmem:s31+$0xFFFFFE80]  }
0x1aa: {  	v22 =	vld [tilespmem:s30+$0xFFFFFEC0]  }
0x1ab: {  	v23 =	vld [tilespmem:s31+$0xFFFFFEC0]  }
0x1ac: {  	v24 =	vld [tilespmem:s30+$0xFFFFFF00]  }
0x1ad: {  	v25 =	vld [tilespmem:s31+$0xFFFFFF00]  }
0x1ae: {  	v26 =	vld [tilespmem:s30+$0xFFFFFF40]  }
0x1af: {  	v27 =	vld [tilespmem:s31+$0xFFFFFF40]  }
0x1b0: {  	v28 =	vld [tilespmem:s30+$0xFFFFFF80]  }
0x1b1: {  	v29 =	vld [tilespmem:s31+$0xFFFFFF80]  }
0x1b2: {  	v30 =	vld [tilespmem:s30+$0xFFFFFFC0]  }
0x1b3: {  	v31 =	vld [tilespmem:s31+$0xFFFFFFC0]  }
0x1b4: {  	v32 =	vld [tilespmem:s30+$0xFFFFFE10]  }
0x1b5: {  	v33 =	vld [tilespmem:s31+$0xFFFFFE10]  }
0x1b6: {  	v34 =	vld [tilespmem:s30+$0xFFFFFE50]  }
0x1b7: {  	v35 =	vld [tilespmem:s31+$0xFFFFFE50]  }
0x1b8: {  	v36 =	vld [tilespmem:s30+$0xFFFFFE90]  }
0x1b9: {  	v37 =	vld [tilespmem:s31+$0xFFFFFE90]  }
0x1ba: {  	v38 =	vld [tilespmem:s30+$0xFFFFFED0]  }
0x1bb: {  	v39 =	vld [tilespmem:s31+$0xFFFFFED0]  }
0x1bc: {  	v40 =	vld [tilespmem:s30+$0xFFFFFF10]  }
0x1bd: {  	v41 =	vld [tilespmem:s31+$0xFFFFFF10]  }
0x1be: {  	v42 =	vld [tilespmem:s30+$0xFFFFFF50]  }
0x1bf: {  	v43 =	vld [tilespmem:s31+$0xFFFFFF50]  }
0x1c0: {  	v44 =	vld [tilespmem:s30+$0xFFFFFF90]  }
0x1c1: {  	v45 =	vld [tilespmem:s31+$0xFFFFFF90]  }
0x1c2: {  	v46 =	vld [tilespmem:s30+$0xFFFFFFD0]  }
0x1c3: {  	v47 =	vld [tilespmem:s31+$0xFFFFFFD0]  }
0x1c4: {  	v48 =	vld [tilespmem:s30+$0xFFFFFE20]  }
0x1c5: {  	v49 =	vld [tilespmem:s31+$0xFFFFFE20]  }
0x1c6: {  	v50 =	vld [tilespmem:s30+$0xFFFFFE60]  }
0x1c7: {  	v51 =	vld [tilespmem:s31+$0xFFFFFE60]  }
0x1c8: {  	v52 =	vld [tilespmem:s30+$0xFFFFFEA0]  }
0x1c9: {  	v53 =	vld [tilespmem:s31+$0xFFFFFEA0]  }
0x1ca: {  	v16 =	vsub.bf16 v16, v17;
	v17 =	vsub.bf16 v18, v19;
	v18 =	vld [tilespmem:s30+$0xFFFFFEE0]  }
0x1cb: {  	v54 =	vsub.bf16 v20, v21;
	v21 =	vld [tilespmem:s31+$0xFFFFFEE0]  }
0x1cc: {  	v56 =	vsub.bf16 v24, v25;
	v24 =	vld [tilespmem:s30+$0xFFFFFF20]  }
0x1cd: {  	v55 =	vsub.bf16 v32, v33;
	v57 =	vsub.bf16 v26, v27;
	v26 =	vld [tilespmem:s31+$0xFFFFFF20]  }
0x1ce: {  	v22 =	vsub.bf16 v22, v23;
	v58 =	vsub.bf16 v28, v29;
	v29 =	vld [tilespmem:s30+$0xFFFFFF60]  }
0x1cf: {  	v59 =	vsub.bf16 v30, v31;
	v30 =	vor.u32 s29, v0;
	v32 =	vld [tilespmem:s30+$0xFFFFFFA0];
	v16 =	vmul.bf16 v16, v16  }
0x1d0: {  	v60 =	vsub.bf16 v34, v35;
	v34 =	vld [tilespmem:s31+$0xFFFFFFA0];
	v20 =	vmul.bf16 v55, v55;
	v17 =	vmul.bf16 v17, v17  }
0x1d1: {  	v61 =	vsub.bf16 v36, v37;
	v36 =	vld [tilespmem:s30+$0xFFFFFFE0];
	v19 =	vmul.bf16 v54, v54;
	v22 =	vmul.bf16 v22, v22  }
0x1d2: {  	v62 =	vsub.bf16 v38, v39;
	v38 =	vld [tilespmem:s31+$0xFFFFFFE0];
	v23 =	vmul.bf16 v56, v56;
	v25 =	vmul.bf16 v57, v57  }
0x1d3: {  	v63 =	vsub.bf16 v40, v41;
	v39 =	vld [tilespmem:s30+$0xFFFFFE30];
	v31 =	vmul.bf16 v60, v60;
	v28 =	vmul.bf16 v59, v59  }
0x1d4: {  	v40 =	vld [tilespmem:s31+$0xFFFFFE30];
	v33 =	vmul.bf16 v61, v61;
	v55 =	vsub.bf16 v42, v43;
	v57 =	vsub.bf16 v44, v45  }
0x1d5: {  	v41 =	vld [tilespmem:s30+$0xFFFFFE70];
	v54 =	vmul.bf16 v62, v62;
	v59 =	vsub.bf16 v46, v47;
	v61 =	vsub.bf16 v48, v49  }
0x1d6: {  	v56 =	vmul.bf16 v63, v63;
	v42 =	vld [tilespmem:s31+$0xFFFFFE70];
	v63 =	vsub.bf16 v50, v51;
	v50 =	vsub.bf16 v52, v53  }
0x1d7: {  	v27 =	vmul.bf16 v58, v58;
	v48 =	vld [tilespmem:s30+$0xFFFFFEB0];
	v16 =	vadd.bf16 v20, v16;
	v17 =	vadd.bf16 v31, v17  }
0x1d8: {  	v51 =	vld [tilespmem:s31+$0xFFFFFEB0];
	v19 =	vadd.bf16 v33, v19;
	v22 =	vadd.bf16 v54, v22;
	v58 =	vmul.bf16 v55, v55  }
0x1d9: {  	v53 =	vld [tilespmem:s30+$0xFFFFFEF0];
	v23 =	vadd.bf16 v56, v23;
	v60 =	vmul.bf16 v57, v57;
	v62 =	vmul.bf16 v59, v59  }
0x1da: {  	v46 =	vld [tilespmem:s31+$0xFFFFFFB0];
	v49 =	vmul.bf16 v61, v61;
	v18 =	vsub.bf16 v18, v21;
	v24 =	vsub.bf16 v24, v26  }
0x1db: {  	v47 =	vld [tilespmem:s30+$0xFFFFFFF0];
	v52 =	vmul.bf16 v63, v63;
	v57 =	vsub.bf16 v32, v34;
	v59 =	vsub.bf16 v36, v38  }
0x1dc: {  	v20 =	vld [tilespmem:s31+$0xFFFFFF60];
	v54 =	vmul.bf16 v50, v50;
	v25 =	vadd.bf16 v58, v25;
	v27 =	vadd.bf16 v60, v27  }
0x1dd: {  	v55 =	vld [tilespmem:s31+$0xFFFFFEF0];
	v50 =	vor.u32 s29, v1;
	v28 =	vadd.bf16 v62, v28;
	v16 =	vadd.bf16 v49, v16  }
0x1de: {  	v56 =	vld [tilespmem:s30+$0xFFFFFF30];
	v17 =	vadd.bf16 v52, v17;
	v19 =	vadd.bf16 v54, v19;
	v18 =	vmul.bf16 v18, v18  }
0x1df: {  	v63 =	vld [tilespmem:s31+$0xFFFFFF70];
	v62 =	vsub.bf16 v39, v40;
	v24 =	vmul.bf16 v24, v24;
	v61 =	vmul.bf16 v57, v57  }
0x1e0: {  	v58 =	vld [tilespmem:s31+$0xFFFFFF30];
	v40 =	vsub.bf16 v41, v42;
	v45 =	vsub.bf16 v48, v51;
	v51 =	vor.u32 s29, v2  }
0x1e1: {  	v60 =	vld [tilespmem:s30+$0xFFFFFF70];
	v42 =	vmul.bf16 v62, v62;
	v20 =	vsub.bf16 v29, v20;
	v18 =	vadd.bf16 v18, v22  }
0x1e2: {  	v49 =	vld [tilespmem:s31+$0xFFFFFFF0];
	v23 =	vadd.bf16 v24, v23;
	v22 =	vmul.bf16 v59, v59;
	v24 =	vadd.bf16 v61, v27  }
0x1e3: {  	v41 =	vld [tilespmem:s30+$0xFFFFFFB0];
	v21 =	vsub.bf16 v53, v55;
	v48 =	vmul.bf16 v45, v45;
	v20 =	vmul.bf16 v20, v20  }
0x1e4: {  	v53 =	vor.u32 s29, v3;
	v16 =	vadd.bf16 v42, v16;
	v22 =	vadd.bf16 v22, v28  }
0x1e5: {  	v19 =	vadd.bf16 v48, v19;
	v20 =	vadd.bf16 v20, v25;
	v25 =	vmul.bf16 v40, v40  }
0x1e6: {  	v55 =	vor.u32 s29, v4;
	v52 =	vsub.bf16 v56, v58;
	v54 =	vsub.bf16 v60, v63  }
0x1e7: {  	v21 =	vmul.bf16 v21, v21;
	v26 =	vsub.bf16 v47, v49;
	v17 =	vadd.bf16 v25, v17  }
0x1e8: {  	v56 =	vsub.bf16 v41, v46;
	[tilespmem:v30+s20+$0x0] =	vst.idx.msk $0xffff, v16;
	v16 =	vor.u32 s29, v5;
	v27 =	vmul.bf16 v52, v52  }
0x1e9: {  	v18 =	vadd.bf16 v21, v18;
	v21 =	vmul.bf16 v54, v54;
	[tilespmem:v50+s20+$0x0] =	vst.idx.msk $0xffff, v17;
	v17 =	vor.u32 s29, v6  }
0x1ea: {  	v58 =	vor.u32 s29, v7;
	v57 =	vmul.bf16 v56, v56;
	v23 =	vadd.bf16 v27, v23;
	[tilespmem:v51+s20+$0x0] =	vst.idx.msk $0xffff, v19  }
0x1eb: {  	v59 =	vmul.bf16 v26, v26;
	v20 =	vadd.bf16 v21, v20;
	[tilespmem:v53+s20+$0x0] =	vst.idx.msk $0xffff, v18  }
0x1ec: {  	v60 =	vadd.bf16 v57, v24;
	[tilespmem:v55+s20+$0x0] =	vst.idx.msk $0xffff, v23  }
0x1ed: {  	v21 =	vadd.bf16 v59, v22;
	[tilespmem:v16+s20+$0x0] =	vst.idx.msk $0xffff, v20  }
0x1ee: {  	[tilespmem:v17+s20+$0x0] =	vst.idx.msk $0xffff, v60  }
0x1ef: {  	[tilespmem:v58+s20+$0x0] =	vst.idx.msk $0xffff, v21  }
0x1f0: {  	v16 =	vld [tilespmem:s30+$0x0]  }
0x1f1: {  	v17 =	vld [tilespmem:s31+$0x0]  }
0x1f2: {  	v18 =	vld [tilespmem:s30+$0x40]  }
0x1f3: {  	v19 =	vld [tilespmem:s31+$0x40]  }
0x1f4: {  	v20 =	vld [tilespmem:s30+$0x80]  }
0x1f5: {  	v21 =	vld [tilespmem:s31+$0x80]  }
0x1f6: {  	v61 =	vld [tilespmem:s30+$0xC0]  }
0x1f7: {  	v23 =	vld [tilespmem:s31+$0xC0]  }
0x1f8: {  	v24 =	vld [tilespmem:s30+$0x100]  }
0x1f9: {  	v25 =	vld [tilespmem:s31+$0x100]  }
0x1fa: {  	v62 =	vld [tilespmem:s30+$0x140]  }
0x1fb: {  	v63 =	vld [tilespmem:s31+$0x140]  }
0x1fc: {  	v28 =	vld [tilespmem:s30+$0x180]  }
0x1fd: {  	v29 =	vld [tilespmem:s31+$0x180]  }
0x1fe: {  	v30 =	vld [tilespmem:s30+$0x1C0]  }
0x1ff: {  	v31 =	vld [tilespmem:s31+$0x1C0]  }
0x200: {  	v32 =	vld [tilespmem:s30+$0x10]  }
0x201: {  	v52 =	vld [tilespmem:s31+$0x10]  }
0x202: {  	v53 =	vld [tilespmem:s30+$0x50]  }
0x203: {  	v54 =	vld [tilespmem:s31+$0x50]  }
0x204: {  	v55 =	vld [tilespmem:s30+$0x90]  }
0x205: {  	v56 =	vld [tilespmem:s31+$0x90]  }
0x206: {  	v57 =	vld [tilespmem:s30+$0xD0]  }
0x207: {  	v58 =	vld [tilespmem:s31+$0xD0]  }
0x208: {  	v40 =	vld [tilespmem:s30+$0x110]  }
0x209: {  	v59 =	vld [tilespmem:s31+$0x110]  }
0x20a: {  	v42 =	vld [tilespmem:s30+$0x150]  }
0x20b: {  	v43 =	vld [tilespmem:s31+$0x150]  }
0x20c: {  	v44 =	vld [tilespmem:s30+$0x190]  }
0x20d: {  	v45 =	vld [tilespmem:s31+$0x190]  }
0x20e: {  	v46 =	vld [tilespmem:s30+$0x1D0]  }
0x20f: {  	v47 =	vld [tilespmem:s31+$0x1D0]  }
0x210: {  	v48 =	vld [tilespmem:s30+$0x20]  }
0x211: {  	v49 =	vld [tilespmem:s31+$0x20]  }
0x212: {  	v50 =	vld [tilespmem:s30+$0x60]  }
0x213: {  	v27 =	vld [tilespmem:s30+$0xE0]  }
0x214: {  	v33 =	vld [tilespmem:s31+$0xE0]  }
0x215: {  	v35 =	vld [tilespmem:s30+$0x120]  }
0x216: {  	v38 =	vld [tilespmem:s30+$0x1E0]  }
0x217: {  	v41 =	vld [tilespmem:s30+$0x170];
	v16 =	vsub.bf16 v16, v17  }
0x218: {  	v17 =	vsub.bf16 v18, v19;
	v18 =	vld [tilespmem:s31+$0x60];
	v60 =	vsub.bf16 v20, v21  }
0x219: {  	v61 =	vsub.bf16 v61, v23;
	v21 =	vld [tilespmem:s30+$0xA0];
	v22 =	vsub.bf16 v24, v25  }
0x21a: {  	v62 =	vsub.bf16 v62, v63;
	v24 =	vld [tilespmem:s31+$0xA0];
	v63 =	vsub.bf16 v32, v52  }
0x21b: {  	v51 =	vsub.bf16 v53, v54;
	v28 =	vsub.bf16 v28, v29;
	v29 =	vld [tilespmem:s31+$0x120]  }
0x21c: {  	v52 =	vsub.bf16 v55, v56;
	v53 =	vsub.bf16 v57, v58;
	v56 =	vld [tilespmem:s30+$0x160]  }
0x21d: {  	v30 =	vsub.bf16 v30, v31;
	v57 =	vld [tilespmem:s31+$0x160];
	v16 =	vmul.bf16 v16, v16;
	v17 =	vmul.bf16 v17, v17  }
0x21e: {  	v58 =	vld [tilespmem:s30+$0x1A0];
	v59 =	vsub.bf16 v40, v59;
	v19 =	vmul.bf16 v60, v60;
	v20 =	vmul.bf16 v61, v61  }
0x21f: {  	v40 =	vld [tilespmem:s31+$0x1E0];
	v27 =	vsub.bf16 v27, v33;
	v25 =	vmul.bf16 v63, v63;
	v26 =	vmul.bf16 v51, v51  }
0x220: {  	v54 =	vmul.bf16 v52, v52;
	v55 =	vmul.bf16 v53, v53;
	v60 =	vsub.bf16 v42, v43;
	v61 =	vld [tilespmem:s31+$0x1A0]  }
0x221: {  	v22 =	vmul.bf16 v22, v22;
	v23 =	vmul.bf16 v62, v62;
	v63 =	vsub.bf16 v46, v47;
	v46 =	vld [tilespmem:s30+$0x30]  }
0x222: {  	v62 =	vsub.bf16 v44, v45;
	v28 =	vmul.bf16 v28, v28;
	v45 =	vsub.bf16 v48, v49;
	v48 =	vld [tilespmem:s31+$0x30]  }
0x223: {  	v31 =	vmul.bf16 v59, v59;
	v51 =	vld [tilespmem:s30+$0x70];
	v16 =	vadd.bf16 v25, v16;
	v17 =	vadd.bf16 v26, v17  }
0x224: {  	v30 =	vmul.bf16 v30, v30;
	v52 =	vld [tilespmem:s31+$0x70];
	v19 =	vadd.bf16 v54, v19;
	v20 =	vadd.bf16 v55, v20  }
0x225: {  	v53 =	vld [tilespmem:s30+$0xB0];
	v32 =	vmul.bf16 v60, v60;
	v37 =	vmul.bf16 v62, v62;
	v22 =	vadd.bf16 v31, v22  }
0x226: {  	v47 =	vmul.bf16 v63, v63;
	v54 =	vld [tilespmem:s31+$0xB0];
	v18 =	vsub.bf16 v50, v18;
	v21 =	vsub.bf16 v21, v24  }
0x227: {  	v49 =	vmul.bf16 v45, v45;
	v55 =	vld [tilespmem:s30+$0xF0];
	v29 =	vsub.bf16 v35, v29;
	v25 =	vsub.bf16 v56, v57  }
0x228: {  	v63 =	vld [tilespmem:s31+$0x130];
	v56 =	vmul.bf16 v27, v27;
	v43 =	vsub.bf16 v38, v40;
	v23 =	vadd.bf16 v32, v23  }
0x229: {  	v45 =	vld [tilespmem:s31+$0x170];
	v50 =	vor.u32 s29, v9;
	v28 =	vadd.bf16 v37, v28;
	v30 =	vadd.bf16 v47, v30  }
0x22a: {  	v16 =	vadd.bf16 v49, v16;
	v47 =	vld [tilespmem:s31+$0x1B0];
	v18 =	vmul.bf16 v18, v18;
	v21 =	vmul.bf16 v21, v21  }
0x22b: {  	v49 =	vld [tilespmem:s30+$0x1F0];
	v26 =	vsub.bf16 v58, v61;
	v57 =	vmul.bf16 v29, v29;
	v44 =	vsub.bf16 v46, v48  }
0x22c: {  	v58 =	vld [tilespmem:s31+$0xF0];
	v59 =	vmul.bf16 v25, v25;
	v31 =	vsub.bf16 v51, v52;
	v17 =	vadd.bf16 v18, v17  }
0x22d: {  	v61 =	vld [tilespmem:s30+$0x130];
	v48 =	vor.u32 s29, v8;
	v19 =	vadd.bf16 v21, v19;
	v18 =	vadd.bf16 v56, v20  }
0x22e: {  	v46 =	vld [tilespmem:s30+$0x1B0];
	v60 =	vmul.bf16 v26, v26;
	v62 =	vadd.bf16 v57, v22;
	v21 =	vadd.bf16 v59, v23  }
0x22f: {  	v52 =	vld [tilespmem:s31+$0x1F0];
	v24 =	vsub.bf16 v53, v54;
	v31 =	vmul.bf16 v31, v31;
	v53 =	vor.u32 s29, v10  }
0x230: {  	v54 =	vor.u32 s29, v11;
	v23 =	vadd.bf16 v60, v28;
	v28 =	vmul.bf16 v44, v44  }
0x231: {  	v25 =	vsub.bf16 v41, v45;
	v57 =	vor.u32 s29, v13;
	v17 =	vadd.bf16 v31, v17  }
0x232: {  	v24 =	vmul.bf16 v24, v24;
	v29 =	vsub.bf16 v55, v58;
	v16 =	vadd.bf16 v28, v16  }
0x233: {  	v22 =	vsub.bf16 v61, v63;
	v56 =	vsub.bf16 v46, v47;
	v58 =	vmul.bf16 v25, v25  }
0x234: {  	v55 =	vor.u32 s29, v12;
	v59 =	vsub.bf16 v49, v52;
	v51 =	vmul.bf16 v29, v29;
	[tilespmem:v48+s20+$0x0] =	vst.idx.msk $0xffff, v16  }
0x235: {  	v60 =	vor.u32 s29, v14;
	v19 =	vadd.bf16 v24, v19;
	[tilespmem:v50+s20+$0x0] =	vst.idx.msk $0xffff, v17;
	v17 =	vmul.bf16 v22, v22  }
0x236: {  	v61 =	vmul.bf16 v56, v56;
	v16 =	vmul.bf16 v43, v43;
	v18 =	vadd.bf16 v51, v18  }
0x237: {  	p0 =	sne.s32 s29, $0x400;
	v63 =	vmul.bf16 v59, v59;
	[tilespmem:v53+s20+$0x0] =	vst.idx.msk $0xffff, v19;
	v17 =	vadd.bf16 v17, v62;
	v62 =	vor.u32 s29, v15  }
.Ltmp1:
0x238: {  	v16 =	vadd.bf16 v16, v30;
	v19 =	vadd.bf16 v58, v21;
	[tilespmem:v54+s20+$0x0] =	vst.idx.msk $0xffff, v18;
	(pc) =	sbr.rel @p0 .LBB2_5-.Ltmp1, $4  }
0x239: {  	v18 =	vadd.bf16 v61, v23;
	[tilespmem:v55+s20+$0x0] =	vst.idx.msk $0xffff, v17  }
0x23a: {  	v16 =	vadd.bf16 v63, v16;
	[tilespmem:v57+s20+$0x0] =	vst.idx.msk $0xffff, v19  }
0x23b: {  	[tilespmem:v60+s20+$0x0] =	vst.idx.msk $0xffff, v18  }
0x23c: {  	s30 =	sadd.s32 $0x400, s30;
	s31 =	sadd.s32 $0x400, s31;
	s29 =	sadd.s32 $0x100, s29;
	[tilespmem:v62+s20+$0x0] =	vst.idx.msk $0xffff, v16  }
0x23d: {  	v16 =	vld [tilespmem:$0x9E20]  }
0x23e: {  	v17 =	vld [tilespmem:$0x9E30]  }
0x23f: {  	v18 =	vld [tilespmem:$0x9E40]  }
0x240: {  	v19 =	vld [tilespmem:$0x9E50]  }
0x241: {  	v20 =	vld [tilespmem:$0x9E60]  }
0x242: {  	v21 =	vld [tilespmem:$0x9E70]  }
0x243: {  	v22 =	vld [tilespmem:$0x9E80]  }
0x244: {  	v23 =	vld [tilespmem:$0x9E90]  }
0x245: {  	v24 =	vld [tilespmem:$0x9EA0]  }
0x246: {  	v25 =	vld [tilespmem:$0x9EB0]  }
0x247: {  	v26 =	vld [tilespmem:$0x9EC0]  }
0x248: {  	v27 =	vld [tilespmem:$0x9ED0]  }
0x249: {  	v28 =	vld [tilespmem:$0x9EE0]  }
0x24a: {  	v29 =	vld [tilespmem:$0x9EF0]  }
0x24b: {  	v30 =	vld [tilespmem:$0x9F00]  }
0x24c: {  	v31 =	vld [tilespmem:$0x9F10];
	_ =	sdelay $0x1  }
0x24d: {  	v16 =	vadd.bf16 v17, v16;
	v17 =	vadd.bf16 v19, v18  }
0x24e: {  	v52 =	vadd.bf16 v21, v20;
	v53 =	vadd.bf16 v23, v22  }
0x24f: {  	v54 =	vadd.bf16 v25, v24;
	v55 =	vadd.bf16 v27, v26  }
0x250: {  	v56 =	vadd.bf16 v29, v28;
	v57 =	vadd.bf16 v31, v30  }
0x251: {  	v16 =	vadd.bf16 v17, v16;
	v17 =	vadd.bf16 v53, v52  }
0x252: {  	v58 =	vadd.bf16 v55, v54;
	v59 =	vadd.bf16 v57, v56;
	_ =	sdelay $0x1  }
0x253: {  	v16 =	vadd.bf16 v17, v16;
	v17 =	vadd.bf16 v59, v58;
	_ =	sdelay $0x1  }
0x254: {  	v16 =	vadd.bf16 v17, v16;
	_ =	sdelay $0x1  }
0x255: {  	v17 =	vunpack.i.u.bf16.f32 v16;
	v16 =	vunpack.i.l.bf16.f32 v16  }
0x256: {  	v16 =	vadd.f32 v16, v17;
	_ =	sdelay $0x1  }
0x257: {  	v16 =	vadd.f32 $1.279999990e-10, v16;
	_ =	sdelay $0x1  }
0x258: {  	v17 =	vshra.s32 v16, $0x1;
	v60 =	vmul.f32 $5.000000000e-01, v16  }
0x259: {  	v17 =	vsub.s32 $0x5F3759DF, v17  }
0x25a: {  	v61 =	vmul.f32 v17, v60;
	_ =	sdelay $0x1  }
0x25b: {  	v19 =	vmul.f32 v17, v61;
	_ =	sdelay $0x1  }
0x25c: {  	v19 =	vsub.f32 $1.500000000e+00, v19;
	_ =	sdelay $0x1  }
0x25d: {  	v17 =	vmul.f32 v17, v19;
	_ =	sdelay $0x1  }
0x25e: {  	v18 =	vmul.f32 v17, v60;
	_ =	sdelay $0x1  }
0x25f: {  	v18 =	vmul.f32 v18, v17;
	_ =	sdelay $0x1  }
0x260: {  	v18 =	vsub.f32 $1.500000000e+00, v18;
	_ =	sdelay $0x1  }
0x261: {  	v17 =	vmul.f32 v18, v17;
	_ =	sdelay $0x1  }
0x262: {  	v16 =	vmul.f32 v17, v16;
	_ =	sdelay $0x1  }
0x263: {  	v16 =	vsub.f32 $0.0e+00, v16;
	_ =	sdelay $0x1  }
0x264: {  	v16 =	vmul.f32 $1.442695020e+00, v16;
	_ =	sdelay $0x1  }
0x265: {  	(erf) = vpow2.f32 v16;
	_ =	sdelay $0x8  }
0x266: {  	v16 =	vpop (erf)  }
0x267: {  	[tilespmem:s28+$0xA320] =	vst v16  }
0x268: {  	v16 =	vld [tilespmem:$0x9F20]  }
0x269: {  	v17 =	vld [tilespmem:$0x9F30]  }
0x26a: {  	v62 =	vld [tilespmem:$0x9F40]  }
0x26b: {  	v63 =	vld [tilespmem:$0x9F50]  }
0x26c: {  	v33 =	vld [tilespmem:$0x9F60]  }
0x26d: {  	v34 =	vld [tilespmem:$0x9F70]  }
0x26e: {  	v35 =	vld [tilespmem:$0x9F80]  }
0x26f: {  	v36 =	vld [tilespmem:$0x9F90]  }
0x270: {  	v37 =	vld [tilespmem:$0x9FA0]  }
0x271: {  	v38 =	vld [tilespmem:$0x9FB0]  }
0x272: {  	v39 =	vld [tilespmem:$0x9FC0]  }
0x273: {  	v40 =	vld [tilespmem:$0x9FD0]  }
0x274: {  	v41 =	vld [tilespmem:$0x9FE0]  }
0x275: {  	v42 =	vld [tilespmem:$0x9FF0]  }
0x276: {  	v43 =	vld [tilespmem:$0xA000]  }
0x277: {  	v44 =	vld [tilespmem:$0xA010];
	_ =	sdelay $0x1  }
0x278: {  	v16 =	vadd.bf16 v17, v16;
	v17 =	vadd.bf16 v63, v62  }
0x279: {  	v45 =	vadd.bf16 v34, v33;
	v46 =	vadd.bf16 v36, v35  }
0x27a: {  	v47 =	vadd.bf16 v38, v37;
	v48 =	vadd.bf16 v40, v39  }
0x27b: {  	v49 =	vadd.bf16 v42, v41;
	v50 =	vadd.bf16 v44, v43  }
0x27c: {  	v16 =	vadd.bf16 v17, v16;
	v17 =	vadd.bf16 v46, v45  }
0x27d: {  	v51 =	vadd.bf16 v48, v47;
	v52 =	vadd.bf16 v50, v49;
	_ =	sdelay $0x1  }
0x27e: {  	v16 =	vadd.bf16 v17, v16;
	v17 =	vadd.bf16 v52, v51;
	_ =	sdelay $0x1  }
0x27f: {  	v16 =	vadd.bf16 v17, v16;
	_ =	sdelay $0x1  }
0x280: {  	v17 =	vunpack.i.u.bf16.f32 v16;
	v16 =	vunpack.i.l.bf16.f32 v16  }
0x281: {  	v16 =	vadd.f32 v16, v17;
	_ =	sdelay $0x1  }
0x282: {  	v16 =	vadd.f32 $1.279999990e-10, v16;
	_ =	sdelay $0x1  }
0x283: {  	v17 =	vshra.s32 v16, $0x1;
	v53 =	vmul.f32 $5.000000000e-01, v16  }
0x284: {  	v17 =	vsub.s32 $0x5F3759DF, v17  }
0x285: {  	v54 =	vmul.f32 v17, v53;
	_ =	sdelay $0x1  }
0x286: {  	v19 =	vmul.f32 v17, v54;
	_ =	sdelay $0x1  }
0x287: {  	v19 =	vsub.f32 $1.500000000e+00, v19;
	_ =	sdelay $0x1  }
0x288: {  	v17 =	vmul.f32 v17, v19;
	_ =	sdelay $0x1  }
0x289: {  	v18 =	vmul.f32 v17, v53;
	_ =	sdelay $0x1  }
0x28a: {  	v18 =	vmul.f32 v18, v17;
	_ =	sdelay $0x1  }
0x28b: {  	v18 =	vsub.f32 $1.500000000e+00, v18;
	_ =	sdelay $0x1  }
0x28c: {  	v17 =	vmul.f32 v18, v17;
	_ =	sdelay $0x1  }
0x28d: {  	v16 =	vmul.f32 v17, v16;
	_ =	sdelay $0x1  }
0x28e: {  	v16 =	vsub.f32 $0.0e+00, v16;
	_ =	sdelay $0x1  }
0x28f: {  	v16 =	vmul.f32 $1.442695020e+00, v16;
	_ =	sdelay $0x1  }
0x290: {  	(erf) = vpow2.f32 v16;
	_ =	sdelay $0x8  }
0x291: {  	v16 =	vpop (erf)  }
0x292: {  	[tilespmem:s26+$0xA380] =	vst v16  }
0x293: {  	v16 =	vld [tilespmem:$0xA020]  }
0x294: {  	v17 =	vld [tilespmem:$0xA030]  }
0x295: {  	v55 =	vld [tilespmem:$0xA040]  }
0x296: {  	v56 =	vld [tilespmem:$0xA050]  }
0x297: {  	v57 =	vld [tilespmem:$0xA060]  }
0x298: {  	v58 =	vld [tilespmem:$0xA070]  }
0x299: {  	v59 =	vld [tilespmem:$0xA080]  }
0x29a: {  	v60 =	vld [tilespmem:$0xA090]  }
0x29b: {  	v61 =	vld [tilespmem:$0xA0A0]  }
0x29c: {  	v62 =	vld [tilespmem:$0xA0B0]  }
0x29d: {  	v63 =	vld [tilespmem:$0xA0C0]  }
0x29e: {  	v33 =	vld [tilespmem:$0xA0D0]  }
0x29f: {  	v34 =	vld [tilespmem:$0xA0E0]  }
0x2a0: {  	v35 =	vld [tilespmem:$0xA0F0]  }
0x2a1: {  	v36 =	vld [tilespmem:$0xA100]  }
0x2a2: {  	v37 =	vld [tilespmem:$0xA110];
	_ =	sdelay $0x1  }
0x2a3: {  	v16 =	vadd.bf16 v17, v16;
	v17 =	vadd.bf16 v56, v55  }
0x2a4: {  	v38 =	vadd.bf16 v58, v57;
	v39 =	vadd.bf16 v60, v59  }
0x2a5: {  	v40 =	vadd.bf16 v62, v61;
	v41 =	vadd.bf16 v33, v63  }
0x2a6: {  	v42 =	vadd.bf16 v35, v34;
	v43 =	vadd.bf16 v37, v36  }
0x2a7: {  	v16 =	vadd.bf16 v17, v16;
	v17 =	vadd.bf16 v39, v38  }
0x2a8: {  	v44 =	vadd.bf16 v41, v40;
	v45 =	vadd.bf16 v43, v42;
	_ =	sdelay $0x1  }
0x2a9: {  	v16 =	vadd.bf16 v17, v16;
	v17 =	vadd.bf16 v45, v44;
	_ =	sdelay $0x1  }
0x2aa: {  	v16 =	vadd.bf16 v17, v16;
	_ =	sdelay $0x1  }
0x2ab: {  	v17 =	vunpack.i.u.bf16.f32 v16;
	v16 =	vunpack.i.l.bf16.f32 v16  }
0x2ac: {  	v16 =	vadd.f32 v16, v17;
	_ =	sdelay $0x1  }
0x2ad: {  	v16 =	vadd.f32 $1.279999990e-10, v16;
	_ =	sdelay $0x1  }
0x2ae: {  	v17 =	vshra.s32 v16, $0x1;
	v46 =	vmul.f32 $5.000000000e-01, v16  }
0x2af: {  	v17 =	vsub.s32 $0x5F3759DF, v17  }
0x2b0: {  	v47 =	vmul.f32 v17, v46;
	_ =	sdelay $0x1  }
0x2b1: {  	v19 =	vmul.f32 v17, v47;
	_ =	sdelay $0x1  }
0x2b2: {  	v19 =	vsub.f32 $1.500000000e+00, v19;
	_ =	sdelay $0x1  }
0x2b3: {  	v17 =	vmul.f32 v17, v19;
	_ =	sdelay $0x1  }
0x2b4: {  	v18 =	vmul.f32 v17, v46;
	_ =	sdelay $0x1  }
0x2b5: {  	v18 =	vmul.f32 v18, v17;
	_ =	sdelay $0x1  }
0x2b6: {  	v18 =	vsub.f32 $1.500000000e+00, v18;
	_ =	sdelay $0x1  }
0x2b7: {  	v17 =	vmul.f32 v18, v17;
	_ =	sdelay $0x1  }
0x2b8: {  	v16 =	vmul.f32 v17, v16;
	_ =	sdelay $0x1  }
0x2b9: {  	v16 =	vsub.f32 $0.0e+00, v16;
	_ =	sdelay $0x1  }
0x2ba: {  	v16 =	vmul.f32 $1.442695020e+00, v16;
	_ =	sdelay $0x1  }
0x2bb: {  	(erf) = vpow2.f32 v16;
	_ =	sdelay $0x8  }
0x2bc: {  	v16 =	vpop (erf)  }
0x2bd: {  	[tilespmem:s26+$0xA390] =	vst v16  }
0x2be: {  	v16 =	vld [tilespmem:$0xA120]  }
0x2bf: {  	v17 =	vld [tilespmem:$0xA130]  }
0x2c0: {  	v48 =	vld [tilespmem:$0xA140]  }
0x2c1: {  	v49 =	vld [tilespmem:$0xA150]  }
0x2c2: {  	v50 =	vld [tilespmem:$0xA160]  }
0x2c3: {  	v51 =	vld [tilespmem:$0xA170]  }
0x2c4: {  	v52 =	vld [tilespmem:$0xA180]  }
0x2c5: {  	v53 =	vld [tilespmem:$0xA190]  }
0x2c6: {  	v54 =	vld [tilespmem:$0xA1A0]  }
0x2c7: {  	v55 =	vld [tilespmem:$0xA1B0]  }
0x2c8: {  	v56 =	vld [tilespmem:$0xA1C0]  }
0x2c9: {  	v57 =	vld [tilespmem:$0xA1D0]  }
0x2ca: {  	v58 =	vld [tilespmem:$0xA1E0]  }
0x2cb: {  	v59 =	vld [tilespmem:$0xA1F0]  }
0x2cc: {  	v60 =	vld [tilespmem:$0xA200]  }
0x2cd: {  	v61 =	vld [tilespmem:$0xA210];
	_ =	sdelay $0x1  }
0x2ce: {  	v16 =	vadd.bf16 v17, v16;
	v17 =	vadd.bf16 v49, v48  }
0x2cf: {  	v62 =	vadd.bf16 v51, v50;
	v63 =	vadd.bf16 v53, v52  }
0x2d0: {  	v32 =	vadd.bf16 v55, v54;
	v33 =	vadd.bf16 v57, v56  }
0x2d1: {  	v34 =	vadd.bf16 v59, v58;
	v35 =	vadd.bf16 v61, v60  }
0x2d2: {  	v16 =	vadd.bf16 v17, v16;
	v17 =	vadd.bf16 v63, v62  }
0x2d3: {  	v36 =	vadd.bf16 v33, v32;
	v37 =	vadd.bf16 v35, v34;
	_ =	sdelay $0x1  }
0x2d4: {  	v16 =	vadd.bf16 v17, v16;
	v17 =	vadd.bf16 v37, v36;
	_ =	sdelay $0x1  }
0x2d5: {  	v16 =	vadd.bf16 v17, v16;
	_ =	sdelay $0x1  }
0x2d6: {  	v17 =	vunpack.i.u.bf16.f32 v16;
	v16 =	vunpack.i.l.bf16.f32 v16  }
0x2d7: {  	v16 =	vadd.f32 v16, v17;
	_ =	sdelay $0x1  }
0x2d8: {  	v16 =	vadd.f32 $1.279999990e-10, v16;
	_ =	sdelay $0x1  }
0x2d9: {  	v17 =	vshra.s32 v16, $0x1;
	v38 =	vmul.f32 $5.000000000e-01, v16  }
0x2da: {  	v17 =	vsub.s32 $0x5F3759DF, v17  }
0x2db: {  	v39 =	vmul.f32 v17, v38;
	_ =	sdelay $0x1  }
0x2dc: {  	v19 =	vmul.f32 v17, v39;
	_ =	sdelay $0x1  }
0x2dd: {  	v19 =	vsub.f32 $1.500000000e+00, v19;
	_ =	sdelay $0x1  }
0x2de: {  	v17 =	vmul.f32 v17, v19;
	_ =	sdelay $0x1  }
0x2df: {  	v18 =	vmul.f32 v17, v38;
	_ =	sdelay $0x1  }
0x2e0: {  	v18 =	vmul.f32 v18, v17;
	_ =	sdelay $0x1  }
0x2e1: {  	v18 =	vsub.f32 $1.500000000e+00, v18;
	_ =	sdelay $0x1  }
0x2e2: {  	v17 =	vmul.f32 v18, v17;
	_ =	sdelay $0x1  }
0x2e3: {  	v16 =	vmul.f32 v17, v16;
	_ =	sdelay $0x1  }
0x2e4: {  	v16 =	vsub.f32 $0.0e+00, v16;
	_ =	sdelay $0x1  }
0x2e5: {  	v16 =	vmul.f32 $1.442695020e+00, v16;
	_ =	sdelay $0x1  }
0x2e6: {  	(erf) = vpow2.f32 v16;
	_ =	sdelay $0x8  }
0x2e7: {  	v16 =	vpop (erf)  }
0x2e8: {  	[tilespmem:s26+$0xA3A0] =	vst v16  }
0x2e9: {  	v16 =	vld [tilespmem:$0xA220]  }
0x2ea: {  	v17 =	vld [tilespmem:$0xA230]  }
0x2eb: {  	v40 =	vld [tilespmem:$0xA240]  }
0x2ec: {  	v41 =	vld [tilespmem:$0xA250]  }
0x2ed: {  	v42 =	vld [tilespmem:$0xA260]  }
0x2ee: {  	v43 =	vld [tilespmem:$0xA270]  }
0x2ef: {  	v44 =	vld [tilespmem:$0xA280]  }
0x2f0: {  	v45 =	vld [tilespmem:$0xA290]  }
0x2f1: {  	v46 =	vld [tilespmem:$0xA2A0]  }
0x2f2: {  	v47 =	vld [tilespmem:$0xA2B0]  }
0x2f3: {  	v48 =	vld [tilespmem:$0xA2C0]  }
0x2f4: {  	v49 =	vld [tilespmem:$0xA2D0]  }
0x2f5: {  	v50 =	vld [tilespmem:$0xA2E0]  }
0x2f6: {  	v51 =	vld [tilespmem:$0xA2F0]  }
0x2f7: {  	v52 =	vld [tilespmem:$0xA300]  }
0x2f8: {  	v53 =	vld [tilespmem:$0xA310];
	_ =	sdelay $0x1  }
0x2f9: {  	v16 =	vadd.bf16 v17, v16;
	v17 =	vadd.bf16 v41, v40  }
0x2fa: {  	v54 =	vadd.bf16 v43, v42;
	v55 =	vadd.bf16 v45, v44  }
0x2fb: {  	v56 =	vadd.bf16 v47, v46;
	v57 =	vadd.bf16 v49, v48  }
0x2fc: {  	v58 =	vadd.bf16 v51, v50;
	v59 =	vadd.bf16 v53, v52  }
0x2fd: {  	v16 =	vadd.bf16 v17, v16;
	v17 =	vadd.bf16 v55, v54  }
0x2fe: {  	v60 =	vadd.bf16 v57, v56;
	v61 =	vadd.bf16 v59, v58;
	_ =	sdelay $0x1  }
0x2ff: {  	v16 =	vadd.bf16 v17, v16;
	v17 =	vadd.bf16 v61, v60;
	_ =	sdelay $0x1  }
0x300: {  	v16 =	vadd.bf16 v17, v16;
	_ =	sdelay $0x1  }
0x301: {  	v17 =	vunpack.i.u.bf16.f32 v16;
	v16 =	vunpack.i.l.bf16.f32 v16  }
0x302: {  	v16 =	vadd.f32 v16, v17;
	_ =	sdelay $0x1  }
0x303: {  	v16 =	vadd.f32 $1.279999990e-10, v16;
	_ =	sdelay $0x1  }
0x304: {  	v17 =	vshra.s32 v16, $0x1;
	v62 =	vmul.f32 $5.000000000e-01, v16  }
0x305: {  	v17 =	vsub.s32 $0x5F3759DF, v17  }
0x306: {  	v63 =	vmul.f32 v17, v62;
	_ =	sdelay $0x1  }
0x307: {  	v19 =	vmul.f32 v17, v63;
	_ =	sdelay $0x1  }
0x308: {  	v19 =	vsub.f32 $1.500000000e+00, v19;
	_ =	sdelay $0x1  }
0x309: {  	v17 =	vmul.f32 v17, v19;
	_ =	sdelay $0x1  }
0x30a: {  	v18 =	vmul.f32 v17, v62;
	_ =	sdelay $0x1  }
0x30b: {  	v18 =	vmul.f32 v18, v17;
	_ =	sdelay $0x1  }
0x30c: {  	v18 =	vsub.f32 $1.500000000e+00, v18;
	_ =	sdelay $0x1  }
0x30d: {  	v17 =	vmul.f32 v18, v17;
	_ =	sdelay $0x1  }
0x30e: {  	v16 =	vmul.f32 v17, v16;
	_ =	sdelay $0x1  }
0x30f: {  	v16 =	vsub.f32 $0.0e+00, v16;
	_ =	sdelay $0x1  }
0x310: {  	v16 =	vmul.f32 $1.442695020e+00, v16;
	_ =	sdelay $0x1  }
0x311: {  	(erf) = vpow2.f32 v16;
	_ =	sdelay $0x3  }
0x312: {  	s25 =	sadd.s32 $0x1, s25  }
0x313: {  	p0 =	sne.s32 s25, $0x3E  }
.Ltmp2:
0x314: {  	_ = 	snop;
	(pc) =	sbr.rel @p0 .LBB2_2-.Ltmp2, $3  }
0x315: {  	_ =	sdelay $0x1  }
0x316: {  	v16 =	vpop (erf)  }
0x317: {  	[tilespmem:s26+$0xA3B0] =	vst v16  }
0x318: {  	_ =	swait.ge [sflag:s18], $0x1400  }
0x319: {  	[sflag:s18] =	ssyncset.done $0x0  }
0x31a: {  	[sflag:s18] =	ssyncadd.s32 $0xFFFFEC00  }
0x31b: {  	_ =	swait.ge [sflag:s19], $0x1400  }
0x31c: {  	s25 =	simm.s32 $0x0;
	[sflag:s19] =	ssyncset.done $0x0  }
0x31d: {  	s26 =	simm.s32 $0x5020;
	s28 =	simm.s32 $0x6420;
	[sflag:s19] =	ssyncadd.s32 $0xFFFFEC00  }
.LBB2_8:
0x31e: {  	v16 =	vld [tilespmem:s26+$0xFFFFFE00]  }
0x31f: {  	v17 =	vld [tilespmem:s28+$0xFFFFFE00]  }
0x320: {  	v18 =	vld [tilespmem:s26+$0xFFFFFE40]  }
0x321: {  	v19 =	vld [tilespmem:s28+$0xFFFFFE40]  }
0x322: {  	v20 =	vld [tilespmem:s26+$0xFFFFFE80]  }
0x323: {  	v21 =	vld [tilespmem:s28+$0xFFFFFE80]  }
0x324: {  	v22 =	vld [tilespmem:s26+$0xFFFFFEC0]  }
0x325: {  	v23 =	vld [tilespmem:s28+$0xFFFFFEC0]  }
0x326: {  	v24 =	vld [tilespmem:s26+$0xFFFFFF00]  }
0x327: {  	v25 =	vld [tilespmem:s28+$0xFFFFFF00]  }
0x328: {  	v26 =	vld [tilespmem:s26+$0xFFFFFF40]  }
0x329: {  	v27 =	vld [tilespmem:s28+$0xFFFFFF40]  }
0x32a: {  	v28 =	vld [tilespmem:s26+$0xFFFFFF80]  }
0x32b: {  	v29 =	vld [tilespmem:s28+$0xFFFFFF80]  }
0x32c: {  	v30 =	vld [tilespmem:s26+$0xFFFFFFC0]  }
0x32d: {  	v31 =	vld [tilespmem:s28+$0xFFFFFFC0]  }
0x32e: {  	v32 =	vld [tilespmem:s26+$0xFFFFFE10]  }
0x32f: {  	v33 =	vld [tilespmem:s28+$0xFFFFFE10]  }
0x330: {  	v34 =	vld [tilespmem:s26+$0xFFFFFE50]  }
0x331: {  	v35 =	vld [tilespmem:s28+$0xFFFFFE50]  }
0x332: {  	v36 =	vld [tilespmem:s26+$0xFFFFFE90]  }
0x333: {  	v37 =	vld [tilespmem:s28+$0xFFFFFE90]  }
0x334: {  	v38 =	vld [tilespmem:s26+$0xFFFFFED0]  }
0x335: {  	v39 =	vld [tilespmem:s28+$0xFFFFFED0]  }
0x336: {  	v40 =	vld [tilespmem:s26+$0xFFFFFF10]  }
0x337: {  	v41 =	vld [tilespmem:s28+$0xFFFFFF10]  }
0x338: {  	v42 =	vld [tilespmem:s26+$0xFFFFFF50]  }
0x339: {  	v43 =	vld [tilespmem:s28+$0xFFFFFF50]  }
0x33a: {  	v44 =	vld [tilespmem:s26+$0xFFFFFF90]  }
0x33b: {  	v45 =	vld [tilespmem:s28+$0xFFFFFF90]  }
0x33c: {  	v46 =	vld [tilespmem:s26+$0xFFFFFFD0]  }
0x33d: {  	v47 =	vld [tilespmem:s28+$0xFFFFFFD0]  }
0x33e: {  	v48 =	vld [tilespmem:s26+$0xFFFFFE20]  }
0x33f: {  	v49 =	vld [tilespmem:s28+$0xFFFFFE20]  }
0x340: {  	v50 =	vld [tilespmem:s26+$0xFFFFFE60]  }
0x341: {  	v51 =	vld [tilespmem:s28+$0xFFFFFE60]  }
0x342: {  	v52 =	vld [tilespmem:s26+$0xFFFFFEA0]  }
0x343: {  	v53 =	vld [tilespmem:s28+$0xFFFFFEA0]  }
0x344: {  	v16 =	vsub.bf16 v16, v17;
	v17 =	vsub.bf16 v18, v19;
	v18 =	vld [tilespmem:s26+$0xFFFFFEE0]  }
0x345: {  	v54 =	vsub.bf16 v20, v21;
	v21 =	vld [tilespmem:s28+$0xFFFFFEE0]  }
0x346: {  	v56 =	vsub.bf16 v24, v25;
	v24 =	vld [tilespmem:s26+$0xFFFFFF20]  }
0x347: {  	v55 =	vsub.bf16 v32, v33;
	v57 =	vsub.bf16 v26, v27;
	v26 =	vld [tilespmem:s28+$0xFFFFFF20]  }
0x348: {  	v22 =	vsub.bf16 v22, v23;
	v58 =	vsub.bf16 v28, v29;
	v29 =	vld [tilespmem:s26+$0xFFFFFF60]  }
0x349: {  	v59 =	vsub.bf16 v30, v31;
	v30 =	vor.u32 s25, v0;
	v32 =	vld [tilespmem:s26+$0xFFFFFFA0];
	v16 =	vmul.bf16 v16, v16  }
0x34a: {  	v60 =	vsub.bf16 v34, v35;
	v34 =	vld [tilespmem:s28+$0xFFFFFFA0];
	v20 =	vmul.bf16 v55, v55;
	v17 =	vmul.bf16 v17, v17  }
0x34b: {  	v61 =	vsub.bf16 v36, v37;
	v36 =	vld [tilespmem:s26+$0xFFFFFFE0];
	v19 =	vmul.bf16 v54, v54;
	v22 =	vmul.bf16 v22, v22  }
0x34c: {  	v62 =	vsub.bf16 v38, v39;
	v38 =	vld [tilespmem:s28+$0xFFFFFFE0];
	v23 =	vmul.bf16 v56, v56;
	v25 =	vmul.bf16 v57, v57  }
0x34d: {  	v63 =	vsub.bf16 v40, v41;
	v39 =	vld [tilespmem:s26+$0xFFFFFE30];
	v31 =	vmul.bf16 v60, v60;
	v28 =	vmul.bf16 v59, v59  }
0x34e: {  	v40 =	vld [tilespmem:s28+$0xFFFFFE30];
	v33 =	vmul.bf16 v61, v61;
	v55 =	vsub.bf16 v42, v43;
	v57 =	vsub.bf16 v44, v45  }
0x34f: {  	v41 =	vld [tilespmem:s26+$0xFFFFFE70];
	v54 =	vmul.bf16 v62, v62;
	v59 =	vsub.bf16 v46, v47;
	v61 =	vsub.bf16 v48, v49  }
0x350: {  	v56 =	vmul.bf16 v63, v63;
	v42 =	vld [tilespmem:s28+$0xFFFFFE70];
	v63 =	vsub.bf16 v50, v51;
	v50 =	vsub.bf16 v52, v53  }
0x351: {  	v27 =	vmul.bf16 v58, v58;
	v48 =	vld [tilespmem:s26+$0xFFFFFEB0];
	v16 =	vadd.bf16 v20, v16;
	v17 =	vadd.bf16 v31, v17  }
0x352: {  	v51 =	vld [tilespmem:s28+$0xFFFFFEB0];
	v19 =	vadd.bf16 v33, v19;
	v22 =	vadd.bf16 v54, v22;
	v58 =	vmul.bf16 v55, v55  }
0x353: {  	v53 =	vld [tilespmem:s26+$0xFFFFFEF0];
	v23 =	vadd.bf16 v56, v23;
	v60 =	vmul.bf16 v57, v57;
	v62 =	vmul.bf16 v59, v59  }
0x354: {  	v46 =	vld [tilespmem:s28+$0xFFFFFFB0];
	v49 =	vmul.bf16 v61, v61;
	v18 =	vsub.bf16 v18, v21;
	v24 =	vsub.bf16 v24, v26  }
0x355: {  	v47 =	vld [tilespmem:s26+$0xFFFFFFF0];
	v52 =	vmul.bf16 v63, v63;
	v57 =	vsub.bf16 v32, v34;
	v59 =	vsub.bf16 v36, v38  }
0x356: {  	v20 =	vld [tilespmem:s28+$0xFFFFFF60];
	v54 =	vmul.bf16 v50, v50;
	v25 =	vadd.bf16 v58, v25;
	v27 =	vadd.bf16 v60, v27  }
0x357: {  	v55 =	vld [tilespmem:s28+$0xFFFFFEF0];
	v50 =	vor.u32 s25, v1;
	v28 =	vadd.bf16 v62, v28;
	v16 =	vadd.bf16 v49, v16  }
0x358: {  	v56 =	vld [tilespmem:s26+$0xFFFFFF30];
	v17 =	vadd.bf16 v52, v17;
	v19 =	vadd.bf16 v54, v19;
	v18 =	vmul.bf16 v18, v18  }
0x359: {  	v63 =	vld [tilespmem:s28+$0xFFFFFF70];
	v62 =	vsub.bf16 v39, v40;
	v24 =	vmul.bf16 v24, v24;
	v61 =	vmul.bf16 v57, v57  }
0x35a: {  	v58 =	vld [tilespmem:s28+$0xFFFFFF30];
	v40 =	vsub.bf16 v41, v42;
	v45 =	vsub.bf16 v48, v51;
	v51 =	vor.u32 s25, v2  }
0x35b: {  	v60 =	vld [tilespmem:s26+$0xFFFFFF70];
	v42 =	vmul.bf16 v62, v62;
	v20 =	vsub.bf16 v29, v20;
	v18 =	vadd.bf16 v18, v22  }
0x35c: {  	v49 =	vld [tilespmem:s28+$0xFFFFFFF0];
	v23 =	vadd.bf16 v24, v23;
	v22 =	vmul.bf16 v59, v59;
	v24 =	vadd.bf16 v61, v27  }
0x35d: {  	v41 =	vld [tilespmem:s26+$0xFFFFFFB0];
	v21 =	vsub.bf16 v53, v55;
	v48 =	vmul.bf16 v45, v45;
	v20 =	vmul.bf16 v20, v20  }
0x35e: {  	v53 =	vor.u32 s25, v3;
	v16 =	vadd.bf16 v42, v16;
	v22 =	vadd.bf16 v22, v28  }
0x35f: {  	v19 =	vadd.bf16 v48, v19;
	v20 =	vadd.bf16 v20, v25;
	v25 =	vmul.bf16 v40, v40  }
0x360: {  	v55 =	vor.u32 s25, v4;
	v52 =	vsub.bf16 v56, v58;
	v54 =	vsub.bf16 v60, v63  }
0x361: {  	v21 =	vmul.bf16 v21, v21;
	v26 =	vsub.bf16 v47, v49;
	v17 =	vadd.bf16 v25, v17  }
0x362: {  	v56 =	vsub.bf16 v41, v46;
	[tilespmem:v30+s20+$0x0] =	vst.idx.msk $0xffff, v16;
	v16 =	vor.u32 s25, v5;
	v27 =	vmul.bf16 v52, v52  }
0x363: {  	v18 =	vadd.bf16 v21, v18;
	v21 =	vmul.bf16 v54, v54;
	[tilespmem:v50+s20+$0x0] =	vst.idx.msk $0xffff, v17;
	v17 =	vor.u32 s25, v6  }
0x364: {  	v58 =	vor.u32 s25, v7;
	v57 =	vmul.bf16 v56, v56;
	v23 =	vadd.bf16 v27, v23;
	[tilespmem:v51+s20+$0x0] =	vst.idx.msk $0xffff, v19  }
0x365: {  	v59 =	vmul.bf16 v26, v26;
	v20 =	vadd.bf16 v21, v20;
	[tilespmem:v53+s20+$0x0] =	vst.idx.msk $0xffff, v18  }
0x366: {  	v60 =	vadd.bf16 v57, v24;
	[tilespmem:v55+s20+$0x0] =	vst.idx.msk $0xffff, v23  }
0x367: {  	v21 =	vadd.bf16 v59, v22;
	[tilespmem:v16+s20+$0x0] =	vst.idx.msk $0xffff, v20  }
0x368: {  	[tilespmem:v17+s20+$0x0] =	vst.idx.msk $0xffff, v60  }
0x369: {  	[tilespmem:v58+s20+$0x0] =	vst.idx.msk $0xffff, v21  }
0x36a: {  	v16 =	vld [tilespmem:s26+$0x0]  }
0x36b: {  	v17 =	vld [tilespmem:s28+$0x0]  }
0x36c: {  	v18 =	vld [tilespmem:s26+$0x40]  }
0x36d: {  	v19 =	vld [tilespmem:s28+$0x40]  }
0x36e: {  	v20 =	vld [tilespmem:s26+$0x80]  }
0x36f: {  	v21 =	vld [tilespmem:s28+$0x80]  }
0x370: {  	v61 =	vld [tilespmem:s26+$0xC0]  }
0x371: {  	v23 =	vld [tilespmem:s28+$0xC0]  }
0x372: {  	v24 =	vld [tilespmem:s26+$0x100]  }
0x373: {  	v25 =	vld [tilespmem:s28+$0x100]  }
0x374: {  	v62 =	vld [tilespmem:s26+$0x140]  }
0x375: {  	v63 =	vld [tilespmem:s28+$0x140]  }
0x376: {  	v28 =	vld [tilespmem:s26+$0x180]  }
0x377: {  	v29 =	vld [tilespmem:s28+$0x180]  }
0x378: {  	v30 =	vld [tilespmem:s26+$0x1C0]  }
0x379: {  	v31 =	vld [tilespmem:s28+$0x1C0]  }
0x37a: {  	v32 =	vld [tilespmem:s26+$0x10]  }
0x37b: {  	v52 =	vld [tilespmem:s28+$0x10]  }
0x37c: {  	v53 =	vld [tilespmem:s26+$0x50]  }
0x37d: {  	v54 =	vld [tilespmem:s28+$0x50]  }
0x37e: {  	v55 =	vld [tilespmem:s26+$0x90]  }
0x37f: {  	v56 =	vld [tilespmem:s28+$0x90]  }
0x380: {  	v57 =	vld [tilespmem:s26+$0xD0]  }
0x381: {  	v58 =	vld [tilespmem:s28+$0xD0]  }
0x382: {  	v40 =	vld [tilespmem:s26+$0x110]  }
0x383: {  	v59 =	vld [tilespmem:s28+$0x110]  }
0x384: {  	v42 =	vld [tilespmem:s26+$0x150]  }
0x385: {  	v43 =	vld [tilespmem:s28+$0x150]  }
0x386: {  	v44 =	vld [tilespmem:s26+$0x190]  }
0x387: {  	v45 =	vld [tilespmem:s28+$0x190]  }
0x388: {  	v46 =	vld [tilespmem:s26+$0x1D0]  }
0x389: {  	v47 =	vld [tilespmem:s28+$0x1D0]  }
0x38a: {  	v48 =	vld [tilespmem:s26+$0x20]  }
0x38b: {  	v49 =	vld [tilespmem:s28+$0x20]  }
0x38c: {  	v50 =	vld [tilespmem:s26+$0x60]  }
0x38d: {  	v27 =	vld [tilespmem:s26+$0xE0]  }
0x38e: {  	v33 =	vld [tilespmem:s28+$0xE0]  }
0x38f: {  	v35 =	vld [tilespmem:s26+$0x120]  }
0x390: {  	v38 =	vld [tilespmem:s26+$0x1E0]  }
0x391: {  	v41 =	vld [tilespmem:s26+$0x170];
	v16 =	vsub.bf16 v16, v17  }
0x392: {  	v17 =	vsub.bf16 v18, v19;
	v18 =	vld [tilespmem:s28+$0x60];
	v60 =	vsub.bf16 v20, v21  }
0x393: {  	v61 =	vsub.bf16 v61, v23;
	v21 =	vld [tilespmem:s26+$0xA0];
	v22 =	vsub.bf16 v24, v25  }
0x394: {  	v62 =	vsub.bf16 v62, v63;
	v24 =	vld [tilespmem:s28+$0xA0];
	v63 =	vsub.bf16 v32, v52  }
0x395: {  	v51 =	vsub.bf16 v53, v54;
	v28 =	vsub.bf16 v28, v29;
	v29 =	vld [tilespmem:s28+$0x120]  }
0x396: {  	v52 =	vsub.bf16 v55, v56;
	v53 =	vsub.bf16 v57, v58;
	v56 =	vld [tilespmem:s26+$0x160]  }
0x397: {  	v30 =	vsub.bf16 v30, v31;
	v57 =	vld [tilespmem:s28+$0x160];
	v16 =	vmul.bf16 v16, v16;
	v17 =	vmul.bf16 v17, v17  }
0x398: {  	v58 =	vld [tilespmem:s26+$0x1A0];
	v59 =	vsub.bf16 v40, v59;
	v19 =	vmul.bf16 v60, v60;
	v20 =	vmul.bf16 v61, v61  }
0x399: {  	v40 =	vld [tilespmem:s28+$0x1E0];
	v27 =	vsub.bf16 v27, v33;
	v25 =	vmul.bf16 v63, v63;
	v26 =	vmul.bf16 v51, v51  }
0x39a: {  	v54 =	vmul.bf16 v52, v52;
	v55 =	vmul.bf16 v53, v53;
	v60 =	vsub.bf16 v42, v43;
	v61 =	vld [tilespmem:s28+$0x1A0]  }
0x39b: {  	v22 =	vmul.bf16 v22, v22;
	v23 =	vmul.bf16 v62, v62;
	v63 =	vsub.bf16 v46, v47;
	v46 =	vld [tilespmem:s26+$0x30]  }
0x39c: {  	v62 =	vsub.bf16 v44, v45;
	v28 =	vmul.bf16 v28, v28;
	v45 =	vsub.bf16 v48, v49;
	v48 =	vld [tilespmem:s28+$0x30]  }
0x39d: {  	v31 =	vmul.bf16 v59, v59;
	v51 =	vld [tilespmem:s26+$0x70];
	v16 =	vadd.bf16 v25, v16;
	v17 =	vadd.bf16 v26, v17  }
0x39e: {  	v30 =	vmul.bf16 v30, v30;
	v52 =	vld [tilespmem:s28+$0x70];
	v19 =	vadd.bf16 v54, v19;
	v20 =	vadd.bf16 v55, v20  }
0x39f: {  	v53 =	vld [tilespmem:s26+$0xB0];
	v32 =	vmul.bf16 v60, v60;
	v37 =	vmul.bf16 v62, v62;
	v22 =	vadd.bf16 v31, v22  }
0x3a0: {  	v47 =	vmul.bf16 v63, v63;
	v54 =	vld [tilespmem:s28+$0xB0];
	v18 =	vsub.bf16 v50, v18;
	v21 =	vsub.bf16 v21, v24  }
0x3a1: {  	v49 =	vmul.bf16 v45, v45;
	v55 =	vld [tilespmem:s26+$0xF0];
	v29 =	vsub.bf16 v35, v29;
	v25 =	vsub.bf16 v56, v57  }
0x3a2: {  	v63 =	vld [tilespmem:s28+$0x130];
	v56 =	vmul.bf16 v27, v27;
	v43 =	vsub.bf16 v38, v40;
	v23 =	vadd.bf16 v32, v23  }
0x3a3: {  	v45 =	vld [tilespmem:s28+$0x170];
	v50 =	vor.u32 s25, v9;
	v28 =	vadd.bf16 v37, v28;
	v30 =	vadd.bf16 v47, v30  }
0x3a4: {  	v16 =	vadd.bf16 v49, v16;
	v47 =	vld [tilespmem:s28+$0x1B0];
	v18 =	vmul.bf16 v18, v18;
	v21 =	vmul.bf16 v21, v21  }
0x3a5: {  	v49 =	vld [tilespmem:s26+$0x1F0];
	v26 =	vsub.bf16 v58, v61;
	v57 =	vmul.bf16 v29, v29;
	v44 =	vsub.bf16 v46, v48  }
0x3a6: {  	v58 =	vld [tilespmem:s28+$0xF0];
	v59 =	vmul.bf16 v25, v25;
	v31 =	vsub.bf16 v51, v52;
	v17 =	vadd.bf16 v18, v17  }
0x3a7: {  	v61 =	vld [tilespmem:s26+$0x130];
	v48 =	vor.u32 s25, v8;
	v19 =	vadd.bf16 v21, v19;
	v18 =	vadd.bf16 v56, v20  }
0x3a8: {  	v46 =	vld [tilespmem:s26+$0x1B0];
	v60 =	vmul.bf16 v26, v26;
	v62 =	vadd.bf16 v57, v22;
	v21 =	vadd.bf16 v59, v23  }
0x3a9: {  	v52 =	vld [tilespmem:s28+$0x1F0];
	v24 =	vsub.bf16 v53, v54;
	v31 =	vmul.bf16 v31, v31;
	v53 =	vor.u32 s25, v10  }
0x3aa: {  	v54 =	vor.u32 s25, v11;
	v23 =	vadd.bf16 v60, v28;
	v28 =	vmul.bf16 v44, v44  }
0x3ab: {  	v25 =	vsub.bf16 v41, v45;
	v57 =	vor.u32 s25, v13;
	v17 =	vadd.bf16 v31, v17  }
0x3ac: {  	v24 =	vmul.bf16 v24, v24;
	v29 =	vsub.bf16 v55, v58;
	v16 =	vadd.bf16 v28, v16  }
0x3ad: {  	v22 =	vsub.bf16 v61, v63;
	v56 =	vsub.bf16 v46, v47;
	v58 =	vmul.bf16 v25, v25  }
0x3ae: {  	v55 =	vor.u32 s25, v12;
	v59 =	vsub.bf16 v49, v52;
	v51 =	vmul.bf16 v29, v29;
	[tilespmem:v48+s20+$0x0] =	vst.idx.msk $0xffff, v16  }
0x3af: {  	v60 =	vor.u32 s25, v14;
	v19 =	vadd.bf16 v24, v19;
	[tilespmem:v50+s20+$0x0] =	vst.idx.msk $0xffff, v17;
	v17 =	vmul.bf16 v22, v22  }
0x3b0: {  	v61 =	vmul.bf16 v56, v56;
	v16 =	vmul.bf16 v43, v43;
	v18 =	vadd.bf16 v51, v18  }
0x3b1: {  	p0 =	sne.s32 s25, $0x400;
	v63 =	vmul.bf16 v59, v59;
	[tilespmem:v53+s20+$0x0] =	vst.idx.msk $0xffff, v19;
	v17 =	vadd.bf16 v17, v62;
	v62 =	vor.u32 s25, v15  }
.Ltmp3:
0x3b2: {  	v16 =	vadd.bf16 v16, v30;
	v19 =	vadd.bf16 v58, v21;
	[tilespmem:v54+s20+$0x0] =	vst.idx.msk $0xffff, v18;
	(pc) =	sbr.rel @p0 .LBB2_8-.Ltmp3, $4  }
0x3b3: {  	v18 =	vadd.bf16 v61, v23;
	[tilespmem:v55+s20+$0x0] =	vst.idx.msk $0xffff, v17  }
0x3b4: {  	v16 =	vadd.bf16 v63, v16;
	[tilespmem:v57+s20+$0x0] =	vst.idx.msk $0xffff, v19  }
0x3b5: {  	[tilespmem:v60+s20+$0x0] =	vst.idx.msk $0xffff, v18  }
0x3b6: {  	s26 =	sadd.s32 $0x400, s26;
	s28 =	sadd.s32 $0x400, s28;
	s25 =	sadd.s32 $0x100, s25;
	[tilespmem:v62+s20+$0x0] =	vst.idx.msk $0xffff, v16  }
0x3b7: {  	v16 =	vld [tilespmem:$0x9E20]  }
0x3b8: {  	v17 =	vld [tilespmem:$0x9E30]  }
0x3b9: {  	v18 =	vld [tilespmem:$0x9E40]  }
0x3ba: {  	v19 =	vld [tilespmem:$0x9E50]  }
0x3bb: {  	v20 =	vld [tilespmem:$0x9E60]  }
0x3bc: {  	v21 =	vld [tilespmem:$0x9E70]  }
0x3bd: {  	v22 =	vld [tilespmem:$0x9E80]  }
0x3be: {  	v23 =	vld [tilespmem:$0x9E90]  }
0x3bf: {  	v24 =	vld [tilespmem:$0x9EA0]  }
0x3c0: {  	v25 =	vld [tilespmem:$0x9EB0]  }
0x3c1: {  	v26 =	vld [tilespmem:$0x9EC0]  }
0x3c2: {  	v27 =	vld [tilespmem:$0x9ED0]  }
0x3c3: {  	v28 =	vld [tilespmem:$0x9EE0]  }
0x3c4: {  	v29 =	vld [tilespmem:$0x9EF0]  }
0x3c5: {  	v30 =	vld [tilespmem:$0x9F00]  }
0x3c6: {  	v31 =	vld [tilespmem:$0x9F10]  }
0x3c7: {  	v32 =	vld [tilespmem:$0x9F20]  }
0x3c8: {  	v33 =	vld [tilespmem:$0x9F30]  }
0x3c9: {  	v34 =	vld [tilespmem:$0x9F40]  }
0x3ca: {  	v35 =	vld [tilespmem:$0x9F50]  }
0x3cb: {  	v36 =	vld [tilespmem:$0x9F60]  }
0x3cc: {  	v37 =	vld [tilespmem:$0x9F70]  }
0x3cd: {  	v38 =	vld [tilespmem:$0x9F80]  }
0x3ce: {  	v39 =	vld [tilespmem:$0x9F90]  }
0x3cf: {  	v40 =	vld [tilespmem:$0x9FA0]  }
0x3d0: {  	v41 =	vld [tilespmem:$0x9FB0]  }
0x3d1: {  	v42 =	vld [tilespmem:$0x9FC0]  }
0x3d2: {  	v43 =	vld [tilespmem:$0x9FD0]  }
0x3d3: {  	v44 =	vld [tilespmem:$0x9FE0]  }
0x3d4: {  	v45 =	vld [tilespmem:$0x9FF0]  }
0x3d5: {  	v46 =	vld [tilespmem:$0xA000]  }
0x3d6: {  	v47 =	vld [tilespmem:$0xA010]  }
0x3d7: {  	v48 =	vld [tilespmem:$0xA020]  }
0x3d8: {  	v49 =	vld [tilespmem:$0xA030]  }
0x3d9: {  	v50 =	vld [tilespmem:$0xA040]  }
0x3da: {  	v51 =	vld [tilespmem:$0xA050]  }
0x3db: {  	v52 =	vld [tilespmem:$0xA060]  }
0x3dc: {  	v53 =	vld [tilespmem:$0xA070]  }
0x3dd: {  	v54 =	vld [tilespmem:$0xA080]  }
0x3de: {  	v55 =	vld [tilespmem:$0xA090]  }
0x3df: {  	v56 =	vld [tilespmem:$0xA0A0]  }
0x3e0: {  	v57 =	vld [tilespmem:$0xA0B0]  }
0x3e1: {  	v58 =	vld [tilespmem:$0xA0C0]  }
0x3e2: {  	v59 =	vld [tilespmem:$0xA0D0]  }
0x3e3: {  	v60 =	vld [tilespmem:$0xA0E0]  }
0x3e4: {  	v61 =	vld [tilespmem:$0xA0F0]  }
0x3e5: {  	v62 =	vld [tilespmem:$0xA100]  }
0x3e6: {  	v16 =	vadd.bf16 v17, v16;
	v17 =	vadd.bf16 v19, v18;
	v18 =	vld [tilespmem:$0xA110]  }
0x3e7: {  	v19 =	vadd.bf16 v21, v20;
	v21 =	vld [tilespmem:$0xA120]  }
0x3e8: {  	v20 =	vadd.bf16 v23, v22;
	v22 =	vadd.bf16 v25, v24;
	v24 =	vld [tilespmem:$0xA130]  }
0x3e9: {  	v23 =	vadd.bf16 v27, v26;
	v27 =	vld [tilespmem:$0xA140]  }
0x3ea: {  	v26 =	vld [tilespmem:$0xA1A0]  }
0x3eb: {  	v25 =	vadd.bf16 v29, v28;
	v29 =	vadd.bf16 v37, v36;
	v36 =	vld [tilespmem:$0xA1D0]  }
0x3ec: {  	v63 =	vadd.bf16 v31, v30;
	v28 =	vadd.bf16 v35, v34;
	v37 =	vld [tilespmem:$0xA200]  }
0x3ed: {  	v41 =	vadd.bf16 v41, v40;
	v43 =	vadd.bf16 v43, v42;
	v34 =	vld [tilespmem:$0xA210]  }
0x3ee: {  	v44 =	vadd.bf16 v45, v44;
	v45 =	vadd.bf16 v47, v46;
	v42 =	vld [tilespmem:$0xA240]  }
0x3ef: {  	v49 =	vadd.bf16 v49, v48;
	v51 =	vadd.bf16 v51, v50;
	v40 =	vld [tilespmem:$0xA270]  }
0x3f0: {  	v53 =	vadd.bf16 v53, v52;
	v55 =	vadd.bf16 v55, v54;
	v48 =	vld [tilespmem:$0xA2C0]  }
0x3f1: {  	v56 =	vadd.bf16 v57, v56;
	v57 =	vadd.bf16 v59, v58;
	v52 =	vld [tilespmem:$0xA2D0]  }
0x3f2: {  	v16 =	vadd.bf16 v17, v16;
	v17 =	vadd.bf16 v20, v19;
	v19 =	vld [tilespmem:$0xA150]  }
0x3f3: {  	v58 =	vadd.bf16 v61, v60;
	v30 =	vadd.bf16 v23, v22;
	v23 =	vld [tilespmem:$0xA160]  }
0x3f4: {  	v31 =	vadd.bf16 v63, v25;
	v25 =	vld [tilespmem:$0xA170];
	v63 =	vadd.bf16 v39, v38  }
0x3f5: {  	v20 =	vld [tilespmem:$0xA180];
	v46 =	vadd.bf16 v43, v41;
	v35 =	vadd.bf16 v45, v44  }
0x3f6: {  	v22 =	vld [tilespmem:$0xA190];
	v59 =	vadd.bf16 v55, v53;
	v60 =	vadd.bf16 v57, v56  }
0x3f7: {  	v39 =	vld [tilespmem:$0xA230];
	v16 =	vadd.bf16 v17, v16;
	v17 =	vadd.bf16 v31, v30  }
0x3f8: {  	v45 =	vld [tilespmem:$0xA250];
	v29 =	vadd.bf16 v63, v29;
	v63 =	vadd.bf16 v35, v46  }
0x3f9: {  	v44 =	vld [tilespmem:$0xA2A0];
	v35 =	vadd.bf16 v51, v49;
	v18 =	vadd.bf16 v18, v62  }
0x3fa: {  	v53 =	vld [tilespmem:$0xA2E0];
	v21 =	vadd.bf16 v24, v21;
	v34 =	vadd.bf16 v34, v37  }
0x3fb: {  	v55 =	vld [tilespmem:$0xA2F0];
	v16 =	vadd.bf16 v17, v16;
	v17 =	vadd.bf16 v33, v32  }
0x3fc: {  	v30 =	vld [tilespmem:$0xA1B0];
	v62 =	vadd.bf16 v59, v35;
	v18 =	vadd.bf16 v18, v58  }
0x3fd: {  	v31 =	vld [tilespmem:$0xA220];
	v19 =	vadd.bf16 v19, v27;
	v23 =	vadd.bf16 v25, v23  }
0x3fe: {  	v46 =	vld [tilespmem:$0xA2B0];
	v20 =	vadd.bf16 v22, v20;
	v59 =	vadd.bf16 v45, v42  }
0x3ff: {  	v56 =	vld [tilespmem:$0xA300];
	v22 =	vadd.bf16 v52, v48;
	v47 =	vunpack.i.u.bf16.f32 v16;
	v16 =	vunpack.i.l.bf16.f32 v16  }
0x400: {  	v33 =	vld [tilespmem:$0xA1C0];
	v17 =	vadd.bf16 v28, v17;
	v16 =	vadd.f32 v16, v47  }
0x401: {  	v57 =	vld [tilespmem:$0xA310];
	v18 =	vadd.bf16 v18, v60;
	v49 =	vadd.bf16 v30, v26  }
0x402: {  	v32 =	vld [tilespmem:$0xA1F0];
	v19 =	vadd.bf16 v19, v21;
	v20 =	vadd.bf16 v20, v23  }
0x403: {  	v28 =	vld [tilespmem:$0xA1E0];
	v58 =	vadd.bf16 v39, v31;
	v24 =	vadd.bf16 v46, v44  }
0x404: {  	v61 =	vld [tilespmem:$0xA280];
	v23 =	vadd.bf16 v55, v53;
	v17 =	vadd.bf16 v29, v17  }
0x405: {  	v47 =	vld [tilespmem:$0xA260];
	v16 =	vadd.f32 $1.279999990e-10, v16;
	v51 =	vadd.bf16 v36, v33  }
0x406: {  	v18 =	vadd.bf16 v18, v62;
	v17 =	vadd.bf16 v63, v17;
	v63 =	vld [tilespmem:$0xA290]  }
0x407: {  	v19 =	vadd.bf16 v20, v19;
	v20 =	vadd.bf16 v57, v56  }
0x408: {  	v22 =	vadd.bf16 v22, v24;
	v50 =	vshra.s32 v16, $0x1;
	v28 =	vadd.bf16 v32, v28  }
0x409: {  	v32 =	vmul.f32 $5.000000000e-01, v16;
	v25 =	vadd.bf16 v51, v49;
	v20 =	vadd.bf16 v20, v23  }
0x40a: {  	v33 =	vunpack.i.u.bf16.f32 v18;
	v18 =	vunpack.i.l.bf16.f32 v18;
	v28 =	vadd.bf16 v34, v28  }
0x40b: {  	v54 =	vsub.s32 $0x5F3759DF, v50;
	v60 =	vadd.bf16 v40, v47;
	v61 =	vadd.bf16 v63, v61  }
0x40c: {  	v62 =	vunpack.i.u.bf16.f32 v17;
	v18 =	vadd.f32 v18, v33;
	v25 =	vadd.bf16 v28, v25  }
0x40d: {  	v17 =	vunpack.i.l.bf16.f32 v17;
	v28 =	vadd.bf16 v59, v58;
	v63 =	vadd.bf16 v61, v60  }
0x40e: {  	v26 =	vmul.f32 v54, v32;
	v17 =	vadd.f32 v17, v62;
	v20 =	vadd.bf16 v20, v22  }
0x40f: {  	v18 =	vadd.f32 $1.279999990e-10, v18;
	v34 =	vadd.bf16 v63, v28  }
0x410: {  	v26 =	vmul.f32 v54, v26;
	v17 =	vadd.f32 $1.279999990e-10, v17;
	v19 =	vadd.bf16 v25, v19  }
0x411: {  	v39 =	vshra.s32 v18, $0x1;
	v41 =	vmul.f32 $5.000000000e-01, v18;
	v20 =	vadd.bf16 v20, v34  }
0x412: {  	v26 =	vsub.f32 $1.500000000e+00, v26;
	v35 =	vunpack.i.u.bf16.f32 v19;
	v19 =	vunpack.i.l.bf16.f32 v19  }
0x413: {  	v19 =	vadd.f32 v19, v35;
	v38 =	vunpack.i.u.bf16.f32 v20;
	v20 =	vunpack.i.l.bf16.f32 v20  }
0x414: {  	v36 =	vshra.s32 v17, $0x1;
	v40 =	vmul.f32 $5.000000000e-01, v17;
	v20 =	vadd.f32 v20, v38  }
0x415: {  	v24 =	vsub.s32 $0x5F3759DF, v39;
	v37 =	vsub.s32 $0x5F3759DF, v36;
	v19 =	vadd.f32 $1.279999990e-10, v19  }
0x416: {  	v45 =	vmul.f32 v24, v41;
	v44 =	vmul.f32 v37, v40;
	v20 =	vadd.f32 $1.279999990e-10, v20  }
0x417: {  	v21 =	vmul.f32 v54, v26;
	v42 =	vshra.s32 v19, $0x1;
	v43 =	vmul.f32 $5.000000000e-01, v19  }
0x418: {  	v27 =	vsub.s32 $0x5F3759DF, v42;
	v47 =	vshra.s32 v20, $0x1;
	v48 =	vmul.f32 $5.000000000e-01, v20  }
0x419: {  	v29 =	vmul.f32 v37, v44;
	v46 =	vmul.f32 v27, v43;
	v33 =	vsub.s32 $0x5F3759DF, v47  }
0x41a: {  	v30 =	vmul.f32 v24, v45;
	v49 =	vmul.f32 v33, v48  }
0x41b: {  	v50 =	vsub.f32 $1.500000000e+00, v29;
	v31 =	vmul.f32 v27, v46  }
0x41c: {  	v54 =	vmul.f32 v21, v32;
	v51 =	vsub.f32 $1.500000000e+00, v30;
	v53 =	vmul.f32 v33, v49  }
0x41d: {  	v22 =	vmul.f32 v37, v50;
	v52 =	vsub.f32 $1.500000000e+00, v31  }
0x41e: {  	v26 =	vmul.f32 v54, v21;
	v24 =	vmul.f32 v24, v51;
	v55 =	vsub.f32 $1.500000000e+00, v53  }
0x41f: {  	v23 =	vmul.f32 v22, v40;
	v27 =	vmul.f32 v27, v52  }
0x420: {  	v25 =	vmul.f32 v24, v41;
	v29 =	vmul.f32 v33, v55  }
0x421: {  	v23 =	vmul.f32 v23, v22;
	v28 =	vmul.f32 v27, v43  }
0x422: {  	v26 =	vsub.f32 $1.500000000e+00, v26;
	v25 =	vmul.f32 v25, v24;
	v56 =	vmul.f32 v29, v48  }
0x423: {  	v23 =	vsub.f32 $1.500000000e+00, v23;
	v28 =	vmul.f32 v28, v27  }
0x424: {  	v21 =	vmul.f32 v26, v21;
	v25 =	vsub.f32 $1.500000000e+00, v25;
	v57 =	vmul.f32 v56, v29  }
0x425: {  	v22 =	vmul.f32 v23, v22;
	v58 =	vsub.f32 $1.500000000e+00, v28  }
0x426: {  	v16 =	vmul.f32 v21, v16;
	v59 =	vmul.f32 v25, v24;
	v60 =	vsub.f32 $1.500000000e+00, v57  }
0x427: {  	v17 =	vmul.f32 v22, v17;
	v61 =	vmul.f32 v58, v27  }
0x428: {  	v16 =	vsub.f32 $0.0e+00, v16;
	v18 =	vmul.f32 v59, v18;
	v62 =	vmul.f32 v60, v29  }
0x429: {  	v17 =	vsub.f32 $0.0e+00, v17;
	v19 =	vmul.f32 v61, v19  }
0x42a: {  	v16 =	vmul.f32 $1.442695020e+00, v16;
	v18 =	vsub.f32 $0.0e+00, v18;
	v20 =	vmul.f32 v62, v20  }
0x42b: {  	v17 =	vmul.f32 $1.442695020e+00, v17;
	v19 =	vsub.f32 $0.0e+00, v19  }
0x42c: {  	(erf) = vpow2.f32 v16;
	v16 =	vmul.f32 $1.442695020e+00, v18;
	v63 =	vsub.f32 $0.0e+00, v20  }
0x42d: {  	(erf) = vpow2.f32 v17;
	v17 =	vmul.f32 $1.442695020e+00, v19  }
0x42e: {  	(erf) = vpow2.f32 v16;
	v16 =	vmul.f32 $1.442695020e+00, v63  }
0x42f: {  	(erf) = vpow2.f32 v17  }
0x430: {  	(erf) = vpow2.f32 v16;
	_ =	sdelay $0x4  }
0x431: {  	v16 =	vpop (erf)  }
0x432: {  	v17 =	vpop (erf);
	[tilespmem:$0xC9E0] =	vst v16  }
0x433: {  	v16 =	vpop (erf);
	[tilespmem:$0xC9F0] =	vst v17  }
0x434: {  	s24 =	sadd.s32 $0x1, s24;
	v17 =	vpop (erf);
	[tilespmem:$0xCA00] =	vst v16  }
0x435: {  	p0 =	sne.s32 s24, s9;
	[tilespmem:$0xCA10] =	vst v17;
	v16 =	vpop (erf)  }
.Ltmp4:
0x436: {  	[tilespmem:$0xCA20] =	vst v16;
	(pc) =	sbr.rel @p0 .LBB2_1-.Ltmp4, $4  }
0x437: {  	[hbm4b:s8+s3] =	stream.linear.scatter [tilespmem:s23], [sflag:$0x5], $0x2710, $0x38;
	[tilespmem:$0x16670] =	vst v63  }
0x438: {  	_ =	swait.ge [sflag:s11], $0x2710  }
0x439: {  	[sflag:s11] =	ssyncset.done $0x0  }
0x43a: {  	[sflag:s11] =	ssyncadd.s32 $0xFFFFD8F0  }
0x43b: {  	_ =	sfence.sel $0x180000  }
0x43c: {  	[bflag:$0x0] =	sbarrier.arrive $0xFFFF  }
0x43d: {  	p0 =	sne.s32 s0, $0x0;
	_ =	strace $0x90000047  }
0x43e: {  	s0 =	sadd.s32 @!p0 $0x100000, s1;
	[bflag:$0x2] =	sbarrier.arrive $0xFFFF  }
0x43f: {  	[sflag:s0] =	ssyncadd.tile.s32 @!p0 $0x1;
	_ =	shalt  }
.Lfunc_end2:
_tile_overlayer_lowered:
.L_overlay_start_2:
0x440: {  	(tag) =	ssettag $0x2  }
0x441: {  	s0 =	rddreg [dreg:$0x0];
	s2 =	stileid.u32  }
0x442: {  	s1 =	rddreg [dreg:$0x1];
	p0 =	sne.s32 s2, $0x0  }
0x443: {  	s3 =	rddreg [dreg:$0x2];
	[bflag:$0x3] =	sbarrier.arrive $0xFFFF;
	s2 =	simm.s32 @!p0 $0x1C05  }
0x444: {  	[timem:s3], [sflag:s2] =	dma.local @!p0 [hbm:s0], s1  }
0x445: {  	s0 =	simm.s32 @!p0 $0x5  }
0x446: {  	_ =	swait.ge @!p0 [sflag:s0], s1  }
0x447: {  	s1 =	ssub.s32 @!p0 $0x0, s1;
	[sflag:s0] =	ssyncset.done @!p0 $0x0  }
0x448: {  	[sflag:s0] =	ssyncadd.s32 @!p0 s1  }
0x449: {  	[bflag:$0x3] =	sbarrier.arrive $0xFFFF  }
0x44a: {  	_ =	shalt  }

</sc_bundles>
